<compile_context>
chip_gen: v7x
topology: tpu7x:2x2x1
jax: 0.10.2.dev20260603
libtpu: 0.0.44.dev20260713+nightly
codegen_flags: <defaults>
</compile_context>

<pallas_src>
import functools

import jax
import jax.numpy as jnp
import numpy as np
from jax import lax
from jax.experimental import pallas as pl
from jax.experimental.pallas import tpu as pltpu
from jax.experimental.pallas import tpu_sc as plsc

_B, _L, _D = 4, 4096, 2048
_LAYER_IDX = 6
_NUM_LAYERS = 12
_DIM = 2048

_R = 256
_C = 128
_HB = 136
_NIN = _R + _HB - 64
_NRB_HALF = (_L // _R) // 2
_NG = _C // 16
_NT = _B * _NRB_HALF
_UNROLL = 8


def _col_offsets() -> np.ndarray:
    i = np.arange(_D, dtype=np.float64)
    e = (_LAYER_IDX * _DIM + i) / (_NUM_LAYERS * _DIM)
    return np.ceil(np.power(float(_L), e)).astype(np.int64)


def _group_tables():
    off = _col_offsets().reshape(16, _NG, 16)
    off_a = off.min(axis=2)
    bnd = (off == off_a[:, :, None]).sum(axis=2)
    assert np.all(off.max(axis=2) - off_a <= 1)
    return off_a.astype(int).tolist(), bnd.astype(int).tolist()


_OFF_A, _BND = _group_tables()


def _body(v_hbm, out_hbm, vin0, vin1, vout, sem0, sem1, semo):
    half = lax.axis_index("c")
    sid = lax.axis_index("s")
    c0 = sid * _C

    iota = lax.iota(jnp.int32, 16)
    zero = jnp.int32(0)
    rba = []
    msk = []
    for g in range(_NG):
        off_a = zero
        bnd = zero
        for k in range(16):
            is_k = sid == k
            off_a = off_a + jnp.where(is_k, jnp.int32(_OFF_A[k][g]), zero)
            bnd = bnd + jnp.where(is_k, jnp.int32(_BND[k][g]), zero)
        rba.append(_HB - off_a)
        msk.append(iota < bnd)

    def tile_r0(t):
        rbl = t & (_NRB_HALF - 1)
        return half * (_NRB_HALF * _R) + rbl * _R

    def stage(t, buf, sem):
        b = lax.shift_right_logical(t, 3)
        rbl = t & (_NRB_HALF - 1)
        r0 = tile_r0(t)

        @pl.when(rbl != 0)
        def _stage_tail():
            pltpu.async_copy(
                v_hbm.at[b, pl.ds(r0 - 64, _R), pl.ds(c0, _C)],
                buf.at[pl.ds(72, _R), :],
                sem,
            )

        @pl.when((rbl == 0) & (r0 == 0))
        def _stage_wrap():
            pltpu.async_copy(
                v_hbm.at[b, pl.ds(_L - _HB, _HB), pl.ds(c0, _C)],
                buf.at[pl.ds(0, _HB), :],
                sem,
            )
            pltpu.async_copy(
                v_hbm.at[b, pl.ds(0, _NIN - _HB), pl.ds(c0, _C)],
                buf.at[pl.ds(_HB, _NIN - _HB), :],
                sem,
            )

        @pl.when((rbl == 0) & (r0 != 0))
        def _stage():
            pltpu.async_copy(
                v_hbm.at[b, pl.ds(r0 - _HB, _NIN), pl.ds(c0, _C)], buf, sem
            )

    def wait_in(t, buf, sem):
        rbl = t & (_NRB_HALF - 1)

        @pl.when(rbl != 0)
        def _wait_tail():
            pltpu.make_async_copy(
                v_hbm.at[0, pl.ds(0, _R), pl.ds(0, _C)],
                buf.at[pl.ds(72, _R), :],
                sem,
            ).wait()

        @pl.when(rbl == 0)
        def _wait_full():
            pltpu.make_async_copy(
                v_hbm.at[0, pl.ds(0, _NIN), pl.ds(0, _C)], buf, sem
            ).wait()

    def halo_copy(t, src, dst):
        rbl = t & (_NRB_HALF - 1)

        @pl.when(rbl != 0)
        def _copy():
            def cbody(r):
                for g in range(_NG):
                    cs = pl.ds(g * 16, 16)
                    dst[r, cs] = src[_R + r, cs]
            plsc.parallel_loop(0, 72, 1, unroll=4)(cbody)

    _RH = _R // 2

    def wait_out2():
        for s in range(2):
            pltpu.make_async_copy(
                v_hbm.at[0, pl.ds(0, _RH), pl.ds(0, _C)],
                vout.at[pl.ds(0, _RH), :],
                semo,
            ).wait()

    def compute_and_flush(t, buf):
        @pl.when(t != 0)
        def _drain_prev():
            wait_out2()

        def make_p_body(base):
            def p_body(p):
                jj = base + p * 2
                for g in range(_NG):
                    ra = rba[g] + jj
                    cs = pl.ds(g * 16, 16)
                    vm1 = buf[ra - 1, cs]
                    v0 = buf[ra, cs]
                    vp1 = buf[ra + 1, cs]
                    x0 = jnp.where(msk[g], v0, vm1)
                    x1 = jnp.where(msk[g], vp1, v0)
                    vout[jj, cs] = jnp.minimum(x0, x1)
                    vout[jj + 1, cs] = jnp.maximum(x0, x1)
            return p_body

        b = lax.shift_right_logical(t, 3)
        r0 = tile_r0(t)
        nit = _RH // 2
        plsc.parallel_loop(0, nit, 1, unroll=_UNROLL)(make_p_body(0))
        pltpu.async_copy(
            vout.at[pl.ds(0, _RH), :],
            out_hbm.at[b, pl.ds(r0, _RH), pl.ds(c0, _C)],
            semo,
        )
        plsc.parallel_loop(0, nit, 1, unroll=_UNROLL)(make_p_body(_RH))
        pltpu.async_copy(
            vout.at[pl.ds(_RH, _RH), :],
            out_hbm.at[b, pl.ds(r0 + _RH, _RH), pl.ds(c0, _C)],
            semo,
        )

    stage(zero, vin0, sem0)

    def tt_body(tt, carry):
        te = tt * 2
        wait_in(te, vin0, sem0)
        stage(te + 1, vin1, sem1)
        halo_copy(te + 1, vin0, vin1)
        compute_and_flush(te, vin0)
        wait_in(te + 1, vin1, sem1)

        @pl.when(te + 2 < _NT)
        def _prefetch_next():
            stage(te + 2, vin0, sem0)

        halo_copy(te + 2, vin1, vin0)
        compute_and_flush(te + 1, vin1)
        return carry

    lax.fori_loop(0, _NT // 2, tt_body, 0)
    wait_out2()


@jax.jit
def _swd_sc(v):
    mesh = plsc.VectorSubcoreMesh(core_axis_name="c", subcore_axis_name="s")
    f = functools.partial(
        pl.kernel,
        mesh=mesh,
        out_type=jax.ShapeDtypeStruct((_B, _L, _D), jnp.float32),
        scratch_types=[
            pltpu.VMEM((_NIN, _C), jnp.float32),
            pltpu.VMEM((_NIN, _C), jnp.float32),
            pltpu.VMEM((_R, _C), jnp.float32),
            pltpu.SemaphoreType.DMA,
            pltpu.SemaphoreType.DMA,
            pltpu.SemaphoreType.DMA,
        ],
    )(_body)
    return f(v)


def kernel(v):
    return _swd_sc(v)

# --- scband reference (transcript-rebuilt; emitter-appended) ---
"""Pipeline reference for scband-swd-exp-17205638988372 (READ-ONLY COPY).

The authoritative reference and input builder live on the scoring server;
editing this copy changes nothing except your own understanding.
"""

import jax, jax.numpy as jnp
import numpy as np

LAYER_IDX = 6
NUM_LAYERS = 12
DIM = 2048
LEN_SORT_WINDOW = 2


def _shift_matrix(v_len, d_v):
    # shift_offset_i = ceil(v_len ** ((layer_idx*dim + i) / (num_layers*dim)))
    i = np.arange(d_v, dtype=np.float64)
    off = np.ceil(np.power(float(v_len), (LAYER_IDX * DIM + i) / (NUM_LAYERS * DIM))).astype(np.int64)
    # torch.cat([col[-off:], col[:-off]]) is a roll by `off`: element j becomes (j - off) mod v_len
    j = np.arange(v_len, dtype=np.int64)
    return (j[:, None] - off[None, :]) % v_len  # [v_len, d_v]


def setup_inputs(seed: int = 0) -> dict:
    key = jax.random.key(seed)
    v = jax.random.normal(key, (4, 4096, 2048), dtype=jnp.float32)
    return {"v": v}


def reference(v):
    B, v_len, d_v = v.shape
    sm = jnp.asarray(_shift_matrix(v_len, d_v))           # [v_len, d_v] int64
    idx = jnp.broadcast_to(sm[None], (B, v_len, d_v))     # repeat over batch
    v_shifted = jnp.take_along_axis(v, idx, axis=1)       # gather along sequence dim
    v_shifted = v_shifted.reshape(B, -1, LEN_SORT_WINDOW, d_v)
    v_sorted = jnp.sort(v_shifted, axis=2)                # ascending (descending=False)
    out = v_sorted.reshape(B, v_len, d_v)
    return out

if __name__ == "__main__":
    import jax
    _d = setup_inputs()
    print(jax.jit(kernel)(*tuple(_d.values())))

</pallas_src>

<mosaic_0001>
#map = affine_map<(d0, d1) -> (0, 0, 0)>
module attributes {stable_mosaic.version = 14 : i64} {
  func.func @_body(%arg0: i32, %arg1: i32, %arg2: memref<4x4096x2048xf32, #tpu.memory_space<hbm>>, %arg3: memref<4x4096x2048xf32, #tpu.memory_space<hbm>>, %arg4: memref<328x128xf32, #tpu.memory_space<vmem>>, %arg5: memref<328x128xf32, #tpu.memory_space<vmem>>, %arg6: memref<256x128xf32, #tpu.memory_space<vmem>>, %arg7: memref<!tpu.dma_semaphore, #tpu.memory_space<semaphore_mem>>, %arg8: memref<!tpu.dma_semaphore, #tpu.memory_space<semaphore_mem>>, %arg9: memref<!tpu.dma_semaphore, #tpu.memory_space<semaphore_mem>>) attributes {dimension_semantics = [#tpu.dimension_semantics<core_parallel>, #tpu.dimension_semantics<subcore_parallel>], iteration_bounds = array<i64: 2, 16>, scalar_prefetch = 0 : i64, scratch_operands = 6 : i64, tpu.core_type = #tpu.core_type<sc_vector_subcore>, window_params = [{transform_indices = #map}, {transform_indices = #map}]} {
    %mul3A = arith.constant 128 : i32
    %mul3A_0 = arith.muli %arg1, %mul3A : i32
    %iota3A = tpu.iota {dimensions = array<i32: 0>} : vector<16xi32>
    %eq3A = arith.constant 0 : i32
    %eq3A_1 = arith.cmpi eq, %arg1, %eq3A : i32
    %jit3A = arith.constant 64 : i32
    %jit3A_2 = arith.constant 0 : i32
    %select_n3A = arith.select %eq3A_1, %jit3A, %jit3A_2 : i32
    %add3A = arith.constant 0 : i32
    %add3A_3 = arith.addi %add3A, %select_n3A : i32
    %jit3A_4 = arith.constant 1 : i32
    %jit3A_5 = arith.constant 0 : i32
    %select_n3A_6 = arith.select %eq3A_1, %jit3A_4, %jit3A_5 : i32
    %add3A_7 = arith.constant 0 : i32
    %add3A_8 = arith.addi %add3A_7, %select_n3A_6 : i32
    %eq3A_9 = arith.constant 1 : i32
    %eq3A_10 = arith.cmpi eq, %arg1, %eq3A_9 : i32
    %jit3A_11 = arith.constant 67 : i32
    %jit3A_12 = arith.constant 0 : i32
    %select_n3A_13 = arith.select %eq3A_10, %jit3A_11, %jit3A_12 : i32
    %add3A_14 = arith.addi %add3A_3, %select_n3A_13 : i32
    %jit3A_15 = arith.constant 8 : i32
    %jit3A_16 = arith.constant 0 : i32
    %select_n3A_17 = arith.select %eq3A_10, %jit3A_15, %jit3A_16 : i32
    %add3A_18 = arith.addi %add3A_8, %select_n3A_17 : i32
    %eq3A_19 = arith.constant 2 : i32
    %eq3A_20 = arith.cmpi eq, %arg1, %eq3A_19 : i32
    %jit3A_21 = arith.constant 70 : i32
    %jit3A_22 = arith.constant 0 : i32
    %select_n3A_23 = arith.select %eq3A_20, %jit3A_21, %jit3A_22 : i32
    %add3A_24 = arith.addi %add3A_14, %select_n3A_23 : i32
    %jit3A_25 = arith.constant 9 : i32
    %jit3A_26 = arith.constant 0 : i32
    %select_n3A_27 = arith.select %eq3A_20, %jit3A_25, %jit3A_26 : i32
    %add3A_28 = arith.addi %add3A_18, %select_n3A_27 : i32
    %eq3A_29 = arith.constant 3 : i32
    %eq3A_30 = arith.cmpi eq, %arg1, %eq3A_29 : i32
    %jit3A_31 = arith.constant 73 : i32
    %jit3A_32 = arith.constant 0 : i32
    %select_n3A_33 = arith.select %eq3A_30, %jit3A_31, %jit3A_32 : i32
    %add3A_34 = arith.addi %add3A_24, %select_n3A_33 : i32
    %jit3A_35 = arith.constant 5 : i32
    %jit3A_36 = arith.constant 0 : i32
    %select_n3A_37 = arith.select %eq3A_30, %jit3A_35, %jit3A_36 : i32
    %add3A_38 = arith.addi %add3A_28, %select_n3A_37 : i32
    %eq3A_39 = arith.constant 4 : i32
    %eq3A_40 = arith.cmpi eq, %arg1, %eq3A_39 : i32
    %jit3A_41 = arith.constant 77 : i32
    %jit3A_42 = arith.constant 0 : i32
    %select_n3A_43 = arith.select %eq3A_40, %jit3A_41, %jit3A_42 : i32
    %add3A_44 = arith.addi %add3A_34, %select_n3A_43 : i32
    %jit3A_45 = arith.constant 16 : i32
    %jit3A_46 = arith.constant 0 : i32
    %select_n3A_47 = arith.select %eq3A_40, %jit3A_45, %jit3A_46 : i32
    %add3A_48 = arith.addi %add3A_38, %select_n3A_47 : i32
    %eq3A_49 = arith.constant 5 : i32
    %eq3A_50 = arith.cmpi eq, %arg1, %eq3A_49 : i32
    %jit3A_51 = arith.constant 80 : i32
    %jit3A_52 = arith.constant 0 : i32
    %select_n3A_53 = arith.select %eq3A_50, %jit3A_51, %jit3A_52 : i32
    %add3A_54 = arith.addi %add3A_44, %select_n3A_53 : i32
    %jit3A_55 = arith.constant 16 : i32
    %jit3A_56 = arith.constant 0 : i32
    %select_n3A_57 = arith.select %eq3A_50, %jit3A_55, %jit3A_56 : i32
    %add3A_58 = arith.addi %add3A_48, %select_n3A_57 : i32
    %eq3A_59 = arith.constant 6 : i32
    %eq3A_60 = arith.cmpi eq, %arg1, %eq3A_59 : i32
    %jit3A_61 = arith.constant 83 : i32
    %jit3A_62 = arith.constant 0 : i32
    %select_n3A_63 = arith.select %eq3A_60, %jit3A_61, %jit3A_62 : i32
    %add3A_64 = arith.addi %add3A_54, %select_n3A_63 : i32
    %jit3A_65 = arith.constant 1 : i32
    %jit3A_66 = arith.constant 0 : i32
    %select_n3A_67 = arith.select %eq3A_60, %jit3A_65, %jit3A_66 : i32
    %add3A_68 = arith.addi %add3A_58, %select_n3A_67 : i32
    %eq3A_69 = arith.constant 7 : i32
    %eq3A_70 = arith.cmpi eq, %arg1, %eq3A_69 : i32
    %jit3A_71 = arith.constant 87 : i32
    %jit3A_72 = arith.constant 0 : i32
    %select_n3A_73 = arith.select %eq3A_70, %jit3A_71, %jit3A_72 : i32
    %add3A_74 = arith.addi %add3A_64, %select_n3A_73 : i32
    %jit3A_75 = arith.constant 12 : i32
    %jit3A_76 = arith.constant 0 : i32
    %select_n3A_77 = arith.select %eq3A_70, %jit3A_75, %jit3A_76 : i32
    %add3A_78 = arith.addi %add3A_68, %select_n3A_77 : i32
    %eq3A_79 = arith.constant 8 : i32
    %eq3A_80 = arith.cmpi eq, %arg1, %eq3A_79 : i32
    %jit3A_81 = arith.constant 91 : i32
    %jit3A_82 = arith.constant 0 : i32
    %select_n3A_83 = arith.select %eq3A_80, %jit3A_81, %jit3A_82 : i32
    %add3A_84 = arith.addi %add3A_74, %select_n3A_83 : i32
    %jit3A_85 = arith.constant 16 : i32
    %jit3A_86 = arith.constant 0 : i32
    %select_n3A_87 = arith.select %eq3A_80, %jit3A_85, %jit3A_86 : i32
    %add3A_88 = arith.addi %add3A_78, %select_n3A_87 : i32
    %eq3A_89 = arith.constant 9 : i32
    %eq3A_90 = arith.cmpi eq, %arg1, %eq3A_89 : i32
    %jit3A_91 = arith.constant 95 : i32
    %jit3A_92 = arith.constant 0 : i32
    %select_n3A_93 = arith.select %eq3A_90, %jit3A_91, %jit3A_92 : i32
    %add3A_94 = arith.addi %add3A_84, %select_n3A_93 : i32
    %jit3A_95 = arith.constant 16 : i32
    %jit3A_96 = arith.constant 0 : i32
    %select_n3A_97 = arith.select %eq3A_90, %jit3A_95, %jit3A_96 : i32
    %add3A_98 = arith.addi %add3A_88, %select_n3A_97 : i32
    %eq3A_99 = arith.constant 10 : i32
    %eq3A_100 = arith.cmpi eq, %arg1, %eq3A_99 : i32
    %jit3A_101 = arith.constant 99 : i32
    %jit3A_102 = arith.constant 0 : i32
    %select_n3A_103 = arith.select %eq3A_100, %jit3A_101, %jit3A_102 : i32
    %add3A_104 = arith.addi %add3A_94, %select_n3A_103 : i32
    %jit3A_105 = arith.constant 9 : i32
    %jit3A_106 = arith.constant 0 : i32
    %select_n3A_107 = arith.select %eq3A_100, %jit3A_105, %jit3A_106 : i32
    %add3A_108 = arith.addi %add3A_98, %select_n3A_107 : i32
    %eq3A_109 = arith.constant 11 : i32
    %eq3A_110 = arith.cmpi eq, %arg1, %eq3A_109 : i32
    %jit3A_111 = arith.constant 104 : i32
    %jit3A_112 = arith.constant 0 : i32
    %select_n3A_113 = arith.select %eq3A_110, %jit3A_111, %jit3A_112 : i32
    %add3A_114 = arith.addi %add3A_104, %select_n3A_113 : i32
    %jit3A_115 = arith.constant 16 : i32
    %jit3A_116 = arith.constant 0 : i32
    %select_n3A_117 = arith.select %eq3A_110, %jit3A_115, %jit3A_116 : i32
    %add3A_118 = arith.addi %add3A_108, %select_n3A_117 : i32
    %eq3A_119 = arith.constant 12 : i32
    %eq3A_120 = arith.cmpi eq, %arg1, %eq3A_119 : i32
    %jit3A_121 = arith.constant 108 : i32
    %jit3A_122 = arith.constant 0 : i32
    %select_n3A_123 = arith.select %eq3A_120, %jit3A_121, %jit3A_122 : i32
    %add3A_124 = arith.addi %add3A_114, %select_n3A_123 : i32
    %jit3A_125 = arith.constant 11 : i32
    %jit3A_126 = arith.constant 0 : i32
    %select_n3A_127 = arith.select %eq3A_120, %jit3A_125, %jit3A_126 : i32
    %add3A_128 = arith.addi %add3A_118, %select_n3A_127 : i32
    %eq3A_129 = arith.constant 13 : i32
    %eq3A_130 = arith.cmpi eq, %arg1, %eq3A_129 : i32
    %jit3A_131 = arith.constant 113 : i32
    %jit3A_132 = arith.constant 0 : i32
    %select_n3A_133 = arith.select %eq3A_130, %jit3A_131, %jit3A_132 : i32
    %add3A_134 = arith.addi %add3A_124, %select_n3A_133 : i32
    %jit3A_135 = arith.constant 16 : i32
    %jit3A_136 = arith.constant 0 : i32
    %select_n3A_137 = arith.select %eq3A_130, %jit3A_135, %jit3A_136 : i32
    %add3A_138 = arith.addi %add3A_128, %select_n3A_137 : i32
    %eq3A_139 = arith.constant 14 : i32
    %eq3A_140 = arith.cmpi eq, %arg1, %eq3A_139 : i32
    %jit3A_141 = arith.constant 118 : i32
    %jit3A_142 = arith.constant 0 : i32
    %select_n3A_143 = arith.select %eq3A_140, %jit3A_141, %jit3A_142 : i32
    %add3A_144 = arith.addi %add3A_134, %select_n3A_143 : i32
    %jit3A_145 = arith.constant 16 : i32
    %jit3A_146 = arith.constant 0 : i32
    %select_n3A_147 = arith.select %eq3A_140, %jit3A_145, %jit3A_146 : i32
    %add3A_148 = arith.addi %add3A_138, %select_n3A_147 : i32
    %eq3A_149 = arith.constant 15 : i32
    %eq3A_150 = arith.cmpi eq, %arg1, %eq3A_149 : i32
    %jit3A_151 = arith.constant 123 : i32
    %jit3A_152 = arith.constant 0 : i32
    %select_n3A_153 = arith.select %eq3A_150, %jit3A_151, %jit3A_152 : i32
    %add3A_154 = arith.addi %add3A_144, %select_n3A_153 : i32
    %jit3A_155 = arith.constant 11 : i32
    %jit3A_156 = arith.constant 0 : i32
    %select_n3A_157 = arith.select %eq3A_150, %jit3A_155, %jit3A_156 : i32
    %add3A_158 = arith.addi %add3A_148, %select_n3A_157 : i32
    %sub3A = arith.constant 136 : i32
    %sub3A_159 = arith.subi %sub3A, %add3A_154 : i32
    %lt3A = vector.broadcast %add3A_158 : i32 to vector<16xi32>
    %lt3A_160 = arith.cmpi slt, %iota3A, %lt3A : vector<16xi32>
    %eq3A_161 = arith.constant 0 : i32
    %eq3A_162 = arith.cmpi eq, %arg1, %eq3A_161 : i32
    %jit3A_163 = arith.constant 65 : i32
    %jit3A_164 = arith.constant 0 : i32
    %select_n3A_165 = arith.select %eq3A_162, %jit3A_163, %jit3A_164 : i32
    %add3A_166 = arith.constant 0 : i32
    %add3A_167 = arith.addi %add3A_166, %select_n3A_165 : i32
    %jit3A_168 = arith.constant 16 : i32
    %jit3A_169 = arith.constant 0 : i32
    %select_n3A_170 = arith.select %eq3A_162, %jit3A_168, %jit3A_169 : i32
    %add3A_171 = arith.constant 0 : i32
    %add3A_172 = arith.addi %add3A_171, %select_n3A_170 : i32
    %eq3A_173 = arith.constant 1 : i32
    %eq3A_174 = arith.cmpi eq, %arg1, %eq3A_173 : i32
    %jit3A_175 = arith.constant 68 : i32
    %jit3A_176 = arith.constant 0 : i32
    %select_n3A_177 = arith.select %eq3A_174, %jit3A_175, %jit3A_176 : i32
    %add3A_178 = arith.addi %add3A_167, %select_n3A_177 : i32
    %jit3A_179 = arith.constant 16 : i32
    %jit3A_180 = arith.constant 0 : i32
    %select_n3A_181 = arith.select %eq3A_174, %jit3A_179, %jit3A_180 : i32
    %add3A_182 = arith.addi %add3A_172, %select_n3A_181 : i32
    %eq3A_183 = arith.constant 2 : i32
    %eq3A_184 = arith.cmpi eq, %arg1, %eq3A_183 : i32
    %jit3A_185 = arith.constant 71 : i32
    %jit3A_186 = arith.constant 0 : i32
    %select_n3A_187 = arith.select %eq3A_184, %jit3A_185, %jit3A_186 : i32
    %add3A_188 = arith.addi %add3A_178, %select_n3A_187 : i32
    %jit3A_189 = arith.constant 16 : i32
    %jit3A_190 = arith.constant 0 : i32
    %select_n3A_191 = arith.select %eq3A_184, %jit3A_189, %jit3A_190 : i32
    %add3A_192 = arith.addi %add3A_182, %select_n3A_191 : i32
    %eq3A_193 = arith.constant 3 : i32
    %eq3A_194 = arith.cmpi eq, %arg1, %eq3A_193 : i32
    %jit3A_195 = arith.constant 74 : i32
    %jit3A_196 = arith.constant 0 : i32
    %select_n3A_197 = arith.select %eq3A_194, %jit3A_195, %jit3A_196 : i32
    %add3A_198 = arith.addi %add3A_188, %select_n3A_197 : i32
    %jit3A_199 = arith.constant 16 : i32
    %jit3A_200 = arith.constant 0 : i32
    %select_n3A_201 = arith.select %eq3A_194, %jit3A_199, %jit3A_200 : i32
    %add3A_202 = arith.addi %add3A_192, %select_n3A_201 : i32
    %eq3A_203 = arith.constant 4 : i32
    %eq3A_204 = arith.cmpi eq, %arg1, %eq3A_203 : i32
    %jit3A_205 = arith.constant 77 : i32
    %jit3A_206 = arith.constant 0 : i32
    %select_n3A_207 = arith.select %eq3A_204, %jit3A_205, %jit3A_206 : i32
    %add3A_208 = arith.addi %add3A_198, %select_n3A_207 : i32
    %jit3A_209 = arith.constant 16 : i32
    %jit3A_210 = arith.constant 0 : i32
    %select_n3A_211 = arith.select %eq3A_204, %jit3A_209, %jit3A_210 : i32
    %add3A_212 = arith.addi %add3A_202, %select_n3A_211 : i32
    %eq3A_213 = arith.constant 5 : i32
    %eq3A_214 = arith.cmpi eq, %arg1, %eq3A_213 : i32
    %jit3A_215 = arith.constant 80 : i32
    %jit3A_216 = arith.constant 0 : i32
    %select_n3A_217 = arith.select %eq3A_214, %jit3A_215, %jit3A_216 : i32
    %add3A_218 = arith.addi %add3A_208, %select_n3A_217 : i32
    %jit3A_219 = arith.constant 4 : i32
    %jit3A_220 = arith.constant 0 : i32
    %select_n3A_221 = arith.select %eq3A_214, %jit3A_219, %jit3A_220 : i32
    %add3A_222 = arith.addi %add3A_212, %select_n3A_221 : i32
    %eq3A_223 = arith.constant 6 : i32
    %eq3A_224 = arith.cmpi eq, %arg1, %eq3A_223 : i32
    %jit3A_225 = arith.constant 84 : i32
    %jit3A_226 = arith.constant 0 : i32
    %select_n3A_227 = arith.select %eq3A_224, %jit3A_225, %jit3A_226 : i32
    %add3A_228 = arith.addi %add3A_218, %select_n3A_227 : i32
    %jit3A_229 = arith.constant 16 : i32
    %jit3A_230 = arith.constant 0 : i32
    %select_n3A_231 = arith.select %eq3A_224, %jit3A_229, %jit3A_230 : i32
    %add3A_232 = arith.addi %add3A_222, %select_n3A_231 : i32
    %eq3A_233 = arith.constant 7 : i32
    %eq3A_234 = arith.cmpi eq, %arg1, %eq3A_233 : i32
    %jit3A_235 = arith.constant 88 : i32
    %jit3A_236 = arith.constant 0 : i32
    %select_n3A_237 = arith.select %eq3A_234, %jit3A_235, %jit3A_236 : i32
    %add3A_238 = arith.addi %add3A_228, %select_n3A_237 : i32
    %jit3A_239 = arith.constant 16 : i32
    %jit3A_240 = arith.constant 0 : i32
    %select_n3A_241 = arith.select %eq3A_234, %jit3A_239, %jit3A_240 : i32
    %add3A_242 = arith.addi %add3A_232, %select_n3A_241 : i32
    %eq3A_243 = arith.constant 8 : i32
    %eq3A_244 = arith.cmpi eq, %arg1, %eq3A_243 : i32
    %jit3A_245 = arith.constant 92 : i32
    %jit3A_246 = arith.constant 0 : i32
    %select_n3A_247 = arith.select %eq3A_244, %jit3A_245, %jit3A_246 : i32
    %add3A_248 = arith.addi %add3A_238, %select_n3A_247 : i32
    %jit3A_249 = arith.constant 16 : i32
    %jit3A_250 = arith.constant 0 : i32
    %select_n3A_251 = arith.select %eq3A_244, %jit3A_249, %jit3A_250 : i32
    %add3A_252 = arith.addi %add3A_242, %select_n3A_251 : i32
    %eq3A_253 = arith.constant 9 : i32
    %eq3A_254 = arith.cmpi eq, %arg1, %eq3A_253 : i32
    %jit3A_255 = arith.constant 96 : i32
    %jit3A_256 = arith.constant 0 : i32
    %select_n3A_257 = arith.select %eq3A_254, %jit3A_255, %jit3A_256 : i32
    %add3A_258 = arith.addi %add3A_248, %select_n3A_257 : i32
    %jit3A_259 = arith.constant 16 : i32
    %jit3A_260 = arith.constant 0 : i32
    %select_n3A_261 = arith.select %eq3A_254, %jit3A_259, %jit3A_260 : i32
    %add3A_262 = arith.addi %add3A_252, %select_n3A_261 : i32
    %eq3A_263 = arith.constant 10 : i32
    %eq3A_264 = arith.cmpi eq, %arg1, %eq3A_263 : i32
    %jit3A_265 = arith.constant 100 : i32
    %jit3A_266 = arith.constant 0 : i32
    %select_n3A_267 = arith.select %eq3A_264, %jit3A_265, %jit3A_266 : i32
    %add3A_268 = arith.addi %add3A_258, %select_n3A_267 : i32
    %jit3A_269 = arith.constant 16 : i32
    %jit3A_270 = arith.constant 0 : i32
    %select_n3A_271 = arith.select %eq3A_264, %jit3A_269, %jit3A_270 : i32
    %add3A_272 = arith.addi %add3A_262, %select_n3A_271 : i32
    %eq3A_273 = arith.constant 11 : i32
    %eq3A_274 = arith.cmpi eq, %arg1, %eq3A_273 : i32
    %jit3A_275 = arith.constant 104 : i32
    %jit3A_276 = arith.constant 0 : i32
    %select_n3A_277 = arith.select %eq3A_274, %jit3A_275, %jit3A_276 : i32
    %add3A_278 = arith.addi %add3A_268, %select_n3A_277 : i32
    %jit3A_279 = arith.constant 11 : i32
    %jit3A_280 = arith.constant 0 : i32
    %select_n3A_281 = arith.select %eq3A_274, %jit3A_279, %jit3A_280 : i32
    %add3A_282 = arith.addi %add3A_272, %select_n3A_281 : i32
    %eq3A_283 = arith.constant 12 : i32
    %eq3A_284 = arith.cmpi eq, %arg1, %eq3A_283 : i32
    %jit3A_285 = arith.constant 109 : i32
    %jit3A_286 = arith.constant 0 : i32
    %select_n3A_287 = arith.select %eq3A_284, %jit3A_285, %jit3A_286 : i32
    %add3A_288 = arith.addi %add3A_278, %select_n3A_287 : i32
    %jit3A_289 = arith.constant 16 : i32
    %jit3A_290 = arith.constant 0 : i32
    %select_n3A_291 = arith.select %eq3A_284, %jit3A_289, %jit3A_290 : i32
    %add3A_292 = arith.addi %add3A_282, %select_n3A_291 : i32
    %eq3A_293 = arith.constant 13 : i32
    %eq3A_294 = arith.cmpi eq, %arg1, %eq3A_293 : i32
    %jit3A_295 = arith.constant 114 : i32
    %jit3A_296 = arith.constant 0 : i32
    %select_n3A_297 = arith.select %eq3A_294, %jit3A_295, %jit3A_296 : i32
    %add3A_298 = arith.addi %add3A_288, %select_n3A_297 : i32
    %jit3A_299 = arith.constant 16 : i32
    %jit3A_300 = arith.constant 0 : i32
    %select_n3A_301 = arith.select %eq3A_294, %jit3A_299, %jit3A_300 : i32
    %add3A_302 = arith.addi %add3A_292, %select_n3A_301 : i32
    %eq3A_303 = arith.constant 14 : i32
    %eq3A_304 = arith.cmpi eq, %arg1, %eq3A_303 : i32
    %jit3A_305 = arith.constant 119 : i32
    %jit3A_306 = arith.constant 0 : i32
    %select_n3A_307 = arith.select %eq3A_304, %jit3A_305, %jit3A_306 : i32
    %add3A_308 = arith.addi %add3A_298, %select_n3A_307 : i32
    %jit3A_309 = arith.constant 16 : i32
    %jit3A_310 = arith.constant 0 : i32
    %select_n3A_311 = arith.select %eq3A_304, %jit3A_309, %jit3A_310 : i32
    %add3A_312 = arith.addi %add3A_302, %select_n3A_311 : i32
    %eq3A_313 = arith.constant 15 : i32
    %eq3A_314 = arith.cmpi eq, %arg1, %eq3A_313 : i32
    %jit3A_315 = arith.constant 124 : i32
    %jit3A_316 = arith.constant 0 : i32
    %select_n3A_317 = arith.select %eq3A_314, %jit3A_315, %jit3A_316 : i32
    %add3A_318 = arith.addi %add3A_308, %select_n3A_317 : i32
    %jit3A_319 = arith.constant 16 : i32
    %jit3A_320 = arith.constant 0 : i32
    %select_n3A_321 = arith.select %eq3A_314, %jit3A_319, %jit3A_320 : i32
    %add3A_322 = arith.addi %add3A_312, %select_n3A_321 : i32
    %sub3A_323 = arith.constant 136 : i32
    %sub3A_324 = arith.subi %sub3A_323, %add3A_318 : i32
    %lt3A_325 = vector.broadcast %add3A_322 : i32 to vector<16xi32>
    %lt3A_326 = arith.cmpi slt, %iota3A, %lt3A_325 : vector<16xi32>
    %eq3A_327 = arith.constant 0 : i32
    %eq3A_328 = arith.cmpi eq, %arg1, %eq3A_327 : i32
    %jit3A_329 = arith.constant 65 : i32
    %jit3A_330 = arith.constant 0 : i32
    %select_n3A_331 = arith.select %eq3A_328, %jit3A_329, %jit3A_330 : i32
    %add3A_332 = arith.constant 0 : i32
    %add3A_333 = arith.addi %add3A_332, %select_n3A_331 : i32
    %jit3A_334 = arith.constant 14 : i32
    %jit3A_335 = arith.constant 0 : i32
    %select_n3A_336 = arith.select %eq3A_328, %jit3A_334, %jit3A_335 : i32
    %add3A_337 = arith.constant 0 : i32
    %add3A_338 = arith.addi %add3A_337, %select_n3A_336 : i32
    %eq3A_339 = arith.constant 1 : i32
    %eq3A_340 = arith.cmpi eq, %arg1, %eq3A_339 : i32
    %jit3A_341 = arith.constant 68 : i32
    %jit3A_342 = arith.constant 0 : i32
    %select_n3A_343 = arith.select %eq3A_340, %jit3A_341, %jit3A_342 : i32
    %add3A_344 = arith.addi %add3A_333, %select_n3A_343 : i32
    %jit3A_345 = arith.constant 16 : i32
    %jit3A_346 = arith.constant 0 : i32
    %select_n3A_347 = arith.select %eq3A_340, %jit3A_345, %jit3A_346 : i32
    %add3A_348 = arith.addi %add3A_338, %select_n3A_347 : i32
    %eq3A_349 = arith.constant 2 : i32
    %eq3A_350 = arith.cmpi eq, %arg1, %eq3A_349 : i32
    %jit3A_351 = arith.constant 71 : i32
    %jit3A_352 = arith.constant 0 : i32
    %select_n3A_353 = arith.select %eq3A_350, %jit3A_351, %jit3A_352 : i32
    %add3A_354 = arith.addi %add3A_344, %select_n3A_353 : i32
    %jit3A_355 = arith.constant 16 : i32
    %jit3A_356 = arith.constant 0 : i32
    %select_n3A_357 = arith.select %eq3A_350, %jit3A_355, %jit3A_356 : i32
    %add3A_358 = arith.addi %add3A_348, %select_n3A_357 : i32
    %eq3A_359 = arith.constant 3 : i32
    %eq3A_360 = arith.cmpi eq, %arg1, %eq3A_359 : i32
    %jit3A_361 = arith.constant 74 : i32
    %jit3A_362 = arith.constant 0 : i32
    %select_n3A_363 = arith.select %eq3A_360, %jit3A_361, %jit3A_362 : i32
    %add3A_364 = arith.addi %add3A_354, %select_n3A_363 : i32
    %jit3A_365 = arith.constant 13 : i32
    %jit3A_366 = arith.constant 0 : i32
    %select_n3A_367 = arith.select %eq3A_360, %jit3A_365, %jit3A_366 : i32
    %add3A_368 = arith.addi %add3A_358, %select_n3A_367 : i32
    %eq3A_369 = arith.constant 4 : i32
    %eq3A_370 = arith.cmpi eq, %arg1, %eq3A_369 : i32
    %jit3A_371 = arith.constant 77 : i32
    %jit3A_372 = arith.constant 0 : i32
    %select_n3A_373 = arith.select %eq3A_370, %jit3A_371, %jit3A_372 : i32
    %add3A_374 = arith.addi %add3A_364, %select_n3A_373 : i32
    %jit3A_375 = arith.constant 3 : i32
    %jit3A_376 = arith.constant 0 : i32
    %select_n3A_377 = arith.select %eq3A_370, %jit3A_375, %jit3A_376 : i32
    %add3A_378 = arith.addi %add3A_368, %select_n3A_377 : i32
    %eq3A_379 = arith.constant 5 : i32
    %eq3A_380 = arith.cmpi eq, %arg1, %eq3A_379 : i32
    %jit3A_381 = arith.constant 81 : i32
    %jit3A_382 = arith.constant 0 : i32
    %select_n3A_383 = arith.select %eq3A_380, %jit3A_381, %jit3A_382 : i32
    %add3A_384 = arith.addi %add3A_374, %select_n3A_383 : i32
    %jit3A_385 = arith.constant 16 : i32
    %jit3A_386 = arith.constant 0 : i32
    %select_n3A_387 = arith.select %eq3A_380, %jit3A_385, %jit3A_386 : i32
    %add3A_388 = arith.addi %add3A_378, %select_n3A_387 : i32
    %eq3A_389 = arith.constant 6 : i32
    %eq3A_390 = arith.cmpi eq, %arg1, %eq3A_389 : i32
    %jit3A_391 = arith.constant 84 : i32
    %jit3A_392 = arith.constant 0 : i32
    %select_n3A_393 = arith.select %eq3A_390, %jit3A_391, %jit3A_392 : i32
    %add3A_394 = arith.addi %add3A_384, %select_n3A_393 : i32
    %jit3A_395 = arith.constant 4 : i32
    %jit3A_396 = arith.constant 0 : i32
    %select_n3A_397 = arith.select %eq3A_390, %jit3A_395, %jit3A_396 : i32
    %add3A_398 = arith.addi %add3A_388, %select_n3A_397 : i32
    %eq3A_399 = arith.constant 7 : i32
    %eq3A_400 = arith.cmpi eq, %arg1, %eq3A_399 : i32
    %jit3A_401 = arith.constant 88 : i32
    %jit3A_402 = arith.constant 0 : i32
    %select_n3A_403 = arith.select %eq3A_400, %jit3A_401, %jit3A_402 : i32
    %add3A_404 = arith.addi %add3A_394, %select_n3A_403 : i32
    %jit3A_405 = arith.constant 13 : i32
    %jit3A_406 = arith.constant 0 : i32
    %select_n3A_407 = arith.select %eq3A_400, %jit3A_405, %jit3A_406 : i32
    %add3A_408 = arith.addi %add3A_398, %select_n3A_407 : i32
    %eq3A_409 = arith.constant 8 : i32
    %eq3A_410 = arith.cmpi eq, %arg1, %eq3A_409 : i32
    %jit3A_411 = arith.constant 92 : i32
    %jit3A_412 = arith.constant 0 : i32
    %select_n3A_413 = arith.select %eq3A_410, %jit3A_411, %jit3A_412 : i32
    %add3A_414 = arith.addi %add3A_404, %select_n3A_413 : i32
    %jit3A_415 = arith.constant 16 : i32
    %jit3A_416 = arith.constant 0 : i32
    %select_n3A_417 = arith.select %eq3A_410, %jit3A_415, %jit3A_416 : i32
    %add3A_418 = arith.addi %add3A_408, %select_n3A_417 : i32
    %eq3A_419 = arith.constant 9 : i32
    %eq3A_420 = arith.cmpi eq, %arg1, %eq3A_419 : i32
    %jit3A_421 = arith.constant 96 : i32
    %jit3A_422 = arith.constant 0 : i32
    %select_n3A_423 = arith.select %eq3A_420, %jit3A_421, %jit3A_422 : i32
    %add3A_424 = arith.addi %add3A_414, %select_n3A_423 : i32
    %jit3A_425 = arith.constant 15 : i32
    %jit3A_426 = arith.constant 0 : i32
    %select_n3A_427 = arith.select %eq3A_420, %jit3A_425, %jit3A_426 : i32
    %add3A_428 = arith.addi %add3A_418, %select_n3A_427 : i32
    %eq3A_429 = arith.constant 10 : i32
    %eq3A_430 = arith.cmpi eq, %arg1, %eq3A_429 : i32
    %jit3A_431 = arith.constant 100 : i32
    %jit3A_432 = arith.constant 0 : i32
    %select_n3A_433 = arith.select %eq3A_430, %jit3A_431, %jit3A_432 : i32
    %add3A_434 = arith.addi %add3A_424, %select_n3A_433 : i32
    %jit3A_435 = arith.constant 7 : i32
    %jit3A_436 = arith.constant 0 : i32
    %select_n3A_437 = arith.select %eq3A_430, %jit3A_435, %jit3A_436 : i32
    %add3A_438 = arith.addi %add3A_428, %select_n3A_437 : i32
    %eq3A_439 = arith.constant 11 : i32
    %eq3A_440 = arith.cmpi eq, %arg1, %eq3A_439 : i32
    %jit3A_441 = arith.constant 105 : i32
    %jit3A_442 = arith.constant 0 : i32
    %select_n3A_443 = arith.select %eq3A_440, %jit3A_441, %jit3A_442 : i32
    %add3A_444 = arith.addi %add3A_434, %select_n3A_443 : i32
    %jit3A_445 = arith.constant 16 : i32
    %jit3A_446 = arith.constant 0 : i32
    %select_n3A_447 = arith.select %eq3A_440, %jit3A_445, %jit3A_446 : i32
    %add3A_448 = arith.addi %add3A_438, %select_n3A_447 : i32
    %eq3A_449 = arith.constant 12 : i32
    %eq3A_450 = arith.cmpi eq, %arg1, %eq3A_449 : i32
    %jit3A_451 = arith.constant 109 : i32
    %jit3A_452 = arith.constant 0 : i32
    %select_n3A_453 = arith.select %eq3A_450, %jit3A_451, %jit3A_452 : i32
    %add3A_454 = arith.addi %add3A_444, %select_n3A_453 : i32
    %jit3A_455 = arith.constant 6 : i32
    %jit3A_456 = arith.constant 0 : i32
    %select_n3A_457 = arith.select %eq3A_450, %jit3A_455, %jit3A_456 : i32
    %add3A_458 = arith.addi %add3A_448, %select_n3A_457 : i32
    %eq3A_459 = arith.constant 13 : i32
    %eq3A_460 = arith.cmpi eq, %arg1, %eq3A_459 : i32
    %jit3A_461 = arith.constant 114 : i32
    %jit3A_462 = arith.constant 0 : i32
    %select_n3A_463 = arith.select %eq3A_460, %jit3A_461, %jit3A_462 : i32
    %add3A_464 = arith.addi %add3A_454, %select_n3A_463 : i32
    %jit3A_465 = arith.constant 10 : i32
    %jit3A_466 = arith.constant 0 : i32
    %select_n3A_467 = arith.select %eq3A_460, %jit3A_465, %jit3A_466 : i32
    %add3A_468 = arith.addi %add3A_458, %select_n3A_467 : i32
    %eq3A_469 = arith.constant 14 : i32
    %eq3A_470 = arith.cmpi eq, %arg1, %eq3A_469 : i32
    %jit3A_471 = arith.constant 119 : i32
    %jit3A_472 = arith.constant 0 : i32
    %select_n3A_473 = arith.select %eq3A_470, %jit3A_471, %jit3A_472 : i32
    %add3A_474 = arith.addi %add3A_464, %select_n3A_473 : i32
    %jit3A_475 = arith.constant 9 : i32
    %jit3A_476 = arith.constant 0 : i32
    %select_n3A_477 = arith.select %eq3A_470, %jit3A_475, %jit3A_476 : i32
    %add3A_478 = arith.addi %add3A_468, %select_n3A_477 : i32
    %eq3A_479 = arith.constant 15 : i32
    %eq3A_480 = arith.cmpi eq, %arg1, %eq3A_479 : i32
    %jit3A_481 = arith.constant 124 : i32
    %jit3A_482 = arith.constant 0 : i32
    %select_n3A_483 = arith.select %eq3A_480, %jit3A_481, %jit3A_482 : i32
    %add3A_484 = arith.addi %add3A_474, %select_n3A_483 : i32
    %jit3A_485 = arith.constant 3 : i32
    %jit3A_486 = arith.constant 0 : i32
    %select_n3A_487 = arith.select %eq3A_480, %jit3A_485, %jit3A_486 : i32
    %add3A_488 = arith.addi %add3A_478, %select_n3A_487 : i32
    %sub3A_489 = arith.constant 136 : i32
    %sub3A_490 = arith.subi %sub3A_489, %add3A_484 : i32
    %lt3A_491 = vector.broadcast %add3A_488 : i32 to vector<16xi32>
    %lt3A_492 = arith.cmpi slt, %iota3A, %lt3A_491 : vector<16xi32>
    %eq3A_493 = arith.constant 0 : i32
    %eq3A_494 = arith.cmpi eq, %arg1, %eq3A_493 : i32
    %jit3A_495 = arith.constant 66 : i32
    %jit3A_496 = arith.constant 0 : i32
    %select_n3A_497 = arith.select %eq3A_494, %jit3A_495, %jit3A_496 : i32
    %add3A_498 = arith.constant 0 : i32
    %add3A_499 = arith.addi %add3A_498, %select_n3A_497 : i32
    %jit3A_500 = arith.constant 16 : i32
    %jit3A_501 = arith.constant 0 : i32
    %select_n3A_502 = arith.select %eq3A_494, %jit3A_500, %jit3A_501 : i32
    %add3A_503 = arith.constant 0 : i32
    %add3A_504 = arith.addi %add3A_503, %select_n3A_502 : i32
    %eq3A_505 = arith.constant 1 : i32
    %eq3A_506 = arith.cmpi eq, %arg1, %eq3A_505 : i32
    %jit3A_507 = arith.constant 68 : i32
    %jit3A_508 = arith.constant 0 : i32
    %select_n3A_509 = arith.select %eq3A_506, %jit3A_507, %jit3A_508 : i32
    %add3A_510 = arith.addi %add3A_499, %select_n3A_509 : i32
    %jit3A_511 = arith.constant 4 : i32
    %jit3A_512 = arith.constant 0 : i32
    %select_n3A_513 = arith.select %eq3A_506, %jit3A_511, %jit3A_512 : i32
    %add3A_514 = arith.addi %add3A_504, %select_n3A_513 : i32
    %eq3A_515 = arith.constant 2 : i32
    %eq3A_516 = arith.cmpi eq, %arg1, %eq3A_515 : i32
    %jit3A_517 = arith.constant 71 : i32
    %jit3A_518 = arith.constant 0 : i32
    %select_n3A_519 = arith.select %eq3A_516, %jit3A_517, %jit3A_518 : i32
    %add3A_520 = arith.addi %add3A_510, %select_n3A_519 : i32
    %jit3A_521 = arith.constant 3 : i32
    %jit3A_522 = arith.constant 0 : i32
    %select_n3A_523 = arith.select %eq3A_516, %jit3A_521, %jit3A_522 : i32
    %add3A_524 = arith.addi %add3A_514, %select_n3A_523 : i32
    %eq3A_525 = arith.constant 3 : i32
    %eq3A_526 = arith.cmpi eq, %arg1, %eq3A_525 : i32
    %jit3A_527 = arith.constant 75 : i32
    %jit3A_528 = arith.constant 0 : i32
    %select_n3A_529 = arith.select %eq3A_526, %jit3A_527, %jit3A_528 : i32
    %add3A_530 = arith.addi %add3A_520, %select_n3A_529 : i32
    %jit3A_531 = arith.constant 16 : i32
    %jit3A_532 = arith.constant 0 : i32
    %select_n3A_533 = arith.select %eq3A_526, %jit3A_531, %jit3A_532 : i32
    %add3A_534 = arith.addi %add3A_524, %select_n3A_533 : i32
    %eq3A_535 = arith.constant 4 : i32
    %eq3A_536 = arith.cmpi eq, %arg1, %eq3A_535 : i32
    %jit3A_537 = arith.constant 78 : i32
    %jit3A_538 = arith.constant 0 : i32
    %select_n3A_539 = arith.select %eq3A_536, %jit3A_537, %jit3A_538 : i32
    %add3A_540 = arith.addi %add3A_530, %select_n3A_539 : i32
    %jit3A_541 = arith.constant 16 : i32
    %jit3A_542 = arith.constant 0 : i32
    %select_n3A_543 = arith.select %eq3A_536, %jit3A_541, %jit3A_542 : i32
    %add3A_544 = arith.addi %add3A_534, %select_n3A_543 : i32
    %eq3A_545 = arith.constant 5 : i32
    %eq3A_546 = arith.cmpi eq, %arg1, %eq3A_545 : i32
    %jit3A_547 = arith.constant 81 : i32
    %jit3A_548 = arith.constant 0 : i32
    %select_n3A_549 = arith.select %eq3A_546, %jit3A_547, %jit3A_548 : i32
    %add3A_550 = arith.addi %add3A_540, %select_n3A_549 : i32
    %jit3A_551 = arith.constant 9 : i32
    %jit3A_552 = arith.constant 0 : i32
    %select_n3A_553 = arith.select %eq3A_546, %jit3A_551, %jit3A_552 : i32
    %add3A_554 = arith.addi %add3A_544, %select_n3A_553 : i32
    %eq3A_555 = arith.constant 6 : i32
    %eq3A_556 = arith.cmpi eq, %arg1, %eq3A_555 : i32
    %jit3A_557 = arith.constant 85 : i32
    %jit3A_558 = arith.constant 0 : i32
    %select_n3A_559 = arith.select %eq3A_556, %jit3A_557, %jit3A_558 : i32
    %add3A_560 = arith.addi %add3A_550, %select_n3A_559 : i32
    %jit3A_561 = arith.constant 16 : i32
    %jit3A_562 = arith.constant 0 : i32
    %select_n3A_563 = arith.select %eq3A_556, %jit3A_561, %jit3A_562 : i32
    %add3A_564 = arith.addi %add3A_554, %select_n3A_563 : i32
    %eq3A_565 = arith.constant 7 : i32
    %eq3A_566 = arith.cmpi eq, %arg1, %eq3A_565 : i32
    %jit3A_567 = arith.constant 89 : i32
    %jit3A_568 = arith.constant 0 : i32
    %select_n3A_569 = arith.select %eq3A_566, %jit3A_567, %jit3A_568 : i32
    %add3A_570 = arith.addi %add3A_560, %select_n3A_569 : i32
    %jit3A_571 = arith.constant 16 : i32
    %jit3A_572 = arith.constant 0 : i32
    %select_n3A_573 = arith.select %eq3A_566, %jit3A_571, %jit3A_572 : i32
    %add3A_574 = arith.addi %add3A_564, %select_n3A_573 : i32
    %eq3A_575 = arith.constant 8 : i32
    %eq3A_576 = arith.cmpi eq, %arg1, %eq3A_575 : i32
    %jit3A_577 = arith.constant 92 : i32
    %jit3A_578 = arith.constant 0 : i32
    %select_n3A_579 = arith.select %eq3A_576, %jit3A_577, %jit3A_578 : i32
    %add3A_580 = arith.addi %add3A_570, %select_n3A_579 : i32
    %jit3A_581 = arith.constant 1 : i32
    %jit3A_582 = arith.constant 0 : i32
    %select_n3A_583 = arith.select %eq3A_576, %jit3A_581, %jit3A_582 : i32
    %add3A_584 = arith.addi %add3A_574, %select_n3A_583 : i32
    %eq3A_585 = arith.constant 9 : i32
    %eq3A_586 = arith.cmpi eq, %arg1, %eq3A_585 : i32
    %jit3A_587 = arith.constant 97 : i32
    %jit3A_588 = arith.constant 0 : i32
    %select_n3A_589 = arith.select %eq3A_586, %jit3A_587, %jit3A_588 : i32
    %add3A_590 = arith.addi %add3A_580, %select_n3A_589 : i32
    %jit3A_591 = arith.constant 16 : i32
    %jit3A_592 = arith.constant 0 : i32
    %select_n3A_593 = arith.select %eq3A_586, %jit3A_591, %jit3A_592 : i32
    %add3A_594 = arith.addi %add3A_584, %select_n3A_593 : i32
    %eq3A_595 = arith.constant 10 : i32
    %eq3A_596 = arith.cmpi eq, %arg1, %eq3A_595 : i32
    %jit3A_597 = arith.constant 101 : i32
    %jit3A_598 = arith.constant 0 : i32
    %select_n3A_599 = arith.select %eq3A_596, %jit3A_597, %jit3A_598 : i32
    %add3A_600 = arith.addi %add3A_590, %select_n3A_599 : i32
    %jit3A_601 = arith.constant 16 : i32
    %jit3A_602 = arith.constant 0 : i32
    %select_n3A_603 = arith.select %eq3A_596, %jit3A_601, %jit3A_602 : i32
    %add3A_604 = arith.addi %add3A_594, %select_n3A_603 : i32
    %eq3A_605 = arith.constant 11 : i32
    %eq3A_606 = arith.cmpi eq, %arg1, %eq3A_605 : i32
    %jit3A_607 = arith.constant 105 : i32
    %jit3A_608 = arith.constant 0 : i32
    %select_n3A_609 = arith.select %eq3A_606, %jit3A_607, %jit3A_608 : i32
    %add3A_610 = arith.addi %add3A_600, %select_n3A_609 : i32
    %jit3A_611 = arith.constant 7 : i32
    %jit3A_612 = arith.constant 0 : i32
    %select_n3A_613 = arith.select %eq3A_606, %jit3A_611, %jit3A_612 : i32
    %add3A_614 = arith.addi %add3A_604, %select_n3A_613 : i32
    %eq3A_615 = arith.constant 12 : i32
    %eq3A_616 = arith.cmpi eq, %arg1, %eq3A_615 : i32
    %jit3A_617 = arith.constant 110 : i32
    %jit3A_618 = arith.constant 0 : i32
    %select_n3A_619 = arith.select %eq3A_616, %jit3A_617, %jit3A_618 : i32
    %add3A_620 = arith.addi %add3A_610, %select_n3A_619 : i32
    %jit3A_621 = arith.constant 16 : i32
    %jit3A_622 = arith.constant 0 : i32
    %select_n3A_623 = arith.select %eq3A_616, %jit3A_621, %jit3A_622 : i32
    %add3A_624 = arith.addi %add3A_614, %select_n3A_623 : i32
    %eq3A_625 = arith.constant 13 : i32
    %eq3A_626 = arith.cmpi eq, %arg1, %eq3A_625 : i32
    %jit3A_627 = arith.constant 115 : i32
    %jit3A_628 = arith.constant 0 : i32
    %select_n3A_629 = arith.select %eq3A_626, %jit3A_627, %jit3A_628 : i32
    %add3A_630 = arith.addi %add3A_620, %select_n3A_629 : i32
    %jit3A_631 = arith.constant 16 : i32
    %jit3A_632 = arith.constant 0 : i32
    %select_n3A_633 = arith.select %eq3A_626, %jit3A_631, %jit3A_632 : i32
    %add3A_634 = arith.addi %add3A_624, %select_n3A_633 : i32
    %eq3A_635 = arith.constant 14 : i32
    %eq3A_636 = arith.cmpi eq, %arg1, %eq3A_635 : i32
    %jit3A_637 = arith.constant 120 : i32
    %jit3A_638 = arith.constant 0 : i32
    %select_n3A_639 = arith.select %eq3A_636, %jit3A_637, %jit3A_638 : i32
    %add3A_640 = arith.addi %add3A_630, %select_n3A_639 : i32
    %jit3A_641 = arith.constant 16 : i32
    %jit3A_642 = arith.constant 0 : i32
    %select_n3A_643 = arith.select %eq3A_636, %jit3A_641, %jit3A_642 : i32
    %add3A_644 = arith.addi %add3A_634, %select_n3A_643 : i32
    %eq3A_645 = arith.constant 15 : i32
    %eq3A_646 = arith.cmpi eq, %arg1, %eq3A_645 : i32
    %jit3A_647 = arith.constant 125 : i32
    %jit3A_648 = arith.constant 0 : i32
    %select_n3A_649 = arith.select %eq3A_646, %jit3A_647, %jit3A_648 : i32
    %add3A_650 = arith.addi %add3A_640, %select_n3A_649 : i32
    %jit3A_651 = arith.constant 10 : i32
    %jit3A_652 = arith.constant 0 : i32
    %select_n3A_653 = arith.select %eq3A_646, %jit3A_651, %jit3A_652 : i32
    %add3A_654 = arith.addi %add3A_644, %select_n3A_653 : i32
    %sub3A_655 = arith.constant 136 : i32
    %sub3A_656 = arith.subi %sub3A_655, %add3A_650 : i32
    %lt3A_657 = vector.broadcast %add3A_654 : i32 to vector<16xi32>
    %lt3A_658 = arith.cmpi slt, %iota3A, %lt3A_657 : vector<16xi32>
    %eq3A_659 = arith.constant 0 : i32
    %eq3A_660 = arith.cmpi eq, %arg1, %eq3A_659 : i32
    %jit3A_661 = arith.constant 66 : i32
    %jit3A_662 = arith.constant 0 : i32
    %select_n3A_663 = arith.select %eq3A_660, %jit3A_661, %jit3A_662 : i32
    %add3A_664 = arith.constant 0 : i32
    %add3A_665 = arith.addi %add3A_664, %select_n3A_663 : i32
    %jit3A_666 = arith.constant 16 : i32
    %jit3A_667 = arith.constant 0 : i32
    %select_n3A_668 = arith.select %eq3A_660, %jit3A_666, %jit3A_667 : i32
    %add3A_669 = arith.constant 0 : i32
    %add3A_670 = arith.addi %add3A_669, %select_n3A_668 : i32
    %eq3A_671 = arith.constant 1 : i32
    %eq3A_672 = arith.cmpi eq, %arg1, %eq3A_671 : i32
    %jit3A_673 = arith.constant 69 : i32
    %jit3A_674 = arith.constant 0 : i32
    %select_n3A_675 = arith.select %eq3A_672, %jit3A_673, %jit3A_674 : i32
    %add3A_676 = arith.addi %add3A_665, %select_n3A_675 : i32
    %jit3A_677 = arith.constant 16 : i32
    %jit3A_678 = arith.constant 0 : i32
    %select_n3A_679 = arith.select %eq3A_672, %jit3A_677, %jit3A_678 : i32
    %add3A_680 = arith.addi %add3A_670, %select_n3A_679 : i32
    %eq3A_681 = arith.constant 2 : i32
    %eq3A_682 = arith.cmpi eq, %arg1, %eq3A_681 : i32
    %jit3A_683 = arith.constant 72 : i32
    %jit3A_684 = arith.constant 0 : i32
    %select_n3A_685 = arith.select %eq3A_682, %jit3A_683, %jit3A_684 : i32
    %add3A_686 = arith.addi %add3A_676, %select_n3A_685 : i32
    %jit3A_687 = arith.constant 16 : i32
    %jit3A_688 = arith.constant 0 : i32
    %select_n3A_689 = arith.select %eq3A_682, %jit3A_687, %jit3A_688 : i32
    %add3A_690 = arith.addi %add3A_680, %select_n3A_689 : i32
    %eq3A_691 = arith.constant 3 : i32
    %eq3A_692 = arith.cmpi eq, %arg1, %eq3A_691 : i32
    %jit3A_693 = arith.constant 75 : i32
    %jit3A_694 = arith.constant 0 : i32
    %select_n3A_695 = arith.select %eq3A_692, %jit3A_693, %jit3A_694 : i32
    %add3A_696 = arith.addi %add3A_686, %select_n3A_695 : i32
    %jit3A_697 = arith.constant 16 : i32
    %jit3A_698 = arith.constant 0 : i32
    %select_n3A_699 = arith.select %eq3A_692, %jit3A_697, %jit3A_698 : i32
    %add3A_700 = arith.addi %add3A_690, %select_n3A_699 : i32
    %eq3A_701 = arith.constant 4 : i32
    %eq3A_702 = arith.cmpi eq, %arg1, %eq3A_701 : i32
    %jit3A_703 = arith.constant 78 : i32
    %jit3A_704 = arith.constant 0 : i32
    %select_n3A_705 = arith.select %eq3A_702, %jit3A_703, %jit3A_704 : i32
    %add3A_706 = arith.addi %add3A_696, %select_n3A_705 : i32
    %jit3A_707 = arith.constant 9 : i32
    %jit3A_708 = arith.constant 0 : i32
    %select_n3A_709 = arith.select %eq3A_702, %jit3A_707, %jit3A_708 : i32
    %add3A_710 = arith.addi %add3A_700, %select_n3A_709 : i32
    %eq3A_711 = arith.constant 5 : i32
    %eq3A_712 = arith.cmpi eq, %arg1, %eq3A_711 : i32
    %jit3A_713 = arith.constant 82 : i32
    %jit3A_714 = arith.constant 0 : i32
    %select_n3A_715 = arith.select %eq3A_712, %jit3A_713, %jit3A_714 : i32
    %add3A_716 = arith.addi %add3A_706, %select_n3A_715 : i32
    %jit3A_717 = arith.constant 16 : i32
    %jit3A_718 = arith.constant 0 : i32
    %select_n3A_719 = arith.select %eq3A_712, %jit3A_717, %jit3A_718 : i32
    %add3A_720 = arith.addi %add3A_710, %select_n3A_719 : i32
    %eq3A_721 = arith.constant 6 : i32
    %eq3A_722 = arith.cmpi eq, %arg1, %eq3A_721 : i32
    %jit3A_723 = arith.constant 85 : i32
    %jit3A_724 = arith.constant 0 : i32
    %select_n3A_725 = arith.select %eq3A_722, %jit3A_723, %jit3A_724 : i32
    %add3A_726 = arith.addi %add3A_716, %select_n3A_725 : i32
    %jit3A_727 = arith.constant 7 : i32
    %jit3A_728 = arith.constant 0 : i32
    %select_n3A_729 = arith.select %eq3A_722, %jit3A_727, %jit3A_728 : i32
    %add3A_730 = arith.addi %add3A_720, %select_n3A_729 : i32
    %eq3A_731 = arith.constant 7 : i32
    %eq3A_732 = arith.cmpi eq, %arg1, %eq3A_731 : i32
    %jit3A_733 = arith.constant 89 : i32
    %jit3A_734 = arith.constant 0 : i32
    %select_n3A_735 = arith.select %eq3A_732, %jit3A_733, %jit3A_734 : i32
    %add3A_736 = arith.addi %add3A_726, %select_n3A_735 : i32
    %jit3A_737 = arith.constant 15 : i32
    %jit3A_738 = arith.constant 0 : i32
    %select_n3A_739 = arith.select %eq3A_732, %jit3A_737, %jit3A_738 : i32
    %add3A_740 = arith.addi %add3A_730, %select_n3A_739 : i32
    %eq3A_741 = arith.constant 8 : i32
    %eq3A_742 = arith.cmpi eq, %arg1, %eq3A_741 : i32
    %jit3A_743 = arith.constant 93 : i32
    %jit3A_744 = arith.constant 0 : i32
    %select_n3A_745 = arith.select %eq3A_742, %jit3A_743, %jit3A_744 : i32
    %add3A_746 = arith.addi %add3A_736, %select_n3A_745 : i32
    %jit3A_747 = arith.constant 16 : i32
    %jit3A_748 = arith.constant 0 : i32
    %select_n3A_749 = arith.select %eq3A_742, %jit3A_747, %jit3A_748 : i32
    %add3A_750 = arith.addi %add3A_740, %select_n3A_749 : i32
    %eq3A_751 = arith.constant 9 : i32
    %eq3A_752 = arith.cmpi eq, %arg1, %eq3A_751 : i32
    %jit3A_753 = arith.constant 97 : i32
    %jit3A_754 = arith.constant 0 : i32
    %select_n3A_755 = arith.select %eq3A_752, %jit3A_753, %jit3A_754 : i32
    %add3A_756 = arith.addi %add3A_746, %select_n3A_755 : i32
    %jit3A_757 = arith.constant 13 : i32
    %jit3A_758 = arith.constant 0 : i32
    %select_n3A_759 = arith.select %eq3A_752, %jit3A_757, %jit3A_758 : i32
    %add3A_760 = arith.addi %add3A_750, %select_n3A_759 : i32
    %eq3A_761 = arith.constant 10 : i32
    %eq3A_762 = arith.cmpi eq, %arg1, %eq3A_761 : i32
    %jit3A_763 = arith.constant 101 : i32
    %jit3A_764 = arith.constant 0 : i32
    %select_n3A_765 = arith.select %eq3A_762, %jit3A_763, %jit3A_764 : i32
    %add3A_766 = arith.addi %add3A_756, %select_n3A_765 : i32
    %jit3A_767 = arith.constant 5 : i32
    %jit3A_768 = arith.constant 0 : i32
    %select_n3A_769 = arith.select %eq3A_762, %jit3A_767, %jit3A_768 : i32
    %add3A_770 = arith.addi %add3A_760, %select_n3A_769 : i32
    %eq3A_771 = arith.constant 11 : i32
    %eq3A_772 = arith.cmpi eq, %arg1, %eq3A_771 : i32
    %jit3A_773 = arith.constant 106 : i32
    %jit3A_774 = arith.constant 0 : i32
    %select_n3A_775 = arith.select %eq3A_772, %jit3A_773, %jit3A_774 : i32
    %add3A_776 = arith.addi %add3A_766, %select_n3A_775 : i32
    %jit3A_777 = arith.constant 16 : i32
    %jit3A_778 = arith.constant 0 : i32
    %select_n3A_779 = arith.select %eq3A_772, %jit3A_777, %jit3A_778 : i32
    %add3A_780 = arith.addi %add3A_770, %select_n3A_779 : i32
    %eq3A_781 = arith.constant 12 : i32
    %eq3A_782 = arith.cmpi eq, %arg1, %eq3A_781 : i32
    %jit3A_783 = arith.constant 110 : i32
    %jit3A_784 = arith.constant 0 : i32
    %select_n3A_785 = arith.select %eq3A_782, %jit3A_783, %jit3A_784 : i32
    %add3A_786 = arith.addi %add3A_776, %select_n3A_785 : i32
    %jit3A_787 = arith.constant 1 : i32
    %jit3A_788 = arith.constant 0 : i32
    %select_n3A_789 = arith.select %eq3A_782, %jit3A_787, %jit3A_788 : i32
    %add3A_790 = arith.addi %add3A_780, %select_n3A_789 : i32
    %eq3A_791 = arith.constant 13 : i32
    %eq3A_792 = arith.cmpi eq, %arg1, %eq3A_791 : i32
    %jit3A_793 = arith.constant 115 : i32
    %jit3A_794 = arith.constant 0 : i32
    %select_n3A_795 = arith.select %eq3A_792, %jit3A_793, %jit3A_794 : i32
    %add3A_796 = arith.addi %add3A_786, %select_n3A_795 : i32
    %jit3A_797 = arith.constant 4 : i32
    %jit3A_798 = arith.constant 0 : i32
    %select_n3A_799 = arith.select %eq3A_792, %jit3A_797, %jit3A_798 : i32
    %add3A_800 = arith.addi %add3A_790, %select_n3A_799 : i32
    %eq3A_801 = arith.constant 14 : i32
    %eq3A_802 = arith.cmpi eq, %arg1, %eq3A_801 : i32
    %jit3A_803 = arith.constant 120 : i32
    %jit3A_804 = arith.constant 0 : i32
    %select_n3A_805 = arith.select %eq3A_802, %jit3A_803, %jit3A_804 : i32
    %add3A_806 = arith.addi %add3A_796, %select_n3A_805 : i32
    %jit3A_807 = arith.constant 2 : i32
    %jit3A_808 = arith.constant 0 : i32
    %select_n3A_809 = arith.select %eq3A_802, %jit3A_807, %jit3A_808 : i32
    %add3A_810 = arith.addi %add3A_800, %select_n3A_809 : i32
    %eq3A_811 = arith.constant 15 : i32
    %eq3A_812 = arith.cmpi eq, %arg1, %eq3A_811 : i32
    %jit3A_813 = arith.constant 126 : i32
    %jit3A_814 = arith.constant 0 : i32
    %select_n3A_815 = arith.select %eq3A_812, %jit3A_813, %jit3A_814 : i32
    %add3A_816 = arith.addi %add3A_806, %select_n3A_815 : i32
    %jit3A_817 = arith.constant 16 : i32
    %jit3A_818 = arith.constant 0 : i32
    %select_n3A_819 = arith.select %eq3A_812, %jit3A_817, %jit3A_818 : i32
    %add3A_820 = arith.addi %add3A_810, %select_n3A_819 : i32
    %sub3A_821 = arith.constant 136 : i32
    %sub3A_822 = arith.subi %sub3A_821, %add3A_816 : i32
    %lt3A_823 = vector.broadcast %add3A_820 : i32 to vector<16xi32>
    %lt3A_824 = arith.cmpi slt, %iota3A, %lt3A_823 : vector<16xi32>
    %eq3A_825 = arith.constant 0 : i32
    %eq3A_826 = arith.cmpi eq, %arg1, %eq3A_825 : i32
    %jit3A_827 = arith.constant 66 : i32
    %jit3A_828 = arith.constant 0 : i32
    %select_n3A_829 = arith.select %eq3A_826, %jit3A_827, %jit3A_828 : i32
    %add3A_830 = arith.constant 0 : i32
    %add3A_831 = arith.addi %add3A_830, %select_n3A_829 : i32
    %jit3A_832 = arith.constant 11 : i32
    %jit3A_833 = arith.constant 0 : i32
    %select_n3A_834 = arith.select %eq3A_826, %jit3A_832, %jit3A_833 : i32
    %add3A_835 = arith.constant 0 : i32
    %add3A_836 = arith.addi %add3A_835, %select_n3A_834 : i32
    %eq3A_837 = arith.constant 1 : i32
    %eq3A_838 = arith.cmpi eq, %arg1, %eq3A_837 : i32
    %jit3A_839 = arith.constant 69 : i32
    %jit3A_840 = arith.constant 0 : i32
    %select_n3A_841 = arith.select %eq3A_838, %jit3A_839, %jit3A_840 : i32
    %add3A_842 = arith.addi %add3A_831, %select_n3A_841 : i32
    %jit3A_843 = arith.constant 15 : i32
    %jit3A_844 = arith.constant 0 : i32
    %select_n3A_845 = arith.select %eq3A_838, %jit3A_843, %jit3A_844 : i32
    %add3A_846 = arith.addi %add3A_836, %select_n3A_845 : i32
    %eq3A_847 = arith.constant 2 : i32
    %eq3A_848 = arith.cmpi eq, %arg1, %eq3A_847 : i32
    %jit3A_849 = arith.constant 72 : i32
    %jit3A_850 = arith.constant 0 : i32
    %select_n3A_851 = arith.select %eq3A_848, %jit3A_849, %jit3A_850 : i32
    %add3A_852 = arith.addi %add3A_842, %select_n3A_851 : i32
    %jit3A_853 = arith.constant 13 : i32
    %jit3A_854 = arith.constant 0 : i32
    %select_n3A_855 = arith.select %eq3A_848, %jit3A_853, %jit3A_854 : i32
    %add3A_856 = arith.addi %add3A_846, %select_n3A_855 : i32
    %eq3A_857 = arith.constant 3 : i32
    %eq3A_858 = arith.cmpi eq, %arg1, %eq3A_857 : i32
    %jit3A_859 = arith.constant 75 : i32
    %jit3A_860 = arith.constant 0 : i32
    %select_n3A_861 = arith.select %eq3A_858, %jit3A_859, %jit3A_860 : i32
    %add3A_862 = arith.addi %add3A_852, %select_n3A_861 : i32
    %jit3A_863 = arith.constant 5 : i32
    %jit3A_864 = arith.constant 0 : i32
    %select_n3A_865 = arith.select %eq3A_858, %jit3A_863, %jit3A_864 : i32
    %add3A_866 = arith.addi %add3A_856, %select_n3A_865 : i32
    %eq3A_867 = arith.constant 4 : i32
    %eq3A_868 = arith.cmpi eq, %arg1, %eq3A_867 : i32
    %jit3A_869 = arith.constant 79 : i32
    %jit3A_870 = arith.constant 0 : i32
    %select_n3A_871 = arith.select %eq3A_868, %jit3A_869, %jit3A_870 : i32
    %add3A_872 = arith.addi %add3A_862, %select_n3A_871 : i32
    %jit3A_873 = arith.constant 16 : i32
    %jit3A_874 = arith.constant 0 : i32
    %select_n3A_875 = arith.select %eq3A_868, %jit3A_873, %jit3A_874 : i32
    %add3A_876 = arith.addi %add3A_866, %select_n3A_875 : i32
    %eq3A_877 = arith.constant 5 : i32
    %eq3A_878 = arith.cmpi eq, %arg1, %eq3A_877 : i32
    %jit3A_879 = arith.constant 82 : i32
    %jit3A_880 = arith.constant 0 : i32
    %select_n3A_881 = arith.select %eq3A_878, %jit3A_879, %jit3A_880 : i32
    %add3A_882 = arith.addi %add3A_872, %select_n3A_881 : i32
    %jit3A_883 = arith.constant 13 : i32
    %jit3A_884 = arith.constant 0 : i32
    %select_n3A_885 = arith.select %eq3A_878, %jit3A_883, %jit3A_884 : i32
    %add3A_886 = arith.addi %add3A_876, %select_n3A_885 : i32
    %eq3A_887 = arith.constant 6 : i32
    %eq3A_888 = arith.cmpi eq, %arg1, %eq3A_887 : i32
    %jit3A_889 = arith.constant 86 : i32
    %jit3A_890 = arith.constant 0 : i32
    %select_n3A_891 = arith.select %eq3A_888, %jit3A_889, %jit3A_890 : i32
    %add3A_892 = arith.addi %add3A_882, %select_n3A_891 : i32
    %jit3A_893 = arith.constant 16 : i32
    %jit3A_894 = arith.constant 0 : i32
    %select_n3A_895 = arith.select %eq3A_888, %jit3A_893, %jit3A_894 : i32
    %add3A_896 = arith.addi %add3A_886, %select_n3A_895 : i32
    %eq3A_897 = arith.constant 7 : i32
    %eq3A_898 = arith.cmpi eq, %arg1, %eq3A_897 : i32
    %jit3A_899 = arith.constant 90 : i32
    %jit3A_900 = arith.constant 0 : i32
    %select_n3A_901 = arith.select %eq3A_898, %jit3A_899, %jit3A_900 : i32
    %add3A_902 = arith.addi %add3A_892, %select_n3A_901 : i32
    %jit3A_903 = arith.constant 16 : i32
    %jit3A_904 = arith.constant 0 : i32
    %select_n3A_905 = arith.select %eq3A_898, %jit3A_903, %jit3A_904 : i32
    %add3A_906 = arith.addi %add3A_896, %select_n3A_905 : i32
    %eq3A_907 = arith.constant 8 : i32
    %eq3A_908 = arith.cmpi eq, %arg1, %eq3A_907 : i32
    %jit3A_909 = arith.constant 93 : i32
    %jit3A_910 = arith.constant 0 : i32
    %select_n3A_911 = arith.select %eq3A_908, %jit3A_909, %jit3A_910 : i32
    %add3A_912 = arith.addi %add3A_902, %select_n3A_911 : i32
    %jit3A_913 = arith.constant 1 : i32
    %jit3A_914 = arith.constant 0 : i32
    %select_n3A_915 = arith.select %eq3A_908, %jit3A_913, %jit3A_914 : i32
    %add3A_916 = arith.addi %add3A_906, %select_n3A_915 : i32
    %eq3A_917 = arith.constant 9 : i32
    %eq3A_918 = arith.cmpi eq, %arg1, %eq3A_917 : i32
    %jit3A_919 = arith.constant 98 : i32
    %jit3A_920 = arith.constant 0 : i32
    %select_n3A_921 = arith.select %eq3A_918, %jit3A_919, %jit3A_920 : i32
    %add3A_922 = arith.addi %add3A_912, %select_n3A_921 : i32
    %jit3A_923 = arith.constant 16 : i32
    %jit3A_924 = arith.constant 0 : i32
    %select_n3A_925 = arith.select %eq3A_918, %jit3A_923, %jit3A_924 : i32
    %add3A_926 = arith.addi %add3A_916, %select_n3A_925 : i32
    %eq3A_927 = arith.constant 10 : i32
    %eq3A_928 = arith.cmpi eq, %arg1, %eq3A_927 : i32
    %jit3A_929 = arith.constant 102 : i32
    %jit3A_930 = arith.constant 0 : i32
    %select_n3A_931 = arith.select %eq3A_928, %jit3A_929, %jit3A_930 : i32
    %add3A_932 = arith.addi %add3A_922, %select_n3A_931 : i32
    %jit3A_933 = arith.constant 16 : i32
    %jit3A_934 = arith.constant 0 : i32
    %select_n3A_935 = arith.select %eq3A_928, %jit3A_933, %jit3A_934 : i32
    %add3A_936 = arith.addi %add3A_926, %select_n3A_935 : i32
    %eq3A_937 = arith.constant 11 : i32
    %eq3A_938 = arith.cmpi eq, %arg1, %eq3A_937 : i32
    %jit3A_939 = arith.constant 106 : i32
    %jit3A_940 = arith.constant 0 : i32
    %select_n3A_941 = arith.select %eq3A_938, %jit3A_939, %jit3A_940 : i32
    %add3A_942 = arith.addi %add3A_932, %select_n3A_941 : i32
    %jit3A_943 = arith.constant 3 : i32
    %jit3A_944 = arith.constant 0 : i32
    %select_n3A_945 = arith.select %eq3A_938, %jit3A_943, %jit3A_944 : i32
    %add3A_946 = arith.addi %add3A_936, %select_n3A_945 : i32
    %eq3A_947 = arith.constant 12 : i32
    %eq3A_948 = arith.cmpi eq, %arg1, %eq3A_947 : i32
    %jit3A_949 = arith.constant 111 : i32
    %jit3A_950 = arith.constant 0 : i32
    %select_n3A_951 = arith.select %eq3A_948, %jit3A_949, %jit3A_950 : i32
    %add3A_952 = arith.addi %add3A_942, %select_n3A_951 : i32
    %jit3A_953 = arith.constant 11 : i32
    %jit3A_954 = arith.constant 0 : i32
    %select_n3A_955 = arith.select %eq3A_948, %jit3A_953, %jit3A_954 : i32
    %add3A_956 = arith.addi %add3A_946, %select_n3A_955 : i32
    %eq3A_957 = arith.constant 13 : i32
    %eq3A_958 = arith.cmpi eq, %arg1, %eq3A_957 : i32
    %jit3A_959 = arith.constant 116 : i32
    %jit3A_960 = arith.constant 0 : i32
    %select_n3A_961 = arith.select %eq3A_958, %jit3A_959, %jit3A_960 : i32
    %add3A_962 = arith.addi %add3A_952, %select_n3A_961 : i32
    %jit3A_963 = arith.constant 14 : i32
    %jit3A_964 = arith.constant 0 : i32
    %select_n3A_965 = arith.select %eq3A_958, %jit3A_963, %jit3A_964 : i32
    %add3A_966 = arith.addi %add3A_956, %select_n3A_965 : i32
    %eq3A_967 = arith.constant 14 : i32
    %eq3A_968 = arith.cmpi eq, %arg1, %eq3A_967 : i32
    %jit3A_969 = arith.constant 121 : i32
    %jit3A_970 = arith.constant 0 : i32
    %select_n3A_971 = arith.select %eq3A_968, %jit3A_969, %jit3A_970 : i32
    %add3A_972 = arith.addi %add3A_962, %select_n3A_971 : i32
    %jit3A_973 = arith.constant 10 : i32
    %jit3A_974 = arith.constant 0 : i32
    %select_n3A_975 = arith.select %eq3A_968, %jit3A_973, %jit3A_974 : i32
    %add3A_976 = arith.addi %add3A_966, %select_n3A_975 : i32
    %eq3A_977 = arith.constant 15 : i32
    %eq3A_978 = arith.cmpi eq, %arg1, %eq3A_977 : i32
    %jit3A_979 = arith.constant 126 : i32
    %jit3A_980 = arith.constant 0 : i32
    %select_n3A_981 = arith.select %eq3A_978, %jit3A_979, %jit3A_980 : i32
    %add3A_982 = arith.addi %add3A_972, %select_n3A_981 : i32
    %jit3A_983 = arith.constant 2 : i32
    %jit3A_984 = arith.constant 0 : i32
    %select_n3A_985 = arith.select %eq3A_978, %jit3A_983, %jit3A_984 : i32
    %add3A_986 = arith.addi %add3A_976, %select_n3A_985 : i32
    %sub3A_987 = arith.constant 136 : i32
    %sub3A_988 = arith.subi %sub3A_987, %add3A_982 : i32
    %lt3A_989 = vector.broadcast %add3A_986 : i32 to vector<16xi32>
    %lt3A_990 = arith.cmpi slt, %iota3A, %lt3A_989 : vector<16xi32>
    %eq3A_991 = arith.constant 0 : i32
    %eq3A_992 = arith.cmpi eq, %arg1, %eq3A_991 : i32
    %jit3A_993 = arith.constant 67 : i32
    %jit3A_994 = arith.constant 0 : i32
    %select_n3A_995 = arith.select %eq3A_992, %jit3A_993, %jit3A_994 : i32
    %add3A_996 = arith.constant 0 : i32
    %add3A_997 = arith.addi %add3A_996, %select_n3A_995 : i32
    %jit3A_998 = arith.constant 16 : i32
    %jit3A_999 = arith.constant 0 : i32
    %select_n3A_1000 = arith.select %eq3A_992, %jit3A_998, %jit3A_999 : i32
    %add3A_1001 = arith.constant 0 : i32
    %add3A_1002 = arith.addi %add3A_1001, %select_n3A_1000 : i32
    %eq3A_1003 = arith.constant 1 : i32
    %eq3A_1004 = arith.cmpi eq, %arg1, %eq3A_1003 : i32
    %jit3A_1005 = arith.constant 70 : i32
    %jit3A_1006 = arith.constant 0 : i32
    %select_n3A_1007 = arith.select %eq3A_1004, %jit3A_1005, %jit3A_1006 : i32
    %add3A_1008 = arith.addi %add3A_997, %select_n3A_1007 : i32
    %jit3A_1009 = arith.constant 16 : i32
    %jit3A_1010 = arith.constant 0 : i32
    %select_n3A_1011 = arith.select %eq3A_1004, %jit3A_1009, %jit3A_1010 : i32
    %add3A_1012 = arith.addi %add3A_1002, %select_n3A_1011 : i32
    %eq3A_1013 = arith.constant 2 : i32
    %eq3A_1014 = arith.cmpi eq, %arg1, %eq3A_1013 : i32
    %jit3A_1015 = arith.constant 73 : i32
    %jit3A_1016 = arith.constant 0 : i32
    %select_n3A_1017 = arith.select %eq3A_1014, %jit3A_1015, %jit3A_1016 : i32
    %add3A_1018 = arith.addi %add3A_1008, %select_n3A_1017 : i32
    %jit3A_1019 = arith.constant 16 : i32
    %jit3A_1020 = arith.constant 0 : i32
    %select_n3A_1021 = arith.select %eq3A_1014, %jit3A_1019, %jit3A_1020 : i32
    %add3A_1022 = arith.addi %add3A_1012, %select_n3A_1021 : i32
    %eq3A_1023 = arith.constant 3 : i32
    %eq3A_1024 = arith.cmpi eq, %arg1, %eq3A_1023 : i32
    %jit3A_1025 = arith.constant 76 : i32
    %jit3A_1026 = arith.constant 0 : i32
    %select_n3A_1027 = arith.select %eq3A_1024, %jit3A_1025, %jit3A_1026 : i32
    %add3A_1028 = arith.addi %add3A_1018, %select_n3A_1027 : i32
    %jit3A_1029 = arith.constant 16 : i32
    %jit3A_1030 = arith.constant 0 : i32
    %select_n3A_1031 = arith.select %eq3A_1024, %jit3A_1029, %jit3A_1030 : i32
    %add3A_1032 = arith.addi %add3A_1022, %select_n3A_1031 : i32
    %eq3A_1033 = arith.constant 4 : i32
    %eq3A_1034 = arith.cmpi eq, %arg1, %eq3A_1033 : i32
    %jit3A_1035 = arith.constant 79 : i32
    %jit3A_1036 = arith.constant 0 : i32
    %select_n3A_1037 = arith.select %eq3A_1034, %jit3A_1035, %jit3A_1036 : i32
    %add3A_1038 = arith.addi %add3A_1028, %select_n3A_1037 : i32
    %jit3A_1039 = arith.constant 15 : i32
    %jit3A_1040 = arith.constant 0 : i32
    %select_n3A_1041 = arith.select %eq3A_1034, %jit3A_1039, %jit3A_1040 : i32
    %add3A_1042 = arith.addi %add3A_1032, %select_n3A_1041 : i32
    %eq3A_1043 = arith.constant 5 : i32
    %eq3A_1044 = arith.cmpi eq, %arg1, %eq3A_1043 : i32
    %jit3A_1045 = arith.constant 83 : i32
    %jit3A_1046 = arith.constant 0 : i32
    %select_n3A_1047 = arith.select %eq3A_1044, %jit3A_1045, %jit3A_1046 : i32
    %add3A_1048 = arith.addi %add3A_1038, %select_n3A_1047 : i32
    %jit3A_1049 = arith.constant 16 : i32
    %jit3A_1050 = arith.constant 0 : i32
    %select_n3A_1051 = arith.select %eq3A_1044, %jit3A_1049, %jit3A_1050 : i32
    %add3A_1052 = arith.addi %add3A_1042, %select_n3A_1051 : i32
    %eq3A_1053 = arith.constant 6 : i32
    %eq3A_1054 = arith.cmpi eq, %arg1, %eq3A_1053 : i32
    %jit3A_1055 = arith.constant 86 : i32
    %jit3A_1056 = arith.constant 0 : i32
    %select_n3A_1057 = arith.select %eq3A_1054, %jit3A_1055, %jit3A_1056 : i32
    %add3A_1058 = arith.addi %add3A_1048, %select_n3A_1057 : i32
    %jit3A_1059 = arith.constant 9 : i32
    %jit3A_1060 = arith.constant 0 : i32
    %select_n3A_1061 = arith.select %eq3A_1054, %jit3A_1059, %jit3A_1060 : i32
    %add3A_1062 = arith.addi %add3A_1052, %select_n3A_1061 : i32
    %eq3A_1063 = arith.constant 7 : i32
    %eq3A_1064 = arith.cmpi eq, %arg1, %eq3A_1063 : i32
    %jit3A_1065 = arith.constant 90 : i32
    %jit3A_1066 = arith.constant 0 : i32
    %select_n3A_1067 = arith.select %eq3A_1064, %jit3A_1065, %jit3A_1066 : i32
    %add3A_1068 = arith.addi %add3A_1058, %select_n3A_1067 : i32
    %jit3A_1069 = arith.constant 16 : i32
    %jit3A_1070 = arith.constant 0 : i32
    %select_n3A_1071 = arith.select %eq3A_1064, %jit3A_1069, %jit3A_1070 : i32
    %add3A_1072 = arith.addi %add3A_1062, %select_n3A_1071 : i32
    %eq3A_1073 = arith.constant 8 : i32
    %eq3A_1074 = arith.cmpi eq, %arg1, %eq3A_1073 : i32
    %jit3A_1075 = arith.constant 94 : i32
    %jit3A_1076 = arith.constant 0 : i32
    %select_n3A_1077 = arith.select %eq3A_1074, %jit3A_1075, %jit3A_1076 : i32
    %add3A_1078 = arith.addi %add3A_1068, %select_n3A_1077 : i32
    %jit3A_1079 = arith.constant 16 : i32
    %jit3A_1080 = arith.constant 0 : i32
    %select_n3A_1081 = arith.select %eq3A_1074, %jit3A_1079, %jit3A_1080 : i32
    %add3A_1082 = arith.addi %add3A_1072, %select_n3A_1081 : i32
    %eq3A_1083 = arith.constant 9 : i32
    %eq3A_1084 = arith.cmpi eq, %arg1, %eq3A_1083 : i32
    %jit3A_1085 = arith.constant 98 : i32
    %jit3A_1086 = arith.constant 0 : i32
    %select_n3A_1087 = arith.select %eq3A_1084, %jit3A_1085, %jit3A_1086 : i32
    %add3A_1088 = arith.addi %add3A_1078, %select_n3A_1087 : i32
    %jit3A_1089 = arith.constant 11 : i32
    %jit3A_1090 = arith.constant 0 : i32
    %select_n3A_1091 = arith.select %eq3A_1084, %jit3A_1089, %jit3A_1090 : i32
    %add3A_1092 = arith.addi %add3A_1082, %select_n3A_1091 : i32
    %eq3A_1093 = arith.constant 10 : i32
    %eq3A_1094 = arith.cmpi eq, %arg1, %eq3A_1093 : i32
    %jit3A_1095 = arith.constant 102 : i32
    %jit3A_1096 = arith.constant 0 : i32
    %select_n3A_1097 = arith.select %eq3A_1094, %jit3A_1095, %jit3A_1096 : i32
    %add3A_1098 = arith.addi %add3A_1088, %select_n3A_1097 : i32
    %jit3A_1099 = arith.constant 2 : i32
    %jit3A_1100 = arith.constant 0 : i32
    %select_n3A_1101 = arith.select %eq3A_1094, %jit3A_1099, %jit3A_1100 : i32
    %add3A_1102 = arith.addi %add3A_1092, %select_n3A_1101 : i32
    %eq3A_1103 = arith.constant 11 : i32
    %eq3A_1104 = arith.cmpi eq, %arg1, %eq3A_1103 : i32
    %jit3A_1105 = arith.constant 107 : i32
    %jit3A_1106 = arith.constant 0 : i32
    %select_n3A_1107 = arith.select %eq3A_1104, %jit3A_1105, %jit3A_1106 : i32
    %add3A_1108 = arith.addi %add3A_1098, %select_n3A_1107 : i32
    %jit3A_1109 = arith.constant 15 : i32
    %jit3A_1110 = arith.constant 0 : i32
    %select_n3A_1111 = arith.select %eq3A_1104, %jit3A_1109, %jit3A_1110 : i32
    %add3A_1112 = arith.addi %add3A_1102, %select_n3A_1111 : i32
    %eq3A_1113 = arith.constant 12 : i32
    %eq3A_1114 = arith.cmpi eq, %arg1, %eq3A_1113 : i32
    %jit3A_1115 = arith.constant 112 : i32
    %jit3A_1116 = arith.constant 0 : i32
    %select_n3A_1117 = arith.select %eq3A_1114, %jit3A_1115, %jit3A_1116 : i32
    %add3A_1118 = arith.addi %add3A_1108, %select_n3A_1117 : i32
    %jit3A_1119 = arith.constant 16 : i32
    %jit3A_1120 = arith.constant 0 : i32
    %select_n3A_1121 = arith.select %eq3A_1114, %jit3A_1119, %jit3A_1120 : i32
    %add3A_1122 = arith.addi %add3A_1112, %select_n3A_1121 : i32
    %eq3A_1123 = arith.constant 13 : i32
    %eq3A_1124 = arith.cmpi eq, %arg1, %eq3A_1123 : i32
    %jit3A_1125 = arith.constant 117 : i32
    %jit3A_1126 = arith.constant 0 : i32
    %select_n3A_1127 = arith.select %eq3A_1124, %jit3A_1125, %jit3A_1126 : i32
    %add3A_1128 = arith.addi %add3A_1118, %select_n3A_1127 : i32
    %jit3A_1129 = arith.constant 16 : i32
    %jit3A_1130 = arith.constant 0 : i32
    %select_n3A_1131 = arith.select %eq3A_1124, %jit3A_1129, %jit3A_1130 : i32
    %add3A_1132 = arith.addi %add3A_1122, %select_n3A_1131 : i32
    %eq3A_1133 = arith.constant 14 : i32
    %eq3A_1134 = arith.cmpi eq, %arg1, %eq3A_1133 : i32
    %jit3A_1135 = arith.constant 122 : i32
    %jit3A_1136 = arith.constant 0 : i32
    %select_n3A_1137 = arith.select %eq3A_1134, %jit3A_1135, %jit3A_1136 : i32
    %add3A_1138 = arith.addi %add3A_1128, %select_n3A_1137 : i32
    %jit3A_1139 = arith.constant 16 : i32
    %jit3A_1140 = arith.constant 0 : i32
    %select_n3A_1141 = arith.select %eq3A_1134, %jit3A_1139, %jit3A_1140 : i32
    %add3A_1142 = arith.addi %add3A_1132, %select_n3A_1141 : i32
    %eq3A_1143 = arith.constant 15 : i32
    %eq3A_1144 = arith.cmpi eq, %arg1, %eq3A_1143 : i32
    %jit3A_1145 = arith.constant 127 : i32
    %jit3A_1146 = arith.constant 0 : i32
    %select_n3A_1147 = arith.select %eq3A_1144, %jit3A_1145, %jit3A_1146 : i32
    %add3A_1148 = arith.addi %add3A_1138, %select_n3A_1147 : i32
    %jit3A_1149 = arith.constant 9 : i32
    %jit3A_1150 = arith.constant 0 : i32
    %select_n3A_1151 = arith.select %eq3A_1144, %jit3A_1149, %jit3A_1150 : i32
    %add3A_1152 = arith.addi %add3A_1142, %select_n3A_1151 : i32
    %sub3A_1153 = arith.constant 136 : i32
    %sub3A_1154 = arith.subi %sub3A_1153, %add3A_1148 : i32
    %lt3A_1155 = vector.broadcast %add3A_1152 : i32 to vector<16xi32>
    %lt3A_1156 = arith.cmpi slt, %iota3A, %lt3A_1155 : vector<16xi32>
    %eq3A_1157 = arith.constant 0 : i32
    %eq3A_1158 = arith.cmpi eq, %arg1, %eq3A_1157 : i32
    %jit3A_1159 = arith.constant 67 : i32
    %jit3A_1160 = arith.constant 0 : i32
    %select_n3A_1161 = arith.select %eq3A_1158, %jit3A_1159, %jit3A_1160 : i32
    %add3A_1162 = arith.constant 0 : i32
    %add3A_1163 = arith.addi %add3A_1162, %select_n3A_1161 : i32
    %jit3A_1164 = arith.constant 16 : i32
    %jit3A_1165 = arith.constant 0 : i32
    %select_n3A_1166 = arith.select %eq3A_1158, %jit3A_1164, %jit3A_1165 : i32
    %add3A_1167 = arith.constant 0 : i32
    %add3A_1168 = arith.addi %add3A_1167, %select_n3A_1166 : i32
    %eq3A_1169 = arith.constant 1 : i32
    %eq3A_1170 = arith.cmpi eq, %arg1, %eq3A_1169 : i32
    %jit3A_1171 = arith.constant 70 : i32
    %jit3A_1172 = arith.constant 0 : i32
    %select_n3A_1173 = arith.select %eq3A_1170, %jit3A_1171, %jit3A_1172 : i32
    %add3A_1174 = arith.addi %add3A_1163, %select_n3A_1173 : i32
    %jit3A_1175 = arith.constant 16 : i32
    %jit3A_1176 = arith.constant 0 : i32
    %select_n3A_1177 = arith.select %eq3A_1170, %jit3A_1175, %jit3A_1176 : i32
    %add3A_1178 = arith.addi %add3A_1168, %select_n3A_1177 : i32
    %eq3A_1179 = arith.constant 2 : i32
    %eq3A_1180 = arith.cmpi eq, %arg1, %eq3A_1179 : i32
    %jit3A_1181 = arith.constant 73 : i32
    %jit3A_1182 = arith.constant 0 : i32
    %select_n3A_1183 = arith.select %eq3A_1180, %jit3A_1181, %jit3A_1182 : i32
    %add3A_1184 = arith.addi %add3A_1174, %select_n3A_1183 : i32
    %jit3A_1185 = arith.constant 16 : i32
    %jit3A_1186 = arith.constant 0 : i32
    %select_n3A_1187 = arith.select %eq3A_1180, %jit3A_1185, %jit3A_1186 : i32
    %add3A_1188 = arith.addi %add3A_1178, %select_n3A_1187 : i32
    %eq3A_1189 = arith.constant 3 : i32
    %eq3A_1190 = arith.cmpi eq, %arg1, %eq3A_1189 : i32
    %jit3A_1191 = arith.constant 76 : i32
    %jit3A_1192 = arith.constant 0 : i32
    %select_n3A_1193 = arith.select %eq3A_1190, %jit3A_1191, %jit3A_1192 : i32
    %add3A_1194 = arith.addi %add3A_1184, %select_n3A_1193 : i32
    %jit3A_1195 = arith.constant 12 : i32
    %jit3A_1196 = arith.constant 0 : i32
    %select_n3A_1197 = arith.select %eq3A_1190, %jit3A_1195, %jit3A_1196 : i32
    %add3A_1198 = arith.addi %add3A_1188, %select_n3A_1197 : i32
    %eq3A_1199 = arith.constant 4 : i32
    %eq3A_1200 = arith.cmpi eq, %arg1, %eq3A_1199 : i32
    %jit3A_1201 = arith.constant 80 : i32
    %jit3A_1202 = arith.constant 0 : i32
    %select_n3A_1203 = arith.select %eq3A_1200, %jit3A_1201, %jit3A_1202 : i32
    %add3A_1204 = arith.addi %add3A_1194, %select_n3A_1203 : i32
    %jit3A_1205 = arith.constant 16 : i32
    %jit3A_1206 = arith.constant 0 : i32
    %select_n3A_1207 = arith.select %eq3A_1200, %jit3A_1205, %jit3A_1206 : i32
    %add3A_1208 = arith.addi %add3A_1198, %select_n3A_1207 : i32
    %eq3A_1209 = arith.constant 5 : i32
    %eq3A_1210 = arith.cmpi eq, %arg1, %eq3A_1209 : i32
    %jit3A_1211 = arith.constant 83 : i32
    %jit3A_1212 = arith.constant 0 : i32
    %select_n3A_1213 = arith.select %eq3A_1210, %jit3A_1211, %jit3A_1212 : i32
    %add3A_1214 = arith.addi %add3A_1204, %select_n3A_1213 : i32
    %jit3A_1215 = arith.constant 16 : i32
    %jit3A_1216 = arith.constant 0 : i32
    %select_n3A_1217 = arith.select %eq3A_1210, %jit3A_1215, %jit3A_1216 : i32
    %add3A_1218 = arith.addi %add3A_1208, %select_n3A_1217 : i32
    %eq3A_1219 = arith.constant 6 : i32
    %eq3A_1220 = arith.cmpi eq, %arg1, %eq3A_1219 : i32
    %jit3A_1221 = arith.constant 87 : i32
    %jit3A_1222 = arith.constant 0 : i32
    %select_n3A_1223 = arith.select %eq3A_1220, %jit3A_1221, %jit3A_1222 : i32
    %add3A_1224 = arith.addi %add3A_1214, %select_n3A_1223 : i32
    %jit3A_1225 = arith.constant 16 : i32
    %jit3A_1226 = arith.constant 0 : i32
    %select_n3A_1227 = arith.select %eq3A_1220, %jit3A_1225, %jit3A_1226 : i32
    %add3A_1228 = arith.addi %add3A_1218, %select_n3A_1227 : i32
    %eq3A_1229 = arith.constant 7 : i32
    %eq3A_1230 = arith.cmpi eq, %arg1, %eq3A_1229 : i32
    %jit3A_1231 = arith.constant 91 : i32
    %jit3A_1232 = arith.constant 0 : i32
    %select_n3A_1233 = arith.select %eq3A_1230, %jit3A_1231, %jit3A_1232 : i32
    %add3A_1234 = arith.addi %add3A_1224, %select_n3A_1233 : i32
    %jit3A_1235 = arith.constant 16 : i32
    %jit3A_1236 = arith.constant 0 : i32
    %select_n3A_1237 = arith.select %eq3A_1230, %jit3A_1235, %jit3A_1236 : i32
    %add3A_1238 = arith.addi %add3A_1228, %select_n3A_1237 : i32
    %eq3A_1239 = arith.constant 8 : i32
    %eq3A_1240 = arith.cmpi eq, %arg1, %eq3A_1239 : i32
    %jit3A_1241 = arith.constant 95 : i32
    %jit3A_1242 = arith.constant 0 : i32
    %select_n3A_1243 = arith.select %eq3A_1240, %jit3A_1241, %jit3A_1242 : i32
    %add3A_1244 = arith.addi %add3A_1234, %select_n3A_1243 : i32
    %jit3A_1245 = arith.constant 16 : i32
    %jit3A_1246 = arith.constant 0 : i32
    %select_n3A_1247 = arith.select %eq3A_1240, %jit3A_1245, %jit3A_1246 : i32
    %add3A_1248 = arith.addi %add3A_1238, %select_n3A_1247 : i32
    %eq3A_1249 = arith.constant 9 : i32
    %eq3A_1250 = arith.cmpi eq, %arg1, %eq3A_1249 : i32
    %jit3A_1251 = arith.constant 99 : i32
    %jit3A_1252 = arith.constant 0 : i32
    %select_n3A_1253 = arith.select %eq3A_1250, %jit3A_1251, %jit3A_1252 : i32
    %add3A_1254 = arith.addi %add3A_1244, %select_n3A_1253 : i32
    %jit3A_1255 = arith.constant 16 : i32
    %jit3A_1256 = arith.constant 0 : i32
    %select_n3A_1257 = arith.select %eq3A_1250, %jit3A_1255, %jit3A_1256 : i32
    %add3A_1258 = arith.addi %add3A_1248, %select_n3A_1257 : i32
    %eq3A_1259 = arith.constant 10 : i32
    %eq3A_1260 = arith.cmpi eq, %arg1, %eq3A_1259 : i32
    %jit3A_1261 = arith.constant 103 : i32
    %jit3A_1262 = arith.constant 0 : i32
    %select_n3A_1263 = arith.select %eq3A_1260, %jit3A_1261, %jit3A_1262 : i32
    %add3A_1264 = arith.addi %add3A_1254, %select_n3A_1263 : i32
    %jit3A_1265 = arith.constant 14 : i32
    %jit3A_1266 = arith.constant 0 : i32
    %select_n3A_1267 = arith.select %eq3A_1260, %jit3A_1265, %jit3A_1266 : i32
    %add3A_1268 = arith.addi %add3A_1258, %select_n3A_1267 : i32
    %eq3A_1269 = arith.constant 11 : i32
    %eq3A_1270 = arith.cmpi eq, %arg1, %eq3A_1269 : i32
    %jit3A_1271 = arith.constant 108 : i32
    %jit3A_1272 = arith.constant 0 : i32
    %select_n3A_1273 = arith.select %eq3A_1270, %jit3A_1271, %jit3A_1272 : i32
    %add3A_1274 = arith.addi %add3A_1264, %select_n3A_1273 : i32
    %jit3A_1275 = arith.constant 16 : i32
    %jit3A_1276 = arith.constant 0 : i32
    %select_n3A_1277 = arith.select %eq3A_1270, %jit3A_1275, %jit3A_1276 : i32
    %add3A_1278 = arith.addi %add3A_1268, %select_n3A_1277 : i32
    %eq3A_1279 = arith.constant 12 : i32
    %eq3A_1280 = arith.cmpi eq, %arg1, %eq3A_1279 : i32
    %jit3A_1281 = arith.constant 112 : i32
    %jit3A_1282 = arith.constant 0 : i32
    %select_n3A_1283 = arith.select %eq3A_1280, %jit3A_1281, %jit3A_1282 : i32
    %add3A_1284 = arith.addi %add3A_1274, %select_n3A_1283 : i32
    %jit3A_1285 = arith.constant 6 : i32
    %jit3A_1286 = arith.constant 0 : i32
    %select_n3A_1287 = arith.select %eq3A_1280, %jit3A_1285, %jit3A_1286 : i32
    %add3A_1288 = arith.addi %add3A_1278, %select_n3A_1287 : i32
    %eq3A_1289 = arith.constant 13 : i32
    %eq3A_1290 = arith.cmpi eq, %arg1, %eq3A_1289 : i32
    %jit3A_1291 = arith.constant 117 : i32
    %jit3A_1292 = arith.constant 0 : i32
    %select_n3A_1293 = arith.select %eq3A_1290, %jit3A_1291, %jit3A_1292 : i32
    %add3A_1294 = arith.addi %add3A_1284, %select_n3A_1293 : i32
    %jit3A_1295 = arith.constant 7 : i32
    %jit3A_1296 = arith.constant 0 : i32
    %select_n3A_1297 = arith.select %eq3A_1290, %jit3A_1295, %jit3A_1296 : i32
    %add3A_1298 = arith.addi %add3A_1288, %select_n3A_1297 : i32
    %eq3A_1299 = arith.constant 14 : i32
    %eq3A_1300 = arith.cmpi eq, %arg1, %eq3A_1299 : i32
    %jit3A_1301 = arith.constant 122 : i32
    %jit3A_1302 = arith.constant 0 : i32
    %select_n3A_1303 = arith.select %eq3A_1300, %jit3A_1301, %jit3A_1302 : i32
    %add3A_1304 = arith.addi %add3A_1294, %select_n3A_1303 : i32
    %jit3A_1305 = arith.constant 3 : i32
    %jit3A_1306 = arith.constant 0 : i32
    %select_n3A_1307 = arith.select %eq3A_1300, %jit3A_1305, %jit3A_1306 : i32
    %add3A_1308 = arith.addi %add3A_1298, %select_n3A_1307 : i32
    %eq3A_1309 = arith.constant 15 : i32
    %eq3A_1310 = arith.cmpi eq, %arg1, %eq3A_1309 : i32
    %jit3A_1311 = arith.constant 128 : i32
    %jit3A_1312 = arith.constant 0 : i32
    %select_n3A_1313 = arith.select %eq3A_1310, %jit3A_1311, %jit3A_1312 : i32
    %add3A_1314 = arith.addi %add3A_1304, %select_n3A_1313 : i32
    %jit3A_1315 = arith.constant 16 : i32
    %jit3A_1316 = arith.constant 0 : i32
    %select_n3A_1317 = arith.select %eq3A_1310, %jit3A_1315, %jit3A_1316 : i32
    %add3A_1318 = arith.addi %add3A_1308, %select_n3A_1317 : i32
    %sub3A_1319 = arith.constant 136 : i32
    %sub3A_1320 = arith.subi %sub3A_1319, %add3A_1314 : i32
    %lt3A_1321 = vector.broadcast %add3A_1318 : i32 to vector<16xi32>
    %lt3A_1322 = arith.cmpi slt, %iota3A, %lt3A_1321 : vector<16xi32>
    %shift_right_logical3A = arith.constant 0 : i32
    %shift_right_logical3A_1323 = arith.constant 3 : i32
    %shift_right_logical3A_1324 = arith.shrui %shift_right_logical3A, %shift_right_logical3A_1323 : i32
    %and3A = arith.constant 0 : i32
    %and3A_1325 = arith.constant 7 : i32
    %and3A_1326 = arith.andi %and3A, %and3A_1325 : i32
    %and3A_1327 = arith.constant 0 : i32
    %and3A_1328 = arith.constant 7 : i32
    %and3A_1329 = arith.andi %and3A_1327, %and3A_1328 : i32
    %mul3A_1330 = arith.constant 2048 : i32
    %mul3A_1331 = arith.muli %arg0, %mul3A_1330 : i32
    %mul3A_1332 = arith.constant 256 : i32
    %mul3A_1333 = arith.muli %and3A_1329, %mul3A_1332 : i32
    %add3A_1334 = arith.addi %mul3A_1331, %mul3A_1333 : i32
    %ne3A = arith.constant 0 : i32
    %ne3A_1335 = arith.cmpi ne, %and3A_1326, %ne3A : i32
    %convert_element_type3A = arith.extui %ne3A_1335 : i1 to i32
    %cond3A = arith.constant 0 : i32
    %cond3A_1336 = arith.cmpi ne, %convert_element_type3A, %cond3A : i32
    scf.if %cond3A_1336 {
      %sub3A_1387 = arith.constant 64 : i32
      %sub3A_1388 = arith.subi %add3A_1334, %sub3A_1387 : i32
      %dma_start3A = arith.constant 72 : i32
      %dma_start3A_1389 = arith.constant 0 : i32
      %dma_start3A_1390 = tpu.memref_slice %arg4[%dma_start3A, %dma_start3A_1389] : memref<328x128xf32, #tpu.memory_space<vmem>> -> memref<256x128xf32, #tpu.memory_space<vmem>>
      %dma_start3A_1391 = tpu.memref_slice %arg2[%shift_right_logical3A_1324, %sub3A_1388, %mul3A_0] : memref<4x4096x2048xf32, #tpu.memory_space<hbm>> -> memref<1x256x128xf32, #tpu.memory_space<hbm>>
      %dma_start3A_1392 = tpu.memref_squeeze %dma_start3A_1391 : memref<1x256x128xf32, #tpu.memory_space<hbm>> -> memref<256x128xf32, #tpu.memory_space<hbm>>
      %dma_start3A_1393 = arith.constant 72 : i32
      %dma_start3A_1394 = arith.constant 0 : i32
      %dma_start3A_1395 = tpu.memref_slice %arg4[%dma_start3A_1393, %dma_start3A_1394] : memref<328x128xf32, #tpu.memory_space<vmem>> -> memref<256x128xf32, #tpu.memory_space<vmem>>
      %dma_start3A_1396 = tpu.memref_slice %arg2[%shift_right_logical3A_1324, %sub3A_1388, %mul3A_0] : memref<4x4096x2048xf32, #tpu.memory_space<hbm>> -> memref<1x256x128xf32, #tpu.memory_space<hbm>>
      %dma_start3A_1397 = tpu.memref_squeeze %dma_start3A_1396 : memref<1x256x128xf32, #tpu.memory_space<hbm>> -> memref<256x128xf32, #tpu.memory_space<hbm>>
      tpu.enqueue_dma source(%dma_start3A_1397 : memref<256x128xf32, #tpu.memory_space<hbm>>) target(%dma_start3A_1395 : memref<256x128xf32, #tpu.memory_space<vmem>>) target_semaphore(%arg7 : memref<!tpu.dma_semaphore, #tpu.memory_space<semaphore_mem>>)
    } else {
    }
    %eq3A_1337 = arith.constant 0 : i32
    %eq3A_1338 = arith.cmpi eq, %and3A_1326, %eq3A_1337 : i32
    %eq3A_1339 = arith.constant 0 : i32
    %eq3A_1340 = arith.cmpi eq, %add3A_1334, %eq3A_1339 : i32
    %and3A_1341 = arith.andi %eq3A_1338, %eq3A_1340 : i1
    %convert_element_type3A_1342 = arith.extui %and3A_1341 : i1 to i32
    %cond3A_1343 = arith.constant 0 : i32
    %cond3A_1344 = arith.cmpi ne, %convert_element_type3A_1342, %cond3A_1343 : i32
    scf.if %cond3A_1344 {
      %dma_start3A = arith.constant 0 : i32
      %dma_start3A_1387 = arith.constant 0 : i32
      %dma_start3A_1388 = tpu.memref_slice %arg4[%dma_start3A, %dma_start3A_1387] : memref<328x128xf32, #tpu.memory_space<vmem>> -> memref<136x128xf32, #tpu.memory_space<vmem>>
      %dma_start3A_1389 = arith.constant 3960 : i32
      %dma_start3A_1390 = tpu.memref_slice %arg2[%shift_right_logical3A_1324, %dma_start3A_1389, %mul3A_0] : memref<4x4096x2048xf32, #tpu.memory_space<hbm>> -> memref<1x136x128xf32, #tpu.memory_space<hbm>>
      %dma_start3A_1391 = tpu.memref_squeeze %dma_start3A_1390 : memref<1x136x128xf32, #tpu.memory_space<hbm>> -> memref<136x128xf32, #tpu.memory_space<hbm>>
      %dma_start3A_1392 = arith.constant 0 : i32
      %dma_start3A_1393 = arith.constant 0 : i32
      %dma_start3A_1394 = tpu.memref_slice %arg4[%dma_start3A_1392, %dma_start3A_1393] : memref<328x128xf32, #tpu.memory_space<vmem>> -> memref<136x128xf32, #tpu.memory_space<vmem>>
      %dma_start3A_1395 = arith.constant 3960 : i32
      %dma_start3A_1396 = tpu.memref_slice %arg2[%shift_right_logical3A_1324, %dma_start3A_1395, %mul3A_0] : memref<4x4096x2048xf32, #tpu.memory_space<hbm>> -> memref<1x136x128xf32, #tpu.memory_space<hbm>>
      %dma_start3A_1397 = tpu.memref_squeeze %dma_start3A_1396 : memref<1x136x128xf32, #tpu.memory_space<hbm>> -> memref<136x128xf32, #tpu.memory_space<hbm>>
      tpu.enqueue_dma source(%dma_start3A_1397 : memref<136x128xf32, #tpu.memory_space<hbm>>) target(%dma_start3A_1394 : memref<136x128xf32, #tpu.memory_space<vmem>>) target_semaphore(%arg7 : memref<!tpu.dma_semaphore, #tpu.memory_space<semaphore_mem>>)
      %dma_start3A_1398 = arith.constant 136 : i32
      %dma_start3A_1399 = arith.constant 0 : i32
      %dma_start3A_1400 = tpu.memref_slice %arg4[%dma_start3A_1398, %dma_start3A_1399] : memref<328x128xf32, #tpu.memory_space<vmem>> -> memref<192x128xf32, #tpu.memory_space<vmem>>
      %dma_start3A_1401 = arith.constant 0 : i32
      %dma_start3A_1402 = tpu.memref_slice %arg2[%shift_right_logical3A_1324, %dma_start3A_1401, %mul3A_0] : memref<4x4096x2048xf32, #tpu.memory_space<hbm>> -> memref<1x192x128xf32, #tpu.memory_space<hbm>>
      %dma_start3A_1403 = tpu.memref_squeeze %dma_start3A_1402 : memref<1x192x128xf32, #tpu.memory_space<hbm>> -> memref<192x128xf32, #tpu.memory_space<hbm>>
      %dma_start3A_1404 = arith.constant 136 : i32
      %dma_start3A_1405 = arith.constant 0 : i32
      %dma_start3A_1406 = tpu.memref_slice %arg4[%dma_start3A_1404, %dma_start3A_1405] : memref<328x128xf32, #tpu.memory_space<vmem>> -> memref<192x128xf32, #tpu.memory_space<vmem>>
      %dma_start3A_1407 = arith.constant 0 : i32
      %dma_start3A_1408 = tpu.memref_slice %arg2[%shift_right_logical3A_1324, %dma_start3A_1407, %mul3A_0] : memref<4x4096x2048xf32, #tpu.memory_space<hbm>> -> memref<1x192x128xf32, #tpu.memory_space<hbm>>
      %dma_start3A_1409 = tpu.memref_squeeze %dma_start3A_1408 : memref<1x192x128xf32, #tpu.memory_space<hbm>> -> memref<192x128xf32, #tpu.memory_space<hbm>>
      tpu.enqueue_dma source(%dma_start3A_1409 : memref<192x128xf32, #tpu.memory_space<hbm>>) target(%dma_start3A_1406 : memref<192x128xf32, #tpu.memory_space<vmem>>) target_semaphore(%arg7 : memref<!tpu.dma_semaphore, #tpu.memory_space<semaphore_mem>>)
    } else {
    }
    %eq3A_1345 = arith.constant 0 : i32
    %eq3A_1346 = arith.cmpi eq, %and3A_1326, %eq3A_1345 : i32
    %ne3A_1347 = arith.constant 0 : i32
    %ne3A_1348 = arith.cmpi ne, %add3A_1334, %ne3A_1347 : i32
    %and3A_1349 = arith.andi %eq3A_1346, %ne3A_1348 : i1
    %convert_element_type3A_1350 = arith.extui %and3A_1349 : i1 to i32
    %cond3A_1351 = arith.constant 0 : i32
    %cond3A_1352 = arith.cmpi ne, %convert_element_type3A_1350, %cond3A_1351 : i32
    scf.if %cond3A_1352 {
      %sub3A_1387 = arith.constant 136 : i32
      %sub3A_1388 = arith.subi %add3A_1334, %sub3A_1387 : i32
      %dma_start3A = tpu.memref_slice %arg2[%shift_right_logical3A_1324, %sub3A_1388, %mul3A_0] : memref<4x4096x2048xf32, #tpu.memory_space<hbm>> -> memref<1x328x128xf32, #tpu.memory_space<hbm>>
      %dma_start3A_1389 = tpu.memref_squeeze %dma_start3A : memref<1x328x128xf32, #tpu.memory_space<hbm>> -> memref<328x128xf32, #tpu.memory_space<hbm>>
      %dma_start3A_1390 = tpu.memref_slice %arg2[%shift_right_logical3A_1324, %sub3A_1388, %mul3A_0] : memref<4x4096x2048xf32, #tpu.memory_space<hbm>> -> memref<1x328x128xf32, #tpu.memory_space<hbm>>
      %dma_start3A_1391 = tpu.memref_squeeze %dma_start3A_1390 : memref<1x328x128xf32, #tpu.memory_space<hbm>> -> memref<328x128xf32, #tpu.memory_space<hbm>>
      tpu.enqueue_dma source(%dma_start3A_1391 : memref<328x128xf32, #tpu.memory_space<hbm>>) target(%arg4 : memref<328x128xf32, #tpu.memory_space<vmem>>) target_semaphore(%arg7 : memref<!tpu.dma_semaphore, #tpu.memory_space<semaphore_mem>>)
    } else {
    }
    %scan3A = arith.constant 0 : i32
    %scan3A_1353 = arith.constant 0 : i32
    %scan3A_1354 = arith.constant 16 : i32
    %scan3A_1355 = arith.addi %scan3A_1353, %scan3A_1354 : i32
    %scan3A_1356 = arith.constant 1 : i32
    scf.for %scan3A_1387 = %scan3A_1353 to %scan3A_1355 step %scan3A_1356  : i32 {
      %mul3A_1388 = arith.constant 2 : i32
      %mul3A_1389 = arith.muli %scan3A_1387, %mul3A_1388 : i32
      %and3A_1390 = arith.constant 7 : i32
      %and3A_1391 = arith.andi %mul3A_1389, %and3A_1390 : i32
      %ne3A_1392 = arith.constant 0 : i32
      %ne3A_1393 = arith.cmpi ne, %and3A_1391, %ne3A_1392 : i32
      %convert_element_type3A_1394 = arith.extui %ne3A_1393 : i1 to i32
      %cond3A_1395 = arith.constant 0 : i32
      %cond3A_1396 = arith.cmpi ne, %convert_element_type3A_1394, %cond3A_1395 : i32
      scf.if %cond3A_1396 {
        %dma_wait3A_1559 = arith.constant 0 : i32
        %dma_wait3A_1560 = arith.constant 72 : i32
        %dma_wait3A_1561 = arith.constant 0 : i32
        %dma_wait3A_1562 = tpu.memref_slice %arg4[%dma_wait3A_1560, %dma_wait3A_1561] : memref<328x128xf32, #tpu.memory_space<vmem>> -> memref<256x128xf32, #tpu.memory_space<vmem>>
        %dma_wait3A_1563 = arith.constant 0 : i32
        %dma_wait3A_1564 = arith.constant 0 : i32
        %dma_wait3A_1565 = tpu.memref_slice %arg2[%dma_wait3A_1559, %dma_wait3A_1563, %dma_wait3A_1564] : memref<4x4096x2048xf32, #tpu.memory_space<hbm>> -> memref<1x256x128xf32, #tpu.memory_space<hbm>>
        %dma_wait3A_1566 = tpu.memref_squeeze %dma_wait3A_1565 : memref<1x256x128xf32, #tpu.memory_space<hbm>> -> memref<256x128xf32, #tpu.memory_space<hbm>>
        %dma_wait3A_1567 = arith.constant 72 : i32
        %dma_wait3A_1568 = arith.constant 0 : i32
        %dma_wait3A_1569 = tpu.memref_slice %arg4[%dma_wait3A_1567, %dma_wait3A_1568] : memref<328x128xf32, #tpu.memory_space<vmem>> -> memref<256x128xf32, #tpu.memory_space<vmem>>
        %dma_wait3A_1570 = arith.constant 0 : i32
        %dma_wait3A_1571 = arith.constant 0 : i32
        %dma_wait3A_1572 = tpu.memref_slice %arg2[%dma_wait3A_1559, %dma_wait3A_1570, %dma_wait3A_1571] : memref<4x4096x2048xf32, #tpu.memory_space<hbm>> -> memref<1x256x128xf32, #tpu.memory_space<hbm>>
        %dma_wait3A_1573 = tpu.memref_squeeze %dma_wait3A_1572 : memref<1x256x128xf32, #tpu.memory_space<hbm>> -> memref<256x128xf32, #tpu.memory_space<hbm>>
        tpu.wait_dma2 semaphore(%arg7 : memref<!tpu.dma_semaphore, #tpu.memory_space<semaphore_mem>>) src(%dma_wait3A_1573 : memref<256x128xf32, #tpu.memory_space<hbm>>) dst(%dma_wait3A_1569 : memref<256x128xf32, #tpu.memory_space<vmem>>)
      } else {
      }
      %eq3A_1397 = arith.constant 0 : i32
      %eq3A_1398 = arith.cmpi eq, %and3A_1391, %eq3A_1397 : i32
      %convert_element_type3A_1399 = arith.extui %eq3A_1398 : i1 to i32
      %cond3A_1400 = arith.constant 0 : i32
      %cond3A_1401 = arith.cmpi ne, %convert_element_type3A_1399, %cond3A_1400 : i32
      scf.if %cond3A_1401 {
        %dma_wait3A_1559 = arith.constant 0 : i32
        %dma_wait3A_1560 = arith.constant 0 : i32
        %dma_wait3A_1561 = arith.constant 0 : i32
        %dma_wait3A_1562 = tpu.memref_slice %arg2[%dma_wait3A_1559, %dma_wait3A_1560, %dma_wait3A_1561] : memref<4x4096x2048xf32, #tpu.memory_space<hbm>> -> memref<1x328x128xf32, #tpu.memory_space<hbm>>
        %dma_wait3A_1563 = tpu.memref_squeeze %dma_wait3A_1562 : memref<1x328x128xf32, #tpu.memory_space<hbm>> -> memref<328x128xf32, #tpu.memory_space<hbm>>
        %dma_wait3A_1564 = arith.constant 0 : i32
        %dma_wait3A_1565 = arith.constant 0 : i32
        %dma_wait3A_1566 = tpu.memref_slice %arg2[%dma_wait3A_1559, %dma_wait3A_1564, %dma_wait3A_1565] : memref<4x4096x2048xf32, #tpu.memory_space<hbm>> -> memref<1x328x128xf32, #tpu.memory_space<hbm>>
        %dma_wait3A_1567 = tpu.memref_squeeze %dma_wait3A_1566 : memref<1x328x128xf32, #tpu.memory_space<hbm>> -> memref<328x128xf32, #tpu.memory_space<hbm>>
        tpu.wait_dma2 semaphore(%arg7 : memref<!tpu.dma_semaphore, #tpu.memory_space<semaphore_mem>>) src(%dma_wait3A_1567 : memref<328x128xf32, #tpu.memory_space<hbm>>) dst(%arg4 : memref<328x128xf32, #tpu.memory_space<vmem>>)
      } else {
      }
      %add3A_1402 = arith.constant 1 : i32
      %add3A_1403 = arith.addi %mul3A_1389, %add3A_1402 : i32
      %shift_right_logical3A_1404 = arith.constant 3 : i32
      %shift_right_logical3A_1405 = arith.shrui %add3A_1403, %shift_right_logical3A_1404 : i32
      %and3A_1406 = arith.constant 7 : i32
      %and3A_1407 = arith.andi %add3A_1403, %and3A_1406 : i32
      %and3A_1408 = arith.constant 7 : i32
      %and3A_1409 = arith.andi %add3A_1403, %and3A_1408 : i32
      %mul3A_1410 = arith.constant 2048 : i32
      %mul3A_1411 = arith.muli %arg0, %mul3A_1410 : i32
      %mul3A_1412 = arith.constant 256 : i32
      %mul3A_1413 = arith.muli %and3A_1409, %mul3A_1412 : i32
      %add3A_1414 = arith.addi %mul3A_1411, %mul3A_1413 : i32
      %ne3A_1415 = arith.constant 0 : i32
      %ne3A_1416 = arith.cmpi ne, %and3A_1407, %ne3A_1415 : i32
      %convert_element_type3A_1417 = arith.extui %ne3A_1416 : i1 to i32
      %cond3A_1418 = arith.constant 0 : i32
      %cond3A_1419 = arith.cmpi ne, %convert_element_type3A_1417, %cond3A_1418 : i32
      scf.if %cond3A_1419 {
        %sub3A_1559 = arith.constant 64 : i32
        %sub3A_1560 = arith.subi %add3A_1414, %sub3A_1559 : i32
        %dma_start3A_1561 = arith.constant 72 : i32
        %dma_start3A_1562 = arith.constant 0 : i32
        %dma_start3A_1563 = tpu.memref_slice %arg5[%dma_start3A_1561, %dma_start3A_1562] : memref<328x128xf32, #tpu.memory_space<vmem>> -> memref<256x128xf32, #tpu.memory_space<vmem>>
        %dma_start3A_1564 = tpu.memref_slice %arg2[%shift_right_logical3A_1405, %sub3A_1560, %mul3A_0] : memref<4x4096x2048xf32, #tpu.memory_space<hbm>> -> memref<1x256x128xf32, #tpu.memory_space<hbm>>
        %dma_start3A_1565 = tpu.memref_squeeze %dma_start3A_1564 : memref<1x256x128xf32, #tpu.memory_space<hbm>> -> memref<256x128xf32, #tpu.memory_space<hbm>>
        %dma_start3A_1566 = arith.constant 72 : i32
        %dma_start3A_1567 = arith.constant 0 : i32
        %dma_start3A_1568 = tpu.memref_slice %arg5[%dma_start3A_1566, %dma_start3A_1567] : memref<328x128xf32, #tpu.memory_space<vmem>> -> memref<256x128xf32, #tpu.memory_space<vmem>>
        %dma_start3A_1569 = tpu.memref_slice %arg2[%shift_right_logical3A_1405, %sub3A_1560, %mul3A_0] : memref<4x4096x2048xf32, #tpu.memory_space<hbm>> -> memref<1x256x128xf32, #tpu.memory_space<hbm>>
        %dma_start3A_1570 = tpu.memref_squeeze %dma_start3A_1569 : memref<1x256x128xf32, #tpu.memory_space<hbm>> -> memref<256x128xf32, #tpu.memory_space<hbm>>
        tpu.enqueue_dma source(%dma_start3A_1570 : memref<256x128xf32, #tpu.memory_space<hbm>>) target(%dma_start3A_1568 : memref<256x128xf32, #tpu.memory_space<vmem>>) target_semaphore(%arg8 : memref<!tpu.dma_semaphore, #tpu.memory_space<semaphore_mem>>)
      } else {
      }
      %eq3A_1420 = arith.constant 0 : i32
      %eq3A_1421 = arith.cmpi eq, %and3A_1407, %eq3A_1420 : i32
      %eq3A_1422 = arith.constant 0 : i32
      %eq3A_1423 = arith.cmpi eq, %add3A_1414, %eq3A_1422 : i32
      %and3A_1424 = arith.andi %eq3A_1421, %eq3A_1423 : i1
      %convert_element_type3A_1425 = arith.extui %and3A_1424 : i1 to i32
      %cond3A_1426 = arith.constant 0 : i32
      %cond3A_1427 = arith.cmpi ne, %convert_element_type3A_1425, %cond3A_1426 : i32
      scf.if %cond3A_1427 {
        %dma_start3A_1559 = arith.constant 0 : i32
        %dma_start3A_1560 = arith.constant 0 : i32
        %dma_start3A_1561 = tpu.memref_slice %arg5[%dma_start3A_1559, %dma_start3A_1560] : memref<328x128xf32, #tpu.memory_space<vmem>> -> memref<136x128xf32, #tpu.memory_space<vmem>>
        %dma_start3A_1562 = arith.constant 3960 : i32
        %dma_start3A_1563 = tpu.memref_slice %arg2[%shift_right_logical3A_1405, %dma_start3A_1562, %mul3A_0] : memref<4x4096x2048xf32, #tpu.memory_space<hbm>> -> memref<1x136x128xf32, #tpu.memory_space<hbm>>
        %dma_start3A_1564 = tpu.memref_squeeze %dma_start3A_1563 : memref<1x136x128xf32, #tpu.memory_space<hbm>> -> memref<136x128xf32, #tpu.memory_space<hbm>>
        %dma_start3A_1565 = arith.constant 0 : i32
        %dma_start3A_1566 = arith.constant 0 : i32
        %dma_start3A_1567 = tpu.memref_slice %arg5[%dma_start3A_1565, %dma_start3A_1566] : memref<328x128xf32, #tpu.memory_space<vmem>> -> memref<136x128xf32, #tpu.memory_space<vmem>>
        %dma_start3A_1568 = arith.constant 3960 : i32
        %dma_start3A_1569 = tpu.memref_slice %arg2[%shift_right_logical3A_1405, %dma_start3A_1568, %mul3A_0] : memref<4x4096x2048xf32, #tpu.memory_space<hbm>> -> memref<1x136x128xf32, #tpu.memory_space<hbm>>
        %dma_start3A_1570 = tpu.memref_squeeze %dma_start3A_1569 : memref<1x136x128xf32, #tpu.memory_space<hbm>> -> memref<136x128xf32, #tpu.memory_space<hbm>>
        tpu.enqueue_dma source(%dma_start3A_1570 : memref<136x128xf32, #tpu.memory_space<hbm>>) target(%dma_start3A_1567 : memref<136x128xf32, #tpu.memory_space<vmem>>) target_semaphore(%arg8 : memref<!tpu.dma_semaphore, #tpu.memory_space<semaphore_mem>>)
        %dma_start3A_1571 = arith.constant 136 : i32
        %dma_start3A_1572 = arith.constant 0 : i32
        %dma_start3A_1573 = tpu.memref_slice %arg5[%dma_start3A_1571, %dma_start3A_1572] : memref<328x128xf32, #tpu.memory_space<vmem>> -> memref<192x128xf32, #tpu.memory_space<vmem>>
        %dma_start3A_1574 = arith.constant 0 : i32
        %dma_start3A_1575 = tpu.memref_slice %arg2[%shift_right_logical3A_1405, %dma_start3A_1574, %mul3A_0] : memref<4x4096x2048xf32, #tpu.memory_space<hbm>> -> memref<1x192x128xf32, #tpu.memory_space<hbm>>
        %dma_start3A_1576 = tpu.memref_squeeze %dma_start3A_1575 : memref<1x192x128xf32, #tpu.memory_space<hbm>> -> memref<192x128xf32, #tpu.memory_space<hbm>>
        %dma_start3A_1577 = arith.constant 136 : i32
        %dma_start3A_1578 = arith.constant 0 : i32
        %dma_start3A_1579 = tpu.memref_slice %arg5[%dma_start3A_1577, %dma_start3A_1578] : memref<328x128xf32, #tpu.memory_space<vmem>> -> memref<192x128xf32, #tpu.memory_space<vmem>>
        %dma_start3A_1580 = arith.constant 0 : i32
        %dma_start3A_1581 = tpu.memref_slice %arg2[%shift_right_logical3A_1405, %dma_start3A_1580, %mul3A_0] : memref<4x4096x2048xf32, #tpu.memory_space<hbm>> -> memref<1x192x128xf32, #tpu.memory_space<hbm>>
        %dma_start3A_1582 = tpu.memref_squeeze %dma_start3A_1581 : memref<1x192x128xf32, #tpu.memory_space<hbm>> -> memref<192x128xf32, #tpu.memory_space<hbm>>
        tpu.enqueue_dma source(%dma_start3A_1582 : memref<192x128xf32, #tpu.memory_space<hbm>>) target(%dma_start3A_1579 : memref<192x128xf32, #tpu.memory_space<vmem>>) target_semaphore(%arg8 : memref<!tpu.dma_semaphore, #tpu.memory_space<semaphore_mem>>)
      } else {
      }
      %eq3A_1428 = arith.constant 0 : i32
      %eq3A_1429 = arith.cmpi eq, %and3A_1407, %eq3A_1428 : i32
      %ne3A_1430 = arith.constant 0 : i32
      %ne3A_1431 = arith.cmpi ne, %add3A_1414, %ne3A_1430 : i32
      %and3A_1432 = arith.andi %eq3A_1429, %ne3A_1431 : i1
      %convert_element_type3A_1433 = arith.extui %and3A_1432 : i1 to i32
      %cond3A_1434 = arith.constant 0 : i32
      %cond3A_1435 = arith.cmpi ne, %convert_element_type3A_1433, %cond3A_1434 : i32
      scf.if %cond3A_1435 {
        %sub3A_1559 = arith.constant 136 : i32
        %sub3A_1560 = arith.subi %add3A_1414, %sub3A_1559 : i32
        %dma_start3A_1561 = tpu.memref_slice %arg2[%shift_right_logical3A_1405, %sub3A_1560, %mul3A_0] : memref<4x4096x2048xf32, #tpu.memory_space<hbm>> -> memref<1x328x128xf32, #tpu.memory_space<hbm>>
        %dma_start3A_1562 = tpu.memref_squeeze %dma_start3A_1561 : memref<1x328x128xf32, #tpu.memory_space<hbm>> -> memref<328x128xf32, #tpu.memory_space<hbm>>
        %dma_start3A_1563 = tpu.memref_slice %arg2[%shift_right_logical3A_1405, %sub3A_1560, %mul3A_0] : memref<4x4096x2048xf32, #tpu.memory_space<hbm>> -> memref<1x328x128xf32, #tpu.memory_space<hbm>>
        %dma_start3A_1564 = tpu.memref_squeeze %dma_start3A_1563 : memref<1x328x128xf32, #tpu.memory_space<hbm>> -> memref<328x128xf32, #tpu.memory_space<hbm>>
        tpu.enqueue_dma source(%dma_start3A_1564 : memref<328x128xf32, #tpu.memory_space<hbm>>) target(%arg5 : memref<328x128xf32, #tpu.memory_space<vmem>>) target_semaphore(%arg8 : memref<!tpu.dma_semaphore, #tpu.memory_space<semaphore_mem>>)
      } else {
      }
      %add3A_1436 = arith.constant 1 : i32
      %add3A_1437 = arith.addi %mul3A_1389, %add3A_1436 : i32
      %and3A_1438 = arith.constant 7 : i32
      %and3A_1439 = arith.andi %add3A_1437, %and3A_1438 : i32
      %ne3A_1440 = arith.constant 0 : i32
      %ne3A_1441 = arith.cmpi ne, %and3A_1439, %ne3A_1440 : i32
      %convert_element_type3A_1442 = arith.extui %ne3A_1441 : i1 to i32
      %cond3A_1443 = arith.constant 0 : i32
      %cond3A_1444 = arith.cmpi ne, %convert_element_type3A_1442, %cond3A_1443 : i32
      scf.if %cond3A_1444 {
        %parallel_loop3A_1559 = arith.constant 0 : i32
        %parallel_loop3A_1560 = arith.constant 72 : i32
        %parallel_loop3A_1561 = arith.constant 1 : i32
        scf.for %parallel_loop3A_1562 = %parallel_loop3A_1559 to %parallel_loop3A_1560 step %parallel_loop3A_1561  : i32 {
          %parallel_loop3A_1563 = arith.constant 256 : i32
          %parallel_loop3A_1564 = arith.addi %parallel_loop3A_1563, %parallel_loop3A_1562 : i32
          %parallel_loop3A_1565 = arith.index_cast %parallel_loop3A_1564 : i32 to index
          %parallel_loop3A_1566 = arith.constant 0 : index
          %parallel_loop3A_1567 = tpu.vector_load %arg4[%parallel_loop3A_1565, %parallel_loop3A_1566] {strides = array<i32>} : memref<328x128xf32, #tpu.memory_space<vmem>>, vector<1x16xf32>,
          %parallel_loop3A_1568 = vector.shape_cast %parallel_loop3A_1567 : vector<1x16xf32> to vector<16xf32>
          %parallel_loop3A_1569 = arith.index_cast %parallel_loop3A_1562 : i32 to index
          %parallel_loop3A_1570 = arith.constant 0 : index
          %parallel_loop3A_1571 = tpu.vector_load %arg5[%parallel_loop3A_1569, %parallel_loop3A_1570] {strides = array<i32>} : memref<328x128xf32, #tpu.memory_space<vmem>>, vector<1x16xf32>,
          %parallel_loop3A_1572 = vector.shape_cast %parallel_loop3A_1571 : vector<1x16xf32> to vector<16xf32>
          %parallel_loop3A_1573 = vector.shape_cast %parallel_loop3A_1568 : vector<16xf32> to vector<1x16xf32>
          tpu.vector_store %arg5[%parallel_loop3A_1569, %parallel_loop3A_1570], %parallel_loop3A_1573 {strides = array<i32>} : memref<328x128xf32, #tpu.memory_space<vmem>>, vector<1x16xf32>,
          %parallel_loop3A_1574 = arith.constant 256 : i32
          %parallel_loop3A_1575 = arith.addi %parallel_loop3A_1574, %parallel_loop3A_1562 : i32
          %parallel_loop3A_1576 = arith.index_cast %parallel_loop3A_1575 : i32 to index
          %parallel_loop3A_1577 = arith.constant 16 : index
          %parallel_loop3A_1578 = tpu.vector_load %arg4[%parallel_loop3A_1576, %parallel_loop3A_1577] {strides = array<i32>} : memref<328x128xf32, #tpu.memory_space<vmem>>, vector<1x16xf32>,
          %parallel_loop3A_1579 = vector.shape_cast %parallel_loop3A_1578 : vector<1x16xf32> to vector<16xf32>
          %parallel_loop3A_1580 = arith.index_cast %parallel_loop3A_1562 : i32 to index
          %parallel_loop3A_1581 = arith.constant 16 : index
          %parallel_loop3A_1582 = tpu.vector_load %arg5[%parallel_loop3A_1580, %parallel_loop3A_1581] {strides = array<i32>} : memref<328x128xf32, #tpu.memory_space<vmem>>, vector<1x16xf32>,
          %parallel_loop3A_1583 = vector.shape_cast %parallel_loop3A_1582 : vector<1x16xf32> to vector<16xf32>
          %parallel_loop3A_1584 = vector.shape_cast %parallel_loop3A_1579 : vector<16xf32> to vector<1x16xf32>
          tpu.vector_store %arg5[%parallel_loop3A_1580, %parallel_loop3A_1581], %parallel_loop3A_1584 {strides = array<i32>} : memref<328x128xf32, #tpu.memory_space<vmem>>, vector<1x16xf32>,
          %parallel_loop3A_1585 = arith.constant 256 : i32
          %parallel_loop3A_1586 = arith.addi %parallel_loop3A_1585, %parallel_loop3A_1562 : i32
          %parallel_loop3A_1587 = arith.index_cast %parallel_loop3A_1586 : i32 to index
          %parallel_loop3A_1588 = arith.constant 32 : index
          %parallel_loop3A_1589 = tpu.vector_load %arg4[%parallel_loop3A_1587, %parallel_loop3A_1588] {strides = array<i32>} : memref<328x128xf32, #tpu.memory_space<vmem>>, vector<1x16xf32>,
          %parallel_loop3A_1590 = vector.shape_cast %parallel_loop3A_1589 : vector<1x16xf32> to vector<16xf32>
          %parallel_loop3A_1591 = arith.index_cast %parallel_loop3A_1562 : i32 to index
          %parallel_loop3A_1592 = arith.constant 32 : index
          %parallel_loop3A_1593 = tpu.vector_load %arg5[%parallel_loop3A_1591, %parallel_loop3A_1592] {strides = array<i32>} : memref<328x128xf32, #tpu.memory_space<vmem>>, vector<1x16xf32>,
          %parallel_loop3A_1594 = vector.shape_cast %parallel_loop3A_1593 : vector<1x16xf32> to vector<16xf32>
          %parallel_loop3A_1595 = vector.shape_cast %parallel_loop3A_1590 : vector<16xf32> to vector<1x16xf32>
          tpu.vector_store %arg5[%parallel_loop3A_1591, %parallel_loop3A_1592], %parallel_loop3A_1595 {strides = array<i32>} : memref<328x128xf32, #tpu.memory_space<vmem>>, vector<1x16xf32>,
          %parallel_loop3A_1596 = arith.constant 256 : i32
          %parallel_loop3A_1597 = arith.addi %parallel_loop3A_1596, %parallel_loop3A_1562 : i32
          %parallel_loop3A_1598 = arith.index_cast %parallel_loop3A_1597 : i32 to index
          %parallel_loop3A_1599 = arith.constant 48 : index
          %parallel_loop3A_1600 = tpu.vector_load %arg4[%parallel_loop3A_1598, %parallel_loop3A_1599] {strides = array<i32>} : memref<328x128xf32, #tpu.memory_space<vmem>>, vector<1x16xf32>,
          %parallel_loop3A_1601 = vector.shape_cast %parallel_loop3A_1600 : vector<1x16xf32> to vector<16xf32>
          %parallel_loop3A_1602 = arith.index_cast %parallel_loop3A_1562 : i32 to index
          %parallel_loop3A_1603 = arith.constant 48 : index
          %parallel_loop3A_1604 = tpu.vector_load %arg5[%parallel_loop3A_1602, %parallel_loop3A_1603] {strides = array<i32>} : memref<328x128xf32, #tpu.memory_space<vmem>>, vector<1x16xf32>,
          %parallel_loop3A_1605 = vector.shape_cast %parallel_loop3A_1604 : vector<1x16xf32> to vector<16xf32>
          %parallel_loop3A_1606 = vector.shape_cast %parallel_loop3A_1601 : vector<16xf32> to vector<1x16xf32>
          tpu.vector_store %arg5[%parallel_loop3A_1602, %parallel_loop3A_1603], %parallel_loop3A_1606 {strides = array<i32>} : memref<328x128xf32, #tpu.memory_space<vmem>>, vector<1x16xf32>,
          %parallel_loop3A_1607 = arith.constant 256 : i32
          %parallel_loop3A_1608 = arith.addi %parallel_loop3A_1607, %parallel_loop3A_1562 : i32
          %parallel_loop3A_1609 = arith.index_cast %parallel_loop3A_1608 : i32 to index
          %parallel_loop3A_1610 = arith.constant 64 : index
          %parallel_loop3A_1611 = tpu.vector_load %arg4[%parallel_loop3A_1609, %parallel_loop3A_1610] {strides = array<i32>} : memref<328x128xf32, #tpu.memory_space<vmem>>, vector<1x16xf32>,
          %parallel_loop3A_1612 = vector.shape_cast %parallel_loop3A_1611 : vector<1x16xf32> to vector<16xf32>
          %parallel_loop3A_1613 = arith.index_cast %parallel_loop3A_1562 : i32 to index
          %parallel_loop3A_1614 = arith.constant 64 : index
          %parallel_loop3A_1615 = tpu.vector_load %arg5[%parallel_loop3A_1613, %parallel_loop3A_1614] {strides = array<i32>} : memref<328x128xf32, #tpu.memory_space<vmem>>, vector<1x16xf32>,
          %parallel_loop3A_1616 = vector.shape_cast %parallel_loop3A_1615 : vector<1x16xf32> to vector<16xf32>
          %parallel_loop3A_1617 = vector.shape_cast %parallel_loop3A_1612 : vector<16xf32> to vector<1x16xf32>
          tpu.vector_store %arg5[%parallel_loop3A_1613, %parallel_loop3A_1614], %parallel_loop3A_1617 {strides = array<i32>} : memref<328x128xf32, #tpu.memory_space<vmem>>, vector<1x16xf32>,
          %parallel_loop3A_1618 = arith.constant 256 : i32
          %parallel_loop3A_1619 = arith.addi %parallel_loop3A_1618, %parallel_loop3A_1562 : i32
          %parallel_loop3A_1620 = arith.index_cast %parallel_loop3A_1619 : i32 to index
          %parallel_loop3A_1621 = arith.constant 80 : index
          %parallel_loop3A_1622 = tpu.vector_load %arg4[%parallel_loop3A_1620, %parallel_loop3A_1621] {strides = array<i32>} : memref<328x128xf32, #tpu.memory_space<vmem>>, vector<1x16xf32>,
          %parallel_loop3A_1623 = vector.shape_cast %parallel_loop3A_1622 : vector<1x16xf32> to vector<16xf32>
          %parallel_loop3A_1624 = arith.index_cast %parallel_loop3A_1562 : i32 to index
          %parallel_loop3A_1625 = arith.constant 80 : index
          %parallel_loop3A_1626 = tpu.vector_load %arg5[%parallel_loop3A_1624, %parallel_loop3A_1625] {strides = array<i32>} : memref<328x128xf32, #tpu.memory_space<vmem>>, vector<1x16xf32>,
          %parallel_loop3A_1627 = vector.shape_cast %parallel_loop3A_1626 : vector<1x16xf32> to vector<16xf32>
          %parallel_loop3A_1628 = vector.shape_cast %parallel_loop3A_1623 : vector<16xf32> to vector<1x16xf32>
          tpu.vector_store %arg5[%parallel_loop3A_1624, %parallel_loop3A_1625], %parallel_loop3A_1628 {strides = array<i32>} : memref<328x128xf32, #tpu.memory_space<vmem>>, vector<1x16xf32>,
          %parallel_loop3A_1629 = arith.constant 256 : i32
          %parallel_loop3A_1630 = arith.addi %parallel_loop3A_1629, %parallel_loop3A_1562 : i32
          %parallel_loop3A_1631 = arith.index_cast %parallel_loop3A_1630 : i32 to index
          %parallel_loop3A_1632 = arith.constant 96 : index
          %parallel_loop3A_1633 = tpu.vector_load %arg4[%parallel_loop3A_1631, %parallel_loop3A_1632] {strides = array<i32>} : memref<328x128xf32, #tpu.memory_space<vmem>>, vector<1x16xf32>,
          %parallel_loop3A_1634 = vector.shape_cast %parallel_loop3A_1633 : vector<1x16xf32> to vector<16xf32>
          %parallel_loop3A_1635 = arith.index_cast %parallel_loop3A_1562 : i32 to index
          %parallel_loop3A_1636 = arith.constant 96 : index
          %parallel_loop3A_1637 = tpu.vector_load %arg5[%parallel_loop3A_1635, %parallel_loop3A_1636] {strides = array<i32>} : memref<328x128xf32, #tpu.memory_space<vmem>>, vector<1x16xf32>,
          %parallel_loop3A_1638 = vector.shape_cast %parallel_loop3A_1637 : vector<1x16xf32> to vector<16xf32>
          %parallel_loop3A_1639 = vector.shape_cast %parallel_loop3A_1634 : vector<16xf32> to vector<1x16xf32>
          tpu.vector_store %arg5[%parallel_loop3A_1635, %parallel_loop3A_1636], %parallel_loop3A_1639 {strides = array<i32>} : memref<328x128xf32, #tpu.memory_space<vmem>>, vector<1x16xf32>,
          %parallel_loop3A_1640 = arith.constant 256 : i32
          %parallel_loop3A_1641 = arith.addi %parallel_loop3A_1640, %parallel_loop3A_1562 : i32
          %parallel_loop3A_1642 = arith.index_cast %parallel_loop3A_1641 : i32 to index
          %parallel_loop3A_1643 = arith.constant 112 : index
          %parallel_loop3A_1644 = tpu.vector_load %arg4[%parallel_loop3A_1642, %parallel_loop3A_1643] {strides = array<i32>} : memref<328x128xf32, #tpu.memory_space<vmem>>, vector<1x16xf32>,
          %parallel_loop3A_1645 = vector.shape_cast %parallel_loop3A_1644 : vector<1x16xf32> to vector<16xf32>
          %parallel_loop3A_1646 = arith.index_cast %parallel_loop3A_1562 : i32 to index
          %parallel_loop3A_1647 = arith.constant 112 : index
          %parallel_loop3A_1648 = tpu.vector_load %arg5[%parallel_loop3A_1646, %parallel_loop3A_1647] {strides = array<i32>} : memref<328x128xf32, #tpu.memory_space<vmem>>, vector<1x16xf32>,
          %parallel_loop3A_1649 = vector.shape_cast %parallel_loop3A_1648 : vector<1x16xf32> to vector<16xf32>
          %parallel_loop3A_1650 = vector.shape_cast %parallel_loop3A_1645 : vector<16xf32> to vector<1x16xf32>
          tpu.vector_store %arg5[%parallel_loop3A_1646, %parallel_loop3A_1647], %parallel_loop3A_1650 {strides = array<i32>} : memref<328x128xf32, #tpu.memory_space<vmem>>, vector<1x16xf32>,
        } {sc.loop_unroll_factor = 4 : i64, sc.parallel_access}
      } else {
      }
      %ne3A_1445 = arith.constant 0 : i32
      %ne3A_1446 = arith.cmpi ne, %mul3A_1389, %ne3A_1445 : i32
      %convert_element_type3A_1447 = arith.extui %ne3A_1446 : i1 to i32
      %cond3A_1448 = arith.constant 0 : i32
      %cond3A_1449 = arith.cmpi ne, %convert_element_type3A_1447, %cond3A_1448 : i32
      scf.if %cond3A_1449 {
        %dma_wait3A_1559 = arith.constant 0 : i32
        %dma_wait3A_1560 = arith.constant 0 : i32
        %dma_wait3A_1561 = arith.constant 0 : i32
        %dma_wait3A_1562 = tpu.memref_slice %arg6[%dma_wait3A_1560, %dma_wait3A_1561] : memref<256x128xf32, #tpu.memory_space<vmem>> -> memref<128x128xf32, #tpu.memory_space<vmem>>
        %dma_wait3A_1563 = arith.constant 0 : i32
        %dma_wait3A_1564 = arith.constant 0 : i32
        %dma_wait3A_1565 = tpu.memref_slice %arg2[%dma_wait3A_1559, %dma_wait3A_1563, %dma_wait3A_1564] : memref<4x4096x2048xf32, #tpu.memory_space<hbm>> -> memref<1x128x128xf32, #tpu.memory_space<hbm>>
        %dma_wait3A_1566 = tpu.memref_squeeze %dma_wait3A_1565 : memref<1x128x128xf32, #tpu.memory_space<hbm>> -> memref<128x128xf32, #tpu.memory_space<hbm>>
        %dma_wait3A_1567 = arith.constant 0 : i32
        %dma_wait3A_1568 = arith.constant 0 : i32
        %dma_wait3A_1569 = tpu.memref_slice %arg6[%dma_wait3A_1567, %dma_wait3A_1568] : memref<256x128xf32, #tpu.memory_space<vmem>> -> memref<128x128xf32, #tpu.memory_space<vmem>>
        %dma_wait3A_1570 = arith.constant 0 : i32
        %dma_wait3A_1571 = arith.constant 0 : i32
        %dma_wait3A_1572 = tpu.memref_slice %arg2[%dma_wait3A_1559, %dma_wait3A_1570, %dma_wait3A_1571] : memref<4x4096x2048xf32, #tpu.memory_space<hbm>> -> memref<1x128x128xf32, #tpu.memory_space<hbm>>
        %dma_wait3A_1573 = tpu.memref_squeeze %dma_wait3A_1572 : memref<1x128x128xf32, #tpu.memory_space<hbm>> -> memref<128x128xf32, #tpu.memory_space<hbm>>
        tpu.wait_dma2 semaphore(%arg9 : memref<!tpu.dma_semaphore, #tpu.memory_space<semaphore_mem>>) src(%dma_wait3A_1573 : memref<128x128xf32, #tpu.memory_space<hbm>>) dst(%dma_wait3A_1569 : memref<128x128xf32, #tpu.memory_space<vmem>>)
        %dma_wait3A_1574 = arith.constant 0 : i32
        %dma_wait3A_1575 = arith.constant 0 : i32
        %dma_wait3A_1576 = arith.constant 0 : i32
        %dma_wait3A_1577 = tpu.memref_slice %arg6[%dma_wait3A_1575, %dma_wait3A_1576] : memref<256x128xf32, #tpu.memory_space<vmem>> -> memref<128x128xf32, #tpu.memory_space<vmem>>
        %dma_wait3A_1578 = arith.constant 0 : i32
        %dma_wait3A_1579 = arith.constant 0 : i32
        %dma_wait3A_1580 = tpu.memref_slice %arg2[%dma_wait3A_1574, %dma_wait3A_1578, %dma_wait3A_1579] : memref<4x4096x2048xf32, #tpu.memory_space<hbm>> -> memref<1x128x128xf32, #tpu.memory_space<hbm>>
        %dma_wait3A_1581 = tpu.memref_squeeze %dma_wait3A_1580 : memref<1x128x128xf32, #tpu.memory_space<hbm>> -> memref<128x128xf32, #tpu.memory_space<hbm>>
        %dma_wait3A_1582 = arith.constant 0 : i32
        %dma_wait3A_1583 = arith.constant 0 : i32
        %dma_wait3A_1584 = tpu.memref_slice %arg6[%dma_wait3A_1582, %dma_wait3A_1583] : memref<256x128xf32, #tpu.memory_space<vmem>> -> memref<128x128xf32, #tpu.memory_space<vmem>>
        %dma_wait3A_1585 = arith.constant 0 : i32
        %dma_wait3A_1586 = arith.constant 0 : i32
        %dma_wait3A_1587 = tpu.memref_slice %arg2[%dma_wait3A_1574, %dma_wait3A_1585, %dma_wait3A_1586] : memref<4x4096x2048xf32, #tpu.memory_space<hbm>> -> memref<1x128x128xf32, #tpu.memory_space<hbm>>
        %dma_wait3A_1588 = tpu.memref_squeeze %dma_wait3A_1587 : memref<1x128x128xf32, #tpu.memory_space<hbm>> -> memref<128x128xf32, #tpu.memory_space<hbm>>
        tpu.wait_dma2 semaphore(%arg9 : memref<!tpu.dma_semaphore, #tpu.memory_space<semaphore_mem>>) src(%dma_wait3A_1588 : memref<128x128xf32, #tpu.memory_space<hbm>>) dst(%dma_wait3A_1584 : memref<128x128xf32, #tpu.memory_space<vmem>>)
      } else {
      }
      %shift_right_logical3A_1450 = arith.constant 3 : i32
      %shift_right_logical3A_1451 = arith.shrui %mul3A_1389, %shift_right_logical3A_1450 : i32
      %and3A_1452 = arith.constant 7 : i32
      %and3A_1453 = arith.andi %mul3A_1389, %and3A_1452 : i32
      %mul3A_1454 = arith.constant 2048 : i32
      %mul3A_1455 = arith.muli %arg0, %mul3A_1454 : i32
      %mul3A_1456 = arith.constant 256 : i32
      %mul3A_1457 = arith.muli %and3A_1453, %mul3A_1456 : i32
      %add3A_1458 = arith.addi %mul3A_1455, %mul3A_1457 : i32
      %parallel_loop3A = arith.constant 0 : i32
      %parallel_loop3A_1459 = arith.constant 64 : i32
      %parallel_loop3A_1460 = arith.constant 1 : i32
      scf.for %parallel_loop3A_1559 = %parallel_loop3A to %parallel_loop3A_1459 step %parallel_loop3A_1460  : i32 {
        %parallel_loop3A_1560 = arith.constant 2 : i32
        %parallel_loop3A_1561 = arith.muli %parallel_loop3A_1559, %parallel_loop3A_1560 : i32
        %parallel_loop3A_1562 = arith.constant 0 : i32
        %parallel_loop3A_1563 = arith.addi %parallel_loop3A_1562, %parallel_loop3A_1561 : i32
        %parallel_loop3A_1564 = arith.addi %sub3A_159, %parallel_loop3A_1563 : i32
        %parallel_loop3A_1565 = arith.constant 1 : i32
        %parallel_loop3A_1566 = arith.subi %parallel_loop3A_1564, %parallel_loop3A_1565 : i32
        %parallel_loop3A_1567 = arith.index_cast %parallel_loop3A_1566 : i32 to index
        %parallel_loop3A_1568 = arith.constant 0 : index
        %parallel_loop3A_1569 = tpu.vector_load %arg4[%parallel_loop3A_1567, %parallel_loop3A_1568] {strides = array<i32>} : memref<328x128xf32, #tpu.memory_space<vmem>>, vector<1x16xf32>,
        %parallel_loop3A_1570 = vector.shape_cast %parallel_loop3A_1569 : vector<1x16xf32> to vector<16xf32>
        %parallel_loop3A_1571 = arith.index_cast %parallel_loop3A_1564 : i32 to index
        %parallel_loop3A_1572 = arith.constant 0 : index
        %parallel_loop3A_1573 = tpu.vector_load %arg4[%parallel_loop3A_1571, %parallel_loop3A_1572] {strides = array<i32>} : memref<328x128xf32, #tpu.memory_space<vmem>>, vector<1x16xf32>,
        %parallel_loop3A_1574 = vector.shape_cast %parallel_loop3A_1573 : vector<1x16xf32> to vector<16xf32>
        %parallel_loop3A_1575 = arith.constant 1 : i32
        %parallel_loop3A_1576 = arith.addi %parallel_loop3A_1564, %parallel_loop3A_1575 : i32
        %parallel_loop3A_1577 = arith.index_cast %parallel_loop3A_1576 : i32 to index
        %parallel_loop3A_1578 = arith.constant 0 : index
        %parallel_loop3A_1579 = tpu.vector_load %arg4[%parallel_loop3A_1577, %parallel_loop3A_1578] {strides = array<i32>} : memref<328x128xf32, #tpu.memory_space<vmem>>, vector<1x16xf32>,
        %parallel_loop3A_1580 = vector.shape_cast %parallel_loop3A_1579 : vector<1x16xf32> to vector<16xf32>
        %parallel_loop3A_1581 = arith.select %lt3A_160, %parallel_loop3A_1574, %parallel_loop3A_1570 : vector<16xi1>, vector<16xf32>
        %parallel_loop3A_1582 = arith.select %lt3A_160, %parallel_loop3A_1580, %parallel_loop3A_1574 : vector<16xi1>, vector<16xf32>
        %parallel_loop3A_1583 = arith.minimumf %parallel_loop3A_1581, %parallel_loop3A_1582 : vector<16xf32>
        %parallel_loop3A_1584 = arith.index_cast %parallel_loop3A_1563 : i32 to index
        %parallel_loop3A_1585 = arith.constant 0 : index
        %parallel_loop3A_1586 = tpu.vector_load %arg6[%parallel_loop3A_1584, %parallel_loop3A_1585] {strides = array<i32>} : memref<256x128xf32, #tpu.memory_space<vmem>>, vector<1x16xf32>,
        %parallel_loop3A_1587 = vector.shape_cast %parallel_loop3A_1586 : vector<1x16xf32> to vector<16xf32>
        %parallel_loop3A_1588 = vector.shape_cast %parallel_loop3A_1583 : vector<16xf32> to vector<1x16xf32>
        tpu.vector_store %arg6[%parallel_loop3A_1584, %parallel_loop3A_1585], %parallel_loop3A_1588 {strides = array<i32>} : memref<256x128xf32, #tpu.memory_space<vmem>>, vector<1x16xf32>,
        %parallel_loop3A_1589 = arith.maximumf %parallel_loop3A_1581, %parallel_loop3A_1582 : vector<16xf32>
        %parallel_loop3A_1590 = arith.constant 1 : i32
        %parallel_loop3A_1591 = arith.addi %parallel_loop3A_1563, %parallel_loop3A_1590 : i32
        %parallel_loop3A_1592 = arith.index_cast %parallel_loop3A_1591 : i32 to index
        %parallel_loop3A_1593 = arith.constant 0 : index
        %parallel_loop3A_1594 = tpu.vector_load %arg6[%parallel_loop3A_1592, %parallel_loop3A_1593] {strides = array<i32>} : memref<256x128xf32, #tpu.memory_space<vmem>>, vector<1x16xf32>,
        %parallel_loop3A_1595 = vector.shape_cast %parallel_loop3A_1594 : vector<1x16xf32> to vector<16xf32>
        %parallel_loop3A_1596 = vector.shape_cast %parallel_loop3A_1589 : vector<16xf32> to vector<1x16xf32>
        tpu.vector_store %arg6[%parallel_loop3A_1592, %parallel_loop3A_1593], %parallel_loop3A_1596 {strides = array<i32>} : memref<256x128xf32, #tpu.memory_space<vmem>>, vector<1x16xf32>,
        %parallel_loop3A_1597 = arith.addi %sub3A_324, %parallel_loop3A_1563 : i32
        %parallel_loop3A_1598 = arith.constant 1 : i32
        %parallel_loop3A_1599 = arith.subi %parallel_loop3A_1597, %parallel_loop3A_1598 : i32
        %parallel_loop3A_1600 = arith.index_cast %parallel_loop3A_1599 : i32 to index
        %parallel_loop3A_1601 = arith.constant 16 : index
        %parallel_loop3A_1602 = tpu.vector_load %arg4[%parallel_loop3A_1600, %parallel_loop3A_1601] {strides = array<i32>} : memref<328x128xf32, #tpu.memory_space<vmem>>, vector<1x16xf32>,
        %parallel_loop3A_1603 = vector.shape_cast %parallel_loop3A_1602 : vector<1x16xf32> to vector<16xf32>
        %parallel_loop3A_1604 = arith.index_cast %parallel_loop3A_1597 : i32 to index
        %parallel_loop3A_1605 = arith.constant 16 : index
        %parallel_loop3A_1606 = tpu.vector_load %arg4[%parallel_loop3A_1604, %parallel_loop3A_1605] {strides = array<i32>} : memref<328x128xf32, #tpu.memory_space<vmem>>, vector<1x16xf32>,
        %parallel_loop3A_1607 = vector.shape_cast %parallel_loop3A_1606 : vector<1x16xf32> to vector<16xf32>
        %parallel_loop3A_1608 = arith.constant 1 : i32
        %parallel_loop3A_1609 = arith.addi %parallel_loop3A_1597, %parallel_loop3A_1608 : i32
        %parallel_loop3A_1610 = arith.index_cast %parallel_loop3A_1609 : i32 to index
        %parallel_loop3A_1611 = arith.constant 16 : index
        %parallel_loop3A_1612 = tpu.vector_load %arg4[%parallel_loop3A_1610, %parallel_loop3A_1611] {strides = array<i32>} : memref<328x128xf32, #tpu.memory_space<vmem>>, vector<1x16xf32>,
        %parallel_loop3A_1613 = vector.shape_cast %parallel_loop3A_1612 : vector<1x16xf32> to vector<16xf32>
        %parallel_loop3A_1614 = arith.select %lt3A_326, %parallel_loop3A_1607, %parallel_loop3A_1603 : vector<16xi1>, vector<16xf32>
        %parallel_loop3A_1615 = arith.select %lt3A_326, %parallel_loop3A_1613, %parallel_loop3A_1607 : vector<16xi1>, vector<16xf32>
        %parallel_loop3A_1616 = arith.minimumf %parallel_loop3A_1614, %parallel_loop3A_1615 : vector<16xf32>
        %parallel_loop3A_1617 = arith.index_cast %parallel_loop3A_1563 : i32 to index
        %parallel_loop3A_1618 = arith.constant 16 : index
        %parallel_loop3A_1619 = tpu.vector_load %arg6[%parallel_loop3A_1617, %parallel_loop3A_1618] {strides = array<i32>} : memref<256x128xf32, #tpu.memory_space<vmem>>, vector<1x16xf32>,
        %parallel_loop3A_1620 = vector.shape_cast %parallel_loop3A_1619 : vector<1x16xf32> to vector<16xf32>
        %parallel_loop3A_1621 = vector.shape_cast %parallel_loop3A_1616 : vector<16xf32> to vector<1x16xf32>
        tpu.vector_store %arg6[%parallel_loop3A_1617, %parallel_loop3A_1618], %parallel_loop3A_1621 {strides = array<i32>} : memref<256x128xf32, #tpu.memory_space<vmem>>, vector<1x16xf32>,
        %parallel_loop3A_1622 = arith.maximumf %parallel_loop3A_1614, %parallel_loop3A_1615 : vector<16xf32>
        %parallel_loop3A_1623 = arith.constant 1 : i32
        %parallel_loop3A_1624 = arith.addi %parallel_loop3A_1563, %parallel_loop3A_1623 : i32
        %parallel_loop3A_1625 = arith.index_cast %parallel_loop3A_1624 : i32 to index
        %parallel_loop3A_1626 = arith.constant 16 : index
        %parallel_loop3A_1627 = tpu.vector_load %arg6[%parallel_loop3A_1625, %parallel_loop3A_1626] {strides = array<i32>} : memref<256x128xf32, #tpu.memory_space<vmem>>, vector<1x16xf32>,
        %parallel_loop3A_1628 = vector.shape_cast %parallel_loop3A_1627 : vector<1x16xf32> to vector<16xf32>
        %parallel_loop3A_1629 = vector.shape_cast %parallel_loop3A_1622 : vector<16xf32> to vector<1x16xf32>
        tpu.vector_store %arg6[%parallel_loop3A_1625, %parallel_loop3A_1626], %parallel_loop3A_1629 {strides = array<i32>} : memref<256x128xf32, #tpu.memory_space<vmem>>, vector<1x16xf32>,
        %parallel_loop3A_1630 = arith.addi %sub3A_490, %parallel_loop3A_1563 : i32
        %parallel_loop3A_1631 = arith.constant 1 : i32
        %parallel_loop3A_1632 = arith.subi %parallel_loop3A_1630, %parallel_loop3A_1631 : i32
        %parallel_loop3A_1633 = arith.index_cast %parallel_loop3A_1632 : i32 to index
        %parallel_loop3A_1634 = arith.constant 32 : index
        %parallel_loop3A_1635 = tpu.vector_load %arg4[%parallel_loop3A_1633, %parallel_loop3A_1634] {strides = array<i32>} : memref<328x128xf32, #tpu.memory_space<vmem>>, vector<1x16xf32>,
        %parallel_loop3A_1636 = vector.shape_cast %parallel_loop3A_1635 : vector<1x16xf32> to vector<16xf32>
        %parallel_loop3A_1637 = arith.index_cast %parallel_loop3A_1630 : i32 to index
        %parallel_loop3A_1638 = arith.constant 32 : index
        %parallel_loop3A_1639 = tpu.vector_load %arg4[%parallel_loop3A_1637, %parallel_loop3A_1638] {strides = array<i32>} : memref<328x128xf32, #tpu.memory_space<vmem>>, vector<1x16xf32>,
        %parallel_loop3A_1640 = vector.shape_cast %parallel_loop3A_1639 : vector<1x16xf32> to vector<16xf32>
        %parallel_loop3A_1641 = arith.constant 1 : i32
        %parallel_loop3A_1642 = arith.addi %parallel_loop3A_1630, %parallel_loop3A_1641 : i32
        %parallel_loop3A_1643 = arith.index_cast %parallel_loop3A_1642 : i32 to index
        %parallel_loop3A_1644 = arith.constant 32 : index
        %parallel_loop3A_1645 = tpu.vector_load %arg4[%parallel_loop3A_1643, %parallel_loop3A_1644] {strides = array<i32>} : memref<328x128xf32, #tpu.memory_space<vmem>>, vector<1x16xf32>,
        %parallel_loop3A_1646 = vector.shape_cast %parallel_loop3A_1645 : vector<1x16xf32> to vector<16xf32>
        %parallel_loop3A_1647 = arith.select %lt3A_492, %parallel_loop3A_1640, %parallel_loop3A_1636 : vector<16xi1>, vector<16xf32>
        %parallel_loop3A_1648 = arith.select %lt3A_492, %parallel_loop3A_1646, %parallel_loop3A_1640 : vector<16xi1>, vector<16xf32>
        %parallel_loop3A_1649 = arith.minimumf %parallel_loop3A_1647, %parallel_loop3A_1648 : vector<16xf32>
        %parallel_loop3A_1650 = arith.index_cast %parallel_loop3A_1563 : i32 to index
        %parallel_loop3A_1651 = arith.constant 32 : index
        %parallel_loop3A_1652 = tpu.vector_load %arg6[%parallel_loop3A_1650, %parallel_loop3A_1651] {strides = array<i32>} : memref<256x128xf32, #tpu.memory_space<vmem>>, vector<1x16xf32>,
        %parallel_loop3A_1653 = vector.shape_cast %parallel_loop3A_1652 : vector<1x16xf32> to vector<16xf32>
        %parallel_loop3A_1654 = vector.shape_cast %parallel_loop3A_1649 : vector<16xf32> to vector<1x16xf32>
        tpu.vector_store %arg6[%parallel_loop3A_1650, %parallel_loop3A_1651], %parallel_loop3A_1654 {strides = array<i32>} : memref<256x128xf32, #tpu.memory_space<vmem>>, vector<1x16xf32>,
        %parallel_loop3A_1655 = arith.maximumf %parallel_loop3A_1647, %parallel_loop3A_1648 : vector<16xf32>
        %parallel_loop3A_1656 = arith.constant 1 : i32
        %parallel_loop3A_1657 = arith.addi %parallel_loop3A_1563, %parallel_loop3A_1656 : i32
        %parallel_loop3A_1658 = arith.index_cast %parallel_loop3A_1657 : i32 to index
        %parallel_loop3A_1659 = arith.constant 32 : index
        %parallel_loop3A_1660 = tpu.vector_load %arg6[%parallel_loop3A_1658, %parallel_loop3A_1659] {strides = array<i32>} : memref<256x128xf32, #tpu.memory_space<vmem>>, vector<1x16xf32>,
        %parallel_loop3A_1661 = vector.shape_cast %parallel_loop3A_1660 : vector<1x16xf32> to vector<16xf32>
        %parallel_loop3A_1662 = vector.shape_cast %parallel_loop3A_1655 : vector<16xf32> to vector<1x16xf32>
        tpu.vector_store %arg6[%parallel_loop3A_1658, %parallel_loop3A_1659], %parallel_loop3A_1662 {strides = array<i32>} : memref<256x128xf32, #tpu.memory_space<vmem>>, vector<1x16xf32>,
        %parallel_loop3A_1663 = arith.addi %sub3A_656, %parallel_loop3A_1563 : i32
        %parallel_loop3A_1664 = arith.constant 1 : i32
        %parallel_loop3A_1665 = arith.subi %parallel_loop3A_1663, %parallel_loop3A_1664 : i32
        %parallel_loop3A_1666 = arith.index_cast %parallel_loop3A_1665 : i32 to index
        %parallel_loop3A_1667 = arith.constant 48 : index
        %parallel_loop3A_1668 = tpu.vector_load %arg4[%parallel_loop3A_1666, %parallel_loop3A_1667] {strides = array<i32>} : memref<328x128xf32, #tpu.memory_space<vmem>>, vector<1x16xf32>,
        %parallel_loop3A_1669 = vector.shape_cast %parallel_loop3A_1668 : vector<1x16xf32> to vector<16xf32>
        %parallel_loop3A_1670 = arith.index_cast %parallel_loop3A_1663 : i32 to index
        %parallel_loop3A_1671 = arith.constant 48 : index
        %parallel_loop3A_1672 = tpu.vector_load %arg4[%parallel_loop3A_1670, %parallel_loop3A_1671] {strides = array<i32>} : memref<328x128xf32, #tpu.memory_space<vmem>>, vector<1x16xf32>,
        %parallel_loop3A_1673 = vector.shape_cast %parallel_loop3A_1672 : vector<1x16xf32> to vector<16xf32>
        %parallel_loop3A_1674 = arith.constant 1 : i32
        %parallel_loop3A_1675 = arith.addi %parallel_loop3A_1663, %parallel_loop3A_1674 : i32
        %parallel_loop3A_1676 = arith.index_cast %parallel_loop3A_1675 : i32 to index
        %parallel_loop3A_1677 = arith.constant 48 : index
        %parallel_loop3A_1678 = tpu.vector_load %arg4[%parallel_loop3A_1676, %parallel_loop3A_1677] {strides = array<i32>} : memref<328x128xf32, #tpu.memory_space<vmem>>, vector<1x16xf32>,
        %parallel_loop3A_1679 = vector.shape_cast %parallel_loop3A_1678 : vector<1x16xf32> to vector<16xf32>
        %parallel_loop3A_1680 = arith.select %lt3A_658, %parallel_loop3A_1673, %parallel_loop3A_1669 : vector<16xi1>, vector<16xf32>
        %parallel_loop3A_1681 = arith.select %lt3A_658, %parallel_loop3A_1679, %parallel_loop3A_1673 : vector<16xi1>, vector<16xf32>
        %parallel_loop3A_1682 = arith.minimumf %parallel_loop3A_1680, %parallel_loop3A_1681 : vector<16xf32>
        %parallel_loop3A_1683 = arith.index_cast %parallel_loop3A_1563 : i32 to index
        %parallel_loop3A_1684 = arith.constant 48 : index
        %parallel_loop3A_1685 = tpu.vector_load %arg6[%parallel_loop3A_1683, %parallel_loop3A_1684] {strides = array<i32>} : memref<256x128xf32, #tpu.memory_space<vmem>>, vector<1x16xf32>,
        %parallel_loop3A_1686 = vector.shape_cast %parallel_loop3A_1685 : vector<1x16xf32> to vector<16xf32>
        %parallel_loop3A_1687 = vector.shape_cast %parallel_loop3A_1682 : vector<16xf32> to vector<1x16xf32>
        tpu.vector_store %arg6[%parallel_loop3A_1683, %parallel_loop3A_1684], %parallel_loop3A_1687 {strides = array<i32>} : memref<256x128xf32, #tpu.memory_space<vmem>>, vector<1x16xf32>,
        %parallel_loop3A_1688 = arith.maximumf %parallel_loop3A_1680, %parallel_loop3A_1681 : vector<16xf32>
        %parallel_loop3A_1689 = arith.constant 1 : i32
        %parallel_loop3A_1690 = arith.addi %parallel_loop3A_1563, %parallel_loop3A_1689 : i32
        %parallel_loop3A_1691 = arith.index_cast %parallel_loop3A_1690 : i32 to index
        %parallel_loop3A_1692 = arith.constant 48 : index
        %parallel_loop3A_1693 = tpu.vector_load %arg6[%parallel_loop3A_1691, %parallel_loop3A_1692] {strides = array<i32>} : memref<256x128xf32, #tpu.memory_space<vmem>>, vector<1x16xf32>,
        %parallel_loop3A_1694 = vector.shape_cast %parallel_loop3A_1693 : vector<1x16xf32> to vector<16xf32>
        %parallel_loop3A_1695 = vector.shape_cast %parallel_loop3A_1688 : vector<16xf32> to vector<1x16xf32>
        tpu.vector_store %arg6[%parallel_loop3A_1691, %parallel_loop3A_1692], %parallel_loop3A_1695 {strides = array<i32>} : memref<256x128xf32, #tpu.memory_space<vmem>>, vector<1x16xf32>,
        %parallel_loop3A_1696 = arith.addi %sub3A_822, %parallel_loop3A_1563 : i32
        %parallel_loop3A_1697 = arith.constant 1 : i32
        %parallel_loop3A_1698 = arith.subi %parallel_loop3A_1696, %parallel_loop3A_1697 : i32
        %parallel_loop3A_1699 = arith.index_cast %parallel_loop3A_1698 : i32 to index
        %parallel_loop3A_1700 = arith.constant 64 : index
        %parallel_loop3A_1701 = tpu.vector_load %arg4[%parallel_loop3A_1699, %parallel_loop3A_1700] {strides = array<i32>} : memref<328x128xf32, #tpu.memory_space<vmem>>, vector<1x16xf32>,
        %parallel_loop3A_1702 = vector.shape_cast %parallel_loop3A_1701 : vector<1x16xf32> to vector<16xf32>
        %parallel_loop3A_1703 = arith.index_cast %parallel_loop3A_1696 : i32 to index
        %parallel_loop3A_1704 = arith.constant 64 : index
        %parallel_loop3A_1705 = tpu.vector_load %arg4[%parallel_loop3A_1703, %parallel_loop3A_1704] {strides = array<i32>} : memref<328x128xf32, #tpu.memory_space<vmem>>, vector<1x16xf32>,
        %parallel_loop3A_1706 = vector.shape_cast %parallel_loop3A_1705 : vector<1x16xf32> to vector<16xf32>
        %parallel_loop3A_1707 = arith.constant 1 : i32
        %parallel_loop3A_1708 = arith.addi %parallel_loop3A_1696, %parallel_loop3A_1707 : i32
        %parallel_loop3A_1709 = arith.index_cast %parallel_loop3A_1708 : i32 to index
        %parallel_loop3A_1710 = arith.constant 64 : index
        %parallel_loop3A_1711 = tpu.vector_load %arg4[%parallel_loop3A_1709, %parallel_loop3A_1710] {strides = array<i32>} : memref<328x128xf32, #tpu.memory_space<vmem>>, vector<1x16xf32>,
        %parallel_loop3A_1712 = vector.shape_cast %parallel_loop3A_1711 : vector<1x16xf32> to vector<16xf32>
        %parallel_loop3A_1713 = arith.select %lt3A_824, %parallel_loop3A_1706, %parallel_loop3A_1702 : vector<16xi1>, vector<16xf32>
        %parallel_loop3A_1714 = arith.select %lt3A_824, %parallel_loop3A_1712, %parallel_loop3A_1706 : vector<16xi1>, vector<16xf32>
        %parallel_loop3A_1715 = arith.minimumf %parallel_loop3A_1713, %parallel_loop3A_1714 : vector<16xf32>
        %parallel_loop3A_1716 = arith.index_cast %parallel_loop3A_1563 : i32 to index
        %parallel_loop3A_1717 = arith.constant 64 : index
        %parallel_loop3A_1718 = tpu.vector_load %arg6[%parallel_loop3A_1716, %parallel_loop3A_1717] {strides = array<i32>} : memref<256x128xf32, #tpu.memory_space<vmem>>, vector<1x16xf32>,
        %parallel_loop3A_1719 = vector.shape_cast %parallel_loop3A_1718 : vector<1x16xf32> to vector<16xf32>
        %parallel_loop3A_1720 = vector.shape_cast %parallel_loop3A_1715 : vector<16xf32> to vector<1x16xf32>
        tpu.vector_store %arg6[%parallel_loop3A_1716, %parallel_loop3A_1717], %parallel_loop3A_1720 {strides = array<i32>} : memref<256x128xf32, #tpu.memory_space<vmem>>, vector<1x16xf32>,
        %parallel_loop3A_1721 = arith.maximumf %parallel_loop3A_1713, %parallel_loop3A_1714 : vector<16xf32>
        %parallel_loop3A_1722 = arith.constant 1 : i32
        %parallel_loop3A_1723 = arith.addi %parallel_loop3A_1563, %parallel_loop3A_1722 : i32
        %parallel_loop3A_1724 = arith.index_cast %parallel_loop3A_1723 : i32 to index
        %parallel_loop3A_1725 = arith.constant 64 : index
        %parallel_loop3A_1726 = tpu.vector_load %arg6[%parallel_loop3A_1724, %parallel_loop3A_1725] {strides = array<i32>} : memref<256x128xf32, #tpu.memory_space<vmem>>, vector<1x16xf32>,
        %parallel_loop3A_1727 = vector.shape_cast %parallel_loop3A_1726 : vector<1x16xf32> to vector<16xf32>
        %parallel_loop3A_1728 = vector.shape_cast %parallel_loop3A_1721 : vector<16xf32> to vector<1x16xf32>
        tpu.vector_store %arg6[%parallel_loop3A_1724, %parallel_loop3A_1725], %parallel_loop3A_1728 {strides = array<i32>} : memref<256x128xf32, #tpu.memory_space<vmem>>, vector<1x16xf32>,
        %parallel_loop3A_1729 = arith.addi %sub3A_988, %parallel_loop3A_1563 : i32
        %parallel_loop3A_1730 = arith.constant 1 : i32
        %parallel_loop3A_1731 = arith.subi %parallel_loop3A_1729, %parallel_loop3A_1730 : i32
        %parallel_loop3A_1732 = arith.index_cast %parallel_loop3A_1731 : i32 to index
        %parallel_loop3A_1733 = arith.constant 80 : index
        %parallel_loop3A_1734 = tpu.vector_load %arg4[%parallel_loop3A_1732, %parallel_loop3A_1733] {strides = array<i32>} : memref<328x128xf32, #tpu.memory_space<vmem>>, vector<1x16xf32>,
        %parallel_loop3A_1735 = vector.shape_cast %parallel_loop3A_1734 : vector<1x16xf32> to vector<16xf32>
        %parallel_loop3A_1736 = arith.index_cast %parallel_loop3A_1729 : i32 to index
        %parallel_loop3A_1737 = arith.constant 80 : index
        %parallel_loop3A_1738 = tpu.vector_load %arg4[%parallel_loop3A_1736, %parallel_loop3A_1737] {strides = array<i32>} : memref<328x128xf32, #tpu.memory_space<vmem>>, vector<1x16xf32>,
        %parallel_loop3A_1739 = vector.shape_cast %parallel_loop3A_1738 : vector<1x16xf32> to vector<16xf32>
        %parallel_loop3A_1740 = arith.constant 1 : i32
        %parallel_loop3A_1741 = arith.addi %parallel_loop3A_1729, %parallel_loop3A_1740 : i32
        %parallel_loop3A_1742 = arith.index_cast %parallel_loop3A_1741 : i32 to index
        %parallel_loop3A_1743 = arith.constant 80 : index
        %parallel_loop3A_1744 = tpu.vector_load %arg4[%parallel_loop3A_1742, %parallel_loop3A_1743] {strides = array<i32>} : memref<328x128xf32, #tpu.memory_space<vmem>>, vector<1x16xf32>,
        %parallel_loop3A_1745 = vector.shape_cast %parallel_loop3A_1744 : vector<1x16xf32> to vector<16xf32>
        %parallel_loop3A_1746 = arith.select %lt3A_990, %parallel_loop3A_1739, %parallel_loop3A_1735 : vector<16xi1>, vector<16xf32>
        %parallel_loop3A_1747 = arith.select %lt3A_990, %parallel_loop3A_1745, %parallel_loop3A_1739 : vector<16xi1>, vector<16xf32>
        %parallel_loop3A_1748 = arith.minimumf %parallel_loop3A_1746, %parallel_loop3A_1747 : vector<16xf32>
        %parallel_loop3A_1749 = arith.index_cast %parallel_loop3A_1563 : i32 to index
        %parallel_loop3A_1750 = arith.constant 80 : index
        %parallel_loop3A_1751 = tpu.vector_load %arg6[%parallel_loop3A_1749, %parallel_loop3A_1750] {strides = array<i32>} : memref<256x128xf32, #tpu.memory_space<vmem>>, vector<1x16xf32>,
        %parallel_loop3A_1752 = vector.shape_cast %parallel_loop3A_1751 : vector<1x16xf32> to vector<16xf32>
        %parallel_loop3A_1753 = vector.shape_cast %parallel_loop3A_1748 : vector<16xf32> to vector<1x16xf32>
        tpu.vector_store %arg6[%parallel_loop3A_1749, %parallel_loop3A_1750], %parallel_loop3A_1753 {strides = array<i32>} : memref<256x128xf32, #tpu.memory_space<vmem>>, vector<1x16xf32>,
        %parallel_loop3A_1754 = arith.maximumf %parallel_loop3A_1746, %parallel_loop3A_1747 : vector<16xf32>
        %parallel_loop3A_1755 = arith.constant 1 : i32
        %parallel_loop3A_1756 = arith.addi %parallel_loop3A_1563, %parallel_loop3A_1755 : i32
        %parallel_loop3A_1757 = arith.index_cast %parallel_loop3A_1756 : i32 to index
        %parallel_loop3A_1758 = arith.constant 80 : index
        %parallel_loop3A_1759 = tpu.vector_load %arg6[%parallel_loop3A_1757, %parallel_loop3A_1758] {strides = array<i32>} : memref<256x128xf32, #tpu.memory_space<vmem>>, vector<1x16xf32>,
        %parallel_loop3A_1760 = vector.shape_cast %parallel_loop3A_1759 : vector<1x16xf32> to vector<16xf32>
        %parallel_loop3A_1761 = vector.shape_cast %parallel_loop3A_1754 : vector<16xf32> to vector<1x16xf32>
        tpu.vector_store %arg6[%parallel_loop3A_1757, %parallel_loop3A_1758], %parallel_loop3A_1761 {strides = array<i32>} : memref<256x128xf32, #tpu.memory_space<vmem>>, vector<1x16xf32>,
        %parallel_loop3A_1762 = arith.addi %sub3A_1154, %parallel_loop3A_1563 : i32
        %parallel_loop3A_1763 = arith.constant 1 : i32
        %parallel_loop3A_1764 = arith.subi %parallel_loop3A_1762, %parallel_loop3A_1763 : i32
        %parallel_loop3A_1765 = arith.index_cast %parallel_loop3A_1764 : i32 to index
        %parallel_loop3A_1766 = arith.constant 96 : index
        %parallel_loop3A_1767 = tpu.vector_load %arg4[%parallel_loop3A_1765, %parallel_loop3A_1766] {strides = array<i32>} : memref<328x128xf32, #tpu.memory_space<vmem>>, vector<1x16xf32>,
        %parallel_loop3A_1768 = vector.shape_cast %parallel_loop3A_1767 : vector<1x16xf32> to vector<16xf32>
        %parallel_loop3A_1769 = arith.index_cast %parallel_loop3A_1762 : i32 to index
        %parallel_loop3A_1770 = arith.constant 96 : index
        %parallel_loop3A_1771 = tpu.vector_load %arg4[%parallel_loop3A_1769, %parallel_loop3A_1770] {strides = array<i32>} : memref<328x128xf32, #tpu.memory_space<vmem>>, vector<1x16xf32>,
        %parallel_loop3A_1772 = vector.shape_cast %parallel_loop3A_1771 : vector<1x16xf32> to vector<16xf32>
        %parallel_loop3A_1773 = arith.constant 1 : i32
        %parallel_loop3A_1774 = arith.addi %parallel_loop3A_1762, %parallel_loop3A_1773 : i32
        %parallel_loop3A_1775 = arith.index_cast %parallel_loop3A_1774 : i32 to index
        %parallel_loop3A_1776 = arith.constant 96 : index
        %parallel_loop3A_1777 = tpu.vector_load %arg4[%parallel_loop3A_1775, %parallel_loop3A_1776] {strides = array<i32>} : memref<328x128xf32, #tpu.memory_space<vmem>>, vector<1x16xf32>,
        %parallel_loop3A_1778 = vector.shape_cast %parallel_loop3A_1777 : vector<1x16xf32> to vector<16xf32>
        %parallel_loop3A_1779 = arith.select %lt3A_1156, %parallel_loop3A_1772, %parallel_loop3A_1768 : vector<16xi1>, vector<16xf32>
        %parallel_loop3A_1780 = arith.select %lt3A_1156, %parallel_loop3A_1778, %parallel_loop3A_1772 : vector<16xi1>, vector<16xf32>
        %parallel_loop3A_1781 = arith.minimumf %parallel_loop3A_1779, %parallel_loop3A_1780 : vector<16xf32>
        %parallel_loop3A_1782 = arith.index_cast %parallel_loop3A_1563 : i32 to index
        %parallel_loop3A_1783 = arith.constant 96 : index
        %parallel_loop3A_1784 = tpu.vector_load %arg6[%parallel_loop3A_1782, %parallel_loop3A_1783] {strides = array<i32>} : memref<256x128xf32, #tpu.memory_space<vmem>>, vector<1x16xf32>,
        %parallel_loop3A_1785 = vector.shape_cast %parallel_loop3A_1784 : vector<1x16xf32> to vector<16xf32>
        %parallel_loop3A_1786 = vector.shape_cast %parallel_loop3A_1781 : vector<16xf32> to vector<1x16xf32>
        tpu.vector_store %arg6[%parallel_loop3A_1782, %parallel_loop3A_1783], %parallel_loop3A_1786 {strides = array<i32>} : memref<256x128xf32, #tpu.memory_space<vmem>>, vector<1x16xf32>,
        %parallel_loop3A_1787 = arith.maximumf %parallel_loop3A_1779, %parallel_loop3A_1780 : vector<16xf32>
        %parallel_loop3A_1788 = arith.constant 1 : i32
        %parallel_loop3A_1789 = arith.addi %parallel_loop3A_1563, %parallel_loop3A_1788 : i32
        %parallel_loop3A_1790 = arith.index_cast %parallel_loop3A_1789 : i32 to index
        %parallel_loop3A_1791 = arith.constant 96 : index
        %parallel_loop3A_1792 = tpu.vector_load %arg6[%parallel_loop3A_1790, %parallel_loop3A_1791] {strides = array<i32>} : memref<256x128xf32, #tpu.memory_space<vmem>>, vector<1x16xf32>,
        %parallel_loop3A_1793 = vector.shape_cast %parallel_loop3A_1792 : vector<1x16xf32> to vector<16xf32>
        %parallel_loop3A_1794 = vector.shape_cast %parallel_loop3A_1787 : vector<16xf32> to vector<1x16xf32>
        tpu.vector_store %arg6[%parallel_loop3A_1790, %parallel_loop3A_1791], %parallel_loop3A_1794 {strides = array<i32>} : memref<256x128xf32, #tpu.memory_space<vmem>>, vector<1x16xf32>,
        %parallel_loop3A_1795 = arith.addi %sub3A_1320, %parallel_loop3A_1563 : i32
        %parallel_loop3A_1796 = arith.constant 1 : i32
        %parallel_loop3A_1797 = arith.subi %parallel_loop3A_1795, %parallel_loop3A_1796 : i32
        %parallel_loop3A_1798 = arith.index_cast %parallel_loop3A_1797 : i32 to index
        %parallel_loop3A_1799 = arith.constant 112 : index
        %parallel_loop3A_1800 = tpu.vector_load %arg4[%parallel_loop3A_1798, %parallel_loop3A_1799] {strides = array<i32>} : memref<328x128xf32, #tpu.memory_space<vmem>>, vector<1x16xf32>,
        %parallel_loop3A_1801 = vector.shape_cast %parallel_loop3A_1800 : vector<1x16xf32> to vector<16xf32>
        %parallel_loop3A_1802 = arith.index_cast %parallel_loop3A_1795 : i32 to index
        %parallel_loop3A_1803 = arith.constant 112 : index
        %parallel_loop3A_1804 = tpu.vector_load %arg4[%parallel_loop3A_1802, %parallel_loop3A_1803] {strides = array<i32>} : memref<328x128xf32, #tpu.memory_space<vmem>>, vector<1x16xf32>,
        %parallel_loop3A_1805 = vector.shape_cast %parallel_loop3A_1804 : vector<1x16xf32> to vector<16xf32>
        %parallel_loop3A_1806 = arith.constant 1 : i32
        %parallel_loop3A_1807 = arith.addi %parallel_loop3A_1795, %parallel_loop3A_1806 : i32
        %parallel_loop3A_1808 = arith.index_cast %parallel_loop3A_1807 : i32 to index
        %parallel_loop3A_1809 = arith.constant 112 : index
        %parallel_loop3A_1810 = tpu.vector_load %arg4[%parallel_loop3A_1808, %parallel_loop3A_1809] {strides = array<i32>} : memref<328x128xf32, #tpu.memory_space<vmem>>, vector<1x16xf32>,
        %parallel_loop3A_1811 = vector.shape_cast %parallel_loop3A_1810 : vector<1x16xf32> to vector<16xf32>
        %parallel_loop3A_1812 = arith.select %lt3A_1322, %parallel_loop3A_1805, %parallel_loop3A_1801 : vector<16xi1>, vector<16xf32>
        %parallel_loop3A_1813 = arith.select %lt3A_1322, %parallel_loop3A_1811, %parallel_loop3A_1805 : vector<16xi1>, vector<16xf32>
        %parallel_loop3A_1814 = arith.minimumf %parallel_loop3A_1812, %parallel_loop3A_1813 : vector<16xf32>
        %parallel_loop3A_1815 = arith.index_cast %parallel_loop3A_1563 : i32 to index
        %parallel_loop3A_1816 = arith.constant 112 : index
        %parallel_loop3A_1817 = tpu.vector_load %arg6[%parallel_loop3A_1815, %parallel_loop3A_1816] {strides = array<i32>} : memref<256x128xf32, #tpu.memory_space<vmem>>, vector<1x16xf32>,
        %parallel_loop3A_1818 = vector.shape_cast %parallel_loop3A_1817 : vector<1x16xf32> to vector<16xf32>
        %parallel_loop3A_1819 = vector.shape_cast %parallel_loop3A_1814 : vector<16xf32> to vector<1x16xf32>
        tpu.vector_store %arg6[%parallel_loop3A_1815, %parallel_loop3A_1816], %parallel_loop3A_1819 {strides = array<i32>} : memref<256x128xf32, #tpu.memory_space<vmem>>, vector<1x16xf32>,
        %parallel_loop3A_1820 = arith.maximumf %parallel_loop3A_1812, %parallel_loop3A_1813 : vector<16xf32>
        %parallel_loop3A_1821 = arith.constant 1 : i32
        %parallel_loop3A_1822 = arith.addi %parallel_loop3A_1563, %parallel_loop3A_1821 : i32
        %parallel_loop3A_1823 = arith.index_cast %parallel_loop3A_1822 : i32 to index
        %parallel_loop3A_1824 = arith.constant 112 : index
        %parallel_loop3A_1825 = tpu.vector_load %arg6[%parallel_loop3A_1823, %parallel_loop3A_1824] {strides = array<i32>} : memref<256x128xf32, #tpu.memory_space<vmem>>, vector<1x16xf32>,
        %parallel_loop3A_1826 = vector.shape_cast %parallel_loop3A_1825 : vector<1x16xf32> to vector<16xf32>
        %parallel_loop3A_1827 = vector.shape_cast %parallel_loop3A_1820 : vector<16xf32> to vector<1x16xf32>
        tpu.vector_store %arg6[%parallel_loop3A_1823, %parallel_loop3A_1824], %parallel_loop3A_1827 {strides = array<i32>} : memref<256x128xf32, #tpu.memory_space<vmem>>, vector<1x16xf32>,
      } {sc.loop_unroll_factor = 8 : i64, sc.parallel_access}
      %dma_start3A = arith.constant 0 : i32
      %dma_start3A_1461 = arith.constant 0 : i32
      %dma_start3A_1462 = tpu.memref_slice %arg6[%dma_start3A, %dma_start3A_1461] : memref<256x128xf32, #tpu.memory_space<vmem>> -> memref<128x128xf32, #tpu.memory_space<vmem>>
      %dma_start3A_1463 = tpu.memref_slice %arg3[%shift_right_logical3A_1451, %add3A_1458, %mul3A_0] : memref<4x4096x2048xf32, #tpu.memory_space<hbm>> -> memref<1x128x128xf32, #tpu.memory_space<hbm>>
      %dma_start3A_1464 = tpu.memref_squeeze %dma_start3A_1463 : memref<1x128x128xf32, #tpu.memory_space<hbm>> -> memref<128x128xf32, #tpu.memory_space<hbm>>
      %dma_start3A_1465 = tpu.memref_slice %arg3[%shift_right_logical3A_1451, %add3A_1458, %mul3A_0] : memref<4x4096x2048xf32, #tpu.memory_space<hbm>> -> memref<1x128x128xf32, #tpu.memory_space<hbm>>
      %dma_start3A_1466 = tpu.memref_squeeze %dma_start3A_1465 : memref<1x128x128xf32, #tpu.memory_space<hbm>> -> memref<128x128xf32, #tpu.memory_space<hbm>>
      %dma_start3A_1467 = arith.constant 0 : i32
      %dma_start3A_1468 = arith.constant 0 : i32
      %dma_start3A_1469 = tpu.memref_slice %arg6[%dma_start3A_1467, %dma_start3A_1468] : memref<256x128xf32, #tpu.memory_space<vmem>> -> memref<128x128xf32, #tpu.memory_space<vmem>>
      tpu.enqueue_dma source(%dma_start3A_1469 : memref<128x128xf32, #tpu.memory_space<vmem>>) target(%dma_start3A_1466 : memref<128x128xf32, #tpu.memory_space<hbm>>) target_semaphore(%arg9 : memref<!tpu.dma_semaphore, #tpu.memory_space<semaphore_mem>>)
      %parallel_loop3A_1470 = arith.constant 0 : i32
      %parallel_loop3A_1471 = arith.constant 64 : i32
      %parallel_loop3A_1472 = arith.constant 1 : i32
      scf.for %parallel_loop3A_1559 = %parallel_loop3A_1470 to %parallel_loop3A_1471 step %parallel_loop3A_1472  : i32 {
        %parallel_loop3A_1560 = arith.constant 2 : i32
        %parallel_loop3A_1561 = arith.muli %parallel_loop3A_1559, %parallel_loop3A_1560 : i32
        %parallel_loop3A_1562 = arith.constant 128 : i32
        %parallel_loop3A_1563 = arith.addi %parallel_loop3A_1562, %parallel_loop3A_1561 : i32
        %parallel_loop3A_1564 = arith.addi %sub3A_159, %parallel_loop3A_1563 : i32
        %parallel_loop3A_1565 = arith.constant 1 : i32
        %parallel_loop3A_1566 = arith.subi %parallel_loop3A_1564, %parallel_loop3A_1565 : i32
        %parallel_loop3A_1567 = arith.index_cast %parallel_loop3A_1566 : i32 to index
        %parallel_loop3A_1568 = arith.constant 0 : index
        %parallel_loop3A_1569 = tpu.vector_load %arg4[%parallel_loop3A_1567, %parallel_loop3A_1568] {strides = array<i32>} : memref<328x128xf32, #tpu.memory_space<vmem>>, vector<1x16xf32>,
        %parallel_loop3A_1570 = vector.shape_cast %parallel_loop3A_1569 : vector<1x16xf32> to vector<16xf32>
        %parallel_loop3A_1571 = arith.index_cast %parallel_loop3A_1564 : i32 to index
        %parallel_loop3A_1572 = arith.constant 0 : index
        %parallel_loop3A_1573 = tpu.vector_load %arg4[%parallel_loop3A_1571, %parallel_loop3A_1572] {strides = array<i32>} : memref<328x128xf32, #tpu.memory_space<vmem>>, vector<1x16xf32>,
        %parallel_loop3A_1574 = vector.shape_cast %parallel_loop3A_1573 : vector<1x16xf32> to vector<16xf32>
        %parallel_loop3A_1575 = arith.constant 1 : i32
        %parallel_loop3A_1576 = arith.addi %parallel_loop3A_1564, %parallel_loop3A_1575 : i32
        %parallel_loop3A_1577 = arith.index_cast %parallel_loop3A_1576 : i32 to index
        %parallel_loop3A_1578 = arith.constant 0 : index
        %parallel_loop3A_1579 = tpu.vector_load %arg4[%parallel_loop3A_1577, %parallel_loop3A_1578] {strides = array<i32>} : memref<328x128xf32, #tpu.memory_space<vmem>>, vector<1x16xf32>,
        %parallel_loop3A_1580 = vector.shape_cast %parallel_loop3A_1579 : vector<1x16xf32> to vector<16xf32>
        %parallel_loop3A_1581 = arith.select %lt3A_160, %parallel_loop3A_1574, %parallel_loop3A_1570 : vector<16xi1>, vector<16xf32>
        %parallel_loop3A_1582 = arith.select %lt3A_160, %parallel_loop3A_1580, %parallel_loop3A_1574 : vector<16xi1>, vector<16xf32>
        %parallel_loop3A_1583 = arith.minimumf %parallel_loop3A_1581, %parallel_loop3A_1582 : vector<16xf32>
        %parallel_loop3A_1584 = arith.index_cast %parallel_loop3A_1563 : i32 to index
        %parallel_loop3A_1585 = arith.constant 0 : index
        %parallel_loop3A_1586 = tpu.vector_load %arg6[%parallel_loop3A_1584, %parallel_loop3A_1585] {strides = array<i32>} : memref<256x128xf32, #tpu.memory_space<vmem>>, vector<1x16xf32>,
        %parallel_loop3A_1587 = vector.shape_cast %parallel_loop3A_1586 : vector<1x16xf32> to vector<16xf32>
        %parallel_loop3A_1588 = vector.shape_cast %parallel_loop3A_1583 : vector<16xf32> to vector<1x16xf32>
        tpu.vector_store %arg6[%parallel_loop3A_1584, %parallel_loop3A_1585], %parallel_loop3A_1588 {strides = array<i32>} : memref<256x128xf32, #tpu.memory_space<vmem>>, vector<1x16xf32>,
        %parallel_loop3A_1589 = arith.maximumf %parallel_loop3A_1581, %parallel_loop3A_1582 : vector<16xf32>
        %parallel_loop3A_1590 = arith.constant 1 : i32
        %parallel_loop3A_1591 = arith.addi %parallel_loop3A_1563, %parallel_loop3A_1590 : i32
        %parallel_loop3A_1592 = arith.index_cast %parallel_loop3A_1591 : i32 to index
        %parallel_loop3A_1593 = arith.constant 0 : index
        %parallel_loop3A_1594 = tpu.vector_load %arg6[%parallel_loop3A_1592, %parallel_loop3A_1593] {strides = array<i32>} : memref<256x128xf32, #tpu.memory_space<vmem>>, vector<1x16xf32>,
        %parallel_loop3A_1595 = vector.shape_cast %parallel_loop3A_1594 : vector<1x16xf32> to vector<16xf32>
        %parallel_loop3A_1596 = vector.shape_cast %parallel_loop3A_1589 : vector<16xf32> to vector<1x16xf32>
        tpu.vector_store %arg6[%parallel_loop3A_1592, %parallel_loop3A_1593], %parallel_loop3A_1596 {strides = array<i32>} : memref<256x128xf32, #tpu.memory_space<vmem>>, vector<1x16xf32>,
        %parallel_loop3A_1597 = arith.addi %sub3A_324, %parallel_loop3A_1563 : i32
        %parallel_loop3A_1598 = arith.constant 1 : i32
        %parallel_loop3A_1599 = arith.subi %parallel_loop3A_1597, %parallel_loop3A_1598 : i32
        %parallel_loop3A_1600 = arith.index_cast %parallel_loop3A_1599 : i32 to index
        %parallel_loop3A_1601 = arith.constant 16 : index
        %parallel_loop3A_1602 = tpu.vector_load %arg4[%parallel_loop3A_1600, %parallel_loop3A_1601] {strides = array<i32>} : memref<328x128xf32, #tpu.memory_space<vmem>>, vector<1x16xf32>,
        %parallel_loop3A_1603 = vector.shape_cast %parallel_loop3A_1602 : vector<1x16xf32> to vector<16xf32>
        %parallel_loop3A_1604 = arith.index_cast %parallel_loop3A_1597 : i32 to index
        %parallel_loop3A_1605 = arith.constant 16 : index
        %parallel_loop3A_1606 = tpu.vector_load %arg4[%parallel_loop3A_1604, %parallel_loop3A_1605] {strides = array<i32>} : memref<328x128xf32, #tpu.memory_space<vmem>>, vector<1x16xf32>,
        %parallel_loop3A_1607 = vector.shape_cast %parallel_loop3A_1606 : vector<1x16xf32> to vector<16xf32>
        %parallel_loop3A_1608 = arith.constant 1 : i32
        %parallel_loop3A_1609 = arith.addi %parallel_loop3A_1597, %parallel_loop3A_1608 : i32
        %parallel_loop3A_1610 = arith.index_cast %parallel_loop3A_1609 : i32 to index
        %parallel_loop3A_1611 = arith.constant 16 : index
        %parallel_loop3A_1612 = tpu.vector_load %arg4[%parallel_loop3A_1610, %parallel_loop3A_1611] {strides = array<i32>} : memref<328x128xf32, #tpu.memory_space<vmem>>, vector<1x16xf32>,
        %parallel_loop3A_1613 = vector.shape_cast %parallel_loop3A_1612 : vector<1x16xf32> to vector<16xf32>
        %parallel_loop3A_1614 = arith.select %lt3A_326, %parallel_loop3A_1607, %parallel_loop3A_1603 : vector<16xi1>, vector<16xf32>
        %parallel_loop3A_1615 = arith.select %lt3A_326, %parallel_loop3A_1613, %parallel_loop3A_1607 : vector<16xi1>, vector<16xf32>
        %parallel_loop3A_1616 = arith.minimumf %parallel_loop3A_1614, %parallel_loop3A_1615 : vector<16xf32>
        %parallel_loop3A_1617 = arith.index_cast %parallel_loop3A_1563 : i32 to index
        %parallel_loop3A_1618 = arith.constant 16 : index
        %parallel_loop3A_1619 = tpu.vector_load %arg6[%parallel_loop3A_1617, %parallel_loop3A_1618] {strides = array<i32>} : memref<256x128xf32, #tpu.memory_space<vmem>>, vector<1x16xf32>,
        %parallel_loop3A_1620 = vector.shape_cast %parallel_loop3A_1619 : vector<1x16xf32> to vector<16xf32>
        %parallel_loop3A_1621 = vector.shape_cast %parallel_loop3A_1616 : vector<16xf32> to vector<1x16xf32>
        tpu.vector_store %arg6[%parallel_loop3A_1617, %parallel_loop3A_1618], %parallel_loop3A_1621 {strides = array<i32>} : memref<256x128xf32, #tpu.memory_space<vmem>>, vector<1x16xf32>,
        %parallel_loop3A_1622 = arith.maximumf %parallel_loop3A_1614, %parallel_loop3A_1615 : vector<16xf32>
        %parallel_loop3A_1623 = arith.constant 1 : i32
        %parallel_loop3A_1624 = arith.addi %parallel_loop3A_1563, %parallel_loop3A_1623 : i32
        %parallel_loop3A_1625 = arith.index_cast %parallel_loop3A_1624 : i32 to index
        %parallel_loop3A_1626 = arith.constant 16 : index
        %parallel_loop3A_1627 = tpu.vector_load %arg6[%parallel_loop3A_1625, %parallel_loop3A_1626] {strides = array<i32>} : memref<256x128xf32, #tpu.memory_space<vmem>>, vector<1x16xf32>,
        %parallel_loop3A_1628 = vector.shape_cast %parallel_loop3A_1627 : vector<1x16xf32> to vector<16xf32>
        %parallel_loop3A_1629 = vector.shape_cast %parallel_loop3A_1622 : vector<16xf32> to vector<1x16xf32>
        tpu.vector_store %arg6[%parallel_loop3A_1625, %parallel_loop3A_1626], %parallel_loop3A_1629 {strides = array<i32>} : memref<256x128xf32, #tpu.memory_space<vmem>>, vector<1x16xf32>,
        %parallel_loop3A_1630 = arith.addi %sub3A_490, %parallel_loop3A_1563 : i32
        %parallel_loop3A_1631 = arith.constant 1 : i32
        %parallel_loop3A_1632 = arith.subi %parallel_loop3A_1630, %parallel_loop3A_1631 : i32
        %parallel_loop3A_1633 = arith.index_cast %parallel_loop3A_1632 : i32 to index
        %parallel_loop3A_1634 = arith.constant 32 : index
        %parallel_loop3A_1635 = tpu.vector_load %arg4[%parallel_loop3A_1633, %parallel_loop3A_1634] {strides = array<i32>} : memref<328x128xf32, #tpu.memory_space<vmem>>, vector<1x16xf32>,
        %parallel_loop3A_1636 = vector.shape_cast %parallel_loop3A_1635 : vector<1x16xf32> to vector<16xf32>
        %parallel_loop3A_1637 = arith.index_cast %parallel_loop3A_1630 : i32 to index
        %parallel_loop3A_1638 = arith.constant 32 : index
        %parallel_loop3A_1639 = tpu.vector_load %arg4[%parallel_loop3A_1637, %parallel_loop3A_1638] {strides = array<i32>} : memref<328x128xf32, #tpu.memory_space<vmem>>, vector<1x16xf32>,
        %parallel_loop3A_1640 = vector.shape_cast %parallel_loop3A_1639 : vector<1x16xf32> to vector<16xf32>
        %parallel_loop3A_1641 = arith.constant 1 : i32
        %parallel_loop3A_1642 = arith.addi %parallel_loop3A_1630, %parallel_loop3A_1641 : i32
        %parallel_loop3A_1643 = arith.index_cast %parallel_loop3A_1642 : i32 to index
        %parallel_loop3A_1644 = arith.constant 32 : index
        %parallel_loop3A_1645 = tpu.vector_load %arg4[%parallel_loop3A_1643, %parallel_loop3A_1644] {strides = array<i32>} : memref<328x128xf32, #tpu.memory_space<vmem>>, vector<1x16xf32>,
        %parallel_loop3A_1646 = vector.shape_cast %parallel_loop3A_1645 : vector<1x16xf32> to vector<16xf32>
        %parallel_loop3A_1647 = arith.select %lt3A_492, %parallel_loop3A_1640, %parallel_loop3A_1636 : vector<16xi1>, vector<16xf32>
        %parallel_loop3A_1648 = arith.select %lt3A_492, %parallel_loop3A_1646, %parallel_loop3A_1640 : vector<16xi1>, vector<16xf32>
        %parallel_loop3A_1649 = arith.minimumf %parallel_loop3A_1647, %parallel_loop3A_1648 : vector<16xf32>
        %parallel_loop3A_1650 = arith.index_cast %parallel_loop3A_1563 : i32 to index
        %parallel_loop3A_1651 = arith.constant 32 : index
        %parallel_loop3A_1652 = tpu.vector_load %arg6[%parallel_loop3A_1650, %parallel_loop3A_1651] {strides = array<i32>} : memref<256x128xf32, #tpu.memory_space<vmem>>, vector<1x16xf32>,
        %parallel_loop3A_1653 = vector.shape_cast %parallel_loop3A_1652 : vector<1x16xf32> to vector<16xf32>
        %parallel_loop3A_1654 = vector.shape_cast %parallel_loop3A_1649 : vector<16xf32> to vector<1x16xf32>
        tpu.vector_store %arg6[%parallel_loop3A_1650, %parallel_loop3A_1651], %parallel_loop3A_1654 {strides = array<i32>} : memref<256x128xf32, #tpu.memory_space<vmem>>, vector<1x16xf32>,
        %parallel_loop3A_1655 = arith.maximumf %parallel_loop3A_1647, %parallel_loop3A_1648 : vector<16xf32>
        %parallel_loop3A_1656 = arith.constant 1 : i32
        %parallel_loop3A_1657 = arith.addi %parallel_loop3A_1563, %parallel_loop3A_1656 : i32
        %parallel_loop3A_1658 = arith.index_cast %parallel_loop3A_1657 : i32 to index
        %parallel_loop3A_1659 = arith.constant 32 : index
        %parallel_loop3A_1660 = tpu.vector_load %arg6[%parallel_loop3A_1658, %parallel_loop3A_1659] {strides = array<i32>} : memref<256x128xf32, #tpu.memory_space<vmem>>, vector<1x16xf32>,
        %parallel_loop3A_1661 = vector.shape_cast %parallel_loop3A_1660 : vector<1x16xf32> to vector<16xf32>
        %parallel_loop3A_1662 = vector.shape_cast %parallel_loop3A_1655 : vector<16xf32> to vector<1x16xf32>
        tpu.vector_store %arg6[%parallel_loop3A_1658, %parallel_loop3A_1659], %parallel_loop3A_1662 {strides = array<i32>} : memref<256x128xf32, #tpu.memory_space<vmem>>, vector<1x16xf32>,
        %parallel_loop3A_1663 = arith.addi %sub3A_656, %parallel_loop3A_1563 : i32
        %parallel_loop3A_1664 = arith.constant 1 : i32
        %parallel_loop3A_1665 = arith.subi %parallel_loop3A_1663, %parallel_loop3A_1664 : i32
        %parallel_loop3A_1666 = arith.index_cast %parallel_loop3A_1665 : i32 to index
        %parallel_loop3A_1667 = arith.constant 48 : index
        %parallel_loop3A_1668 = tpu.vector_load %arg4[%parallel_loop3A_1666, %parallel_loop3A_1667] {strides = array<i32>} : memref<328x128xf32, #tpu.memory_space<vmem>>, vector<1x16xf32>,
        %parallel_loop3A_1669 = vector.shape_cast %parallel_loop3A_1668 : vector<1x16xf32> to vector<16xf32>
        %parallel_loop3A_1670 = arith.index_cast %parallel_loop3A_1663 : i32 to index
        %parallel_loop3A_1671 = arith.constant 48 : index
        %parallel_loop3A_1672 = tpu.vector_load %arg4[%parallel_loop3A_1670, %parallel_loop3A_1671] {strides = array<i32>} : memref<328x128xf32, #tpu.memory_space<vmem>>, vector<1x16xf32>,
        %parallel_loop3A_1673 = vector.shape_cast %parallel_loop3A_1672 : vector<1x16xf32> to vector<16xf32>
        %parallel_loop3A_1674 = arith.constant 1 : i32
        %parallel_loop3A_1675 = arith.addi %parallel_loop3A_1663, %parallel_loop3A_1674 : i32
        %parallel_loop3A_1676 = arith.index_cast %parallel_loop3A_1675 : i32 to index
        %parallel_loop3A_1677 = arith.constant 48 : index
        %parallel_loop3A_1678 = tpu.vector_load %arg4[%parallel_loop3A_1676, %parallel_loop3A_1677] {strides = array<i32>} : memref<328x128xf32, #tpu.memory_space<vmem>>, vector<1x16xf32>,
        %parallel_loop3A_1679 = vector.shape_cast %parallel_loop3A_1678 : vector<1x16xf32> to vector<16xf32>
        %parallel_loop3A_1680 = arith.select %lt3A_658, %parallel_loop3A_1673, %parallel_loop3A_1669 : vector<16xi1>, vector<16xf32>
        %parallel_loop3A_1681 = arith.select %lt3A_658, %parallel_loop3A_1679, %parallel_loop3A_1673 : vector<16xi1>, vector<16xf32>
        %parallel_loop3A_1682 = arith.minimumf %parallel_loop3A_1680, %parallel_loop3A_1681 : vector<16xf32>
        %parallel_loop3A_1683 = arith.index_cast %parallel_loop3A_1563 : i32 to index
        %parallel_loop3A_1684 = arith.constant 48 : index
        %parallel_loop3A_1685 = tpu.vector_load %arg6[%parallel_loop3A_1683, %parallel_loop3A_1684] {strides = array<i32>} : memref<256x128xf32, #tpu.memory_space<vmem>>, vector<1x16xf32>,
        %parallel_loop3A_1686 = vector.shape_cast %parallel_loop3A_1685 : vector<1x16xf32> to vector<16xf32>
        %parallel_loop3A_1687 = vector.shape_cast %parallel_loop3A_1682 : vector<16xf32> to vector<1x16xf32>
        tpu.vector_store %arg6[%parallel_loop3A_1683, %parallel_loop3A_1684], %parallel_loop3A_1687 {strides = array<i32>} : memref<256x128xf32, #tpu.memory_space<vmem>>, vector<1x16xf32>,
        %parallel_loop3A_1688 = arith.maximumf %parallel_loop3A_1680, %parallel_loop3A_1681 : vector<16xf32>
        %parallel_loop3A_1689 = arith.constant 1 : i32
        %parallel_loop3A_1690 = arith.addi %parallel_loop3A_1563, %parallel_loop3A_1689 : i32
        %parallel_loop3A_1691 = arith.index_cast %parallel_loop3A_1690 : i32 to index
        %parallel_loop3A_1692 = arith.constant 48 : index
        %parallel_loop3A_1693 = tpu.vector_load %arg6[%parallel_loop3A_1691, %parallel_loop3A_1692] {strides = array<i32>} : memref<256x128xf32, #tpu.memory_space<vmem>>, vector<1x16xf32>,
        %parallel_loop3A_1694 = vector.shape_cast %parallel_loop3A_1693 : vector<1x16xf32> to vector<16xf32>
        %parallel_loop3A_1695 = vector.shape_cast %parallel_loop3A_1688 : vector<16xf32> to vector<1x16xf32>
        tpu.vector_store %arg6[%parallel_loop3A_1691, %parallel_loop3A_1692], %parallel_loop3A_1695 {strides = array<i32>} : memref<256x128xf32, #tpu.memory_space<vmem>>, vector<1x16xf32>,
        %parallel_loop3A_1696 = arith.addi %sub3A_822, %parallel_loop3A_1563 : i32
        %parallel_loop3A_1697 = arith.constant 1 : i32
        %parallel_loop3A_1698 = arith.subi %parallel_loop3A_1696, %parallel_loop3A_1697 : i32
        %parallel_loop3A_1699 = arith.index_cast %parallel_loop3A_1698 : i32 to index
        %parallel_loop3A_1700 = arith.constant 64 : index
        %parallel_loop3A_1701 = tpu.vector_load %arg4[%parallel_loop3A_1699, %parallel_loop3A_1700] {strides = array<i32>} : memref<328x128xf32, #tpu.memory_space<vmem>>, vector<1x16xf32>,
        %parallel_loop3A_1702 = vector.shape_cast %parallel_loop3A_1701 : vector<1x16xf32> to vector<16xf32>
        %parallel_loop3A_1703 = arith.index_cast %parallel_loop3A_1696 : i32 to index
        %parallel_loop3A_1704 = arith.constant 64 : index
        %parallel_loop3A_1705 = tpu.vector_load %arg4[%parallel_loop3A_1703, %parallel_loop3A_1704] {strides = array<i32>} : memref<328x128xf32, #tpu.memory_space<vmem>>, vector<1x16xf32>,
        %parallel_loop3A_1706 = vector.shape_cast %parallel_loop3A_1705 : vector<1x16xf32> to vector<16xf32>
        %parallel_loop3A_1707 = arith.constant 1 : i32
        %parallel_loop3A_1708 = arith.addi %parallel_loop3A_1696, %parallel_loop3A_1707 : i32
        %parallel_loop3A_1709 = arith.index_cast %parallel_loop3A_1708 : i32 to index
        %parallel_loop3A_1710 = arith.constant 64 : index
        %parallel_loop3A_1711 = tpu.vector_load %arg4[%parallel_loop3A_1709, %parallel_loop3A_1710] {strides = array<i32>} : memref<328x128xf32, #tpu.memory_space<vmem>>, vector<1x16xf32>,
        %parallel_loop3A_1712 = vector.shape_cast %parallel_loop3A_1711 : vector<1x16xf32> to vector<16xf32>
        %parallel_loop3A_1713 = arith.select %lt3A_824, %parallel_loop3A_1706, %parallel_loop3A_1702 : vector<16xi1>, vector<16xf32>
        %parallel_loop3A_1714 = arith.select %lt3A_824, %parallel_loop3A_1712, %parallel_loop3A_1706 : vector<16xi1>, vector<16xf32>
        %parallel_loop3A_1715 = arith.minimumf %parallel_loop3A_1713, %parallel_loop3A_1714 : vector<16xf32>
        %parallel_loop3A_1716 = arith.index_cast %parallel_loop3A_1563 : i32 to index
        %parallel_loop3A_1717 = arith.constant 64 : index
        %parallel_loop3A_1718 = tpu.vector_load %arg6[%parallel_loop3A_1716, %parallel_loop3A_1717] {strides = array<i32>} : memref<256x128xf32, #tpu.memory_space<vmem>>, vector<1x16xf32>,
        %parallel_loop3A_1719 = vector.shape_cast %parallel_loop3A_1718 : vector<1x16xf32> to vector<16xf32>
        %parallel_loop3A_1720 = vector.shape_cast %parallel_loop3A_1715 : vector<16xf32> to vector<1x16xf32>
        tpu.vector_store %arg6[%parallel_loop3A_1716, %parallel_loop3A_1717], %parallel_loop3A_1720 {strides = array<i32>} : memref<256x128xf32, #tpu.memory_space<vmem>>, vector<1x16xf32>,
        %parallel_loop3A_1721 = arith.maximumf %parallel_loop3A_1713, %parallel_loop3A_1714 : vector<16xf32>
        %parallel_loop3A_1722 = arith.constant 1 : i32
        %parallel_loop3A_1723 = arith.addi %parallel_loop3A_1563, %parallel_loop3A_1722 : i32
        %parallel_loop3A_1724 = arith.index_cast %parallel_loop3A_1723 : i32 to index
        %parallel_loop3A_1725 = arith.constant 64 : index
        %parallel_loop3A_1726 = tpu.vector_load %arg6[%parallel_loop3A_1724, %parallel_loop3A_1725] {strides = array<i32>} : memref<256x128xf32, #tpu.memory_space<vmem>>, vector<1x16xf32>,
        %parallel_loop3A_1727 = vector.shape_cast %parallel_loop3A_1726 : vector<1x16xf32> to vector<16xf32>
        %parallel_loop3A_1728 = vector.shape_cast %parallel_loop3A_1721 : vector<16xf32> to vector<1x16xf32>
        tpu.vector_store %arg6[%parallel_loop3A_1724, %parallel_loop3A_1725], %parallel_loop3A_1728 {strides = array<i32>} : memref<256x128xf32, #tpu.memory_space<vmem>>, vector<1x16xf32>,
        %parallel_loop3A_1729 = arith.addi %sub3A_988, %parallel_loop3A_1563 : i32
        %parallel_loop3A_1730 = arith.constant 1 : i32
        %parallel_loop3A_1731 = arith.subi %parallel_loop3A_1729, %parallel_loop3A_1730 : i32
        %parallel_loop3A_1732 = arith.index_cast %parallel_loop3A_1731 : i32 to index
        %parallel_loop3A_1733 = arith.constant 80 : index
        %parallel_loop3A_1734 = tpu.vector_load %arg4[%parallel_loop3A_1732, %parallel_loop3A_1733] {strides = array<i32>} : memref<328x128xf32, #tpu.memory_space<vmem>>, vector<1x16xf32>,
        %parallel_loop3A_1735 = vector.shape_cast %parallel_loop3A_1734 : vector<1x16xf32> to vector<16xf32>
        %parallel_loop3A_1736 = arith.index_cast %parallel_loop3A_1729 : i32 to index
        %parallel_loop3A_1737 = arith.constant 80 : index
        %parallel_loop3A_1738 = tpu.vector_load %arg4[%parallel_loop3A_1736, %parallel_loop3A_1737] {strides = array<i32>} : memref<328x128xf32, #tpu.memory_space<vmem>>, vector<1x16xf32>,
        %parallel_loop3A_1739 = vector.shape_cast %parallel_loop3A_1738 : vector<1x16xf32> to vector<16xf32>
        %parallel_loop3A_1740 = arith.constant 1 : i32
        %parallel_loop3A_1741 = arith.addi %parallel_loop3A_1729, %parallel_loop3A_1740 : i32
        %parallel_loop3A_1742 = arith.index_cast %parallel_loop3A_1741 : i32 to index
        %parallel_loop3A_1743 = arith.constant 80 : index
        %parallel_loop3A_1744 = tpu.vector_load %arg4[%parallel_loop3A_1742, %parallel_loop3A_1743] {strides = array<i32>} : memref<328x128xf32, #tpu.memory_space<vmem>>, vector<1x16xf32>,
        %parallel_loop3A_1745 = vector.shape_cast %parallel_loop3A_1744 : vector<1x16xf32> to vector<16xf32>
        %parallel_loop3A_1746 = arith.select %lt3A_990, %parallel_loop3A_1739, %parallel_loop3A_1735 : vector<16xi1>, vector<16xf32>
        %parallel_loop3A_1747 = arith.select %lt3A_990, %parallel_loop3A_1745, %parallel_loop3A_1739 : vector<16xi1>, vector<16xf32>
        %parallel_loop3A_1748 = arith.minimumf %parallel_loop3A_1746, %parallel_loop3A_1747 : vector<16xf32>
        %parallel_loop3A_1749 = arith.index_cast %parallel_loop3A_1563 : i32 to index
        %parallel_loop3A_1750 = arith.constant 80 : index
        %parallel_loop3A_1751 = tpu.vector_load %arg6[%parallel_loop3A_1749, %parallel_loop3A_1750] {strides = array<i32>} : memref<256x128xf32, #tpu.memory_space<vmem>>, vector<1x16xf32>,
        %parallel_loop3A_1752 = vector.shape_cast %parallel_loop3A_1751 : vector<1x16xf32> to vector<16xf32>
        %parallel_loop3A_1753 = vector.shape_cast %parallel_loop3A_1748 : vector<16xf32> to vector<1x16xf32>
        tpu.vector_store %arg6[%parallel_loop3A_1749, %parallel_loop3A_1750], %parallel_loop3A_1753 {strides = array<i32>} : memref<256x128xf32, #tpu.memory_space<vmem>>, vector<1x16xf32>,
        %parallel_loop3A_1754 = arith.maximumf %parallel_loop3A_1746, %parallel_loop3A_1747 : vector<16xf32>
        %parallel_loop3A_1755 = arith.constant 1 : i32
        %parallel_loop3A_1756 = arith.addi %parallel_loop3A_1563, %parallel_loop3A_1755 : i32
        %parallel_loop3A_1757 = arith.index_cast %parallel_loop3A_1756 : i32 to index
        %parallel_loop3A_1758 = arith.constant 80 : index
        %parallel_loop3A_1759 = tpu.vector_load %arg6[%parallel_loop3A_1757, %parallel_loop3A_1758] {strides = array<i32>} : memref<256x128xf32, #tpu.memory_space<vmem>>, vector<1x16xf32>,
        %parallel_loop3A_1760 = vector.shape_cast %parallel_loop3A_1759 : vector<1x16xf32> to vector<16xf32>
        %parallel_loop3A_1761 = vector.shape_cast %parallel_loop3A_1754 : vector<16xf32> to vector<1x16xf32>
        tpu.vector_store %arg6[%parallel_loop3A_1757, %parallel_loop3A_1758], %parallel_loop3A_1761 {strides = array<i32>} : memref<256x128xf32, #tpu.memory_space<vmem>>, vector<1x16xf32>,
        %parallel_loop3A_1762 = arith.addi %sub3A_1154, %parallel_loop3A_1563 : i32
        %parallel_loop3A_1763 = arith.constant 1 : i32
        %parallel_loop3A_1764 = arith.subi %parallel_loop3A_1762, %parallel_loop3A_1763 : i32
        %parallel_loop3A_1765 = arith.index_cast %parallel_loop3A_1764 : i32 to index
        %parallel_loop3A_1766 = arith.constant 96 : index
        %parallel_loop3A_1767 = tpu.vector_load %arg4[%parallel_loop3A_1765, %parallel_loop3A_1766] {strides = array<i32>} : memref<328x128xf32, #tpu.memory_space<vmem>>, vector<1x16xf32>,
        %parallel_loop3A_1768 = vector.shape_cast %parallel_loop3A_1767 : vector<1x16xf32> to vector<16xf32>
        %parallel_loop3A_1769 = arith.index_cast %parallel_loop3A_1762 : i32 to index
        %parallel_loop3A_1770 = arith.constant 96 : index
        %parallel_loop3A_1771 = tpu.vector_load %arg4[%parallel_loop3A_1769, %parallel_loop3A_1770] {strides = array<i32>} : memref<328x128xf32, #tpu.memory_space<vmem>>, vector<1x16xf32>,
        %parallel_loop3A_1772 = vector.shape_cast %parallel_loop3A_1771 : vector<1x16xf32> to vector<16xf32>
        %parallel_loop3A_1773 = arith.constant 1 : i32
        %parallel_loop3A_1774 = arith.addi %parallel_loop3A_1762, %parallel_loop3A_1773 : i32
        %parallel_loop3A_1775 = arith.index_cast %parallel_loop3A_1774 : i32 to index
        %parallel_loop3A_1776 = arith.constant 96 : index
        %parallel_loop3A_1777 = tpu.vector_load %arg4[%parallel_loop3A_1775, %parallel_loop3A_1776] {strides = array<i32>} : memref<328x128xf32, #tpu.memory_space<vmem>>, vector<1x16xf32>,
        %parallel_loop3A_1778 = vector.shape_cast %parallel_loop3A_1777 : vector<1x16xf32> to vector<16xf32>
        %parallel_loop3A_1779 = arith.select %lt3A_1156, %parallel_loop3A_1772, %parallel_loop3A_1768 : vector<16xi1>, vector<16xf32>
        %parallel_loop3A_1780 = arith.select %lt3A_1156, %parallel_loop3A_1778, %parallel_loop3A_1772 : vector<16xi1>, vector<16xf32>
        %parallel_loop3A_1781 = arith.minimumf %parallel_loop3A_1779, %parallel_loop3A_1780 : vector<16xf32>
        %parallel_loop3A_1782 = arith.index_cast %parallel_loop3A_1563 : i32 to index
        %parallel_loop3A_1783 = arith.constant 96 : index
        %parallel_loop3A_1784 = tpu.vector_load %arg6[%parallel_loop3A_1782, %parallel_loop3A_1783] {strides = array<i32>} : memref<256x128xf32, #tpu.memory_space<vmem>>, vector<1x16xf32>,
        %parallel_loop3A_1785 = vector.shape_cast %parallel_loop3A_1784 : vector<1x16xf32> to vector<16xf32>
        %parallel_loop3A_1786 = vector.shape_cast %parallel_loop3A_1781 : vector<16xf32> to vector<1x16xf32>
        tpu.vector_store %arg6[%parallel_loop3A_1782, %parallel_loop3A_1783], %parallel_loop3A_1786 {strides = array<i32>} : memref<256x128xf32, #tpu.memory_space<vmem>>, vector<1x16xf32>,
        %parallel_loop3A_1787 = arith.maximumf %parallel_loop3A_1779, %parallel_loop3A_1780 : vector<16xf32>
        %parallel_loop3A_1788 = arith.constant 1 : i32
        %parallel_loop3A_1789 = arith.addi %parallel_loop3A_1563, %parallel_loop3A_1788 : i32
        %parallel_loop3A_1790 = arith.index_cast %parallel_loop3A_1789 : i32 to index
        %parallel_loop3A_1791 = arith.constant 96 : index
        %parallel_loop3A_1792 = tpu.vector_load %arg6[%parallel_loop3A_1790, %parallel_loop3A_1791] {strides = array<i32>} : memref<256x128xf32, #tpu.memory_space<vmem>>, vector<1x16xf32>,
        %parallel_loop3A_1793 = vector.shape_cast %parallel_loop3A_1792 : vector<1x16xf32> to vector<16xf32>
        %parallel_loop3A_1794 = vector.shape_cast %parallel_loop3A_1787 : vector<16xf32> to vector<1x16xf32>
        tpu.vector_store %arg6[%parallel_loop3A_1790, %parallel_loop3A_1791], %parallel_loop3A_1794 {strides = array<i32>} : memref<256x128xf32, #tpu.memory_space<vmem>>, vector<1x16xf32>,
        %parallel_loop3A_1795 = arith.addi %sub3A_1320, %parallel_loop3A_1563 : i32
        %parallel_loop3A_1796 = arith.constant 1 : i32
        %parallel_loop3A_1797 = arith.subi %parallel_loop3A_1795, %parallel_loop3A_1796 : i32
        %parallel_loop3A_1798 = arith.index_cast %parallel_loop3A_1797 : i32 to index
        %parallel_loop3A_1799 = arith.constant 112 : index
        %parallel_loop3A_1800 = tpu.vector_load %arg4[%parallel_loop3A_1798, %parallel_loop3A_1799] {strides = array<i32>} : memref<328x128xf32, #tpu.memory_space<vmem>>, vector<1x16xf32>,
        %parallel_loop3A_1801 = vector.shape_cast %parallel_loop3A_1800 : vector<1x16xf32> to vector<16xf32>
        %parallel_loop3A_1802 = arith.index_cast %parallel_loop3A_1795 : i32 to index
        %parallel_loop3A_1803 = arith.constant 112 : index
        %parallel_loop3A_1804 = tpu.vector_load %arg4[%parallel_loop3A_1802, %parallel_loop3A_1803] {strides = array<i32>} : memref<328x128xf32, #tpu.memory_space<vmem>>, vector<1x16xf32>,
        %parallel_loop3A_1805 = vector.shape_cast %parallel_loop3A_1804 : vector<1x16xf32> to vector<16xf32>
        %parallel_loop3A_1806 = arith.constant 1 : i32
        %parallel_loop3A_1807 = arith.addi %parallel_loop3A_1795, %parallel_loop3A_1806 : i32
        %parallel_loop3A_1808 = arith.index_cast %parallel_loop3A_1807 : i32 to index
        %parallel_loop3A_1809 = arith.constant 112 : index
        %parallel_loop3A_1810 = tpu.vector_load %arg4[%parallel_loop3A_1808, %parallel_loop3A_1809] {strides = array<i32>} : memref<328x128xf32, #tpu.memory_space<vmem>>, vector<1x16xf32>,
        %parallel_loop3A_1811 = vector.shape_cast %parallel_loop3A_1810 : vector<1x16xf32> to vector<16xf32>
        %parallel_loop3A_1812 = arith.select %lt3A_1322, %parallel_loop3A_1805, %parallel_loop3A_1801 : vector<16xi1>, vector<16xf32>
        %parallel_loop3A_1813 = arith.select %lt3A_1322, %parallel_loop3A_1811, %parallel_loop3A_1805 : vector<16xi1>, vector<16xf32>
        %parallel_loop3A_1814 = arith.minimumf %parallel_loop3A_1812, %parallel_loop3A_1813 : vector<16xf32>
        %parallel_loop3A_1815 = arith.index_cast %parallel_loop3A_1563 : i32 to index
        %parallel_loop3A_1816 = arith.constant 112 : index
        %parallel_loop3A_1817 = tpu.vector_load %arg6[%parallel_loop3A_1815, %parallel_loop3A_1816] {strides = array<i32>} : memref<256x128xf32, #tpu.memory_space<vmem>>, vector<1x16xf32>,
        %parallel_loop3A_1818 = vector.shape_cast %parallel_loop3A_1817 : vector<1x16xf32> to vector<16xf32>
        %parallel_loop3A_1819 = vector.shape_cast %parallel_loop3A_1814 : vector<16xf32> to vector<1x16xf32>
        tpu.vector_store %arg6[%parallel_loop3A_1815, %parallel_loop3A_1816], %parallel_loop3A_1819 {strides = array<i32>} : memref<256x128xf32, #tpu.memory_space<vmem>>, vector<1x16xf32>,
        %parallel_loop3A_1820 = arith.maximumf %parallel_loop3A_1812, %parallel_loop3A_1813 : vector<16xf32>
        %parallel_loop3A_1821 = arith.constant 1 : i32
        %parallel_loop3A_1822 = arith.addi %parallel_loop3A_1563, %parallel_loop3A_1821 : i32
        %parallel_loop3A_1823 = arith.index_cast %parallel_loop3A_1822 : i32 to index
        %parallel_loop3A_1824 = arith.constant 112 : index
        %parallel_loop3A_1825 = tpu.vector_load %arg6[%parallel_loop3A_1823, %parallel_loop3A_1824] {strides = array<i32>} : memref<256x128xf32, #tpu.memory_space<vmem>>, vector<1x16xf32>,
        %parallel_loop3A_1826 = vector.shape_cast %parallel_loop3A_1825 : vector<1x16xf32> to vector<16xf32>
        %parallel_loop3A_1827 = vector.shape_cast %parallel_loop3A_1820 : vector<16xf32> to vector<1x16xf32>
        tpu.vector_store %arg6[%parallel_loop3A_1823, %parallel_loop3A_1824], %parallel_loop3A_1827 {strides = array<i32>} : memref<256x128xf32, #tpu.memory_space<vmem>>, vector<1x16xf32>,
      } {sc.loop_unroll_factor = 8 : i64, sc.parallel_access}
      %add3A_1473 = arith.constant 128 : i32
      %add3A_1474 = arith.addi %add3A_1458, %add3A_1473 : i32
      %dma_start3A_1475 = arith.constant 128 : i32
      %dma_start3A_1476 = arith.constant 0 : i32
      %dma_start3A_1477 = tpu.memref_slice %arg6[%dma_start3A_1475, %dma_start3A_1476] : memref<256x128xf32, #tpu.memory_space<vmem>> -> memref<128x128xf32, #tpu.memory_space<vmem>>
      %dma_start3A_1478 = tpu.memref_slice %arg3[%shift_right_logical3A_1451, %add3A_1474, %mul3A_0] : memref<4x4096x2048xf32, #tpu.memory_space<hbm>> -> memref<1x128x128xf32, #tpu.memory_space<hbm>>
      %dma_start3A_1479 = tpu.memref_squeeze %dma_start3A_1478 : memref<1x128x128xf32, #tpu.memory_space<hbm>> -> memref<128x128xf32, #tpu.memory_space<hbm>>
      %dma_start3A_1480 = tpu.memref_slice %arg3[%shift_right_logical3A_1451, %add3A_1474, %mul3A_0] : memref<4x4096x2048xf32, #tpu.memory_space<hbm>> -> memref<1x128x128xf32, #tpu.memory_space<hbm>>
      %dma_start3A_1481 = tpu.memref_squeeze %dma_start3A_1480 : memref<1x128x128xf32, #tpu.memory_space<hbm>> -> memref<128x128xf32, #tpu.memory_space<hbm>>
      %dma_start3A_1482 = arith.constant 128 : i32
      %dma_start3A_1483 = arith.constant 0 : i32
      %dma_start3A_1484 = tpu.memref_slice %arg6[%dma_start3A_1482, %dma_start3A_1483] : memref<256x128xf32, #tpu.memory_space<vmem>> -> memref<128x128xf32, #tpu.memory_space<vmem>>
      tpu.enqueue_dma source(%dma_start3A_1484 : memref<128x128xf32, #tpu.memory_space<vmem>>) target(%dma_start3A_1481 : memref<128x128xf32, #tpu.memory_space<hbm>>) target_semaphore(%arg9 : memref<!tpu.dma_semaphore, #tpu.memory_space<semaphore_mem>>)
      %add3A_1485 = arith.constant 1 : i32
      %add3A_1486 = arith.addi %mul3A_1389, %add3A_1485 : i32
      %and3A_1487 = arith.constant 7 : i32
      %and3A_1488 = arith.andi %add3A_1486, %and3A_1487 : i32
      %ne3A_1489 = arith.constant 0 : i32
      %ne3A_1490 = arith.cmpi ne, %and3A_1488, %ne3A_1489 : i32
      %convert_element_type3A_1491 = arith.extui %ne3A_1490 : i1 to i32
      %cond3A_1492 = arith.constant 0 : i32
      %cond3A_1493 = arith.cmpi ne, %convert_element_type3A_1491, %cond3A_1492 : i32
      scf.if %cond3A_1493 {
        %dma_wait3A_1559 = arith.constant 0 : i32
        %dma_wait3A_1560 = arith.constant 72 : i32
        %dma_wait3A_1561 = arith.constant 0 : i32
        %dma_wait3A_1562 = tpu.memref_slice %arg5[%dma_wait3A_1560, %dma_wait3A_1561] : memref<328x128xf32, #tpu.memory_space<vmem>> -> memref<256x128xf32, #tpu.memory_space<vmem>>
        %dma_wait3A_1563 = arith.constant 0 : i32
        %dma_wait3A_1564 = arith.constant 0 : i32
        %dma_wait3A_1565 = tpu.memref_slice %arg2[%dma_wait3A_1559, %dma_wait3A_1563, %dma_wait3A_1564] : memref<4x4096x2048xf32, #tpu.memory_space<hbm>> -> memref<1x256x128xf32, #tpu.memory_space<hbm>>
        %dma_wait3A_1566 = tpu.memref_squeeze %dma_wait3A_1565 : memref<1x256x128xf32, #tpu.memory_space<hbm>> -> memref<256x128xf32, #tpu.memory_space<hbm>>
        %dma_wait3A_1567 = arith.constant 72 : i32
        %dma_wait3A_1568 = arith.constant 0 : i32
        %dma_wait3A_1569 = tpu.memref_slice %arg5[%dma_wait3A_1567, %dma_wait3A_1568] : memref<328x128xf32, #tpu.memory_space<vmem>> -> memref<256x128xf32, #tpu.memory_space<vmem>>
        %dma_wait3A_1570 = arith.constant 0 : i32
        %dma_wait3A_1571 = arith.constant 0 : i32
        %dma_wait3A_1572 = tpu.memref_slice %arg2[%dma_wait3A_1559, %dma_wait3A_1570, %dma_wait3A_1571] : memref<4x4096x2048xf32, #tpu.memory_space<hbm>> -> memref<1x256x128xf32, #tpu.memory_space<hbm>>
        %dma_wait3A_1573 = tpu.memref_squeeze %dma_wait3A_1572 : memref<1x256x128xf32, #tpu.memory_space<hbm>> -> memref<256x128xf32, #tpu.memory_space<hbm>>
        tpu.wait_dma2 semaphore(%arg8 : memref<!tpu.dma_semaphore, #tpu.memory_space<semaphore_mem>>) src(%dma_wait3A_1573 : memref<256x128xf32, #tpu.memory_space<hbm>>) dst(%dma_wait3A_1569 : memref<256x128xf32, #tpu.memory_space<vmem>>)
      } else {
      }
      %eq3A_1494 = arith.constant 0 : i32
      %eq3A_1495 = arith.cmpi eq, %and3A_1488, %eq3A_1494 : i32
      %convert_element_type3A_1496 = arith.extui %eq3A_1495 : i1 to i32
      %cond3A_1497 = arith.constant 0 : i32
      %cond3A_1498 = arith.cmpi ne, %convert_element_type3A_1496, %cond3A_1497 : i32
      scf.if %cond3A_1498 {
        %dma_wait3A_1559 = arith.constant 0 : i32
        %dma_wait3A_1560 = arith.constant 0 : i32
        %dma_wait3A_1561 = arith.constant 0 : i32
        %dma_wait3A_1562 = tpu.memref_slice %arg2[%dma_wait3A_1559, %dma_wait3A_1560, %dma_wait3A_1561] : memref<4x4096x2048xf32, #tpu.memory_space<hbm>> -> memref<1x328x128xf32, #tpu.memory_space<hbm>>
        %dma_wait3A_1563 = tpu.memref_squeeze %dma_wait3A_1562 : memref<1x328x128xf32, #tpu.memory_space<hbm>> -> memref<328x128xf32, #tpu.memory_space<hbm>>
        %dma_wait3A_1564 = arith.constant 0 : i32
        %dma_wait3A_1565 = arith.constant 0 : i32
        %dma_wait3A_1566 = tpu.memref_slice %arg2[%dma_wait3A_1559, %dma_wait3A_1564, %dma_wait3A_1565] : memref<4x4096x2048xf32, #tpu.memory_space<hbm>> -> memref<1x328x128xf32, #tpu.memory_space<hbm>>
        %dma_wait3A_1567 = tpu.memref_squeeze %dma_wait3A_1566 : memref<1x328x128xf32, #tpu.memory_space<hbm>> -> memref<328x128xf32, #tpu.memory_space<hbm>>
        tpu.wait_dma2 semaphore(%arg8 : memref<!tpu.dma_semaphore, #tpu.memory_space<semaphore_mem>>) src(%dma_wait3A_1567 : memref<328x128xf32, #tpu.memory_space<hbm>>) dst(%arg5 : memref<328x128xf32, #tpu.memory_space<vmem>>)
      } else {
      }
      %add3A_1499 = arith.constant 2 : i32
      %add3A_1500 = arith.addi %mul3A_1389, %add3A_1499 : i32
      %lt3A_1501 = arith.constant 32 : i32
      %lt3A_1502 = arith.cmpi slt, %add3A_1500, %lt3A_1501 : i32
      %convert_element_type3A_1503 = arith.extui %lt3A_1502 : i1 to i32
      %cond3A_1504 = arith.constant 0 : i32
      %cond3A_1505 = arith.cmpi ne, %convert_element_type3A_1503, %cond3A_1504 : i32
      scf.if %cond3A_1505 {
        %add3A_1559 = arith.constant 2 : i32
        %add3A_1560 = arith.addi %mul3A_1389, %add3A_1559 : i32
        %shift_right_logical3A_1561 = arith.constant 3 : i32
        %shift_right_logical3A_1562 = arith.shrui %add3A_1560, %shift_right_logical3A_1561 : i32
        %and3A_1563 = arith.constant 7 : i32
        %and3A_1564 = arith.andi %add3A_1560, %and3A_1563 : i32
        %and3A_1565 = arith.constant 7 : i32
        %and3A_1566 = arith.andi %add3A_1560, %and3A_1565 : i32
        %mul3A_1567 = arith.constant 2048 : i32
        %mul3A_1568 = arith.muli %arg0, %mul3A_1567 : i32
        %mul3A_1569 = arith.constant 256 : i32
        %mul3A_1570 = arith.muli %and3A_1566, %mul3A_1569 : i32
        %add3A_1571 = arith.addi %mul3A_1568, %mul3A_1570 : i32
        %ne3A_1572 = arith.constant 0 : i32
        %ne3A_1573 = arith.cmpi ne, %and3A_1564, %ne3A_1572 : i32
        %convert_element_type3A_1574 = arith.extui %ne3A_1573 : i1 to i32
        %cond3A_1575 = arith.constant 0 : i32
        %cond3A_1576 = arith.cmpi ne, %convert_element_type3A_1574, %cond3A_1575 : i32
        scf.if %cond3A_1576 {
          %sub3A_1593 = arith.constant 64 : i32
          %sub3A_1594 = arith.subi %add3A_1571, %sub3A_1593 : i32
          %dma_start3A_1595 = arith.constant 72 : i32
          %dma_start3A_1596 = arith.constant 0 : i32
          %dma_start3A_1597 = tpu.memref_slice %arg4[%dma_start3A_1595, %dma_start3A_1596] : memref<328x128xf32, #tpu.memory_space<vmem>> -> memref<256x128xf32, #tpu.memory_space<vmem>>
          %dma_start3A_1598 = tpu.memref_slice %arg2[%shift_right_logical3A_1562, %sub3A_1594, %mul3A_0] : memref<4x4096x2048xf32, #tpu.memory_space<hbm>> -> memref<1x256x128xf32, #tpu.memory_space<hbm>>
          %dma_start3A_1599 = tpu.memref_squeeze %dma_start3A_1598 : memref<1x256x128xf32, #tpu.memory_space<hbm>> -> memref<256x128xf32, #tpu.memory_space<hbm>>
          %dma_start3A_1600 = arith.constant 72 : i32
          %dma_start3A_1601 = arith.constant 0 : i32
          %dma_start3A_1602 = tpu.memref_slice %arg4[%dma_start3A_1600, %dma_start3A_1601] : memref<328x128xf32, #tpu.memory_space<vmem>> -> memref<256x128xf32, #tpu.memory_space<vmem>>
          %dma_start3A_1603 = tpu.memref_slice %arg2[%shift_right_logical3A_1562, %sub3A_1594, %mul3A_0] : memref<4x4096x2048xf32, #tpu.memory_space<hbm>> -> memref<1x256x128xf32, #tpu.memory_space<hbm>>
          %dma_start3A_1604 = tpu.memref_squeeze %dma_start3A_1603 : memref<1x256x128xf32, #tpu.memory_space<hbm>> -> memref<256x128xf32, #tpu.memory_space<hbm>>
          tpu.enqueue_dma source(%dma_start3A_1604 : memref<256x128xf32, #tpu.memory_space<hbm>>) target(%dma_start3A_1602 : memref<256x128xf32, #tpu.memory_space<vmem>>) target_semaphore(%arg7 : memref<!tpu.dma_semaphore, #tpu.memory_space<semaphore_mem>>)
        } else {
        }
        %eq3A_1577 = arith.constant 0 : i32
        %eq3A_1578 = arith.cmpi eq, %and3A_1564, %eq3A_1577 : i32
        %eq3A_1579 = arith.constant 0 : i32
        %eq3A_1580 = arith.cmpi eq, %add3A_1571, %eq3A_1579 : i32
        %and3A_1581 = arith.andi %eq3A_1578, %eq3A_1580 : i1
        %convert_element_type3A_1582 = arith.extui %and3A_1581 : i1 to i32
        %cond3A_1583 = arith.constant 0 : i32
        %cond3A_1584 = arith.cmpi ne, %convert_element_type3A_1582, %cond3A_1583 : i32
        scf.if %cond3A_1584 {
          %dma_start3A_1593 = arith.constant 0 : i32
          %dma_start3A_1594 = arith.constant 0 : i32
          %dma_start3A_1595 = tpu.memref_slice %arg4[%dma_start3A_1593, %dma_start3A_1594] : memref<328x128xf32, #tpu.memory_space<vmem>> -> memref<136x128xf32, #tpu.memory_space<vmem>>
          %dma_start3A_1596 = arith.constant 3960 : i32
          %dma_start3A_1597 = tpu.memref_slice %arg2[%shift_right_logical3A_1562, %dma_start3A_1596, %mul3A_0] : memref<4x4096x2048xf32, #tpu.memory_space<hbm>> -> memref<1x136x128xf32, #tpu.memory_space<hbm>>
          %dma_start3A_1598 = tpu.memref_squeeze %dma_start3A_1597 : memref<1x136x128xf32, #tpu.memory_space<hbm>> -> memref<136x128xf32, #tpu.memory_space<hbm>>
          %dma_start3A_1599 = arith.constant 0 : i32
          %dma_start3A_1600 = arith.constant 0 : i32
          %dma_start3A_1601 = tpu.memref_slice %arg4[%dma_start3A_1599, %dma_start3A_1600] : memref<328x128xf32, #tpu.memory_space<vmem>> -> memref<136x128xf32, #tpu.memory_space<vmem>>
          %dma_start3A_1602 = arith.constant 3960 : i32
          %dma_start3A_1603 = tpu.memref_slice %arg2[%shift_right_logical3A_1562, %dma_start3A_1602, %mul3A_0] : memref<4x4096x2048xf32, #tpu.memory_space<hbm>> -> memref<1x136x128xf32, #tpu.memory_space<hbm>>
          %dma_start3A_1604 = tpu.memref_squeeze %dma_start3A_1603 : memref<1x136x128xf32, #tpu.memory_space<hbm>> -> memref<136x128xf32, #tpu.memory_space<hbm>>
          tpu.enqueue_dma source(%dma_start3A_1604 : memref<136x128xf32, #tpu.memory_space<hbm>>) target(%dma_start3A_1601 : memref<136x128xf32, #tpu.memory_space<vmem>>) target_semaphore(%arg7 : memref<!tpu.dma_semaphore, #tpu.memory_space<semaphore_mem>>)
          %dma_start3A_1605 = arith.constant 136 : i32
          %dma_start3A_1606 = arith.constant 0 : i32
          %dma_start3A_1607 = tpu.memref_slice %arg4[%dma_start3A_1605, %dma_start3A_1606] : memref<328x128xf32, #tpu.memory_space<vmem>> -> memref<192x128xf32, #tpu.memory_space<vmem>>
          %dma_start3A_1608 = arith.constant 0 : i32
          %dma_start3A_1609 = tpu.memref_slice %arg2[%shift_right_logical3A_1562, %dma_start3A_1608, %mul3A_0] : memref<4x4096x2048xf32, #tpu.memory_space<hbm>> -> memref<1x192x128xf32, #tpu.memory_space<hbm>>
          %dma_start3A_1610 = tpu.memref_squeeze %dma_start3A_1609 : memref<1x192x128xf32, #tpu.memory_space<hbm>> -> memref<192x128xf32, #tpu.memory_space<hbm>>
          %dma_start3A_1611 = arith.constant 136 : i32
          %dma_start3A_1612 = arith.constant 0 : i32
          %dma_start3A_1613 = tpu.memref_slice %arg4[%dma_start3A_1611, %dma_start3A_1612] : memref<328x128xf32, #tpu.memory_space<vmem>> -> memref<192x128xf32, #tpu.memory_space<vmem>>
          %dma_start3A_1614 = arith.constant 0 : i32
          %dma_start3A_1615 = tpu.memref_slice %arg2[%shift_right_logical3A_1562, %dma_start3A_1614, %mul3A_0] : memref<4x4096x2048xf32, #tpu.memory_space<hbm>> -> memref<1x192x128xf32, #tpu.memory_space<hbm>>
          %dma_start3A_1616 = tpu.memref_squeeze %dma_start3A_1615 : memref<1x192x128xf32, #tpu.memory_space<hbm>> -> memref<192x128xf32, #tpu.memory_space<hbm>>
          tpu.enqueue_dma source(%dma_start3A_1616 : memref<192x128xf32, #tpu.memory_space<hbm>>) target(%dma_start3A_1613 : memref<192x128xf32, #tpu.memory_space<vmem>>) target_semaphore(%arg7 : memref<!tpu.dma_semaphore, #tpu.memory_space<semaphore_mem>>)
        } else {
        }
        %eq3A_1585 = arith.constant 0 : i32
        %eq3A_1586 = arith.cmpi eq, %and3A_1564, %eq3A_1585 : i32
        %ne3A_1587 = arith.constant 0 : i32
        %ne3A_1588 = arith.cmpi ne, %add3A_1571, %ne3A_1587 : i32
        %and3A_1589 = arith.andi %eq3A_1586, %ne3A_1588 : i1
        %convert_element_type3A_1590 = arith.extui %and3A_1589 : i1 to i32
        %cond3A_1591 = arith.constant 0 : i32
        %cond3A_1592 = arith.cmpi ne, %convert_element_type3A_1590, %cond3A_1591 : i32
        scf.if %cond3A_1592 {
          %sub3A_1593 = arith.constant 136 : i32
          %sub3A_1594 = arith.subi %add3A_1571, %sub3A_1593 : i32
          %dma_start3A_1595 = tpu.memref_slice %arg2[%shift_right_logical3A_1562, %sub3A_1594, %mul3A_0] : memref<4x4096x2048xf32, #tpu.memory_space<hbm>> -> memref<1x328x128xf32, #tpu.memory_space<hbm>>
          %dma_start3A_1596 = tpu.memref_squeeze %dma_start3A_1595 : memref<1x328x128xf32, #tpu.memory_space<hbm>> -> memref<328x128xf32, #tpu.memory_space<hbm>>
          %dma_start3A_1597 = tpu.memref_slice %arg2[%shift_right_logical3A_1562, %sub3A_1594, %mul3A_0] : memref<4x4096x2048xf32, #tpu.memory_space<hbm>> -> memref<1x328x128xf32, #tpu.memory_space<hbm>>
          %dma_start3A_1598 = tpu.memref_squeeze %dma_start3A_1597 : memref<1x328x128xf32, #tpu.memory_space<hbm>> -> memref<328x128xf32, #tpu.memory_space<hbm>>
          tpu.enqueue_dma source(%dma_start3A_1598 : memref<328x128xf32, #tpu.memory_space<hbm>>) target(%arg4 : memref<328x128xf32, #tpu.memory_space<vmem>>) target_semaphore(%arg7 : memref<!tpu.dma_semaphore, #tpu.memory_space<semaphore_mem>>)
        } else {
        }
      } else {
      }
      %add3A_1506 = arith.constant 2 : i32
      %add3A_1507 = arith.addi %mul3A_1389, %add3A_1506 : i32
      %and3A_1508 = arith.constant 7 : i32
      %and3A_1509 = arith.andi %add3A_1507, %and3A_1508 : i32
      %ne3A_1510 = arith.constant 0 : i32
      %ne3A_1511 = arith.cmpi ne, %and3A_1509, %ne3A_1510 : i32
      %convert_element_type3A_1512 = arith.extui %ne3A_1511 : i1 to i32
      %cond3A_1513 = arith.constant 0 : i32
      %cond3A_1514 = arith.cmpi ne, %convert_element_type3A_1512, %cond3A_1513 : i32
      scf.if %cond3A_1514 {
        %parallel_loop3A_1559 = arith.constant 0 : i32
        %parallel_loop3A_1560 = arith.constant 72 : i32
        %parallel_loop3A_1561 = arith.constant 1 : i32
        scf.for %parallel_loop3A_1562 = %parallel_loop3A_1559 to %parallel_loop3A_1560 step %parallel_loop3A_1561  : i32 {
          %parallel_loop3A_1563 = arith.constant 256 : i32
          %parallel_loop3A_1564 = arith.addi %parallel_loop3A_1563, %parallel_loop3A_1562 : i32
          %parallel_loop3A_1565 = arith.index_cast %parallel_loop3A_1564 : i32 to index
          %parallel_loop3A_1566 = arith.constant 0 : index
          %parallel_loop3A_1567 = tpu.vector_load %arg5[%parallel_loop3A_1565, %parallel_loop3A_1566] {strides = array<i32>} : memref<328x128xf32, #tpu.memory_space<vmem>>, vector<1x16xf32>,
          %parallel_loop3A_1568 = vector.shape_cast %parallel_loop3A_1567 : vector<1x16xf32> to vector<16xf32>
          %parallel_loop3A_1569 = arith.index_cast %parallel_loop3A_1562 : i32 to index
          %parallel_loop3A_1570 = arith.constant 0 : index
          %parallel_loop3A_1571 = tpu.vector_load %arg4[%parallel_loop3A_1569, %parallel_loop3A_1570] {strides = array<i32>} : memref<328x128xf32, #tpu.memory_space<vmem>>, vector<1x16xf32>,
          %parallel_loop3A_1572 = vector.shape_cast %parallel_loop3A_1571 : vector<1x16xf32> to vector<16xf32>
          %parallel_loop3A_1573 = vector.shape_cast %parallel_loop3A_1568 : vector<16xf32> to vector<1x16xf32>
          tpu.vector_store %arg4[%parallel_loop3A_1569, %parallel_loop3A_1570], %parallel_loop3A_1573 {strides = array<i32>} : memref<328x128xf32, #tpu.memory_space<vmem>>, vector<1x16xf32>,
          %parallel_loop3A_1574 = arith.constant 256 : i32
          %parallel_loop3A_1575 = arith.addi %parallel_loop3A_1574, %parallel_loop3A_1562 : i32
          %parallel_loop3A_1576 = arith.index_cast %parallel_loop3A_1575 : i32 to index
          %parallel_loop3A_1577 = arith.constant 16 : index
          %parallel_loop3A_1578 = tpu.vector_load %arg5[%parallel_loop3A_1576, %parallel_loop3A_1577] {strides = array<i32>} : memref<328x128xf32, #tpu.memory_space<vmem>>, vector<1x16xf32>,
          %parallel_loop3A_1579 = vector.shape_cast %parallel_loop3A_1578 : vector<1x16xf32> to vector<16xf32>
          %parallel_loop3A_1580 = arith.index_cast %parallel_loop3A_1562 : i32 to index
          %parallel_loop3A_1581 = arith.constant 16 : index
          %parallel_loop3A_1582 = tpu.vector_load %arg4[%parallel_loop3A_1580, %parallel_loop3A_1581] {strides = array<i32>} : memref<328x128xf32, #tpu.memory_space<vmem>>, vector<1x16xf32>,
          %parallel_loop3A_1583 = vector.shape_cast %parallel_loop3A_1582 : vector<1x16xf32> to vector<16xf32>
          %parallel_loop3A_1584 = vector.shape_cast %parallel_loop3A_1579 : vector<16xf32> to vector<1x16xf32>
          tpu.vector_store %arg4[%parallel_loop3A_1580, %parallel_loop3A_1581], %parallel_loop3A_1584 {strides = array<i32>} : memref<328x128xf32, #tpu.memory_space<vmem>>, vector<1x16xf32>,
          %parallel_loop3A_1585 = arith.constant 256 : i32
          %parallel_loop3A_1586 = arith.addi %parallel_loop3A_1585, %parallel_loop3A_1562 : i32
          %parallel_loop3A_1587 = arith.index_cast %parallel_loop3A_1586 : i32 to index
          %parallel_loop3A_1588 = arith.constant 32 : index
          %parallel_loop3A_1589 = tpu.vector_load %arg5[%parallel_loop3A_1587, %parallel_loop3A_1588] {strides = array<i32>} : memref<328x128xf32, #tpu.memory_space<vmem>>, vector<1x16xf32>,
          %parallel_loop3A_1590 = vector.shape_cast %parallel_loop3A_1589 : vector<1x16xf32> to vector<16xf32>
          %parallel_loop3A_1591 = arith.index_cast %parallel_loop3A_1562 : i32 to index
          %parallel_loop3A_1592 = arith.constant 32 : index
          %parallel_loop3A_1593 = tpu.vector_load %arg4[%parallel_loop3A_1591, %parallel_loop3A_1592] {strides = array<i32>} : memref<328x128xf32, #tpu.memory_space<vmem>>, vector<1x16xf32>,
          %parallel_loop3A_1594 = vector.shape_cast %parallel_loop3A_1593 : vector<1x16xf32> to vector<16xf32>
          %parallel_loop3A_1595 = vector.shape_cast %parallel_loop3A_1590 : vector<16xf32> to vector<1x16xf32>
          tpu.vector_store %arg4[%parallel_loop3A_1591, %parallel_loop3A_1592], %parallel_loop3A_1595 {strides = array<i32>} : memref<328x128xf32, #tpu.memory_space<vmem>>, vector<1x16xf32>,
          %parallel_loop3A_1596 = arith.constant 256 : i32
          %parallel_loop3A_1597 = arith.addi %parallel_loop3A_1596, %parallel_loop3A_1562 : i32
          %parallel_loop3A_1598 = arith.index_cast %parallel_loop3A_1597 : i32 to index
          %parallel_loop3A_1599 = arith.constant 48 : index
          %parallel_loop3A_1600 = tpu.vector_load %arg5[%parallel_loop3A_1598, %parallel_loop3A_1599] {strides = array<i32>} : memref<328x128xf32, #tpu.memory_space<vmem>>, vector<1x16xf32>,
          %parallel_loop3A_1601 = vector.shape_cast %parallel_loop3A_1600 : vector<1x16xf32> to vector<16xf32>
          %parallel_loop3A_1602 = arith.index_cast %parallel_loop3A_1562 : i32 to index
          %parallel_loop3A_1603 = arith.constant 48 : index
          %parallel_loop3A_1604 = tpu.vector_load %arg4[%parallel_loop3A_1602, %parallel_loop3A_1603] {strides = array<i32>} : memref<328x128xf32, #tpu.memory_space<vmem>>, vector<1x16xf32>,
          %parallel_loop3A_1605 = vector.shape_cast %parallel_loop3A_1604 : vector<1x16xf32> to vector<16xf32>
          %parallel_loop3A_1606 = vector.shape_cast %parallel_loop3A_1601 : vector<16xf32> to vector<1x16xf32>
          tpu.vector_store %arg4[%parallel_loop3A_1602, %parallel_loop3A_1603], %parallel_loop3A_1606 {strides = array<i32>} : memref<328x128xf32, #tpu.memory_space<vmem>>, vector<1x16xf32>,
          %parallel_loop3A_1607 = arith.constant 256 : i32
          %parallel_loop3A_1608 = arith.addi %parallel_loop3A_1607, %parallel_loop3A_1562 : i32
          %parallel_loop3A_1609 = arith.index_cast %parallel_loop3A_1608 : i32 to index
          %parallel_loop3A_1610 = arith.constant 64 : index
          %parallel_loop3A_1611 = tpu.vector_load %arg5[%parallel_loop3A_1609, %parallel_loop3A_1610] {strides = array<i32>} : memref<328x128xf32, #tpu.memory_space<vmem>>, vector<1x16xf32>,
          %parallel_loop3A_1612 = vector.shape_cast %parallel_loop3A_1611 : vector<1x16xf32> to vector<16xf32>
          %parallel_loop3A_1613 = arith.index_cast %parallel_loop3A_1562 : i32 to index
          %parallel_loop3A_1614 = arith.constant 64 : index
          %parallel_loop3A_1615 = tpu.vector_load %arg4[%parallel_loop3A_1613, %parallel_loop3A_1614] {strides = array<i32>} : memref<328x128xf32, #tpu.memory_space<vmem>>, vector<1x16xf32>,
          %parallel_loop3A_1616 = vector.shape_cast %parallel_loop3A_1615 : vector<1x16xf32> to vector<16xf32>
          %parallel_loop3A_1617 = vector.shape_cast %parallel_loop3A_1612 : vector<16xf32> to vector<1x16xf32>
          tpu.vector_store %arg4[%parallel_loop3A_1613, %parallel_loop3A_1614], %parallel_loop3A_1617 {strides = array<i32>} : memref<328x128xf32, #tpu.memory_space<vmem>>, vector<1x16xf32>,
          %parallel_loop3A_1618 = arith.constant 256 : i32
          %parallel_loop3A_1619 = arith.addi %parallel_loop3A_1618, %parallel_loop3A_1562 : i32
          %parallel_loop3A_1620 = arith.index_cast %parallel_loop3A_1619 : i32 to index
          %parallel_loop3A_1621 = arith.constant 80 : index
          %parallel_loop3A_1622 = tpu.vector_load %arg5[%parallel_loop3A_1620, %parallel_loop3A_1621] {strides = array<i32>} : memref<328x128xf32, #tpu.memory_space<vmem>>, vector<1x16xf32>,
          %parallel_loop3A_1623 = vector.shape_cast %parallel_loop3A_1622 : vector<1x16xf32> to vector<16xf32>
          %parallel_loop3A_1624 = arith.index_cast %parallel_loop3A_1562 : i32 to index
          %parallel_loop3A_1625 = arith.constant 80 : index
          %parallel_loop3A_1626 = tpu.vector_load %arg4[%parallel_loop3A_1624, %parallel_loop3A_1625] {strides = array<i32>} : memref<328x128xf32, #tpu.memory_space<vmem>>, vector<1x16xf32>,
          %parallel_loop3A_1627 = vector.shape_cast %parallel_loop3A_1626 : vector<1x16xf32> to vector<16xf32>
          %parallel_loop3A_1628 = vector.shape_cast %parallel_loop3A_1623 : vector<16xf32> to vector<1x16xf32>
          tpu.vector_store %arg4[%parallel_loop3A_1624, %parallel_loop3A_1625], %parallel_loop3A_1628 {strides = array<i32>} : memref<328x128xf32, #tpu.memory_space<vmem>>, vector<1x16xf32>,
          %parallel_loop3A_1629 = arith.constant 256 : i32
          %parallel_loop3A_1630 = arith.addi %parallel_loop3A_1629, %parallel_loop3A_1562 : i32
          %parallel_loop3A_1631 = arith.index_cast %parallel_loop3A_1630 : i32 to index
          %parallel_loop3A_1632 = arith.constant 96 : index
          %parallel_loop3A_1633 = tpu.vector_load %arg5[%parallel_loop3A_1631, %parallel_loop3A_1632] {strides = array<i32>} : memref<328x128xf32, #tpu.memory_space<vmem>>, vector<1x16xf32>,
          %parallel_loop3A_1634 = vector.shape_cast %parallel_loop3A_1633 : vector<1x16xf32> to vector<16xf32>
          %parallel_loop3A_1635 = arith.index_cast %parallel_loop3A_1562 : i32 to index
          %parallel_loop3A_1636 = arith.constant 96 : index
          %parallel_loop3A_1637 = tpu.vector_load %arg4[%parallel_loop3A_1635, %parallel_loop3A_1636] {strides = array<i32>} : memref<328x128xf32, #tpu.memory_space<vmem>>, vector<1x16xf32>,
          %parallel_loop3A_1638 = vector.shape_cast %parallel_loop3A_1637 : vector<1x16xf32> to vector<16xf32>
          %parallel_loop3A_1639 = vector.shape_cast %parallel_loop3A_1634 : vector<16xf32> to vector<1x16xf32>
          tpu.vector_store %arg4[%parallel_loop3A_1635, %parallel_loop3A_1636], %parallel_loop3A_1639 {strides = array<i32>} : memref<328x128xf32, #tpu.memory_space<vmem>>, vector<1x16xf32>,
          %parallel_loop3A_1640 = arith.constant 256 : i32
          %parallel_loop3A_1641 = arith.addi %parallel_loop3A_1640, %parallel_loop3A_1562 : i32
          %parallel_loop3A_1642 = arith.index_cast %parallel_loop3A_1641 : i32 to index
          %parallel_loop3A_1643 = arith.constant 112 : index
          %parallel_loop3A_1644 = tpu.vector_load %arg5[%parallel_loop3A_1642, %parallel_loop3A_1643] {strides = array<i32>} : memref<328x128xf32, #tpu.memory_space<vmem>>, vector<1x16xf32>,
          %parallel_loop3A_1645 = vector.shape_cast %parallel_loop3A_1644 : vector<1x16xf32> to vector<16xf32>
          %parallel_loop3A_1646 = arith.index_cast %parallel_loop3A_1562 : i32 to index
          %parallel_loop3A_1647 = arith.constant 112 : index
          %parallel_loop3A_1648 = tpu.vector_load %arg4[%parallel_loop3A_1646, %parallel_loop3A_1647] {strides = array<i32>} : memref<328x128xf32, #tpu.memory_space<vmem>>, vector<1x16xf32>,
          %parallel_loop3A_1649 = vector.shape_cast %parallel_loop3A_1648 : vector<1x16xf32> to vector<16xf32>
          %parallel_loop3A_1650 = vector.shape_cast %parallel_loop3A_1645 : vector<16xf32> to vector<1x16xf32>
          tpu.vector_store %arg4[%parallel_loop3A_1646, %parallel_loop3A_1647], %parallel_loop3A_1650 {strides = array<i32>} : memref<328x128xf32, #tpu.memory_space<vmem>>, vector<1x16xf32>,
        } {sc.loop_unroll_factor = 4 : i64, sc.parallel_access}
      } else {
      }
      %add3A_1515 = arith.constant 1 : i32
      %add3A_1516 = arith.addi %mul3A_1389, %add3A_1515 : i32
      %ne3A_1517 = arith.constant 0 : i32
      %ne3A_1518 = arith.cmpi ne, %add3A_1516, %ne3A_1517 : i32
      %convert_element_type3A_1519 = arith.extui %ne3A_1518 : i1 to i32
      %cond3A_1520 = arith.constant 0 : i32
      %cond3A_1521 = arith.cmpi ne, %convert_element_type3A_1519, %cond3A_1520 : i32
      scf.if %cond3A_1521 {
        %dma_wait3A_1559 = arith.constant 0 : i32
        %dma_wait3A_1560 = arith.constant 0 : i32
        %dma_wait3A_1561 = arith.constant 0 : i32
        %dma_wait3A_1562 = tpu.memref_slice %arg6[%dma_wait3A_1560, %dma_wait3A_1561] : memref<256x128xf32, #tpu.memory_space<vmem>> -> memref<128x128xf32, #tpu.memory_space<vmem>>
        %dma_wait3A_1563 = arith.constant 0 : i32
        %dma_wait3A_1564 = arith.constant 0 : i32
        %dma_wait3A_1565 = tpu.memref_slice %arg2[%dma_wait3A_1559, %dma_wait3A_1563, %dma_wait3A_1564] : memref<4x4096x2048xf32, #tpu.memory_space<hbm>> -> memref<1x128x128xf32, #tpu.memory_space<hbm>>
        %dma_wait3A_1566 = tpu.memref_squeeze %dma_wait3A_1565 : memref<1x128x128xf32, #tpu.memory_space<hbm>> -> memref<128x128xf32, #tpu.memory_space<hbm>>
        %dma_wait3A_1567 = arith.constant 0 : i32
        %dma_wait3A_1568 = arith.constant 0 : i32
        %dma_wait3A_1569 = tpu.memref_slice %arg6[%dma_wait3A_1567, %dma_wait3A_1568] : memref<256x128xf32, #tpu.memory_space<vmem>> -> memref<128x128xf32, #tpu.memory_space<vmem>>
        %dma_wait3A_1570 = arith.constant 0 : i32
        %dma_wait3A_1571 = arith.constant 0 : i32
        %dma_wait3A_1572 = tpu.memref_slice %arg2[%dma_wait3A_1559, %dma_wait3A_1570, %dma_wait3A_1571] : memref<4x4096x2048xf32, #tpu.memory_space<hbm>> -> memref<1x128x128xf32, #tpu.memory_space<hbm>>
        %dma_wait3A_1573 = tpu.memref_squeeze %dma_wait3A_1572 : memref<1x128x128xf32, #tpu.memory_space<hbm>> -> memref<128x128xf32, #tpu.memory_space<hbm>>
        tpu.wait_dma2 semaphore(%arg9 : memref<!tpu.dma_semaphore, #tpu.memory_space<semaphore_mem>>) src(%dma_wait3A_1573 : memref<128x128xf32, #tpu.memory_space<hbm>>) dst(%dma_wait3A_1569 : memref<128x128xf32, #tpu.memory_space<vmem>>)
        %dma_wait3A_1574 = arith.constant 0 : i32
        %dma_wait3A_1575 = arith.constant 0 : i32
        %dma_wait3A_1576 = arith.constant 0 : i32
        %dma_wait3A_1577 = tpu.memref_slice %arg6[%dma_wait3A_1575, %dma_wait3A_1576] : memref<256x128xf32, #tpu.memory_space<vmem>> -> memref<128x128xf32, #tpu.memory_space<vmem>>
        %dma_wait3A_1578 = arith.constant 0 : i32
        %dma_wait3A_1579 = arith.constant 0 : i32
        %dma_wait3A_1580 = tpu.memref_slice %arg2[%dma_wait3A_1574, %dma_wait3A_1578, %dma_wait3A_1579] : memref<4x4096x2048xf32, #tpu.memory_space<hbm>> -> memref<1x128x128xf32, #tpu.memory_space<hbm>>
        %dma_wait3A_1581 = tpu.memref_squeeze %dma_wait3A_1580 : memref<1x128x128xf32, #tpu.memory_space<hbm>> -> memref<128x128xf32, #tpu.memory_space<hbm>>
        %dma_wait3A_1582 = arith.constant 0 : i32
        %dma_wait3A_1583 = arith.constant 0 : i32
        %dma_wait3A_1584 = tpu.memref_slice %arg6[%dma_wait3A_1582, %dma_wait3A_1583] : memref<256x128xf32, #tpu.memory_space<vmem>> -> memref<128x128xf32, #tpu.memory_space<vmem>>
        %dma_wait3A_1585 = arith.constant 0 : i32
        %dma_wait3A_1586 = arith.constant 0 : i32
        %dma_wait3A_1587 = tpu.memref_slice %arg2[%dma_wait3A_1574, %dma_wait3A_1585, %dma_wait3A_1586] : memref<4x4096x2048xf32, #tpu.memory_space<hbm>> -> memref<1x128x128xf32, #tpu.memory_space<hbm>>
        %dma_wait3A_1588 = tpu.memref_squeeze %dma_wait3A_1587 : memref<1x128x128xf32, #tpu.memory_space<hbm>> -> memref<128x128xf32, #tpu.memory_space<hbm>>
        tpu.wait_dma2 semaphore(%arg9 : memref<!tpu.dma_semaphore, #tpu.memory_space<semaphore_mem>>) src(%dma_wait3A_1588 : memref<128x128xf32, #tpu.memory_space<hbm>>) dst(%dma_wait3A_1584 : memref<128x128xf32, #tpu.memory_space<vmem>>)
      } else {
      }
      %shift_right_logical3A_1522 = arith.constant 3 : i32
      %shift_right_logical3A_1523 = arith.shrui %add3A_1516, %shift_right_logical3A_1522 : i32
      %and3A_1524 = arith.constant 7 : i32
      %and3A_1525 = arith.andi %add3A_1516, %and3A_1524 : i32
      %mul3A_1526 = arith.constant 2048 : i32
      %mul3A_1527 = arith.muli %arg0, %mul3A_1526 : i32
      %mul3A_1528 = arith.constant 256 : i32
      %mul3A_1529 = arith.muli %and3A_1525, %mul3A_1528 : i32
      %add3A_1530 = arith.addi %mul3A_1527, %mul3A_1529 : i32
      %parallel_loop3A_1531 = arith.constant 0 : i32
      %parallel_loop3A_1532 = arith.constant 64 : i32
      %parallel_loop3A_1533 = arith.constant 1 : i32
      scf.for %parallel_loop3A_1559 = %parallel_loop3A_1531 to %parallel_loop3A_1532 step %parallel_loop3A_1533  : i32 {
        %parallel_loop3A_1560 = arith.constant 2 : i32
        %parallel_loop3A_1561 = arith.muli %parallel_loop3A_1559, %parallel_loop3A_1560 : i32
        %parallel_loop3A_1562 = arith.constant 0 : i32
        %parallel_loop3A_1563 = arith.addi %parallel_loop3A_1562, %parallel_loop3A_1561 : i32
        %parallel_loop3A_1564 = arith.addi %sub3A_159, %parallel_loop3A_1563 : i32
        %parallel_loop3A_1565 = arith.constant 1 : i32
        %parallel_loop3A_1566 = arith.subi %parallel_loop3A_1564, %parallel_loop3A_1565 : i32
        %parallel_loop3A_1567 = arith.index_cast %parallel_loop3A_1566 : i32 to index
        %parallel_loop3A_1568 = arith.constant 0 : index
        %parallel_loop3A_1569 = tpu.vector_load %arg5[%parallel_loop3A_1567, %parallel_loop3A_1568] {strides = array<i32>} : memref<328x128xf32, #tpu.memory_space<vmem>>, vector<1x16xf32>,
        %parallel_loop3A_1570 = vector.shape_cast %parallel_loop3A_1569 : vector<1x16xf32> to vector<16xf32>
        %parallel_loop3A_1571 = arith.index_cast %parallel_loop3A_1564 : i32 to index
        %parallel_loop3A_1572 = arith.constant 0 : index
        %parallel_loop3A_1573 = tpu.vector_load %arg5[%parallel_loop3A_1571, %parallel_loop3A_1572] {strides = array<i32>} : memref<328x128xf32, #tpu.memory_space<vmem>>, vector<1x16xf32>,
        %parallel_loop3A_1574 = vector.shape_cast %parallel_loop3A_1573 : vector<1x16xf32> to vector<16xf32>
        %parallel_loop3A_1575 = arith.constant 1 : i32
        %parallel_loop3A_1576 = arith.addi %parallel_loop3A_1564, %parallel_loop3A_1575 : i32
        %parallel_loop3A_1577 = arith.index_cast %parallel_loop3A_1576 : i32 to index
        %parallel_loop3A_1578 = arith.constant 0 : index
        %parallel_loop3A_1579 = tpu.vector_load %arg5[%parallel_loop3A_1577, %parallel_loop3A_1578] {strides = array<i32>} : memref<328x128xf32, #tpu.memory_space<vmem>>, vector<1x16xf32>,
        %parallel_loop3A_1580 = vector.shape_cast %parallel_loop3A_1579 : vector<1x16xf32> to vector<16xf32>
        %parallel_loop3A_1581 = arith.select %lt3A_160, %parallel_loop3A_1574, %parallel_loop3A_1570 : vector<16xi1>, vector<16xf32>
        %parallel_loop3A_1582 = arith.select %lt3A_160, %parallel_loop3A_1580, %parallel_loop3A_1574 : vector<16xi1>, vector<16xf32>
        %parallel_loop3A_1583 = arith.minimumf %parallel_loop3A_1581, %parallel_loop3A_1582 : vector<16xf32>
        %parallel_loop3A_1584 = arith.index_cast %parallel_loop3A_1563 : i32 to index
        %parallel_loop3A_1585 = arith.constant 0 : index
        %parallel_loop3A_1586 = tpu.vector_load %arg6[%parallel_loop3A_1584, %parallel_loop3A_1585] {strides = array<i32>} : memref<256x128xf32, #tpu.memory_space<vmem>>, vector<1x16xf32>,
        %parallel_loop3A_1587 = vector.shape_cast %parallel_loop3A_1586 : vector<1x16xf32> to vector<16xf32>
        %parallel_loop3A_1588 = vector.shape_cast %parallel_loop3A_1583 : vector<16xf32> to vector<1x16xf32>
        tpu.vector_store %arg6[%parallel_loop3A_1584, %parallel_loop3A_1585], %parallel_loop3A_1588 {strides = array<i32>} : memref<256x128xf32, #tpu.memory_space<vmem>>, vector<1x16xf32>,
        %parallel_loop3A_1589 = arith.maximumf %parallel_loop3A_1581, %parallel_loop3A_1582 : vector<16xf32>
        %parallel_loop3A_1590 = arith.constant 1 : i32
        %parallel_loop3A_1591 = arith.addi %parallel_loop3A_1563, %parallel_loop3A_1590 : i32
        %parallel_loop3A_1592 = arith.index_cast %parallel_loop3A_1591 : i32 to index
        %parallel_loop3A_1593 = arith.constant 0 : index
        %parallel_loop3A_1594 = tpu.vector_load %arg6[%parallel_loop3A_1592, %parallel_loop3A_1593] {strides = array<i32>} : memref<256x128xf32, #tpu.memory_space<vmem>>, vector<1x16xf32>,
        %parallel_loop3A_1595 = vector.shape_cast %parallel_loop3A_1594 : vector<1x16xf32> to vector<16xf32>
        %parallel_loop3A_1596 = vector.shape_cast %parallel_loop3A_1589 : vector<16xf32> to vector<1x16xf32>
        tpu.vector_store %arg6[%parallel_loop3A_1592, %parallel_loop3A_1593], %parallel_loop3A_1596 {strides = array<i32>} : memref<256x128xf32, #tpu.memory_space<vmem>>, vector<1x16xf32>,
        %parallel_loop3A_1597 = arith.addi %sub3A_324, %parallel_loop3A_1563 : i32
        %parallel_loop3A_1598 = arith.constant 1 : i32
        %parallel_loop3A_1599 = arith.subi %parallel_loop3A_1597, %parallel_loop3A_1598 : i32
        %parallel_loop3A_1600 = arith.index_cast %parallel_loop3A_1599 : i32 to index
        %parallel_loop3A_1601 = arith.constant 16 : index
        %parallel_loop3A_1602 = tpu.vector_load %arg5[%parallel_loop3A_1600, %parallel_loop3A_1601] {strides = array<i32>} : memref<328x128xf32, #tpu.memory_space<vmem>>, vector<1x16xf32>,
        %parallel_loop3A_1603 = vector.shape_cast %parallel_loop3A_1602 : vector<1x16xf32> to vector<16xf32>
        %parallel_loop3A_1604 = arith.index_cast %parallel_loop3A_1597 : i32 to index
        %parallel_loop3A_1605 = arith.constant 16 : index
        %parallel_loop3A_1606 = tpu.vector_load %arg5[%parallel_loop3A_1604, %parallel_loop3A_1605] {strides = array<i32>} : memref<328x128xf32, #tpu.memory_space<vmem>>, vector<1x16xf32>,
        %parallel_loop3A_1607 = vector.shape_cast %parallel_loop3A_1606 : vector<1x16xf32> to vector<16xf32>
        %parallel_loop3A_1608 = arith.constant 1 : i32
        %parallel_loop3A_1609 = arith.addi %parallel_loop3A_1597, %parallel_loop3A_1608 : i32
        %parallel_loop3A_1610 = arith.index_cast %parallel_loop3A_1609 : i32 to index
        %parallel_loop3A_1611 = arith.constant 16 : index
        %parallel_loop3A_1612 = tpu.vector_load %arg5[%parallel_loop3A_1610, %parallel_loop3A_1611] {strides = array<i32>} : memref<328x128xf32, #tpu.memory_space<vmem>>, vector<1x16xf32>,
        %parallel_loop3A_1613 = vector.shape_cast %parallel_loop3A_1612 : vector<1x16xf32> to vector<16xf32>
        %parallel_loop3A_1614 = arith.select %lt3A_326, %parallel_loop3A_1607, %parallel_loop3A_1603 : vector<16xi1>, vector<16xf32>
        %parallel_loop3A_1615 = arith.select %lt3A_326, %parallel_loop3A_1613, %parallel_loop3A_1607 : vector<16xi1>, vector<16xf32>
        %parallel_loop3A_1616 = arith.minimumf %parallel_loop3A_1614, %parallel_loop3A_1615 : vector<16xf32>
        %parallel_loop3A_1617 = arith.index_cast %parallel_loop3A_1563 : i32 to index
        %parallel_loop3A_1618 = arith.constant 16 : index
        %parallel_loop3A_1619 = tpu.vector_load %arg6[%parallel_loop3A_1617, %parallel_loop3A_1618] {strides = array<i32>} : memref<256x128xf32, #tpu.memory_space<vmem>>, vector<1x16xf32>,
        %parallel_loop3A_1620 = vector.shape_cast %parallel_loop3A_1619 : vector<1x16xf32> to vector<16xf32>
        %parallel_loop3A_1621 = vector.shape_cast %parallel_loop3A_1616 : vector<16xf32> to vector<1x16xf32>
        tpu.vector_store %arg6[%parallel_loop3A_1617, %parallel_loop3A_1618], %parallel_loop3A_1621 {strides = array<i32>} : memref<256x128xf32, #tpu.memory_space<vmem>>, vector<1x16xf32>,
        %parallel_loop3A_1622 = arith.maximumf %parallel_loop3A_1614, %parallel_loop3A_1615 : vector<16xf32>
        %parallel_loop3A_1623 = arith.constant 1 : i32
        %parallel_loop3A_1624 = arith.addi %parallel_loop3A_1563, %parallel_loop3A_1623 : i32
        %parallel_loop3A_1625 = arith.index_cast %parallel_loop3A_1624 : i32 to index
        %parallel_loop3A_1626 = arith.constant 16 : index
        %parallel_loop3A_1627 = tpu.vector_load %arg6[%parallel_loop3A_1625, %parallel_loop3A_1626] {strides = array<i32>} : memref<256x128xf32, #tpu.memory_space<vmem>>, vector<1x16xf32>,
        %parallel_loop3A_1628 = vector.shape_cast %parallel_loop3A_1627 : vector<1x16xf32> to vector<16xf32>
        %parallel_loop3A_1629 = vector.shape_cast %parallel_loop3A_1622 : vector<16xf32> to vector<1x16xf32>
        tpu.vector_store %arg6[%parallel_loop3A_1625, %parallel_loop3A_1626], %parallel_loop3A_1629 {strides = array<i32>} : memref<256x128xf32, #tpu.memory_space<vmem>>, vector<1x16xf32>,
        %parallel_loop3A_1630 = arith.addi %sub3A_490, %parallel_loop3A_1563 : i32
        %parallel_loop3A_1631 = arith.constant 1 : i32
        %parallel_loop3A_1632 = arith.subi %parallel_loop3A_1630, %parallel_loop3A_1631 : i32
        %parallel_loop3A_1633 = arith.index_cast %parallel_loop3A_1632 : i32 to index
        %parallel_loop3A_1634 = arith.constant 32 : index
        %parallel_loop3A_1635 = tpu.vector_load %arg5[%parallel_loop3A_1633, %parallel_loop3A_1634] {strides = array<i32>} : memref<328x128xf32, #tpu.memory_space<vmem>>, vector<1x16xf32>,
        %parallel_loop3A_1636 = vector.shape_cast %parallel_loop3A_1635 : vector<1x16xf32> to vector<16xf32>
        %parallel_loop3A_1637 = arith.index_cast %parallel_loop3A_1630 : i32 to index
        %parallel_loop3A_1638 = arith.constant 32 : index
        %parallel_loop3A_1639 = tpu.vector_load %arg5[%parallel_loop3A_1637, %parallel_loop3A_1638] {strides = array<i32>} : memref<328x128xf32, #tpu.memory_space<vmem>>, vector<1x16xf32>,
        %parallel_loop3A_1640 = vector.shape_cast %parallel_loop3A_1639 : vector<1x16xf32> to vector<16xf32>
        %parallel_loop3A_1641 = arith.constant 1 : i32
        %parallel_loop3A_1642 = arith.addi %parallel_loop3A_1630, %parallel_loop3A_1641 : i32
        %parallel_loop3A_1643 = arith.index_cast %parallel_loop3A_1642 : i32 to index
        %parallel_loop3A_1644 = arith.constant 32 : index
        %parallel_loop3A_1645 = tpu.vector_load %arg5[%parallel_loop3A_1643, %parallel_loop3A_1644] {strides = array<i32>} : memref<328x128xf32, #tpu.memory_space<vmem>>, vector<1x16xf32>,
        %parallel_loop3A_1646 = vector.shape_cast %parallel_loop3A_1645 : vector<1x16xf32> to vector<16xf32>
        %parallel_loop3A_1647 = arith.select %lt3A_492, %parallel_loop3A_1640, %parallel_loop3A_1636 : vector<16xi1>, vector<16xf32>
        %parallel_loop3A_1648 = arith.select %lt3A_492, %parallel_loop3A_1646, %parallel_loop3A_1640 : vector<16xi1>, vector<16xf32>
        %parallel_loop3A_1649 = arith.minimumf %parallel_loop3A_1647, %parallel_loop3A_1648 : vector<16xf32>
        %parallel_loop3A_1650 = arith.index_cast %parallel_loop3A_1563 : i32 to index
        %parallel_loop3A_1651 = arith.constant 32 : index
        %parallel_loop3A_1652 = tpu.vector_load %arg6[%parallel_loop3A_1650, %parallel_loop3A_1651] {strides = array<i32>} : memref<256x128xf32, #tpu.memory_space<vmem>>, vector<1x16xf32>,
        %parallel_loop3A_1653 = vector.shape_cast %parallel_loop3A_1652 : vector<1x16xf32> to vector<16xf32>
        %parallel_loop3A_1654 = vector.shape_cast %parallel_loop3A_1649 : vector<16xf32> to vector<1x16xf32>
        tpu.vector_store %arg6[%parallel_loop3A_1650, %parallel_loop3A_1651], %parallel_loop3A_1654 {strides = array<i32>} : memref<256x128xf32, #tpu.memory_space<vmem>>, vector<1x16xf32>,
        %parallel_loop3A_1655 = arith.maximumf %parallel_loop3A_1647, %parallel_loop3A_1648 : vector<16xf32>
        %parallel_loop3A_1656 = arith.constant 1 : i32
        %parallel_loop3A_1657 = arith.addi %parallel_loop3A_1563, %parallel_loop3A_1656 : i32
        %parallel_loop3A_1658 = arith.index_cast %parallel_loop3A_1657 : i32 to index
        %parallel_loop3A_1659 = arith.constant 32 : index
        %parallel_loop3A_1660 = tpu.vector_load %arg6[%parallel_loop3A_1658, %parallel_loop3A_1659] {strides = array<i32>} : memref<256x128xf32, #tpu.memory_space<vmem>>, vector<1x16xf32>,
        %parallel_loop3A_1661 = vector.shape_cast %parallel_loop3A_1660 : vector<1x16xf32> to vector<16xf32>
        %parallel_loop3A_1662 = vector.shape_cast %parallel_loop3A_1655 : vector<16xf32> to vector<1x16xf32>
        tpu.vector_store %arg6[%parallel_loop3A_1658, %parallel_loop3A_1659], %parallel_loop3A_1662 {strides = array<i32>} : memref<256x128xf32, #tpu.memory_space<vmem>>, vector<1x16xf32>,
        %parallel_loop3A_1663 = arith.addi %sub3A_656, %parallel_loop3A_1563 : i32
        %parallel_loop3A_1664 = arith.constant 1 : i32
        %parallel_loop3A_1665 = arith.subi %parallel_loop3A_1663, %parallel_loop3A_1664 : i32
        %parallel_loop3A_1666 = arith.index_cast %parallel_loop3A_1665 : i32 to index
        %parallel_loop3A_1667 = arith.constant 48 : index
        %parallel_loop3A_1668 = tpu.vector_load %arg5[%parallel_loop3A_1666, %parallel_loop3A_1667] {strides = array<i32>} : memref<328x128xf32, #tpu.memory_space<vmem>>, vector<1x16xf32>,
        %parallel_loop3A_1669 = vector.shape_cast %parallel_loop3A_1668 : vector<1x16xf32> to vector<16xf32>
        %parallel_loop3A_1670 = arith.index_cast %parallel_loop3A_1663 : i32 to index
        %parallel_loop3A_1671 = arith.constant 48 : index
        %parallel_loop3A_1672 = tpu.vector_load %arg5[%parallel_loop3A_1670, %parallel_loop3A_1671] {strides = array<i32>} : memref<328x128xf32, #tpu.memory_space<vmem>>, vector<1x16xf32>,
        %parallel_loop3A_1673 = vector.shape_cast %parallel_loop3A_1672 : vector<1x16xf32> to vector<16xf32>
        %parallel_loop3A_1674 = arith.constant 1 : i32
        %parallel_loop3A_1675 = arith.addi %parallel_loop3A_1663, %parallel_loop3A_1674 : i32
        %parallel_loop3A_1676 = arith.index_cast %parallel_loop3A_1675 : i32 to index
        %parallel_loop3A_1677 = arith.constant 48 : index
        %parallel_loop3A_1678 = tpu.vector_load %arg5[%parallel_loop3A_1676, %parallel_loop3A_1677] {strides = array<i32>} : memref<328x128xf32, #tpu.memory_space<vmem>>, vector<1x16xf32>,
        %parallel_loop3A_1679 = vector.shape_cast %parallel_loop3A_1678 : vector<1x16xf32> to vector<16xf32>
        %parallel_loop3A_1680 = arith.select %lt3A_658, %parallel_loop3A_1673, %parallel_loop3A_1669 : vector<16xi1>, vector<16xf32>
        %parallel_loop3A_1681 = arith.select %lt3A_658, %parallel_loop3A_1679, %parallel_loop3A_1673 : vector<16xi1>, vector<16xf32>
        %parallel_loop3A_1682 = arith.minimumf %parallel_loop3A_1680, %parallel_loop3A_1681 : vector<16xf32>
        %parallel_loop3A_1683 = arith.index_cast %parallel_loop3A_1563 : i32 to index
        %parallel_loop3A_1684 = arith.constant 48 : index
        %parallel_loop3A_1685 = tpu.vector_load %arg6[%parallel_loop3A_1683, %parallel_loop3A_1684] {strides = array<i32>} : memref<256x128xf32, #tpu.memory_space<vmem>>, vector<1x16xf32>,
        %parallel_loop3A_1686 = vector.shape_cast %parallel_loop3A_1685 : vector<1x16xf32> to vector<16xf32>
        %parallel_loop3A_1687 = vector.shape_cast %parallel_loop3A_1682 : vector<16xf32> to vector<1x16xf32>
        tpu.vector_store %arg6[%parallel_loop3A_1683, %parallel_loop3A_1684], %parallel_loop3A_1687 {strides = array<i32>} : memref<256x128xf32, #tpu.memory_space<vmem>>, vector<1x16xf32>,
        %parallel_loop3A_1688 = arith.maximumf %parallel_loop3A_1680, %parallel_loop3A_1681 : vector<16xf32>
        %parallel_loop3A_1689 = arith.constant 1 : i32
        %parallel_loop3A_1690 = arith.addi %parallel_loop3A_1563, %parallel_loop3A_1689 : i32
        %parallel_loop3A_1691 = arith.index_cast %parallel_loop3A_1690 : i32 to index
        %parallel_loop3A_1692 = arith.constant 48 : index
        %parallel_loop3A_1693 = tpu.vector_load %arg6[%parallel_loop3A_1691, %parallel_loop3A_1692] {strides = array<i32>} : memref<256x128xf32, #tpu.memory_space<vmem>>, vector<1x16xf32>,
        %parallel_loop3A_1694 = vector.shape_cast %parallel_loop3A_1693 : vector<1x16xf32> to vector<16xf32>
        %parallel_loop3A_1695 = vector.shape_cast %parallel_loop3A_1688 : vector<16xf32> to vector<1x16xf32>
        tpu.vector_store %arg6[%parallel_loop3A_1691, %parallel_loop3A_1692], %parallel_loop3A_1695 {strides = array<i32>} : memref<256x128xf32, #tpu.memory_space<vmem>>, vector<1x16xf32>,
        %parallel_loop3A_1696 = arith.addi %sub3A_822, %parallel_loop3A_1563 : i32
        %parallel_loop3A_1697 = arith.constant 1 : i32
        %parallel_loop3A_1698 = arith.subi %parallel_loop3A_1696, %parallel_loop3A_1697 : i32
        %parallel_loop3A_1699 = arith.index_cast %parallel_loop3A_1698 : i32 to index
        %parallel_loop3A_1700 = arith.constant 64 : index
        %parallel_loop3A_1701 = tpu.vector_load %arg5[%parallel_loop3A_1699, %parallel_loop3A_1700] {strides = array<i32>} : memref<328x128xf32, #tpu.memory_space<vmem>>, vector<1x16xf32>,
        %parallel_loop3A_1702 = vector.shape_cast %parallel_loop3A_1701 : vector<1x16xf32> to vector<16xf32>
        %parallel_loop3A_1703 = arith.index_cast %parallel_loop3A_1696 : i32 to index
        %parallel_loop3A_1704 = arith.constant 64 : index
        %parallel_loop3A_1705 = tpu.vector_load %arg5[%parallel_loop3A_1703, %parallel_loop3A_1704] {strides = array<i32>} : memref<328x128xf32, #tpu.memory_space<vmem>>, vector<1x16xf32>,
        %parallel_loop3A_1706 = vector.shape_cast %parallel_loop3A_1705 : vector<1x16xf32> to vector<16xf32>
        %parallel_loop3A_1707 = arith.constant 1 : i32
        %parallel_loop3A_1708 = arith.addi %parallel_loop3A_1696, %parallel_loop3A_1707 : i32
        %parallel_loop3A_1709 = arith.index_cast %parallel_loop3A_1708 : i32 to index
        %parallel_loop3A_1710 = arith.constant 64 : index
        %parallel_loop3A_1711 = tpu.vector_load %arg5[%parallel_loop3A_1709, %parallel_loop3A_1710] {strides = array<i32>} : memref<328x128xf32, #tpu.memory_space<vmem>>, vector<1x16xf32>,
        %parallel_loop3A_1712 = vector.shape_cast %parallel_loop3A_1711 : vector<1x16xf32> to vector<16xf32>
        %parallel_loop3A_1713 = arith.select %lt3A_824, %parallel_loop3A_1706, %parallel_loop3A_1702 : vector<16xi1>, vector<16xf32>
        %parallel_loop3A_1714 = arith.select %lt3A_824, %parallel_loop3A_1712, %parallel_loop3A_1706 : vector<16xi1>, vector<16xf32>
        %parallel_loop3A_1715 = arith.minimumf %parallel_loop3A_1713, %parallel_loop3A_1714 : vector<16xf32>
        %parallel_loop3A_1716 = arith.index_cast %parallel_loop3A_1563 : i32 to index
        %parallel_loop3A_1717 = arith.constant 64 : index
        %parallel_loop3A_1718 = tpu.vector_load %arg6[%parallel_loop3A_1716, %parallel_loop3A_1717] {strides = array<i32>} : memref<256x128xf32, #tpu.memory_space<vmem>>, vector<1x16xf32>,
        %parallel_loop3A_1719 = vector.shape_cast %parallel_loop3A_1718 : vector<1x16xf32> to vector<16xf32>
        %parallel_loop3A_1720 = vector.shape_cast %parallel_loop3A_1715 : vector<16xf32> to vector<1x16xf32>
        tpu.vector_store %arg6[%parallel_loop3A_1716, %parallel_loop3A_1717], %parallel_loop3A_1720 {strides = array<i32>} : memref<256x128xf32, #tpu.memory_space<vmem>>, vector<1x16xf32>,
        %parallel_loop3A_1721 = arith.maximumf %parallel_loop3A_1713, %parallel_loop3A_1714 : vector<16xf32>
        %parallel_loop3A_1722 = arith.constant 1 : i32
        %parallel_loop3A_1723 = arith.addi %parallel_loop3A_1563, %parallel_loop3A_1722 : i32
        %parallel_loop3A_1724 = arith.index_cast %parallel_loop3A_1723 : i32 to index
        %parallel_loop3A_1725 = arith.constant 64 : index
        %parallel_loop3A_1726 = tpu.vector_load %arg6[%parallel_loop3A_1724, %parallel_loop3A_1725] {strides = array<i32>} : memref<256x128xf32, #tpu.memory_space<vmem>>, vector<1x16xf32>,
        %parallel_loop3A_1727 = vector.shape_cast %parallel_loop3A_1726 : vector<1x16xf32> to vector<16xf32>
        %parallel_loop3A_1728 = vector.shape_cast %parallel_loop3A_1721 : vector<16xf32> to vector<1x16xf32>
        tpu.vector_store %arg6[%parallel_loop3A_1724, %parallel_loop3A_1725], %parallel_loop3A_1728 {strides = array<i32>} : memref<256x128xf32, #tpu.memory_space<vmem>>, vector<1x16xf32>,
        %parallel_loop3A_1729 = arith.addi %sub3A_988, %parallel_loop3A_1563 : i32
        %parallel_loop3A_1730 = arith.constant 1 : i32
        %parallel_loop3A_1731 = arith.subi %parallel_loop3A_1729, %parallel_loop3A_1730 : i32
        %parallel_loop3A_1732 = arith.index_cast %parallel_loop3A_1731 : i32 to index
        %parallel_loop3A_1733 = arith.constant 80 : index
        %parallel_loop3A_1734 = tpu.vector_load %arg5[%parallel_loop3A_1732, %parallel_loop3A_1733] {strides = array<i32>} : memref<328x128xf32, #tpu.memory_space<vmem>>, vector<1x16xf32>,
        %parallel_loop3A_1735 = vector.shape_cast %parallel_loop3A_1734 : vector<1x16xf32> to vector<16xf32>
        %parallel_loop3A_1736 = arith.index_cast %parallel_loop3A_1729 : i32 to index
        %parallel_loop3A_1737 = arith.constant 80 : index
        %parallel_loop3A_1738 = tpu.vector_load %arg5[%parallel_loop3A_1736, %parallel_loop3A_1737] {strides = array<i32>} : memref<328x128xf32, #tpu.memory_space<vmem>>, vector<1x16xf32>,
        %parallel_loop3A_1739 = vector.shape_cast %parallel_loop3A_1738 : vector<1x16xf32> to vector<16xf32>
        %parallel_loop3A_1740 = arith.constant 1 : i32
        %parallel_loop3A_1741 = arith.addi %parallel_loop3A_1729, %parallel_loop3A_1740 : i32
        %parallel_loop3A_1742 = arith.index_cast %parallel_loop3A_1741 : i32 to index
        %parallel_loop3A_1743 = arith.constant 80 : index
        %parallel_loop3A_1744 = tpu.vector_load %arg5[%parallel_loop3A_1742, %parallel_loop3A_1743] {strides = array<i32>} : memref<328x128xf32, #tpu.memory_space<vmem>>, vector<1x16xf32>,
        %parallel_loop3A_1745 = vector.shape_cast %parallel_loop3A_1744 : vector<1x16xf32> to vector<16xf32>
        %parallel_loop3A_1746 = arith.select %lt3A_990, %parallel_loop3A_1739, %parallel_loop3A_1735 : vector<16xi1>, vector<16xf32>
        %parallel_loop3A_1747 = arith.select %lt3A_990, %parallel_loop3A_1745, %parallel_loop3A_1739 : vector<16xi1>, vector<16xf32>
        %parallel_loop3A_1748 = arith.minimumf %parallel_loop3A_1746, %parallel_loop3A_1747 : vector<16xf32>
        %parallel_loop3A_1749 = arith.index_cast %parallel_loop3A_1563 : i32 to index
        %parallel_loop3A_1750 = arith.constant 80 : index
        %parallel_loop3A_1751 = tpu.vector_load %arg6[%parallel_loop3A_1749, %parallel_loop3A_1750] {strides = array<i32>} : memref<256x128xf32, #tpu.memory_space<vmem>>, vector<1x16xf32>,
        %parallel_loop3A_1752 = vector.shape_cast %parallel_loop3A_1751 : vector<1x16xf32> to vector<16xf32>
        %parallel_loop3A_1753 = vector.shape_cast %parallel_loop3A_1748 : vector<16xf32> to vector<1x16xf32>
        tpu.vector_store %arg6[%parallel_loop3A_1749, %parallel_loop3A_1750], %parallel_loop3A_1753 {strides = array<i32>} : memref<256x128xf32, #tpu.memory_space<vmem>>, vector<1x16xf32>,
        %parallel_loop3A_1754 = arith.maximumf %parallel_loop3A_1746, %parallel_loop3A_1747 : vector<16xf32>
        %parallel_loop3A_1755 = arith.constant 1 : i32
        %parallel_loop3A_1756 = arith.addi %parallel_loop3A_1563, %parallel_loop3A_1755 : i32
        %parallel_loop3A_1757 = arith.index_cast %parallel_loop3A_1756 : i32 to index
        %parallel_loop3A_1758 = arith.constant 80 : index
        %parallel_loop3A_1759 = tpu.vector_load %arg6[%parallel_loop3A_1757, %parallel_loop3A_1758] {strides = array<i32>} : memref<256x128xf32, #tpu.memory_space<vmem>>, vector<1x16xf32>,
        %parallel_loop3A_1760 = vector.shape_cast %parallel_loop3A_1759 : vector<1x16xf32> to vector<16xf32>
        %parallel_loop3A_1761 = vector.shape_cast %parallel_loop3A_1754 : vector<16xf32> to vector<1x16xf32>
        tpu.vector_store %arg6[%parallel_loop3A_1757, %parallel_loop3A_1758], %parallel_loop3A_1761 {strides = array<i32>} : memref<256x128xf32, #tpu.memory_space<vmem>>, vector<1x16xf32>,
        %parallel_loop3A_1762 = arith.addi %sub3A_1154, %parallel_loop3A_1563 : i32
        %parallel_loop3A_1763 = arith.constant 1 : i32
        %parallel_loop3A_1764 = arith.subi %parallel_loop3A_1762, %parallel_loop3A_1763 : i32
        %parallel_loop3A_1765 = arith.index_cast %parallel_loop3A_1764 : i32 to index
        %parallel_loop3A_1766 = arith.constant 96 : index
        %parallel_loop3A_1767 = tpu.vector_load %arg5[%parallel_loop3A_1765, %parallel_loop3A_1766] {strides = array<i32>} : memref<328x128xf32, #tpu.memory_space<vmem>>, vector<1x16xf32>,
        %parallel_loop3A_1768 = vector.shape_cast %parallel_loop3A_1767 : vector<1x16xf32> to vector<16xf32>
        %parallel_loop3A_1769 = arith.index_cast %parallel_loop3A_1762 : i32 to index
        %parallel_loop3A_1770 = arith.constant 96 : index
        %parallel_loop3A_1771 = tpu.vector_load %arg5[%parallel_loop3A_1769, %parallel_loop3A_1770] {strides = array<i32>} : memref<328x128xf32, #tpu.memory_space<vmem>>, vector<1x16xf32>,
        %parallel_loop3A_1772 = vector.shape_cast %parallel_loop3A_1771 : vector<1x16xf32> to vector<16xf32>
        %parallel_loop3A_1773 = arith.constant 1 : i32
        %parallel_loop3A_1774 = arith.addi %parallel_loop3A_1762, %parallel_loop3A_1773 : i32
        %parallel_loop3A_1775 = arith.index_cast %parallel_loop3A_1774 : i32 to index
        %parallel_loop3A_1776 = arith.constant 96 : index
        %parallel_loop3A_1777 = tpu.vector_load %arg5[%parallel_loop3A_1775, %parallel_loop3A_1776] {strides = array<i32>} : memref<328x128xf32, #tpu.memory_space<vmem>>, vector<1x16xf32>,
        %parallel_loop3A_1778 = vector.shape_cast %parallel_loop3A_1777 : vector<1x16xf32> to vector<16xf32>
        %parallel_loop3A_1779 = arith.select %lt3A_1156, %parallel_loop3A_1772, %parallel_loop3A_1768 : vector<16xi1>, vector<16xf32>
        %parallel_loop3A_1780 = arith.select %lt3A_1156, %parallel_loop3A_1778, %parallel_loop3A_1772 : vector<16xi1>, vector<16xf32>
        %parallel_loop3A_1781 = arith.minimumf %parallel_loop3A_1779, %parallel_loop3A_1780 : vector<16xf32>
        %parallel_loop3A_1782 = arith.index_cast %parallel_loop3A_1563 : i32 to index
        %parallel_loop3A_1783 = arith.constant 96 : index
        %parallel_loop3A_1784 = tpu.vector_load %arg6[%parallel_loop3A_1782, %parallel_loop3A_1783] {strides = array<i32>} : memref<256x128xf32, #tpu.memory_space<vmem>>, vector<1x16xf32>,
        %parallel_loop3A_1785 = vector.shape_cast %parallel_loop3A_1784 : vector<1x16xf32> to vector<16xf32>
        %parallel_loop3A_1786 = vector.shape_cast %parallel_loop3A_1781 : vector<16xf32> to vector<1x16xf32>
        tpu.vector_store %arg6[%parallel_loop3A_1782, %parallel_loop3A_1783], %parallel_loop3A_1786 {strides = array<i32>} : memref<256x128xf32, #tpu.memory_space<vmem>>, vector<1x16xf32>,
        %parallel_loop3A_1787 = arith.maximumf %parallel_loop3A_1779, %parallel_loop3A_1780 : vector<16xf32>
        %parallel_loop3A_1788 = arith.constant 1 : i32
        %parallel_loop3A_1789 = arith.addi %parallel_loop3A_1563, %parallel_loop3A_1788 : i32
        %parallel_loop3A_1790 = arith.index_cast %parallel_loop3A_1789 : i32 to index
        %parallel_loop3A_1791 = arith.constant 96 : index
        %parallel_loop3A_1792 = tpu.vector_load %arg6[%parallel_loop3A_1790, %parallel_loop3A_1791] {strides = array<i32>} : memref<256x128xf32, #tpu.memory_space<vmem>>, vector<1x16xf32>,
        %parallel_loop3A_1793 = vector.shape_cast %parallel_loop3A_1792 : vector<1x16xf32> to vector<16xf32>
        %parallel_loop3A_1794 = vector.shape_cast %parallel_loop3A_1787 : vector<16xf32> to vector<1x16xf32>
        tpu.vector_store %arg6[%parallel_loop3A_1790, %parallel_loop3A_1791], %parallel_loop3A_1794 {strides = array<i32>} : memref<256x128xf32, #tpu.memory_space<vmem>>, vector<1x16xf32>,
        %parallel_loop3A_1795 = arith.addi %sub3A_1320, %parallel_loop3A_1563 : i32
        %parallel_loop3A_1796 = arith.constant 1 : i32
        %parallel_loop3A_1797 = arith.subi %parallel_loop3A_1795, %parallel_loop3A_1796 : i32
        %parallel_loop3A_1798 = arith.index_cast %parallel_loop3A_1797 : i32 to index
        %parallel_loop3A_1799 = arith.constant 112 : index
        %parallel_loop3A_1800 = tpu.vector_load %arg5[%parallel_loop3A_1798, %parallel_loop3A_1799] {strides = array<i32>} : memref<328x128xf32, #tpu.memory_space<vmem>>, vector<1x16xf32>,
        %parallel_loop3A_1801 = vector.shape_cast %parallel_loop3A_1800 : vector<1x16xf32> to vector<16xf32>
        %parallel_loop3A_1802 = arith.index_cast %parallel_loop3A_1795 : i32 to index
        %parallel_loop3A_1803 = arith.constant 112 : index
        %parallel_loop3A_1804 = tpu.vector_load %arg5[%parallel_loop3A_1802, %parallel_loop3A_1803] {strides = array<i32>} : memref<328x128xf32, #tpu.memory_space<vmem>>, vector<1x16xf32>,
        %parallel_loop3A_1805 = vector.shape_cast %parallel_loop3A_1804 : vector<1x16xf32> to vector<16xf32>
        %parallel_loop3A_1806 = arith.constant 1 : i32
        %parallel_loop3A_1807 = arith.addi %parallel_loop3A_1795, %parallel_loop3A_1806 : i32
        %parallel_loop3A_1808 = arith.index_cast %parallel_loop3A_1807 : i32 to index
        %parallel_loop3A_1809 = arith.constant 112 : index
        %parallel_loop3A_1810 = tpu.vector_load %arg5[%parallel_loop3A_1808, %parallel_loop3A_1809] {strides = array<i32>} : memref<328x128xf32, #tpu.memory_space<vmem>>, vector<1x16xf32>,
        %parallel_loop3A_1811 = vector.shape_cast %parallel_loop3A_1810 : vector<1x16xf32> to vector<16xf32>
        %parallel_loop3A_1812 = arith.select %lt3A_1322, %parallel_loop3A_1805, %parallel_loop3A_1801 : vector<16xi1>, vector<16xf32>
        %parallel_loop3A_1813 = arith.select %lt3A_1322, %parallel_loop3A_1811, %parallel_loop3A_1805 : vector<16xi1>, vector<16xf32>
        %parallel_loop3A_1814 = arith.minimumf %parallel_loop3A_1812, %parallel_loop3A_1813 : vector<16xf32>
        %parallel_loop3A_1815 = arith.index_cast %parallel_loop3A_1563 : i32 to index
        %parallel_loop3A_1816 = arith.constant 112 : index
        %parallel_loop3A_1817 = tpu.vector_load %arg6[%parallel_loop3A_1815, %parallel_loop3A_1816] {strides = array<i32>} : memref<256x128xf32, #tpu.memory_space<vmem>>, vector<1x16xf32>,
        %parallel_loop3A_1818 = vector.shape_cast %parallel_loop3A_1817 : vector<1x16xf32> to vector<16xf32>
        %parallel_loop3A_1819 = vector.shape_cast %parallel_loop3A_1814 : vector<16xf32> to vector<1x16xf32>
        tpu.vector_store %arg6[%parallel_loop3A_1815, %parallel_loop3A_1816], %parallel_loop3A_1819 {strides = array<i32>} : memref<256x128xf32, #tpu.memory_space<vmem>>, vector<1x16xf32>,
        %parallel_loop3A_1820 = arith.maximumf %parallel_loop3A_1812, %parallel_loop3A_1813 : vector<16xf32>
        %parallel_loop3A_1821 = arith.constant 1 : i32
        %parallel_loop3A_1822 = arith.addi %parallel_loop3A_1563, %parallel_loop3A_1821 : i32
        %parallel_loop3A_1823 = arith.index_cast %parallel_loop3A_1822 : i32 to index
        %parallel_loop3A_1824 = arith.constant 112 : index
        %parallel_loop3A_1825 = tpu.vector_load %arg6[%parallel_loop3A_1823, %parallel_loop3A_1824] {strides = array<i32>} : memref<256x128xf32, #tpu.memory_space<vmem>>, vector<1x16xf32>,
        %parallel_loop3A_1826 = vector.shape_cast %parallel_loop3A_1825 : vector<1x16xf32> to vector<16xf32>
        %parallel_loop3A_1827 = vector.shape_cast %parallel_loop3A_1820 : vector<16xf32> to vector<1x16xf32>
        tpu.vector_store %arg6[%parallel_loop3A_1823, %parallel_loop3A_1824], %parallel_loop3A_1827 {strides = array<i32>} : memref<256x128xf32, #tpu.memory_space<vmem>>, vector<1x16xf32>,
      } {sc.loop_unroll_factor = 8 : i64, sc.parallel_access}
      %dma_start3A_1534 = arith.constant 0 : i32
      %dma_start3A_1535 = arith.constant 0 : i32
      %dma_start3A_1536 = tpu.memref_slice %arg6[%dma_start3A_1534, %dma_start3A_1535] : memref<256x128xf32, #tpu.memory_space<vmem>> -> memref<128x128xf32, #tpu.memory_space<vmem>>
      %dma_start3A_1537 = tpu.memref_slice %arg3[%shift_right_logical3A_1523, %add3A_1530, %mul3A_0] : memref<4x4096x2048xf32, #tpu.memory_space<hbm>> -> memref<1x128x128xf32, #tpu.memory_space<hbm>>
      %dma_start3A_1538 = tpu.memref_squeeze %dma_start3A_1537 : memref<1x128x128xf32, #tpu.memory_space<hbm>> -> memref<128x128xf32, #tpu.memory_space<hbm>>
      %dma_start3A_1539 = tpu.memref_slice %arg3[%shift_right_logical3A_1523, %add3A_1530, %mul3A_0] : memref<4x4096x2048xf32, #tpu.memory_space<hbm>> -> memref<1x128x128xf32, #tpu.memory_space<hbm>>
      %dma_start3A_1540 = tpu.memref_squeeze %dma_start3A_1539 : memref<1x128x128xf32, #tpu.memory_space<hbm>> -> memref<128x128xf32, #tpu.memory_space<hbm>>
      %dma_start3A_1541 = arith.constant 0 : i32
      %dma_start3A_1542 = arith.constant 0 : i32
      %dma_start3A_1543 = tpu.memref_slice %arg6[%dma_start3A_1541, %dma_start3A_1542] : memref<256x128xf32, #tpu.memory_space<vmem>> -> memref<128x128xf32, #tpu.memory_space<vmem>>
      tpu.enqueue_dma source(%dma_start3A_1543 : memref<128x128xf32, #tpu.memory_space<vmem>>) target(%dma_start3A_1540 : memref<128x128xf32, #tpu.memory_space<hbm>>) target_semaphore(%arg9 : memref<!tpu.dma_semaphore, #tpu.memory_space<semaphore_mem>>)
      %parallel_loop3A_1544 = arith.constant 0 : i32
      %parallel_loop3A_1545 = arith.constant 64 : i32
      %parallel_loop3A_1546 = arith.constant 1 : i32
      scf.for %parallel_loop3A_1559 = %parallel_loop3A_1544 to %parallel_loop3A_1545 step %parallel_loop3A_1546  : i32 {
        %parallel_loop3A_1560 = arith.constant 2 : i32
        %parallel_loop3A_1561 = arith.muli %parallel_loop3A_1559, %parallel_loop3A_1560 : i32
        %parallel_loop3A_1562 = arith.constant 128 : i32
        %parallel_loop3A_1563 = arith.addi %parallel_loop3A_1562, %parallel_loop3A_1561 : i32
        %parallel_loop3A_1564 = arith.addi %sub3A_159, %parallel_loop3A_1563 : i32
        %parallel_loop3A_1565 = arith.constant 1 : i32
        %parallel_loop3A_1566 = arith.subi %parallel_loop3A_1564, %parallel_loop3A_1565 : i32
        %parallel_loop3A_1567 = arith.index_cast %parallel_loop3A_1566 : i32 to index
        %parallel_loop3A_1568 = arith.constant 0 : index
        %parallel_loop3A_1569 = tpu.vector_load %arg5[%parallel_loop3A_1567, %parallel_loop3A_1568] {strides = array<i32>} : memref<328x128xf32, #tpu.memory_space<vmem>>, vector<1x16xf32>,
        %parallel_loop3A_1570 = vector.shape_cast %parallel_loop3A_1569 : vector<1x16xf32> to vector<16xf32>
        %parallel_loop3A_1571 = arith.index_cast %parallel_loop3A_1564 : i32 to index
        %parallel_loop3A_1572 = arith.constant 0 : index
        %parallel_loop3A_1573 = tpu.vector_load %arg5[%parallel_loop3A_1571, %parallel_loop3A_1572] {strides = array<i32>} : memref<328x128xf32, #tpu.memory_space<vmem>>, vector<1x16xf32>,
        %parallel_loop3A_1574 = vector.shape_cast %parallel_loop3A_1573 : vector<1x16xf32> to vector<16xf32>
        %parallel_loop3A_1575 = arith.constant 1 : i32
        %parallel_loop3A_1576 = arith.addi %parallel_loop3A_1564, %parallel_loop3A_1575 : i32
        %parallel_loop3A_1577 = arith.index_cast %parallel_loop3A_1576 : i32 to index
        %parallel_loop3A_1578 = arith.constant 0 : index
        %parallel_loop3A_1579 = tpu.vector_load %arg5[%parallel_loop3A_1577, %parallel_loop3A_1578] {strides = array<i32>} : memref<328x128xf32, #tpu.memory_space<vmem>>, vector<1x16xf32>,
        %parallel_loop3A_1580 = vector.shape_cast %parallel_loop3A_1579 : vector<1x16xf32> to vector<16xf32>
        %parallel_loop3A_1581 = arith.select %lt3A_160, %parallel_loop3A_1574, %parallel_loop3A_1570 : vector<16xi1>, vector<16xf32>
        %parallel_loop3A_1582 = arith.select %lt3A_160, %parallel_loop3A_1580, %parallel_loop3A_1574 : vector<16xi1>, vector<16xf32>
        %parallel_loop3A_1583 = arith.minimumf %parallel_loop3A_1581, %parallel_loop3A_1582 : vector<16xf32>
        %parallel_loop3A_1584 = arith.index_cast %parallel_loop3A_1563 : i32 to index
        %parallel_loop3A_1585 = arith.constant 0 : index
        %parallel_loop3A_1586 = tpu.vector_load %arg6[%parallel_loop3A_1584, %parallel_loop3A_1585] {strides = array<i32>} : memref<256x128xf32, #tpu.memory_space<vmem>>, vector<1x16xf32>,
        %parallel_loop3A_1587 = vector.shape_cast %parallel_loop3A_1586 : vector<1x16xf32> to vector<16xf32>
        %parallel_loop3A_1588 = vector.shape_cast %parallel_loop3A_1583 : vector<16xf32> to vector<1x16xf32>
        tpu.vector_store %arg6[%parallel_loop3A_1584, %parallel_loop3A_1585], %parallel_loop3A_1588 {strides = array<i32>} : memref<256x128xf32, #tpu.memory_space<vmem>>, vector<1x16xf32>,
        %parallel_loop3A_1589 = arith.maximumf %parallel_loop3A_1581, %parallel_loop3A_1582 : vector<16xf32>
        %parallel_loop3A_1590 = arith.constant 1 : i32
        %parallel_loop3A_1591 = arith.addi %parallel_loop3A_1563, %parallel_loop3A_1590 : i32
        %parallel_loop3A_1592 = arith.index_cast %parallel_loop3A_1591 : i32 to index
        %parallel_loop3A_1593 = arith.constant 0 : index
        %parallel_loop3A_1594 = tpu.vector_load %arg6[%parallel_loop3A_1592, %parallel_loop3A_1593] {strides = array<i32>} : memref<256x128xf32, #tpu.memory_space<vmem>>, vector<1x16xf32>,
        %parallel_loop3A_1595 = vector.shape_cast %parallel_loop3A_1594 : vector<1x16xf32> to vector<16xf32>
        %parallel_loop3A_1596 = vector.shape_cast %parallel_loop3A_1589 : vector<16xf32> to vector<1x16xf32>
        tpu.vector_store %arg6[%parallel_loop3A_1592, %parallel_loop3A_1593], %parallel_loop3A_1596 {strides = array<i32>} : memref<256x128xf32, #tpu.memory_space<vmem>>, vector<1x16xf32>,
        %parallel_loop3A_1597 = arith.addi %sub3A_324, %parallel_loop3A_1563 : i32
        %parallel_loop3A_1598 = arith.constant 1 : i32
        %parallel_loop3A_1599 = arith.subi %parallel_loop3A_1597, %parallel_loop3A_1598 : i32
        %parallel_loop3A_1600 = arith.index_cast %parallel_loop3A_1599 : i32 to index
        %parallel_loop3A_1601 = arith.constant 16 : index
        %parallel_loop3A_1602 = tpu.vector_load %arg5[%parallel_loop3A_1600, %parallel_loop3A_1601] {strides = array<i32>} : memref<328x128xf32, #tpu.memory_space<vmem>>, vector<1x16xf32>,
        %parallel_loop3A_1603 = vector.shape_cast %parallel_loop3A_1602 : vector<1x16xf32> to vector<16xf32>
        %parallel_loop3A_1604 = arith.index_cast %parallel_loop3A_1597 : i32 to index
        %parallel_loop3A_1605 = arith.constant 16 : index
        %parallel_loop3A_1606 = tpu.vector_load %arg5[%parallel_loop3A_1604, %parallel_loop3A_1605] {strides = array<i32>} : memref<328x128xf32, #tpu.memory_space<vmem>>, vector<1x16xf32>,
        %parallel_loop3A_1607 = vector.shape_cast %parallel_loop3A_1606 : vector<1x16xf32> to vector<16xf32>
        %parallel_loop3A_1608 = arith.constant 1 : i32
        %parallel_loop3A_1609 = arith.addi %parallel_loop3A_1597, %parallel_loop3A_1608 : i32
        %parallel_loop3A_1610 = arith.index_cast %parallel_loop3A_1609 : i32 to index
        %parallel_loop3A_1611 = arith.constant 16 : index
        %parallel_loop3A_1612 = tpu.vector_load %arg5[%parallel_loop3A_1610, %parallel_loop3A_1611] {strides = array<i32>} : memref<328x128xf32, #tpu.memory_space<vmem>>, vector<1x16xf32>,
        %parallel_loop3A_1613 = vector.shape_cast %parallel_loop3A_1612 : vector<1x16xf32> to vector<16xf32>
        %parallel_loop3A_1614 = arith.select %lt3A_326, %parallel_loop3A_1607, %parallel_loop3A_1603 : vector<16xi1>, vector<16xf32>
        %parallel_loop3A_1615 = arith.select %lt3A_326, %parallel_loop3A_1613, %parallel_loop3A_1607 : vector<16xi1>, vector<16xf32>
        %parallel_loop3A_1616 = arith.minimumf %parallel_loop3A_1614, %parallel_loop3A_1615 : vector<16xf32>
        %parallel_loop3A_1617 = arith.index_cast %parallel_loop3A_1563 : i32 to index
        %parallel_loop3A_1618 = arith.constant 16 : index
        %parallel_loop3A_1619 = tpu.vector_load %arg6[%parallel_loop3A_1617, %parallel_loop3A_1618] {strides = array<i32>} : memref<256x128xf32, #tpu.memory_space<vmem>>, vector<1x16xf32>,
        %parallel_loop3A_1620 = vector.shape_cast %parallel_loop3A_1619 : vector<1x16xf32> to vector<16xf32>
        %parallel_loop3A_1621 = vector.shape_cast %parallel_loop3A_1616 : vector<16xf32> to vector<1x16xf32>
        tpu.vector_store %arg6[%parallel_loop3A_1617, %parallel_loop3A_1618], %parallel_loop3A_1621 {strides = array<i32>} : memref<256x128xf32, #tpu.memory_space<vmem>>, vector<1x16xf32>,
        %parallel_loop3A_1622 = arith.maximumf %parallel_loop3A_1614, %parallel_loop3A_1615 : vector<16xf32>
        %parallel_loop3A_1623 = arith.constant 1 : i32
        %parallel_loop3A_1624 = arith.addi %parallel_loop3A_1563, %parallel_loop3A_1623 : i32
        %parallel_loop3A_1625 = arith.index_cast %parallel_loop3A_1624 : i32 to index
        %parallel_loop3A_1626 = arith.constant 16 : index
        %parallel_loop3A_1627 = tpu.vector_load %arg6[%parallel_loop3A_1625, %parallel_loop3A_1626] {strides = array<i32>} : memref<256x128xf32, #tpu.memory_space<vmem>>, vector<1x16xf32>,
        %parallel_loop3A_1628 = vector.shape_cast %parallel_loop3A_1627 : vector<1x16xf32> to vector<16xf32>
        %parallel_loop3A_1629 = vector.shape_cast %parallel_loop3A_1622 : vector<16xf32> to vector<1x16xf32>
        tpu.vector_store %arg6[%parallel_loop3A_1625, %parallel_loop3A_1626], %parallel_loop3A_1629 {strides = array<i32>} : memref<256x128xf32, #tpu.memory_space<vmem>>, vector<1x16xf32>,
        %parallel_loop3A_1630 = arith.addi %sub3A_490, %parallel_loop3A_1563 : i32
        %parallel_loop3A_1631 = arith.constant 1 : i32
        %parallel_loop3A_1632 = arith.subi %parallel_loop3A_1630, %parallel_loop3A_1631 : i32
        %parallel_loop3A_1633 = arith.index_cast %parallel_loop3A_1632 : i32 to index
        %parallel_loop3A_1634 = arith.constant 32 : index
        %parallel_loop3A_1635 = tpu.vector_load %arg5[%parallel_loop3A_1633, %parallel_loop3A_1634] {strides = array<i32>} : memref<328x128xf32, #tpu.memory_space<vmem>>, vector<1x16xf32>,
        %parallel_loop3A_1636 = vector.shape_cast %parallel_loop3A_1635 : vector<1x16xf32> to vector<16xf32>
        %parallel_loop3A_1637 = arith.index_cast %parallel_loop3A_1630 : i32 to index
        %parallel_loop3A_1638 = arith.constant 32 : index
        %parallel_loop3A_1639 = tpu.vector_load %arg5[%parallel_loop3A_1637, %parallel_loop3A_1638] {strides = array<i32>} : memref<328x128xf32, #tpu.memory_space<vmem>>, vector<1x16xf32>,
        %parallel_loop3A_1640 = vector.shape_cast %parallel_loop3A_1639 : vector<1x16xf32> to vector<16xf32>
        %parallel_loop3A_1641 = arith.constant 1 : i32
        %parallel_loop3A_1642 = arith.addi %parallel_loop3A_1630, %parallel_loop3A_1641 : i32
        %parallel_loop3A_1643 = arith.index_cast %parallel_loop3A_1642 : i32 to index
        %parallel_loop3A_1644 = arith.constant 32 : index
        %parallel_loop3A_1645 = tpu.vector_load %arg5[%parallel_loop3A_1643, %parallel_loop3A_1644] {strides = array<i32>} : memref<328x128xf32, #tpu.memory_space<vmem>>, vector<1x16xf32>,
        %parallel_loop3A_1646 = vector.shape_cast %parallel_loop3A_1645 : vector<1x16xf32> to vector<16xf32>
        %parallel_loop3A_1647 = arith.select %lt3A_492, %parallel_loop3A_1640, %parallel_loop3A_1636 : vector<16xi1>, vector<16xf32>
        %parallel_loop3A_1648 = arith.select %lt3A_492, %parallel_loop3A_1646, %parallel_loop3A_1640 : vector<16xi1>, vector<16xf32>
        %parallel_loop3A_1649 = arith.minimumf %parallel_loop3A_1647, %parallel_loop3A_1648 : vector<16xf32>
        %parallel_loop3A_1650 = arith.index_cast %parallel_loop3A_1563 : i32 to index
        %parallel_loop3A_1651 = arith.constant 32 : index
        %parallel_loop3A_1652 = tpu.vector_load %arg6[%parallel_loop3A_1650, %parallel_loop3A_1651] {strides = array<i32>} : memref<256x128xf32, #tpu.memory_space<vmem>>, vector<1x16xf32>,
        %parallel_loop3A_1653 = vector.shape_cast %parallel_loop3A_1652 : vector<1x16xf32> to vector<16xf32>
        %parallel_loop3A_1654 = vector.shape_cast %parallel_loop3A_1649 : vector<16xf32> to vector<1x16xf32>
        tpu.vector_store %arg6[%parallel_loop3A_1650, %parallel_loop3A_1651], %parallel_loop3A_1654 {strides = array<i32>} : memref<256x128xf32, #tpu.memory_space<vmem>>, vector<1x16xf32>,
        %parallel_loop3A_1655 = arith.maximumf %parallel_loop3A_1647, %parallel_loop3A_1648 : vector<16xf32>
        %parallel_loop3A_1656 = arith.constant 1 : i32
        %parallel_loop3A_1657 = arith.addi %parallel_loop3A_1563, %parallel_loop3A_1656 : i32
        %parallel_loop3A_1658 = arith.index_cast %parallel_loop3A_1657 : i32 to index
        %parallel_loop3A_1659 = arith.constant 32 : index
        %parallel_loop3A_1660 = tpu.vector_load %arg6[%parallel_loop3A_1658, %parallel_loop3A_1659] {strides = array<i32>} : memref<256x128xf32, #tpu.memory_space<vmem>>, vector<1x16xf32>,
        %parallel_loop3A_1661 = vector.shape_cast %parallel_loop3A_1660 : vector<1x16xf32> to vector<16xf32>
        %parallel_loop3A_1662 = vector.shape_cast %parallel_loop3A_1655 : vector<16xf32> to vector<1x16xf32>
        tpu.vector_store %arg6[%parallel_loop3A_1658, %parallel_loop3A_1659], %parallel_loop3A_1662 {strides = array<i32>} : memref<256x128xf32, #tpu.memory_space<vmem>>, vector<1x16xf32>,
        %parallel_loop3A_1663 = arith.addi %sub3A_656, %parallel_loop3A_1563 : i32
        %parallel_loop3A_1664 = arith.constant 1 : i32
        %parallel_loop3A_1665 = arith.subi %parallel_loop3A_1663, %parallel_loop3A_1664 : i32
        %parallel_loop3A_1666 = arith.index_cast %parallel_loop3A_1665 : i32 to index
        %parallel_loop3A_1667 = arith.constant 48 : index
        %parallel_loop3A_1668 = tpu.vector_load %arg5[%parallel_loop3A_1666, %parallel_loop3A_1667] {strides = array<i32>} : memref<328x128xf32, #tpu.memory_space<vmem>>, vector<1x16xf32>,
        %parallel_loop3A_1669 = vector.shape_cast %parallel_loop3A_1668 : vector<1x16xf32> to vector<16xf32>
        %parallel_loop3A_1670 = arith.index_cast %parallel_loop3A_1663 : i32 to index
        %parallel_loop3A_1671 = arith.constant 48 : index
        %parallel_loop3A_1672 = tpu.vector_load %arg5[%parallel_loop3A_1670, %parallel_loop3A_1671] {strides = array<i32>} : memref<328x128xf32, #tpu.memory_space<vmem>>, vector<1x16xf32>,
        %parallel_loop3A_1673 = vector.shape_cast %parallel_loop3A_1672 : vector<1x16xf32> to vector<16xf32>
        %parallel_loop3A_1674 = arith.constant 1 : i32
        %parallel_loop3A_1675 = arith.addi %parallel_loop3A_1663, %parallel_loop3A_1674 : i32
        %parallel_loop3A_1676 = arith.index_cast %parallel_loop3A_1675 : i32 to index
        %parallel_loop3A_1677 = arith.constant 48 : index
        %parallel_loop3A_1678 = tpu.vector_load %arg5[%parallel_loop3A_1676, %parallel_loop3A_1677] {strides = array<i32>} : memref<328x128xf32, #tpu.memory_space<vmem>>, vector<1x16xf32>,
        %parallel_loop3A_1679 = vector.shape_cast %parallel_loop3A_1678 : vector<1x16xf32> to vector<16xf32>
        %parallel_loop3A_1680 = arith.select %lt3A_658, %parallel_loop3A_1673, %parallel_loop3A_1669 : vector<16xi1>, vector<16xf32>
        %parallel_loop3A_1681 = arith.select %lt3A_658, %parallel_loop3A_1679, %parallel_loop3A_1673 : vector<16xi1>, vector<16xf32>
        %parallel_loop3A_1682 = arith.minimumf %parallel_loop3A_1680, %parallel_loop3A_1681 : vector<16xf32>
        %parallel_loop3A_1683 = arith.index_cast %parallel_loop3A_1563 : i32 to index
        %parallel_loop3A_1684 = arith.constant 48 : index
        %parallel_loop3A_1685 = tpu.vector_load %arg6[%parallel_loop3A_1683, %parallel_loop3A_1684] {strides = array<i32>} : memref<256x128xf32, #tpu.memory_space<vmem>>, vector<1x16xf32>,
        %parallel_loop3A_1686 = vector.shape_cast %parallel_loop3A_1685 : vector<1x16xf32> to vector<16xf32>
        %parallel_loop3A_1687 = vector.shape_cast %parallel_loop3A_1682 : vector<16xf32> to vector<1x16xf32>
        tpu.vector_store %arg6[%parallel_loop3A_1683, %parallel_loop3A_1684], %parallel_loop3A_1687 {strides = array<i32>} : memref<256x128xf32, #tpu.memory_space<vmem>>, vector<1x16xf32>,
        %parallel_loop3A_1688 = arith.maximumf %parallel_loop3A_1680, %parallel_loop3A_1681 : vector<16xf32>
        %parallel_loop3A_1689 = arith.constant 1 : i32
        %parallel_loop3A_1690 = arith.addi %parallel_loop3A_1563, %parallel_loop3A_1689 : i32
        %parallel_loop3A_1691 = arith.index_cast %parallel_loop3A_1690 : i32 to index
        %parallel_loop3A_1692 = arith.constant 48 : index
        %parallel_loop3A_1693 = tpu.vector_load %arg6[%parallel_loop3A_1691, %parallel_loop3A_1692] {strides = array<i32>} : memref<256x128xf32, #tpu.memory_space<vmem>>, vector<1x16xf32>,
        %parallel_loop3A_1694 = vector.shape_cast %parallel_loop3A_1693 : vector<1x16xf32> to vector<16xf32>
        %parallel_loop3A_1695 = vector.shape_cast %parallel_loop3A_1688 : vector<16xf32> to vector<1x16xf32>
        tpu.vector_store %arg6[%parallel_loop3A_1691, %parallel_loop3A_1692], %parallel_loop3A_1695 {strides = array<i32>} : memref<256x128xf32, #tpu.memory_space<vmem>>, vector<1x16xf32>,
        %parallel_loop3A_1696 = arith.addi %sub3A_822, %parallel_loop3A_1563 : i32
        %parallel_loop3A_1697 = arith.constant 1 : i32
        %parallel_loop3A_1698 = arith.subi %parallel_loop3A_1696, %parallel_loop3A_1697 : i32
        %parallel_loop3A_1699 = arith.index_cast %parallel_loop3A_1698 : i32 to index
        %parallel_loop3A_1700 = arith.constant 64 : index
        %parallel_loop3A_1701 = tpu.vector_load %arg5[%parallel_loop3A_1699, %parallel_loop3A_1700] {strides = array<i32>} : memref<328x128xf32, #tpu.memory_space<vmem>>, vector<1x16xf32>,
        %parallel_loop3A_1702 = vector.shape_cast %parallel_loop3A_1701 : vector<1x16xf32> to vector<16xf32>
        %parallel_loop3A_1703 = arith.index_cast %parallel_loop3A_1696 : i32 to index
        %parallel_loop3A_1704 = arith.constant 64 : index
        %parallel_loop3A_1705 = tpu.vector_load %arg5[%parallel_loop3A_1703, %parallel_loop3A_1704] {strides = array<i32>} : memref<328x128xf32, #tpu.memory_space<vmem>>, vector<1x16xf32>,
        %parallel_loop3A_1706 = vector.shape_cast %parallel_loop3A_1705 : vector<1x16xf32> to vector<16xf32>
        %parallel_loop3A_1707 = arith.constant 1 : i32
        %parallel_loop3A_1708 = arith.addi %parallel_loop3A_1696, %parallel_loop3A_1707 : i32
        %parallel_loop3A_1709 = arith.index_cast %parallel_loop3A_1708 : i32 to index
        %parallel_loop3A_1710 = arith.constant 64 : index
        %parallel_loop3A_1711 = tpu.vector_load %arg5[%parallel_loop3A_1709, %parallel_loop3A_1710] {strides = array<i32>} : memref<328x128xf32, #tpu.memory_space<vmem>>, vector<1x16xf32>,
        %parallel_loop3A_1712 = vector.shape_cast %parallel_loop3A_1711 : vector<1x16xf32> to vector<16xf32>
        %parallel_loop3A_1713 = arith.select %lt3A_824, %parallel_loop3A_1706, %parallel_loop3A_1702 : vector<16xi1>, vector<16xf32>
        %parallel_loop3A_1714 = arith.select %lt3A_824, %parallel_loop3A_1712, %parallel_loop3A_1706 : vector<16xi1>, vector<16xf32>
        %parallel_loop3A_1715 = arith.minimumf %parallel_loop3A_1713, %parallel_loop3A_1714 : vector<16xf32>
        %parallel_loop3A_1716 = arith.index_cast %parallel_loop3A_1563 : i32 to index
        %parallel_loop3A_1717 = arith.constant 64 : index
        %parallel_loop3A_1718 = tpu.vector_load %arg6[%parallel_loop3A_1716, %parallel_loop3A_1717] {strides = array<i32>} : memref<256x128xf32, #tpu.memory_space<vmem>>, vector<1x16xf32>,
        %parallel_loop3A_1719 = vector.shape_cast %parallel_loop3A_1718 : vector<1x16xf32> to vector<16xf32>
        %parallel_loop3A_1720 = vector.shape_cast %parallel_loop3A_1715 : vector<16xf32> to vector<1x16xf32>
        tpu.vector_store %arg6[%parallel_loop3A_1716, %parallel_loop3A_1717], %parallel_loop3A_1720 {strides = array<i32>} : memref<256x128xf32, #tpu.memory_space<vmem>>, vector<1x16xf32>,
        %parallel_loop3A_1721 = arith.maximumf %parallel_loop3A_1713, %parallel_loop3A_1714 : vector<16xf32>
        %parallel_loop3A_1722 = arith.constant 1 : i32
        %parallel_loop3A_1723 = arith.addi %parallel_loop3A_1563, %parallel_loop3A_1722 : i32
        %parallel_loop3A_1724 = arith.index_cast %parallel_loop3A_1723 : i32 to index
        %parallel_loop3A_1725 = arith.constant 64 : index
        %parallel_loop3A_1726 = tpu.vector_load %arg6[%parallel_loop3A_1724, %parallel_loop3A_1725] {strides = array<i32>} : memref<256x128xf32, #tpu.memory_space<vmem>>, vector<1x16xf32>,
        %parallel_loop3A_1727 = vector.shape_cast %parallel_loop3A_1726 : vector<1x16xf32> to vector<16xf32>
        %parallel_loop3A_1728 = vector.shape_cast %parallel_loop3A_1721 : vector<16xf32> to vector<1x16xf32>
        tpu.vector_store %arg6[%parallel_loop3A_1724, %parallel_loop3A_1725], %parallel_loop3A_1728 {strides = array<i32>} : memref<256x128xf32, #tpu.memory_space<vmem>>, vector<1x16xf32>,
        %parallel_loop3A_1729 = arith.addi %sub3A_988, %parallel_loop3A_1563 : i32
        %parallel_loop3A_1730 = arith.constant 1 : i32
        %parallel_loop3A_1731 = arith.subi %parallel_loop3A_1729, %parallel_loop3A_1730 : i32
        %parallel_loop3A_1732 = arith.index_cast %parallel_loop3A_1731 : i32 to index
        %parallel_loop3A_1733 = arith.constant 80 : index
        %parallel_loop3A_1734 = tpu.vector_load %arg5[%parallel_loop3A_1732, %parallel_loop3A_1733] {strides = array<i32>} : memref<328x128xf32, #tpu.memory_space<vmem>>, vector<1x16xf32>,
        %parallel_loop3A_1735 = vector.shape_cast %parallel_loop3A_1734 : vector<1x16xf32> to vector<16xf32>
        %parallel_loop3A_1736 = arith.index_cast %parallel_loop3A_1729 : i32 to index
        %parallel_loop3A_1737 = arith.constant 80 : index
        %parallel_loop3A_1738 = tpu.vector_load %arg5[%parallel_loop3A_1736, %parallel_loop3A_1737] {strides = array<i32>} : memref<328x128xf32, #tpu.memory_space<vmem>>, vector<1x16xf32>,
        %parallel_loop3A_1739 = vector.shape_cast %parallel_loop3A_1738 : vector<1x16xf32> to vector<16xf32>
        %parallel_loop3A_1740 = arith.constant 1 : i32
        %parallel_loop3A_1741 = arith.addi %parallel_loop3A_1729, %parallel_loop3A_1740 : i32
        %parallel_loop3A_1742 = arith.index_cast %parallel_loop3A_1741 : i32 to index
        %parallel_loop3A_1743 = arith.constant 80 : index
        %parallel_loop3A_1744 = tpu.vector_load %arg5[%parallel_loop3A_1742, %parallel_loop3A_1743] {strides = array<i32>} : memref<328x128xf32, #tpu.memory_space<vmem>>, vector<1x16xf32>,
        %parallel_loop3A_1745 = vector.shape_cast %parallel_loop3A_1744 : vector<1x16xf32> to vector<16xf32>
        %parallel_loop3A_1746 = arith.select %lt3A_990, %parallel_loop3A_1739, %parallel_loop3A_1735 : vector<16xi1>, vector<16xf32>
        %parallel_loop3A_1747 = arith.select %lt3A_990, %parallel_loop3A_1745, %parallel_loop3A_1739 : vector<16xi1>, vector<16xf32>
        %parallel_loop3A_1748 = arith.minimumf %parallel_loop3A_1746, %parallel_loop3A_1747 : vector<16xf32>
        %parallel_loop3A_1749 = arith.index_cast %parallel_loop3A_1563 : i32 to index
        %parallel_loop3A_1750 = arith.constant 80 : index
        %parallel_loop3A_1751 = tpu.vector_load %arg6[%parallel_loop3A_1749, %parallel_loop3A_1750] {strides = array<i32>} : memref<256x128xf32, #tpu.memory_space<vmem>>, vector<1x16xf32>,
        %parallel_loop3A_1752 = vector.shape_cast %parallel_loop3A_1751 : vector<1x16xf32> to vector<16xf32>
        %parallel_loop3A_1753 = vector.shape_cast %parallel_loop3A_1748 : vector<16xf32> to vector<1x16xf32>
        tpu.vector_store %arg6[%parallel_loop3A_1749, %parallel_loop3A_1750], %parallel_loop3A_1753 {strides = array<i32>} : memref<256x128xf32, #tpu.memory_space<vmem>>, vector<1x16xf32>,
        %parallel_loop3A_1754 = arith.maximumf %parallel_loop3A_1746, %parallel_loop3A_1747 : vector<16xf32>
        %parallel_loop3A_1755 = arith.constant 1 : i32
        %parallel_loop3A_1756 = arith.addi %parallel_loop3A_1563, %parallel_loop3A_1755 : i32
        %parallel_loop3A_1757 = arith.index_cast %parallel_loop3A_1756 : i32 to index
        %parallel_loop3A_1758 = arith.constant 80 : index
        %parallel_loop3A_1759 = tpu.vector_load %arg6[%parallel_loop3A_1757, %parallel_loop3A_1758] {strides = array<i32>} : memref<256x128xf32, #tpu.memory_space<vmem>>, vector<1x16xf32>,
        %parallel_loop3A_1760 = vector.shape_cast %parallel_loop3A_1759 : vector<1x16xf32> to vector<16xf32>
        %parallel_loop3A_1761 = vector.shape_cast %parallel_loop3A_1754 : vector<16xf32> to vector<1x16xf32>
        tpu.vector_store %arg6[%parallel_loop3A_1757, %parallel_loop3A_1758], %parallel_loop3A_1761 {strides = array<i32>} : memref<256x128xf32, #tpu.memory_space<vmem>>, vector<1x16xf32>,
        %parallel_loop3A_1762 = arith.addi %sub3A_1154, %parallel_loop3A_1563 : i32
        %parallel_loop3A_1763 = arith.constant 1 : i32
        %parallel_loop3A_1764 = arith.subi %parallel_loop3A_1762, %parallel_loop3A_1763 : i32
        %parallel_loop3A_1765 = arith.index_cast %parallel_loop3A_1764 : i32 to index
        %parallel_loop3A_1766 = arith.constant 96 : index
        %parallel_loop3A_1767 = tpu.vector_load %arg5[%parallel_loop3A_1765, %parallel_loop3A_1766] {strides = array<i32>} : memref<328x128xf32, #tpu.memory_space<vmem>>, vector<1x16xf32>,
        %parallel_loop3A_1768 = vector.shape_cast %parallel_loop3A_1767 : vector<1x16xf32> to vector<16xf32>
        %parallel_loop3A_1769 = arith.index_cast %parallel_loop3A_1762 : i32 to index
        %parallel_loop3A_1770 = arith.constant 96 : index
        %parallel_loop3A_1771 = tpu.vector_load %arg5[%parallel_loop3A_1769, %parallel_loop3A_1770] {strides = array<i32>} : memref<328x128xf32, #tpu.memory_space<vmem>>, vector<1x16xf32>,
        %parallel_loop3A_1772 = vector.shape_cast %parallel_loop3A_1771 : vector<1x16xf32> to vector<16xf32>
        %parallel_loop3A_1773 = arith.constant 1 : i32
        %parallel_loop3A_1774 = arith.addi %parallel_loop3A_1762, %parallel_loop3A_1773 : i32
        %parallel_loop3A_1775 = arith.index_cast %parallel_loop3A_1774 : i32 to index
        %parallel_loop3A_1776 = arith.constant 96 : index
        %parallel_loop3A_1777 = tpu.vector_load %arg5[%parallel_loop3A_1775, %parallel_loop3A_1776] {strides = array<i32>} : memref<328x128xf32, #tpu.memory_space<vmem>>, vector<1x16xf32>,
        %parallel_loop3A_1778 = vector.shape_cast %parallel_loop3A_1777 : vector<1x16xf32> to vector<16xf32>
        %parallel_loop3A_1779 = arith.select %lt3A_1156, %parallel_loop3A_1772, %parallel_loop3A_1768 : vector<16xi1>, vector<16xf32>
        %parallel_loop3A_1780 = arith.select %lt3A_1156, %parallel_loop3A_1778, %parallel_loop3A_1772 : vector<16xi1>, vector<16xf32>
        %parallel_loop3A_1781 = arith.minimumf %parallel_loop3A_1779, %parallel_loop3A_1780 : vector<16xf32>
        %parallel_loop3A_1782 = arith.index_cast %parallel_loop3A_1563 : i32 to index
        %parallel_loop3A_1783 = arith.constant 96 : index
        %parallel_loop3A_1784 = tpu.vector_load %arg6[%parallel_loop3A_1782, %parallel_loop3A_1783] {strides = array<i32>} : memref<256x128xf32, #tpu.memory_space<vmem>>, vector<1x16xf32>,
        %parallel_loop3A_1785 = vector.shape_cast %parallel_loop3A_1784 : vector<1x16xf32> to vector<16xf32>
        %parallel_loop3A_1786 = vector.shape_cast %parallel_loop3A_1781 : vector<16xf32> to vector<1x16xf32>
        tpu.vector_store %arg6[%parallel_loop3A_1782, %parallel_loop3A_1783], %parallel_loop3A_1786 {strides = array<i32>} : memref<256x128xf32, #tpu.memory_space<vmem>>, vector<1x16xf32>,
        %parallel_loop3A_1787 = arith.maximumf %parallel_loop3A_1779, %parallel_loop3A_1780 : vector<16xf32>
        %parallel_loop3A_1788 = arith.constant 1 : i32
        %parallel_loop3A_1789 = arith.addi %parallel_loop3A_1563, %parallel_loop3A_1788 : i32
        %parallel_loop3A_1790 = arith.index_cast %parallel_loop3A_1789 : i32 to index
        %parallel_loop3A_1791 = arith.constant 96 : index
        %parallel_loop3A_1792 = tpu.vector_load %arg6[%parallel_loop3A_1790, %parallel_loop3A_1791] {strides = array<i32>} : memref<256x128xf32, #tpu.memory_space<vmem>>, vector<1x16xf32>,
        %parallel_loop3A_1793 = vector.shape_cast %parallel_loop3A_1792 : vector<1x16xf32> to vector<16xf32>
        %parallel_loop3A_1794 = vector.shape_cast %parallel_loop3A_1787 : vector<16xf32> to vector<1x16xf32>
        tpu.vector_store %arg6[%parallel_loop3A_1790, %parallel_loop3A_1791], %parallel_loop3A_1794 {strides = array<i32>} : memref<256x128xf32, #tpu.memory_space<vmem>>, vector<1x16xf32>,
        %parallel_loop3A_1795 = arith.addi %sub3A_1320, %parallel_loop3A_1563 : i32
        %parallel_loop3A_1796 = arith.constant 1 : i32
        %parallel_loop3A_1797 = arith.subi %parallel_loop3A_1795, %parallel_loop3A_1796 : i32
        %parallel_loop3A_1798 = arith.index_cast %parallel_loop3A_1797 : i32 to index
        %parallel_loop3A_1799 = arith.constant 112 : index
        %parallel_loop3A_1800 = tpu.vector_load %arg5[%parallel_loop3A_1798, %parallel_loop3A_1799] {strides = array<i32>} : memref<328x128xf32, #tpu.memory_space<vmem>>, vector<1x16xf32>,
        %parallel_loop3A_1801 = vector.shape_cast %parallel_loop3A_1800 : vector<1x16xf32> to vector<16xf32>
        %parallel_loop3A_1802 = arith.index_cast %parallel_loop3A_1795 : i32 to index
        %parallel_loop3A_1803 = arith.constant 112 : index
        %parallel_loop3A_1804 = tpu.vector_load %arg5[%parallel_loop3A_1802, %parallel_loop3A_1803] {strides = array<i32>} : memref<328x128xf32, #tpu.memory_space<vmem>>, vector<1x16xf32>,
        %parallel_loop3A_1805 = vector.shape_cast %parallel_loop3A_1804 : vector<1x16xf32> to vector<16xf32>
        %parallel_loop3A_1806 = arith.constant 1 : i32
        %parallel_loop3A_1807 = arith.addi %parallel_loop3A_1795, %parallel_loop3A_1806 : i32
        %parallel_loop3A_1808 = arith.index_cast %parallel_loop3A_1807 : i32 to index
        %parallel_loop3A_1809 = arith.constant 112 : index
        %parallel_loop3A_1810 = tpu.vector_load %arg5[%parallel_loop3A_1808, %parallel_loop3A_1809] {strides = array<i32>} : memref<328x128xf32, #tpu.memory_space<vmem>>, vector<1x16xf32>,
        %parallel_loop3A_1811 = vector.shape_cast %parallel_loop3A_1810 : vector<1x16xf32> to vector<16xf32>
        %parallel_loop3A_1812 = arith.select %lt3A_1322, %parallel_loop3A_1805, %parallel_loop3A_1801 : vector<16xi1>, vector<16xf32>
        %parallel_loop3A_1813 = arith.select %lt3A_1322, %parallel_loop3A_1811, %parallel_loop3A_1805 : vector<16xi1>, vector<16xf32>
        %parallel_loop3A_1814 = arith.minimumf %parallel_loop3A_1812, %parallel_loop3A_1813 : vector<16xf32>
        %parallel_loop3A_1815 = arith.index_cast %parallel_loop3A_1563 : i32 to index
        %parallel_loop3A_1816 = arith.constant 112 : index
        %parallel_loop3A_1817 = tpu.vector_load %arg6[%parallel_loop3A_1815, %parallel_loop3A_1816] {strides = array<i32>} : memref<256x128xf32, #tpu.memory_space<vmem>>, vector<1x16xf32>,
        %parallel_loop3A_1818 = vector.shape_cast %parallel_loop3A_1817 : vector<1x16xf32> to vector<16xf32>
        %parallel_loop3A_1819 = vector.shape_cast %parallel_loop3A_1814 : vector<16xf32> to vector<1x16xf32>
        tpu.vector_store %arg6[%parallel_loop3A_1815, %parallel_loop3A_1816], %parallel_loop3A_1819 {strides = array<i32>} : memref<256x128xf32, #tpu.memory_space<vmem>>, vector<1x16xf32>,
        %parallel_loop3A_1820 = arith.maximumf %parallel_loop3A_1812, %parallel_loop3A_1813 : vector<16xf32>
        %parallel_loop3A_1821 = arith.constant 1 : i32
        %parallel_loop3A_1822 = arith.addi %parallel_loop3A_1563, %parallel_loop3A_1821 : i32
        %parallel_loop3A_1823 = arith.index_cast %parallel_loop3A_1822 : i32 to index
        %parallel_loop3A_1824 = arith.constant 112 : index
        %parallel_loop3A_1825 = tpu.vector_load %arg6[%parallel_loop3A_1823, %parallel_loop3A_1824] {strides = array<i32>} : memref<256x128xf32, #tpu.memory_space<vmem>>, vector<1x16xf32>,
        %parallel_loop3A_1826 = vector.shape_cast %parallel_loop3A_1825 : vector<1x16xf32> to vector<16xf32>
        %parallel_loop3A_1827 = vector.shape_cast %parallel_loop3A_1820 : vector<16xf32> to vector<1x16xf32>
        tpu.vector_store %arg6[%parallel_loop3A_1823, %parallel_loop3A_1824], %parallel_loop3A_1827 {strides = array<i32>} : memref<256x128xf32, #tpu.memory_space<vmem>>, vector<1x16xf32>,
      } {sc.loop_unroll_factor = 8 : i64, sc.parallel_access}
      %add3A_1547 = arith.constant 128 : i32
      %add3A_1548 = arith.addi %add3A_1530, %add3A_1547 : i32
      %dma_start3A_1549 = arith.constant 128 : i32
      %dma_start3A_1550 = arith.constant 0 : i32
      %dma_start3A_1551 = tpu.memref_slice %arg6[%dma_start3A_1549, %dma_start3A_1550] : memref<256x128xf32, #tpu.memory_space<vmem>> -> memref<128x128xf32, #tpu.memory_space<vmem>>
      %dma_start3A_1552 = tpu.memref_slice %arg3[%shift_right_logical3A_1523, %add3A_1548, %mul3A_0] : memref<4x4096x2048xf32, #tpu.memory_space<hbm>> -> memref<1x128x128xf32, #tpu.memory_space<hbm>>
      %dma_start3A_1553 = tpu.memref_squeeze %dma_start3A_1552 : memref<1x128x128xf32, #tpu.memory_space<hbm>> -> memref<128x128xf32, #tpu.memory_space<hbm>>
      %dma_start3A_1554 = tpu.memref_slice %arg3[%shift_right_logical3A_1523, %add3A_1548, %mul3A_0] : memref<4x4096x2048xf32, #tpu.memory_space<hbm>> -> memref<1x128x128xf32, #tpu.memory_space<hbm>>
      %dma_start3A_1555 = tpu.memref_squeeze %dma_start3A_1554 : memref<1x128x128xf32, #tpu.memory_space<hbm>> -> memref<128x128xf32, #tpu.memory_space<hbm>>
      %dma_start3A_1556 = arith.constant 128 : i32
      %dma_start3A_1557 = arith.constant 0 : i32
      %dma_start3A_1558 = tpu.memref_slice %arg6[%dma_start3A_1556, %dma_start3A_1557] : memref<256x128xf32, #tpu.memory_space<vmem>> -> memref<128x128xf32, #tpu.memory_space<vmem>>
      tpu.enqueue_dma source(%dma_start3A_1558 : memref<128x128xf32, #tpu.memory_space<vmem>>) target(%dma_start3A_1555 : memref<128x128xf32, #tpu.memory_space<hbm>>) target_semaphore(%arg9 : memref<!tpu.dma_semaphore, #tpu.memory_space<semaphore_mem>>)
    }
    %scan3A_1357 = arith.constant 16 : i32
    %dma_wait3A = arith.constant 0 : i32
    %dma_wait3A_1358 = arith.constant 0 : i32
    %dma_wait3A_1359 = arith.constant 0 : i32
    %dma_wait3A_1360 = tpu.memref_slice %arg6[%dma_wait3A_1358, %dma_wait3A_1359] : memref<256x128xf32, #tpu.memory_space<vmem>> -> memref<128x128xf32, #tpu.memory_space<vmem>>
    %dma_wait3A_1361 = arith.constant 0 : i32
    %dma_wait3A_1362 = arith.constant 0 : i32
    %dma_wait3A_1363 = tpu.memref_slice %arg2[%dma_wait3A, %dma_wait3A_1361, %dma_wait3A_1362] : memref<4x4096x2048xf32, #tpu.memory_space<hbm>> -> memref<1x128x128xf32, #tpu.memory_space<hbm>>
    %dma_wait3A_1364 = tpu.memref_squeeze %dma_wait3A_1363 : memref<1x128x128xf32, #tpu.memory_space<hbm>> -> memref<128x128xf32, #tpu.memory_space<hbm>>
    %dma_wait3A_1365 = arith.constant 0 : i32
    %dma_wait3A_1366 = arith.constant 0 : i32
    %dma_wait3A_1367 = tpu.memref_slice %arg6[%dma_wait3A_1365, %dma_wait3A_1366] : memref<256x128xf32, #tpu.memory_space<vmem>> -> memref<128x128xf32, #tpu.memory_space<vmem>>
    %dma_wait3A_1368 = arith.constant 0 : i32
    %dma_wait3A_1369 = arith.constant 0 : i32
    %dma_wait3A_1370 = tpu.memref_slice %arg2[%dma_wait3A, %dma_wait3A_1368, %dma_wait3A_1369] : memref<4x4096x2048xf32, #tpu.memory_space<hbm>> -> memref<1x128x128xf32, #tpu.memory_space<hbm>>
    %dma_wait3A_1371 = tpu.memref_squeeze %dma_wait3A_1370 : memref<1x128x128xf32, #tpu.memory_space<hbm>> -> memref<128x128xf32, #tpu.memory_space<hbm>>
    tpu.wait_dma2 semaphore(%arg9 : memref<!tpu.dma_semaphore, #tpu.memory_space<semaphore_mem>>) src(%dma_wait3A_1371 : memref<128x128xf32, #tpu.memory_space<hbm>>) dst(%dma_wait3A_1367 : memref<128x128xf32, #tpu.memory_space<vmem>>)
    %dma_wait3A_1372 = arith.constant 0 : i32
    %dma_wait3A_1373 = arith.constant 0 : i32
    %dma_wait3A_1374 = arith.constant 0 : i32
    %dma_wait3A_1375 = tpu.memref_slice %arg6[%dma_wait3A_1373, %dma_wait3A_1374] : memref<256x128xf32, #tpu.memory_space<vmem>> -> memref<128x128xf32, #tpu.memory_space<vmem>>
    %dma_wait3A_1376 = arith.constant 0 : i32
    %dma_wait3A_1377 = arith.constant 0 : i32
    %dma_wait3A_1378 = tpu.memref_slice %arg2[%dma_wait3A_1372, %dma_wait3A_1376, %dma_wait3A_1377] : memref<4x4096x2048xf32, #tpu.memory_space<hbm>> -> memref<1x128x128xf32, #tpu.memory_space<hbm>>
    %dma_wait3A_1379 = tpu.memref_squeeze %dma_wait3A_1378 : memref<1x128x128xf32, #tpu.memory_space<hbm>> -> memref<128x128xf32, #tpu.memory_space<hbm>>
    %dma_wait3A_1380 = arith.constant 0 : i32
    %dma_wait3A_1381 = arith.constant 0 : i32
    %dma_wait3A_1382 = tpu.memref_slice %arg6[%dma_wait3A_1380, %dma_wait3A_1381] : memref<256x128xf32, #tpu.memory_space<vmem>> -> memref<128x128xf32, #tpu.memory_space<vmem>>
    %dma_wait3A_1383 = arith.constant 0 : i32
    %dma_wait3A_1384 = arith.constant 0 : i32
    %dma_wait3A_1385 = tpu.memref_slice %arg2[%dma_wait3A_1372, %dma_wait3A_1383, %dma_wait3A_1384] : memref<4x4096x2048xf32, #tpu.memory_space<hbm>> -> memref<1x128x128xf32, #tpu.memory_space<hbm>>
    %dma_wait3A_1386 = tpu.memref_squeeze %dma_wait3A_1385 : memref<1x128x128xf32, #tpu.memory_space<hbm>> -> memref<128x128xf32, #tpu.memory_space<hbm>>
    tpu.wait_dma2 semaphore(%arg9 : memref<!tpu.dma_semaphore, #tpu.memory_space<semaphore_mem>>) src(%dma_wait3A_1386 : memref<128x128xf32, #tpu.memory_space<hbm>>) dst(%dma_wait3A_1382 : memref<128x128xf32, #tpu.memory_space<vmem>>)
    return
  }
}

</mosaic_0001>

<sc_bundles>
// kernel: _swd_sc.3.cloned.1.call-start
scs
__scs_entry_jumppad:
0x0: {  	(pc) =	sbr.rel $0x88, $3  }
0x1: {  	(tag) =	ssettag $0x0;
	lr =	simm.s32 $0x1  }
0x2: {  	[smem:$0x3FA0] =	sst lr;
	_ =	strace $0xD0000000  }
0x3: {  	_ = 	snop  }
0x4: {  	_ = 	snop  }
0x5: {  	_ = 	snop  }
0x6: {  	_ = 	snop  }
0x7: {  	_ = 	snop  }
__scs_overlays_trampoline_lowered:
0x8: {  	[smem:$0x3FAF] =	sst s0  }
0x9: {  	[smem:$0x3FB0] =	sst s1  }
0xa: {  	[smem:$0x3FB1] =	sst s2  }
0xb: {  	[smem:$0x3FB2] =	sst s3  }
0xc: {  	[smem:$0x3FB3] =	sst s4  }
0xd: {  	[smem:$0x3FB4] =	sst s5  }
0xe: {  	[smem:$0x3FB5] =	sst s6  }
0xf: {  	[smem:$0x3FB6] =	sst s7  }
0x10: {  	[smem:$0x3FB7] =	sst s8  }
0x11: {  	[smem:$0x3FB8] =	sst s9;
	s0 =	simm.s32 @!p0 $0x0  }
0x12: {  	s1 =	sld [smem:$0x3F9E];
	s0 =	simm.s32 @p0 $0x1  }
0x13: {  	[smem:$0x3FB9] =	sst s0;
	s0 =	simm.s32 @!p1 $0x0  }
0x14: {  	s2 =	sld [smem:$0x3F9D];
	s0 =	simm.s32 @p1 $0x1  }
0x15: {  	[smem:$0x3FBA] =	sst s0;
	s0 =	simm.s32 @!p2 $0x0  }
0x16: {  	s3 =	sld [smem:$0x3FDB];
	s0 =	simm.s32 @p2 $0x1  }
0x17: {  	s4 =	simm.s32 $0x1BF5;
	[smem:$0x3FBC] =	sst s0  }
0x18: {  	s0 =	sld [smem:$0x3F9F];
	_ =	swait.ge [sflag:s4], $0x0  }
0x19: {  	s7 =	sld [smem:$0x3FA0]  }
0x1a: {  	s8 =	sadd.s32 $0xFFFFE003, lr  }
0x1b: {  	s9 =	sadd.s32 $0xFFFFFEF7, lr;
	s5 =	simm.s32 $0xFFFFFFFF;
	p2 =	slt.u32 s8, $0xFFFFF086  }
0x1c: {  	p1 =	slt.u32 s9, $0xF7A;
	s5 =	simm.s32 @!p2 $0x0  }
0x1d: {  	s5 =	simm.s32 @p1 $0x1;
	p0 =	seq.s32 s7, s2  }
0x1e: {  	s7 =	smul.u32 @!p0 $0xF7A, s2;
	p2 =	seq.s32 @!p0 s5, $0x0  }
0x1f: {  	s9 =	smul.u32 $0xF7A, s1;
	s8 =	simm.s32 @!p0 $0x1BF5;
	p2 =	por !p2, p0  }
0x20: {  	[sflag:s8] =	ssyncset.s32 @!p0 $0xFFFFF086;
	s6 =	sadd.s32 @!p0 s3, s7;
	s7 =	simm.s32 @!p0 $0x108  }
0x21: {  	s3 =	sadd.s32 s3, s9;
	s6 =	sadd.s32 @!p0 $0x88, s6;
	s7 =	simm.s32 @p2 $0x1082  }
0x22: {  	[simem:s7], [sflag:s8] =	dma.local @!p0 [hbm:s6], $0xF7A  }
0x23: {  	s9 =	sor.u32 $0xD0000000, s2;
	s6 =	simm.s32 $0x108;
	_ =	swait.ge @!p0 [sflag:s8], $0x0  }
0x24: {  	s3 =	sadd.s32 $0x88, s3;
	s6 =	simm.s32 @!p1 $0x1082;
	[sflag:s4] =	ssyncset.s32 $0xFFFFF086  }
0x25: {  	[simem:s6], [sflag:s4] =	dma.local [hbm:s3], $0xF7A  }
0x26: {  	[smem:$0x3FA0] =	sst s1;
	(tag) =	ssettag s2;
	_ =	strace s9  }
0x27: {  	s1 =	sld [smem:$0x3FB0]  }
0x28: {  	s2 =	sld [smem:$0x3FB1]  }
0x29: {  	s4 =	sld [smem:$0x3FB3]  }
0x2a: {  	p0 =	seq.s32 s5, $0x0;
	s5 =	sld [smem:$0x3FB4]  }
0x2b: {  	s6 =	sld [smem:$0x3FB5]  }
0x2c: {  	s7 =	sld [smem:$0x3FB6]  }
0x2d: {  	s3 =	simm.s32 $0x108;
	s8 =	sld [smem:$0x3FB7]  }
0x2e: {  	s3 =	simm.s32 @!p0 $0x1082;
	s9 =	sld [smem:$0x3FB8]  }
0x2f: {  	lr =	sadd.s32 s0, s3;
	s0 =	sld [smem:$0x3FAF]  }
0x30: {  	s3 =	sld [smem:$0x3FB2]  }
0x31: {  	[smem:$0x3FBB] =	sst s10  }
0x32: {  	s10 =	sld [smem:$0x3FB9];
	_ =	sdelay $0x3  }
0x33: {  	p0 =	seq.s32 s10, $0x1;
	s10 =	sld [smem:$0x3FBB];
	_ =	sdelay $0x3  }
0x34: {  	[smem:$0x3FBB] =	sst s10  }
0x35: {  	s10 =	sld [smem:$0x3FBA];
	_ =	sdelay $0x3  }
0x36: {  	p1 =	seq.s32 s10, $0x1;
	s10 =	sld [smem:$0x3FBB];
	_ =	sdelay $0x3  }
0x37: {  	[smem:$0x3FBB] =	sst s10  }
0x38: {  	s10 =	sld [smem:$0x3FBC]  }
0x39: {  	_ = 	snop;
	(pc) =	sbr.ind lr, $3  }
0x3a: {  	_ = 	snop  }
0x3b: {  	_ = 	snop  }
0x3c: {  	p2 =	seq.s32 s10, $0x1;
	s10 =	sld [smem:$0x3FBB]  }
0x3d: {  	_ =	shalt  }
0x3e: {  	_ =	shalt  }
0x3f: {  	_ =	shalt  }
0x40: {  	_ =	shalt  }
0x41: {  	_ =	shalt  }
0x42: {  	_ =	shalt  }
0x43: {  	_ =	shalt  }
0x44: {  	_ =	shalt  }
0x45: {  	_ =	shalt  }
0x46: {  	_ =	shalt  }
0x47: {  	_ =	shalt  }
0x48: {  	_ =	shalt  }
0x49: {  	_ =	shalt  }
0x4a: {  	_ =	shalt  }
0x4b: {  	_ =	shalt  }
0x4c: {  	_ =	shalt  }
0x4d: {  	_ =	shalt  }
0x4e: {  	_ =	shalt  }
0x4f: {  	_ =	shalt  }
0x50: {  	_ =	shalt  }
0x51: {  	_ =	shalt  }
0x52: {  	_ =	shalt  }
0x53: {  	_ =	shalt  }
0x54: {  	_ =	shalt  }
0x55: {  	_ =	shalt  }
0x56: {  	_ =	shalt  }
0x57: {  	_ =	shalt  }
0x58: {  	_ =	shalt  }
0x59: {  	_ =	shalt  }
0x5a: {  	_ =	shalt  }
0x5b: {  	_ =	shalt  }
0x5c: {  	_ =	shalt  }
0x5d: {  	_ =	shalt  }
0x5e: {  	_ =	shalt  }
0x5f: {  	_ =	shalt  }
0x60: {  	_ =	shalt  }
0x61: {  	_ =	shalt  }
0x62: {  	_ =	shalt  }
0x63: {  	_ =	shalt  }
0x64: {  	_ =	shalt  }
0x65: {  	_ =	shalt  }
0x66: {  	_ =	shalt  }
0x67: {  	_ =	shalt  }
0x68: {  	_ =	shalt  }
0x69: {  	_ =	shalt  }
0x6a: {  	_ =	shalt  }
0x6b: {  	_ =	shalt  }
0x6c: {  	_ =	shalt  }
0x6d: {  	_ =	shalt  }
0x6e: {  	_ =	shalt  }
0x6f: {  	_ =	shalt  }
0x70: {  	_ =	shalt  }
0x71: {  	_ =	shalt  }
0x72: {  	_ =	shalt  }
0x73: {  	_ =	shalt  }
0x74: {  	_ =	shalt  }
0x75: {  	_ =	shalt  }
0x76: {  	_ =	shalt  }
0x77: {  	_ =	shalt  }
0x78: {  	_ =	shalt  }
0x79: {  	_ =	shalt  }
0x7a: {  	_ =	shalt  }
0x7b: {  	_ =	shalt  }
0x7c: {  	_ =	shalt  }
0x7d: {  	_ =	shalt  }
0x7e: {  	_ =	shalt  }
0x7f: {  	_ =	shalt  }
0x80: {  	_ =	shalt  }
0x81: {  	_ =	shalt  }
0x82: {  	_ =	shalt  }
0x83: {  	_ =	shalt  }
0x84: {  	_ =	shalt  }
0x85: {  	_ =	shalt  }
0x86: {  	_ =	shalt  }
0x87: {  	_ =	shalt  }
.Lfunc_end0:
.L_simem_size_0:
called_computation_lowered:
.L_overlay_start_0:
0x88: {  	s2 =	sld [smem:$0x3FD9]  }
0x89: {  	s3 =	sld [smem:$0x3FFE];
	_ =	sdelay $0x1  }
0x8a: {  	s1 =	srdreg.scid  }
0x8b: {  	s0 =	sand.u32 $0x1, s1  }
0x8c: {  	s18 =	sshll.u32 s0, $0xA;
	s2 =	sadd.s32 s3, s2  }
0x8d: {  	s2 =	sadd.s32 s2, s18  }
0x8e: {  	[smem:$0x3FC7] =	sst s2  }
0x8f: {  	_ = 	snop  }
0x90: {  	s2 =	sld [smem:$0x3FC9]  }
0x91: {  	s19 =	sld [smem:$0x3FD0];
	(tm) =	ssettm $0x1  }
0x92: {  	s4 =	sld [smem:$0x3FFB];
	_ =	sdelay $0x3  }
0x93: {  	_ =	strace s4  }
0x94: {  	s4 =	sld [smem:$0x3FFC];
	_ =	sdelay $0x3  }
0x95: {  	_ =	strace s4  }
0x96: {  	s4 =	sld [smem:$0x3FFD];
	_ =	sdelay $0x3  }
0x97: {  	_ =	strace s4  }
0x98: {  	_ =	strace $0x8FFFFFFF  }
0x99: {  	s20 =	sld [smem:$0x3FDB];
	_ =	sdelay $0x1  }
0x9a: {  	s5 =	simm.s32 $_scs_section_size  }
0x9b: {  	s6 =	simm.s32 $_size__tile_overlayer_lowered;
	s7 =	simm.s32 $_tile_overlayer_lowered  }
0x9c: {  	s23 =	simm.s32 $0x1BFF;
	s22 =	sshll.u32 s7, $0x1;
	s4 =	sadd.s32 s5, s20  }
0x9d: {  	s8 =	simm.s32 $0x0;
	s21 =	sshll.u32 s6, $0x1;
	s6 =	sadd.s32 s22, s4  }
0x9e: {  	[timem:s8], [sflag:s23] =	dma.local [hbm:s6], s21  }
0x9f: {  	_ =	swait.ge [sflag:s23], s21  }
0xa0: {  	s5 =	ssub.s32 $0x0, s21;
	[sflag:s23] =	ssyncset.done $0x0  }
0xa1: {  	[sflag:s23] =	ssyncadd.s32 s5;
	_ =	sdelay $0x1  }
0xa2: {  	s24 =	simm.s32 $0x1B8B  }
0xa3: {  	_ =	swait.ge [sflag:s24], $0x1  }
0xa4: {  	[sflag:s24] =	ssyncset.done $0x0  }
0xa5: {  	s25 =	simm.s32 $0x1B8E;
	[sflag:s24] =	ssyncadd.s32 $0xFFFFFFFF  }
0xa6: {  	s26 =	simm.s32 $execute0_lowered;
	[smem:$0x3FD2] =	sst s25  }
0xa7: {  	s5 =	sshll.u32 s26, $0x1;
	_ =	strace $0x80000046;
	[dreg:$0x1] =	wrdreg $0xFFFFFFFF  }
0xa8: {  	s28 =	simm.s32 $_size_execute0_lowered;
	s4 =	sadd.s32 s4, s5;
	[dreg:$0x0] =	wrdreg $0x0  }
0xa9: {  	s5 =	sshll.u32 s28, $0x1;
	[dreg:$0x2] =	wrdreg s4  }
0xaa: {  	[dreg:$0x3] =	wrdreg s5  }
0xab: {  	[dreg:$0x4] =	wrdreg $0xC0  }
0xac: {  	_ =	task [dreg:s8], $0x5FFFF  }
0xad: {  	[dreg:$0x1] =	wrdreg $0xFFFFFFFF  }
0xae: {  	[dreg:$0x0] =	wrdreg $0x60  }
0xaf: {  	[dreg:$0x2] =	wrdreg s2  }
0xb0: {  	[dreg:$0x3] =	wrdreg s19  }
0xb1: {  	[dreg:$0x4] =	wrdreg $0x9  }
0xb2: {  	_ =	task.clear_ibuf [dreg:s8], $0x5FFFF;
	_ =	strace $0x90000046  }
0xb3: {  	s29 =	simm.s32 $0x9;
	_ =	strace $0x80000048  }
0xb4: {  	_ =	swait.ge [sflag:s29], $0x1  }
0xb5: {  	[sflag:s29] =	ssyncadd.s32 $0xFFFFFFFF  }
0xb6: {  	_ =	strace $0x90000048  }
0xb7: {  	_ =	sfence  }
0xb8: {  	s30 =	sld [smem:$0x0];
	_ =	sdelay $0x2  }
0xb9: {  	s31 =	sshll.u32 s1, $0xD;
	s1 =	sshrl.u32 s1, $0x2  }
0xba: {  	s3 =	sand.u32 $0x4000, s31;
	s1 =	sadd.s32 s1, s30  }
0xbb: {  	s0 =	sor.u32 s3, s0;
	s1 =	sshll.u32 s1, $0x11  }
0xbc: {  	s0 =	sor.u32 s1, s0  }
0xbd: {  	s0 =	sadd.s32 $0x8F2B, s0  }
0xbe: {  	[sflag:s0] =	ssyncadd.remote.s32 $0x1  }
0xbf: {  	_ =	sfence.sel $0xFFFF  }
0xc0: {  	[dreg:$0x0] =	wrdreg $0xFFFFFFFF;
	(pc) =	sbr.abs _section_cstart, $3  }
0xc1: {  	[dreg:$0x1] =	wrdreg $0xFFFFFFFF  }
0xc2: {  	_ =	task.clear_ibuf [dreg:s8], $0x2FFFF;
	_ =	strace $0x9FFFFFFF  }
0xc3: {  	(tm) =	ssettm $0x7FFFFFFF  }
tec
execute0_lowered:
.L_overlay_start_1:
0x0: {  	(tag) =	ssettag $0x1  }
0x1: {  	s0 =	srdreg.scid  }
0x2: {  	s7 =	stileid.u32;
	s3 =	simm.s32 $0x1;
	s4 =	simm.s32 $0x8  }
0x3: {  	s11 =	simm.s32 $0xFFFFFFB3;
	s21 =	simm.s32 $0x10;
	s16 =	simm.s32 $0xFFFFFFB0  }
0x4: {  	s6 =	simm.s32 $0xC;
	s15 =	simm.s32 $0x10;
	s19 =	simm.s32 $0x10  }
0x5: {  	s25 =	stileid.u32;
	s14 =	simm.s32 $0xFFFFFF9D;
	s12 =	simm.s32 $0x9  }
0x6: {  	s13 =	simm.s32 $0x45;
	s18 =	simm.s32 $0xFFFFFF98;
	s26 =	stileid.u32  }
0x7: {  	s10 =	simm.s32 $0x10;
	s17 =	simm.s32 $0x10;
	s28 =	stileid.u32  }
0x8: {  	s22 =	simm.s32 $0xFFFFFFB9;
	s29 =	simm.s32 $0xFFFFFF97;
	s30 =	simm.s32 $0xFFFFFFB5  }
0x9: {  	s31 =	simm.s32 $0xFFFFFFB2;
	s0 =	sand.u32 $0x1, s0;
	p3 =	seq.s32 s7, $0x0  }
0xa: {  	p4 =	seq.s32 s7, $0x1;
	p5 =	seq.s32 s7, $0x2;
	p0 =	seq.s32 s7, $0x3  }
0xb: {  	p1 =	seq.s32 s7, $0x5;
	p6 =	seq.s32 s7, $0x6;
	p2 =	seq.s32 s7, $0x8  }
0xc: {  	[dreg:$0x13] =	wrdreg s0;
	s1 =	ssub.s32 $0x2, s0;
	s0 =	simm.s32 $0xFFFFFFC0  }
0xd: {  	s3 =	simm.s32 @!p3 $0x0;
	s4 =	simm.s32 @!p4 $0x0;
	s5 =	simm.s32 @!p1 $0x0  }
0xe: {  	s21 =	simm.s32 @!p1 $0x0;
	s16 =	simm.s32 @!p1 $0x0;
	s8 =	simm.s32 @!p2 $0x0  }
0xf: {  	s15 =	simm.s32 @!p2 $0x0;
	s13 =	simm.s32 @!p4 $0x88;
	s22 =	simm.s32 @!p5 $0x0  }
0x10: {  	s2 =	sshrl.u32 s1, $0x1;
	s0 =	simm.s32 @!p3 $0x0;
	s24 =	sor.u32 s3, s4  }
0x11: {  	s3 =	simm.s32 $0x9;
	s4 =	simm.s32 @!p0 $0x0;
	s5 =	simm.s32 @p1 $0x1  }
0x12: {  	s8 =	simm.s32 @p2 $0x1;
	p1 =	seq.s32 s7, $0x9;
	s1 =	ssub.s32 s1, s2  }
0x13: {  	s2 =	simm.s32 $0xFFFFFFBA;
	s3 =	simm.s32 @!p5 $0x0;
	[smem:$0x7F7] =	sst s5  }
0x14: {  	s4 =	simm.s32 @p0 $0x1;
	s5 =	simm.s32 $0x1;
	[smem:$0x7F8] =	sst s8  }
0x15: {  	s19 =	simm.s32 @!p1 $0x0;
	s0 =	sadd.s32 s0, s13;
	[dreg:$0x12] =	wrdreg s1  }
0x16: {  	s13 =	simm.s32 $0x10;
	[smem:$0x7F4] =	sst s4;
	s4 =	simm.s32 $0x5  }
0x17: {  	s1 =	sadd.s32 s3, s24;
	s3 =	simm.s32 $0xFFFFFFB7;
	s2 =	simm.s32 @!p5 $0x0  }
0x18: {  	s5 =	simm.s32 @!p6 $0x0;
	s24 =	simm.s32 $0x10;
	s4 =	simm.s32 @!p0 $0x0  }
0x19: {  	s3 =	simm.s32 @!p0 $0x0;
	p0 =	seq.s32 s7, $0x4;
	s0 =	sadd.s32 s2, s0  }
0x1a: {  	s2 =	simm.s32 $0xFFFFFF94;
	[dreg:$0x16] =	wrdreg s4;
	s1 =	sadd.s32 s4, s1  }
0x1b: {  	s4 =	simm.s32 @!p0 $0x0;
	s11 =	simm.s32 @!p0 $0x0;
	s0 =	sadd.s32 s3, s0  }
0x1c: {  	s3 =	simm.s32 $0xB;
	s4 =	simm.s32 @p0 $0x1;
	s0 =	sadd.s32 s11, s0  }
0x1d: {  	[smem:$0x7EE] =	sst s4;
	s4 =	simm.s32 $0x10;
	s0 =	sadd.s32 s16, s0  }
0x1e: {  	s4 =	simm.s32 @!p0 $0x0;
	p0 =	seq.s32 s7, $0x7;
	s7 =	simm.s32 @!p1 $0x0  }
0x1f: {  	s1 =	sadd.s32 s4, s1;
	s9 =	smov.u32 s4;
	s4 =	simm.s32 $0xFFFFFFAD  }
0x20: {  	s6 =	simm.s32 @!p0 $0x0;
	s7 =	simm.s32 @p1 $0x1;
	s1 =	sadd.s32 s21, s1  }
0x21: {  	s4 =	simm.s32 @!p6 $0x0;
	[smem:$0x7FD] =	sst s7;
	s7 =	simm.s32 $0xFFFFFFA1  }
0x22: {  	s1 =	sadd.s32 s5, s1;
	s5 =	simm.s32 $0xFFFFFFA9;
	s7 =	simm.s32 @!p1 $0x0  }
0x23: {  	p1 =	seq.s32 s25, $0xA;
	s0 =	sadd.s32 s4, s0;
	s5 =	simm.s32 @!p0 $0x0  }
0x24: {  	s1 =	sadd.s32 s6, s1;
	s6 =	simm.s32 $0xFFFFFFA5;
	s8 =	simm.s32 @!p1 $0x0  }
0x25: {  	s14 =	simm.s32 @!p1 $0x0;
	s12 =	simm.s32 @!p1 $0x0;
	s1 =	sadd.s32 s15, s1  }
0x26: {  	s6 =	simm.s32 @!p2 $0x0;
	s8 =	simm.s32 @p1 $0x1;
	p2 =	seq.s32 s26, $0xB  }
0x27: {  	p1 =	seq.s32 s26, $0xC;
	s0 =	sadd.s32 s5, s0;
	s1 =	sadd.s32 s19, s1  }
0x28: {  	[smem:$0x7F5] =	sst s8;
	s18 =	simm.s32 @!p2 $0x0;
	s10 =	simm.s32 @!p2 $0x0  }
0x29: {  	s2 =	simm.s32 @!p1 $0x0;
	s3 =	simm.s32 @!p1 $0x0;
	s0 =	sadd.s32 s6, s0  }
0x2a: {  	s6 =	simm.s32 $0x4;
	s8 =	smov.u32 s9;
	[dreg:$0x1c] =	wrdreg s10  }
0x2b: {  	s1 =	sadd.s32 s12, s1;
	s12 =	simm.s32 @!p2 $0x0;
	[dreg:$0x19] =	wrdreg s3  }
0x2c: {  	s0 =	sadd.s32 s7, s0;
	s7 =	sld [smem:$0x7F8];
	s12 =	simm.s32 @p2 $0x1  }
0x2d: {  	s1 =	sadd.s32 s10, s1;
	s0 =	sadd.s32 s14, s0;
	s14 =	sld [smem:$0x7F7]  }
0x2e: {  	[smem:$0x7F6] =	sst s12;
	s12 =	simm.s32 @!p1 $0x0;
	s1 =	sadd.s32 s3, s1  }
0x2f: {  	s3 =	simm.s32 $0xFFFFFF8F;
	s0 =	sadd.s32 s18, s0;
	s12 =	simm.s32 @p1 $0x1  }
0x30: {  	p1 =	seq.s32 s26, $0xD;
	s0 =	sadd.s32 s2, s0;
	s26 =	sld [smem:$0x7F5]  }
0x31: {  	s2 =	simm.s32 $0xB;
	[smem:$0x7F9] =	sst s12;
	s4 =	simm.s32 @!p1 $0x0  }
0x32: {  	s3 =	simm.s32 @!p1 $0x0;
	s17 =	simm.s32 @!p1 $0x0;
	s12 =	sld [smem:$0x7F4]  }
0x33: {  	s4 =	simm.s32 @p1 $0x1;
	s1 =	sadd.s32 s17, s1;
	p1 =	seq.s32 s28, $0xE  }
0x34: {  	s0 =	sadd.s32 s3, s0;
	[smem:$0x7FA] =	sst s4;
	s5 =	simm.s32 @!p1 $0x0  }
0x35: {  	s4 =	simm.s32 $0xFFFFFF8A;
	s13 =	simm.s32 @!p1 $0x0;
	s5 =	simm.s32 @p1 $0x1  }
0x36: {  	s4 =	simm.s32 @!p1 $0x0;
	s1 =	sadd.s32 s13, s1;
	p1 =	seq.s32 s28, $0xF  }
0x37: {  	[smem:$0x7FB] =	sst s5;
	s5 =	simm.s32 $0xFFFFFF85;
	s3 =	simm.s32 @!p1 $0x0  }
0x38: {  	s2 =	simm.s32 @!p1 $0x0;
	s0 =	sadd.s32 s4, s0;
	s4 =	simm.s32 @!p3 $0x0  }
0x39: {  	s3 =	simm.s32 @p1 $0x1;
	s5 =	simm.s32 @!p1 $0x0;
	s1 =	sadd.s32 s2, s1  }
0x3a: {  	s2 =	simm.s32 $0x10;
	s4 =	simm.s32 @p3 $0x1;
	[smem:$0x7EF] =	sst s3  }
0x3b: {  	p1 =	seq.s32 s12, $0x1;
	s12 =	simm.s32 $0x10;
	[dreg:$0x14] =	wrdreg s1  }
0x3c: {  	s1 =	sadd.s32 s5, s0;
	s0 =	simm.s32 $0xFFFFFFBF;
	s3 =	simm.s32 $0xFFFFFFBC  }
0x3d: {  	s2 =	simm.s32 @!p3 $0x0;
	[smem:$0x7F0] =	sst s4;
	s4 =	simm.s32 @!p4 $0x0  }
0x3e: {  	s5 =	simm.s32 $0xFFFFFFB6;
	s12 =	simm.s32 @!p6 $0x0;
	s4 =	simm.s32 @p4 $0x1  }
0x3f: {  	s0 =	simm.s32 @!p3 $0x0;
	s3 =	simm.s32 @!p4 $0x0;
	[smem:$0x7F1] =	sst s4  }
0x40: {  	s0 =	sadd.s32 s3, s0;
	s3 =	simm.s32 $0x10;
	s4 =	simm.s32 @!p5 $0x0  }
0x41: {  	s5 =	simm.s32 @!p1 $0x0;
	s4 =	simm.s32 @p5 $0x1;
	s3 =	simm.s32 @!p4 $0x0  }
0x42: {  	s0 =	sadd.s32 s0, s22;
	[smem:$0x7F2] =	sst s4;
	s4 =	simm.s32 $0x10  }
0x43: {  	p4 =	seq.s32 s26, $0x1;
	s4 =	simm.s32 @!p5 $0x0;
	p5 =	seq.s32 s14, $0x1  }
0x44: {  	s26 =	simm.s32 $0xFFFFFFA4;
	s0 =	sadd.s32 s0, s5;
	s6 =	simm.s32 @!p5 $0x0  }
0x45: {  	s24 =	simm.s32 @!p4 $0x0;
	s14 =	simm.s32 $0x10;
	s6 =	sor.u32 s9, s6  }
0x46: {  	s5 =	simm.s32 $0xB;
	s14 =	simm.s32 @!p0 $0x0;
	s20 =	sadd.s32 s12, s6  }
0x47: {  	s28 =	sadd.s32 s3, s2;
	s23 =	sadd.s32 s0, s11;
	s25 =	sadd.s32 s14, s20  }
0x48: {  	s5 =	simm.s32 @!p2 $0x0;
	p2 =	por p0, p0;
	s0 =	sadd.s32 s15, s25  }
0x49: {  	s11 =	sld [smem:$0x7FD];
	s6 =	simm.s32 $0xE;
	s0 =	sadd.s32 s19, s0  }
0x4a: {  	s6 =	simm.s32 @!p3 $0x0;
	s20 =	simm.s32 $0x3;
	s0 =	sadd.s32 s24, s0  }
0x4b: {  	s25 =	sld [smem:$0x7F9];
	s0 =	sadd.s32 s5, s0;
	s5 =	sor.u32 s3, s6  }
0x4c: {  	s6 =	sadd.s32 s4, s28;
	s3 =	simm.s32 $0xFFFFFFAC;
	[dreg:$0x1a] =	wrdreg s0  }
0x4d: {  	[dreg:$0x17] =	wrdreg s6;
	s0 =	sadd.s32 s4, s5;
	s5 =	simm.s32 $0xFFFFFFA8  }
0x4e: {  	s3 =	simm.s32 @!p6 $0x0;
	s4 =	simm.s32 @!p6 $0x0;
	s6 =	simm.s32 $0xFFFFFFA0  }
0x4f: {  	s4 =	simm.s32 @p6 $0x1;
	s9 =	sadd.s32 s3, s16;
	s16 =	simm.s32 $0xD  }
0x50: {  	[smem:$0x7F3] =	sst s4;
	s4 =	simm.s32 @!p0 $0x0;
	s16 =	simm.s32 @!p1 $0x0  }
0x51: {  	s4 =	simm.s32 @p0 $0x1;
	s0 =	sadd.s32 s16, s0;
	s16 =	sld [smem:$0x7EE]  }
0x52: {  	s5 =	simm.s32 @!p0 $0x0;
	p0 =	seq.s32 s7, $0x1;
	[smem:$0x7FC] =	sst s4  }
0x53: {  	s26 =	simm.s32 @!p0 $0x0;
	p0 =	seq.s32 s11, $0x1;
	s4 =	sadd.s32 s5, s9  }
0x54: {  	s7 =	simm.s32 $0xFFFFFF9C;
	s6 =	simm.s32 @!p0 $0x0;
	s4 =	sadd.s32 s26, s4  }
0x55: {  	s28 =	sld [smem:$0x7FA];
	s7 =	simm.s32 @!p4 $0x0;
	s4 =	sadd.s32 s6, s4  }
0x56: {  	s11 =	sld [smem:$0x7F6];
	p1 =	seq.s32 s16, $0x1;
	s4 =	sadd.s32 s7, s4  }
0x57: {  	s20 =	simm.s32 @!p1 $0x0;
	s31 =	simm.s32 @!p1 $0x0;
	s16 =	sadd.s32 s18, s4  }
0x58: {  	s0 =	sadd.s32 s20, s0;
	s4 =	simm.s32 $0x4;
	s18 =	simm.s32 $0xD  }
0x59: {  	s20 =	simm.s32 $0x7;
	s0 =	sadd.s32 s21, s0;
	s4 =	simm.s32 @!p6 $0x0  }
0x5a: {  	s18 =	simm.s32 @!p2 $0x0;
	s20 =	simm.s32 @!p4 $0x0;
	s0 =	sadd.s32 s4, s0  }
0x5b: {  	p4 =	seq.s32 s25, $0x1;
	s4 =	simm.s32 $0xFFFFFFAF;
	s0 =	sadd.s32 s18, s0  }
0x5c: {  	s4 =	simm.s32 @!p5 $0x0;
	s18 =	simm.s32 $0xF;
	p5 =	seq.s32 s11, $0x1  }
0x5d: {  	s11 =	sld [smem:$0x7F0];
	s0 =	sadd.s32 s15, s0;
	s18 =	simm.s32 @!p0 $0x0  }
0x5e: {  	s3 =	sadd.s32 s3, s4;
	p0 =	seq.s32 s28, $0x1;
	s29 =	simm.s32 @!p5 $0x0  }
0x5f: {  	s28 =	sld [smem:$0x7EF];
	s0 =	sadd.s32 s18, s0;
	s3 =	sadd.s32 s5, s3  }
0x60: {  	s5 =	simm.s32 $0xA;
	s18 =	simm.s32 $0x9;
	s0 =	sadd.s32 s20, s0  }
0x61: {  	s20 =	simm.s32 $0x6;
	s5 =	simm.s32 @!p0 $0x0;
	s3 =	sadd.s32 s26, s3  }
0x62: {  	s0 =	sadd.s32 s10, s0;
	s20 =	simm.s32 @!p4 $0x0;
	s10 =	sld [smem:$0x7FB]  }
0x63: {  	s3 =	sadd.s32 s6, s3;
	s6 =	simm.s32 $0xFFFFFF8E;
	p6 =	seq.s32 s28, $0x1  }
0x64: {  	s28 =	sld [smem:$0x7F7];
	s0 =	sadd.s32 s20, s0;
	s3 =	sadd.s32 s7, s3  }
0x65: {  	s6 =	simm.s32 @!p0 $0x0;
	s7 =	simm.s32 $0xFFFFFF84;
	p0 =	seq.s32 s11, $0x1  }
0x66: {  	s11 =	sld [smem:$0x7F8];
	s0 =	sadd.s32 s5, s0;
	s5 =	simm.s32 $0xFFFFFF93  }
0x67: {  	s3 =	sadd.s32 s29, s3;
	p2 =	seq.s32 s10, $0x1;
	s5 =	simm.s32 @!p4 $0x0  }
0x68: {  	s7 =	simm.s32 @!p6 $0x0;
	s18 =	simm.s32 @!p2 $0x0;
	s3 =	sadd.s32 s5, s3  }
0x69: {  	p3 =	seq.s32 s11, $0x1;
	s11 =	sld [smem:$0x7FD];
	s0 =	sadd.s32 s18, s0  }
0x6a: {  	s18 =	sadd.s32 s5, s16;
	s3 =	sadd.s32 s6, s3;
	s16 =	simm.s32 $0x3  }
0x6b: {  	s25 =	sadd.s32 s6, s18;
	s6 =	simm.s32 $0xFFFFFF89;
	s16 =	simm.s32 @!p6 $0x0  }
0x6c: {  	s6 =	simm.s32 @!p2 $0x0;
	s0 =	sadd.s32 s16, s0;
	s16 =	sld [smem:$0x7F1]  }
0x6d: {  	s5 =	sadd.s32 s6, s25;
	[dreg:$0x15] =	wrdreg s0;
	s9 =	sadd.s32 s6, s3  }
0x6e: {  	s25 =	sld [smem:$0x7F2];
	s6 =	simm.s32 $0x9;
	s10 =	sadd.s32 s7, s5  }
0x6f: {  	s0 =	sadd.s32 s7, s9;
	s9 =	simm.s32 $0xFFFFFFBE;
	s5 =	simm.s32 $0x44  }
0x70: {  	s3 =	sadd.s32 s23, s10;
	s9 =	simm.s32 @!p0 $0x0;
	p2 =	seq.s32 s16, $0x1  }
0x71: {  	s0 =	sadd.s32 s23, s0;
	[dreg:$0x1b] =	wrdreg s3;
	s5 =	simm.s32 @!p2 $0x88  }
0x72: {  	s7 =	simm.s32 $0xFFFFFFAB;
	[dreg:$0x18] =	wrdreg s0;
	s18 =	sadd.s32 s9, s5  }
0x73: {  	s3 =	simm.s32 $0x4;
	s0 =	sadd.s32 s22, s18;
	s22 =	sld [smem:$0x7F4]  }
0x74: {  	s3 =	simm.s32 @!p2 $0x0;
	s5 =	simm.s32 $0x3;
	p2 =	seq.s32 s25, $0x1  }
0x75: {  	s23 =	simm.s32 $0x10;
	s16 =	smov.u32 s8;
	s5 =	simm.s32 @!p2 $0x0  }
0x76: {  	s25 =	sld [smem:$0x7F3];
	p0 =	seq.s32 s22, $0x1;
	s22 =	sor.u32 s5, s3  }
0x77: {  	s3 =	sld [smem:$0x7FC];
	s5 =	simm.s32 $0x7;
	s23 =	simm.s32 @!p0 $0x0  }
0x78: {  	s30 =	simm.s32 @!p0 $0x0;
	p0 =	seq.s32 s28, $0x1;
	s28 =	simm.s32 $0x1  }
0x79: {  	s5 =	simm.s32 @!p5 $0x0;
	p5 =	seq.s32 s11, $0x1;
	s11 =	sld [smem:$0x7FB]  }
0x7a: {  	s2 =	sadd.s32 s2, s23;
	s6 =	simm.s32 @!p0 $0x0;
	s0 =	sadd.s32 s30, s0  }
0x7b: {  	s28 =	simm.s32 @!p3 $0x0;
	p0 =	seq.s32 s25, $0x1;
	s25 =	simm.s32 $0x10  }
0x7c: {  	s2 =	sadd.s32 s8, s2;
	s0 =	sadd.s32 s31, s0;
	s7 =	simm.s32 @!p0 $0x0  }
0x7d: {  	s8 =	simm.s32 $0xFFFFFFA7;
	p1 =	seq.s32 s3, $0x1;
	s25 =	simm.s32 @!p4 $0x0  }
0x7e: {  	s3 =	sld [smem:$0x7FA];
	s2 =	sor.u32 s6, s2;
	s4 =	sadd.s32 s4, s0  }
0x7f: {  	s8 =	simm.s32 @!p1 $0x0;
	s6 =	simm.s32 $0xA;
	s10 =	sadd.s32 s12, s2  }
0x80: {  	s4 =	sadd.s32 s7, s4;
	s6 =	simm.s32 @!p6 $0x0;
	s18 =	sadd.s32 s14, s10  }
0x81: {  	s4 =	sadd.s32 s8, s4;
	s2 =	sadd.s32 s28, s18;
	s18 =	sld [smem:$0x7F5]  }
0x82: {  	s4 =	sadd.s32 s26, s4;
	s26 =	simm.s32 $0xFFFFFF9F;
	s2 =	sadd.s32 s19, s2  }
0x83: {  	s10 =	simm.s32 $0xFFFFFF9B;
	s26 =	simm.s32 @!p5 $0x0;
	s2 =	sadd.s32 s24, s2  }
0x84: {  	s2 =	sadd.s32 s5, s2;
	p2 =	seq.s32 s18, $0x1;
	s5 =	sadd.s32 s26, s4  }
0x85: {  	s18 =	sld [smem:$0x7F1];
	s2 =	sadd.s32 s25, s2;
	s10 =	simm.s32 @!p2 $0x0  }
0x86: {  	s2 =	sadd.s32 s17, s2;
	s0 =	sadd.s32 s10, s5;
	s5 =	simm.s32 $0xFFFFFF92  }
0x87: {  	s2 =	sadd.s32 s13, s2;
	s5 =	simm.s32 @!p4 $0x0;
	p4 =	seq.s32 s3, $0x1  }
0x88: {  	s2 =	sadd.s32 s6, s2;
	s6 =	sadd.s32 s29, s0;
	s29 =	simm.s32 $0xFFFFFF8D  }
0x89: {  	s3 =	simm.s32 $0xFFFFFFBB;
	s29 =	simm.s32 @!p4 $0x0;
	s4 =	sadd.s32 s5, s6  }
0x8a: {  	s6 =	simm.s32 $0xFFFFFF88;
	p4 =	seq.s32 s11, $0x1;
	s11 =	simm.s32 $0xFFFFFF83  }
0x8b: {  	s22 =	sadd.s32 s22, s2;
	s6 =	simm.s32 @!p4 $0x0;
	s0 =	sadd.s32 s29, s4  }
0x8c: {  	s11 =	simm.s32 @!p6 $0x0;
	p4 =	seq.s32 s18, $0x1;
	s4 =	sld [smem:$0x7EE]  }
0x8d: {  	s18 =	sld [smem:$0x7F2];
	s0 =	sadd.s32 s6, s0;
	s3 =	simm.s32 @!p4 $0x0  }
0x8e: {  	s2 =	sadd.s32 s11, s0;
	s11 =	simm.s32 $0x9;
	s0 =	simm.s32 $0x7  }
0x8f: {  	p6 =	seq.s32 s4, $0x1;
	s4 =	sadd.s32 s3, s9;
	s0 =	simm.s32 @!p0 $0x0  }
0x90: {  	s9 =	simm.s32 $0xFFFFFFB8;
	p0 =	seq.s32 s18, $0x1;
	s18 =	sld [smem:$0x7F7]  }
0x91: {  	s11 =	simm.s32 @!p6 $0x0;
	s9 =	simm.s32 @!p0 $0x0;
	p6 =	por p1, p1  }
0x92: {  	s11 =	sor.u32 s11, s21;
	s4 =	sadd.s32 s4, s9;
	s9 =	simm.s32 $0x5  }
0x93: {  	s3 =	sadd.s32 s0, s11;
	s11 =	simm.s32 $0xF;
	s0 =	simm.s32 $0xD  }
0x94: {  	s11 =	simm.s32 @!p1 $0x0;
	p1 =	seq.s32 s18, $0x1;
	s18 =	sld [smem:$0x7F0]  }
0x95: {  	s9 =	simm.s32 @!p2 $0x0;
	s3 =	sadd.s32 s11, s3;
	s11 =	simm.s32 $0xFFFFFFAE  }
0x96: {  	s0 =	simm.s32 @!p5 $0x0;
	s3 =	sadd.s32 s15, s3;
	s11 =	simm.s32 @!p1 $0x0  }
0x97: {  	s0 =	sadd.s32 s0, s3;
	s3 =	sadd.s32 s4, s30;
	p2 =	seq.s32 s18, $0x1  }
0x98: {  	s30 =	simm.s32 $0xD;
	s0 =	sadd.s32 s9, s0;
	s9 =	sadd.s32 s11, s31  }
0x99: {  	s18 =	sld [smem:$0x7F9];
	s30 =	simm.s32 @!p0 $0x0;
	s4 =	sadd.s32 s7, s9  }
0x9a: {  	s7 =	simm.s32 $0xB;
	s9 =	simm.s32 $0xF;
	s4 =	sadd.s32 s8, s4  }
0x9b: {  	s7 =	simm.s32 @!p2 $0x0;
	s9 =	simm.s32 @!p4 $0x0;
	s8 =	simm.s32 $0x1  }
0x9c: {  	p4 =	seq.s32 s18, $0x1;
	s7 =	sadd.s32 s9, s7;
	s9 =	simm.s32 $0xFFFFFFA3  }
0x9d: {  	s18 =	rddreg [dreg:$0x1c];
	s8 =	simm.s32 @!p4 $0x0;
	s9 =	simm.s32 @!p3 $0x0  }
0x9e: {  	s7 =	sadd.s32 s30, s7;
	s30 =	sld [smem:$0x7FA];
	s4 =	sadd.s32 s9, s4  }
0x9f: {  	s0 =	sadd.s32 s18, s0;
	s4 =	sadd.s32 s26, s4;
	s26 =	sld [smem:$0x7F6]  }
0xa0: {  	s0 =	sadd.s32 s8, s0;
	s8 =	simm.s32 $0xFFFFFF96  }
0xa1: {  	s4 =	sadd.s32 s10, s4;
	s10 =	rddreg [dreg:$0x16];
	p2 =	seq.s32 s30, $0x1  }
0xa2: {  	s7 =	sadd.s32 s10, s7;
	p0 =	seq.s32 s26, $0x1;
	s26 =	simm.s32 $0xD  }
0xa3: {  	s10 =	simm.s32 $0x4;
	s7 =	sadd.s32 s16, s7;
	s26 =	simm.s32 @!p1 $0x0  }
0xa4: {  	s8 =	simm.s32 @!p0 $0x0;
	s7 =	sadd.s32 s26, s7;
	s26 =	sld [smem:$0x7FB]  }
0xa5: {  	s10 =	simm.s32 @!p2 $0x0;
	s4 =	sadd.s32 s8, s4  }
0xa6: {  	s0 =	sadd.s32 s10, s0;
	s4 =	sadd.s32 s5, s4  }
0xa7: {  	s5 =	sadd.s32 s12, s7;
	s7 =	simm.s32 $0x2;
	p1 =	seq.s32 s26, $0x1  }
0xa8: {  	s10 =	sld [smem:$0x7F3];
	s5 =	sadd.s32 s14, s5;
	s7 =	simm.s32 @!p1 $0x0  }
0xa9: {  	s4 =	sadd.s32 s29, s4;
	s29 =	sadd.s32 s7, s0;
	s7 =	sadd.s32 s28, s5  }
0xaa: {  	s31 =	simm.s32 $0xFFFFFF9A;
	s30 =	simm.s32 $0xFFFFFF9E;
	s0 =	sadd.s32 s19, s7  }
0xab: {  	p3 =	seq.s32 s10, $0x1;
	s5 =	sadd.s32 s24, s0;
	s24 =	sld [smem:$0x7EE]  }
0xac: {  	s10 =	simm.s32 $0x3;
	s6 =	sadd.s32 s6, s4;
	s28 =	simm.s32 $0xFFFFFFAA  }
0xad: {  	s4 =	simm.s32 $0x39;
	s10 =	simm.s32 @!p0 $0x0;
	s28 =	simm.s32 @!p3 $0x0  }
0xae: {  	s0 =	simm.s32 $0xFFFFFFA6;
	p5 =	seq.s32 s24, $0x1;
	s24 =	sld [smem:$0x7F5]  }
0xaf: {  	s0 =	simm.s32 @!p6 $0x0;
	s5 =	sadd.s32 s10, s5;
	s4 =	simm.s32 @!p5 $0x88  }
0xb0: {  	s10 =	simm.s32 $0xFFFFFF8C;
	s26 =	sadd.s32 s11, s4;
	s11 =	sld [smem:$0x7FD]  }
0xb1: {  	s7 =	sadd.s32 s28, s26;
	p0 =	seq.s32 s24, $0x1;
	s26 =	rddreg [dreg:$0x19]  }
0xb2: {  	s7 =	sadd.s32 s0, s7;
	s31 =	simm.s32 @!p0 $0x0;
	s5 =	sadd.s32 s26, s5  }
0xb3: {  	s7 =	sadd.s32 s9, s7;
	p3 =	seq.s32 s11, $0x1;
	s9 =	simm.s32 $0xE  }
0xb4: {  	s11 =	sld [smem:$0x7EF];
	s30 =	simm.s32 @!p3 $0x0;
	s9 =	simm.s32 @!p2 $0x0  }
0xb5: {  	s7 =	sadd.s32 s30, s7;
	s5 =	sadd.s32 s9, s5;
	s9 =	simm.s32 $0xA  }
0xb6: {  	s10 =	simm.s32 @!p2 $0x0;
	s7 =	sadd.s32 s31, s7;
	s9 =	simm.s32 @!p1 $0x0  }
0xb7: {  	p6 =	seq.s32 s11, $0x1;
	s7 =	sadd.s32 s8, s7;
	s8 =	simm.s32 $0xFFFFFF91  }
0xb8: {  	s5 =	sadd.s32 s9, s5;
	s9 =	simm.s32 $0xFFFFFF82;
	s8 =	simm.s32 @!p4 $0x0  }
0xb9: {  	s9 =	simm.s32 @!p6 $0x0;
	s7 =	sadd.s32 s8, s7;
	s8 =	simm.s32 $0xFFFFFF87  }
0xba: {  	s24 =	sadd.s32 s9, s6;
	s7 =	sadd.s32 s10, s7;
	s8 =	simm.s32 @!p1 $0x0  }
0xbb: {  	s10 =	simm.s32 $0x2;
	s7 =	sadd.s32 s8, s7;
	s8 =	sld [smem:$0x7F0]  }
0xbc: {  	s10 =	simm.s32 @!p6 $0x0;
	s26 =	sadd.s32 s9, s7;
	s9 =	sld [smem:$0x7F1]  }
0xbd: {  	s24 =	sadd.s32 s3, s24;
	s11 =	sadd.s32 s10, s5;
	s5 =	simm.s32 $0xFFFFFFBA  }
0xbe: {  	s7 =	simm.s32 $0xFFFFFFBD;
	s3 =	sadd.s32 s3, s26;
	p0 =	seq.s32 s8, $0x1  }
0xbf: {  	s26 =	sld [smem:$0x7F3];
	s7 =	simm.s32 @!p0 $0x0;
	p0 =	seq.s32 s9, $0x1  }
0xc0: {  	s5 =	simm.s32 @!p0 $0x0  }
0xc1: {  	s10 =	sld [smem:$0x7F2];
	s5 =	sadd.s32 s5, s7;
	s7 =	simm.s32 $0xF  }
0xc2: {  	s8 =	simm.s32 $0x9;
	p4 =	seq.s32 s26, $0x1;
	s7 =	simm.s32 @!p5 $0x0  }
0xc3: {  	s6 =	simm.s32 $0xFFFFFFB7;
	s8 =	simm.s32 @!p4 $0x0;
	s7 =	sor.u32 s7, s21  }
0xc4: {  	p0 =	seq.s32 s10, $0x1;
	s10 =	sadd.s32 s8, s7;
	s8 =	sld [smem:$0x7F4]  }
0xc5: {  	s6 =	simm.s32 @!p0 $0x0  }
0xc6: {  	s9 =	simm.s32 $0xFFFFFFB4;
	s5 =	sadd.s32 s5, s6  }
0xc7: {  	s6 =	simm.s32 $0xB;
	p1 =	seq.s32 s8, $0x1;
	s8 =	sld [smem:$0x7F6]  }
0xc8: {  	s6 =	simm.s32 @!p3 $0x0;
	s7 =	simm.s32 $0x2;
	s9 =	simm.s32 @!p1 $0x0  }
0xc9: {  	s26 =	sadd.s32 s5, s9;
	s9 =	sadd.s32 s14, s10;
	s10 =	sld [smem:$0x7F5]  }
0xca: {  	s5 =	sadd.s32 s15, s9;
	p0 =	seq.s32 s8, $0x1;
	s9 =	sld [smem:$0x7F7]  }
0xcb: {  	s8 =	simm.s32 $0x9;
	s5 =	sadd.s32 s6, s5;
	s6 =	simm.s32 $0xF  }
0xcc: {  	s8 =	simm.s32 @!p6 $0x0;
	p3 =	seq.s32 s10, $0x1;
	s6 =	simm.s32 @!p0 $0x0  }
0xcd: {  	s10 =	rddreg [dreg:$0x1a];
	s7 =	simm.s32 @!p3 $0x0;
	p2 =	seq.s32 s9, $0x1  }
0xce: {  	s9 =	simm.s32 $0xC;
	s5 =	sadd.s32 s7, s5;
	s7 =	simm.s32 $0xFFFFFFAD  }
0xcf: {  	s9 =	simm.s32 @!p1 $0x0;
	s5 =	sadd.s32 s6, s5;
	s7 =	simm.s32 @!p2 $0x0  }
0xd0: {  	s6 =	sadd.s32 s25, s10;
	s10 =	sor.u32 s9, s16;
	s9 =	simm.s32 $0x10  }
0xd1: {  	s5 =	sadd.s32 s25, s5;
	s6 =	sadd.s32 s17, s6;
	s4 =	sadd.s32 s7, s4  }
0xd2: {  	s16 =	sadd.s32 s21, s10;
	s9 =	simm.s32 @!p6 $0x0;
	s10 =	simm.s32 $0xE  }
0xd3: {  	s5 =	sadd.s32 s17, s5;
	s4 =	sadd.s32 s28, s4;
	s28 =	sld [smem:$0x7F8]  }
0xd4: {  	s6 =	sadd.s32 s13, s6;
	s17 =	sadd.s32 s12, s16;
	s16 =	rddreg [dreg:$0x17]  }
0xd5: {  	s25 =	sadd.s32 s9, s29;
	s12 =	simm.s32 $0xFFFFFF95;
	s10 =	simm.s32 @!p3 $0x0  }
0xd6: {  	s0 =	sadd.s32 s0, s4;
	s4 =	simm.s32 $0xFFFFFFA2;
	p2 =	seq.s32 s28, $0x1  }
0xd7: {  	s29 =	rddreg [dreg:$0x0];
	s5 =	sadd.s32 s13, s5;
	s4 =	simm.s32 @!p2 $0x0  }
0xd8: {  	s21 =	sadd.s32 s23, s16;
	s23 =	sadd.s32 s9, s6;
	s0 =	sadd.s32 s4, s0  }
0xd9: {  	s12 =	simm.s32 @!p0 $0x0;
	s8 =	sadd.s32 s8, s5;
	s0 =	sadd.s32 s30, s0  }
0xda: {  	s6 =	sadd.s32 s21, s25;
	s30 =	rddreg [dreg:$0x1];
	s13 =	sadd.s32 s31, s0  }
0xdb: {  	s28 =	sadd.s32 s12, s13;
	s13 =	sadd.s32 s14, s17;
	s14 =	sld [smem:$0x7F9]  }
0xdc: {  	s5 =	sadd.s32 s21, s8;
	s0 =	sadd.s32 s21, s23;
	s17 =	sld [smem:$0x7FB]  }
0xdd: {  	s12 =	simm.s32 $0xFFFFFF90;
	s8 =	sadd.s32 s15, s13;
	s15 =	sld [smem:$0x7FA]  }
0xde: {  	s13 =	simm.s32 $0xFFFFFF8B;
	s8 =	sadd.s32 s19, s8;
	s19 =	sld [smem:$0x7FD]  }
0xdf: {  	p1 =	seq.s32 s14, $0x1;
	s8 =	sadd.s32 s10, s8;
	s10 =	simm.s32 $0x7  }
0xe0: {  	s14 =	simm.s32 $0xFFFFFF86;
	s12 =	simm.s32 @!p1 $0x0;
	s8 =	sadd.s32 s18, s8  }
0xe1: {  	p1 =	seq.s32 s15, $0x1;
	s15 =	simm.s32 $0xFFFFFF81;
	s18 =	sld [smem:$0x7FC]  }
0xe2: {  	s13 =	simm.s32 @!p1 $0x0;
	s10 =	simm.s32 @!p1 $0x0;
	s8 =	sadd.s32 s20, s8  }
0xe3: {  	s4 =	sadd.s32 s12, s28;
	p1 =	seq.s32 s17, $0x1;
	s15 =	simm.s32 @!p6 $0x0  }
0xe4: {  	s17 =	simm.s32 $0x3;
	s20 =	simm.s32 $0x0;
	s14 =	simm.s32 @!p1 $0x0  }
0xe5: {  	s4 =	sadd.s32 s13, s4;
	s8 =	sadd.s32 s10, s8;
	s17 =	simm.s32 @!p1 $0x0  }
0xe6: {  	s10 =	simm.s32 $0xFFFFFFA9;
	[smem:$0x7FF] =	sst s20;
	s4 =	sadd.s32 s14, s4  }
0xe7: {  	s8 =	sadd.s32 s17, s8;
	s10 =	simm.s32 @!p4 $0x0;
	_ =	strace $0x80000047  }
0xe8: {  	p1 =	seq.s32 s18, $0x1;
	s4 =	sadd.s32 s15, s4;
	s21 =	rddreg [dreg:$0x1b]  }
0xe9: {  	s15 =	simm.s32 $0x38;
	s8 =	sadd.s32 s9, s8;
	s23 =	rddreg [dreg:$0x18]  }
0xea: {  	s9 =	simm.s32 $0xFFFFFFA5;
	s18 =	rddreg [dreg:$0x14];
	s15 =	simm.s32 @!p5 $0x88  }
0xeb: {  	s9 =	simm.s32 @!p1 $0x0;
	s7 =	sadd.s32 s7, s15;
	s15 =	simm.s32 $0xFFFFFFA1  }
0xec: {  	p1 =	seq.s32 s19, $0x1;
	s7 =	sadd.s32 s10, s7;
	s15 =	simm.s32 @!p2 $0x0  }
0xed: {  	s10 =	simm.s32 $0xFFFFFF99;
	s7 =	sadd.s32 s9, s7;
	s9 =	simm.s32 $0xFFFFFF9D  }
0xee: {  	s10 =	simm.s32 @!p3 $0x0;
	s7 =	sadd.s32 s15, s7;
	s9 =	simm.s32 @!p1 $0x0  }
0xef: {  	s15 =	sadd.s32 s16, s8;
	s7 =	sadd.s32 s9, s7;
	s9 =	simm.s32 $0xFFFFFF94  }
0xf0: {  	s16 =	rddreg [dreg:$0x13];
	s7 =	sadd.s32 s10, s7;
	s9 =	simm.s32 @!p0 $0x0  }
0xf1: {  	s8 =	sadd.s32 $0x88, s21;
	s21 =	rddreg [dreg:$0x15];
	s7 =	sadd.s32 s9, s7  }
0xf2: {  	s25 =	sshll.u32 s16, $0xB;
	s20 =	sshll.u32 s16, $0x16;
	s7 =	sadd.s32 s12, s7  }
0xf3: {  	s10 =	sadd.s32 $0x88, s23;
	s12 =	simm.s32 $0xFFFFFF80;
	s7 =	sadd.s32 s13, s7  }
0xf4: {  	[dreg:$0x3] =	wrdreg s25;
	s12 =	simm.s32 @!p6 $0x0;
	s7 =	sadd.s32 s14, s7  }
0xf5: {  	s23 =	sadd.s32 $0xF7800, s29;
	[dreg:$0x6] =	wrdreg s20;
	s7 =	sadd.s32 s12, s7  }
0xf6: {  	s13 =	sadd.s32 s26, s4;
	s14 =	sadd.s32 s26, s7;
	s26 =	stileid.u32  }
0xf7: {  	[dreg:$0x8] =	wrdreg s23;
	s7 =	sshll.u32 s26, $0xA  }
0xf8: {  	s28 =	sshll.u32 s26, $0x7;
	[dreg:$0x5] =	wrdreg s7  }
0xf9: {  	s19 =	sadd.s32 s29, s28;
	s4 =	sadd.s32 s28, s23;
	s28 =	rddreg [dreg:$0x12]  }
0xfa: {  	[dreg:$0x4] =	wrdreg s19  }
0xfb: {  	v7 =	vlaneseq.u32;
	v3 =	vmov s22;
	v8 =	vmov s11;
	s25 =	sor.u32 $0xFFFE0000, s7;
	[dreg:$0x9] =	wrdreg s4  }
0xfc: {  	vm4 =	vgt.s32 v3, v7;
	vm2 =	vgt.s32 v8, v7;
	s12 =	sadd.s32 $0x88, s24;
	s26 =	sor.u32 $0x40000, s7;
	[dreg:$0xb] =	wrdreg s25  }
0xfd: {  	v4 =	vmov s6;
	v5 =	vmov s5;
	v1 =	vmov s0;
	s24 =	sor.u32 s7, s20;
	s0 =	sadd.s32 $0x77800, s19;
	[dreg:$0xc] =	wrdreg s26  }
0xfe: {  	vm3 =	vgt.s32 v4, v7;
	s5 =	simm.s32 $0x0;
	vm1 =	vgt.s32 v5, v7;
	vm6 =	vgt.s32 v1, v7;
	[dreg:$0x7] =	wrdreg s0;
	s0 =	sadd.s32 $0xFFFBC000, s24  }
0xff: {  	s31 =	simm.s32 $0x400;
	v0 =	vmov s18;
	v2 =	vmov s21;
	v6 =	vmov s15;
	[dreg:$0xa] =	wrdreg s0;
	s0 =	smax.u32 s28, $0x1  }
0x100: {  	vm7 =	vgt.s32 v0, v7;
	p0 =	sne.s32 s16, $0x0;
	vm0 =	vgt.s32 v6, v7;
	vm5 =	vgt.s32 v2, v7;
	s19 =	simm.s32 $0x4000;
	[dreg:$0xd] =	wrdreg s0  }
.LBB2_1:
0x101: {  	[dreg:$0xe] =	wrdreg s5;
	s0 =	simm.s32 @p0 $0x400  }
0x102: {  	s4 =	simm.s32 @p0 $0x4000;
	s5 =	simm.s32 @p0 $0x0;
	s6 =	rddreg [dreg:$0x7]  }
0x103: {  	[tilespmem:s5], [sflag:$0x1] =	stream.strided.gather @p0 [hbm4b:s6+s0], $0xA400, s4, s0, $0x38;
	[tilespmem:$0x1C800] =	vst v63  }
0x104: {  	s0 =	simm.s32 @!p0 $0x400  }
0x105: {  	s4 =	simm.s32 @!p0 $0x4000;
	s5 =	simm.s32 @!p0 $0x0;
	s6 =	rddreg [dreg:$0x9]  }
0x106: {  	[tilespmem:s5], [sflag:$0x1] =	stream.strided.gather @!p0 [hbm4b:s6+s0], $0x4400, s4, s0, $0x38;
	[tilespmem:$0x1C800] =	vst v63  }
0x107: {  	s5 =	simm.s32 @!p0 $0x4400;
	s6 =	rddreg [dreg:$0x4]  }
0x108: {  	[tilespmem:s5], [sflag:$0x1] =	stream.strided.gather @!p0 [hbm4b:s6+s0], $0x6000, s4, s0, $0x38;
	[tilespmem:$0x1C800] =	vst v63  }
0x109: {  	s0 =	simm.s32 $0x0  }
.LBB2_2:
0x10a: {  	s4 =	sshll.u32 s0, $0x1  }
0x10b: {  	s26 =	sshll.u32 s0, $0x9;
	s6 =	rddreg [dreg:$0x3];
	s25 =	sand.u32 $0x6, s4  }
0x10c: {  	[dreg:$0x11] =	wrdreg s4;
	s4 =	sand.u32 $0x600, s26;
	p1 =	seq.s32 s25, $0x0  }
0x10d: {  	s28 =	sshll.u32 s0, $0x15;
	s4 =	sor.u32 s4, s6;
	s5 =	simm.s32 @p1 $0x1  }
0x10e: {  	s21 =	sand.u32 $0x1800000, s28;
	s4 =	sshll.u32 s4, $0xB;
	_ =	swait.ge @p1 [sflag:s5], $0xA400  }
0x10f: {  	s6 =	sor.u32 s21, s4;
	[sflag:s5] =	ssyncset.done @p1 $0x0;
	s7 =	rddreg [dreg:$0x5]  }
0x110: {  	[sflag:s5] =	ssyncadd.s32 @p1 $0xFFFF5C00;
	s5 =	simm.s32 @!p1 $0x1;
	s6 =	sor.u32 s7, s6  }
0x111: {  	s16 =	smov.u32 s30;
	_ =	swait.ge @!p1 [sflag:s5], $0x8000;
	s6 =	sshrl.u32 s6, $0x3  }
0x112: {  	s30 =	simm.s32 $0xC800;
	[sflag:s5] =	ssyncset.done @!p1 $0x0;
	s6 =	sor.u32 $0xC000, s6  }
0x113: {  	[sflag:s5] =	ssyncadd.s32 @!p1 $0xFFFF8000;
	s29 =	sadd.s32 s29, s6;
	s5 =	simm.s32 $0x0  }
0x114: {  	[tilespmem:s30], [sflag:$0x2] =	stream.strided.gather [hbm4b:s29+s31], $0x8000, s19, s31, $0x38;
	[tilespmem:$0x1C800] =	vst v63  }
0x115: {  	v0 =	vld [tilespmem:s5+$0x81F0]  }
0x116: {  	v1 =	vld [tilespmem:s5+$0x8000]  }
0x117: {  	v6 =	vld [tilespmem:s5+$0x8080]  }
0x118: {  	v2 =	vld [tilespmem:s5+$0x8010]  }
0x119: {  	v7 =	vld [tilespmem:s5+$0x8090]  }
0x11a: {  	v3 =	vld [tilespmem:s5+$0x8020];
	[tilespmem:s5+$0xA5F0] =	vst v0  }
0x11b: {  	v8 =	vld [tilespmem:s5+$0x80A0];
	[tilespmem:s5+$0xA400] =	vst v1  }
0x11c: {  	v4 =	vld [tilespmem:s5+$0x8030];
	[tilespmem:s5+$0xA480] =	vst v6  }
0x11d: {  	v5 =	vld [tilespmem:s5+$0x8040];
	[tilespmem:s5+$0xA410] =	vst v2  }
0x11e: {  	v62 =	vld [tilespmem:s5+$0x8070];
	[tilespmem:s5+$0xA490] =	vst v7  }
0x11f: {  	v63 =	vld [tilespmem:s5+$0x8130];
	[tilespmem:s5+$0xA420] =	vst v3  }
0x120: {  	v6 =	vld [tilespmem:s5+$0x8050];
	[tilespmem:s5+$0xA4A0] =	vst v8  }
0x121: {  	v7 =	vld [tilespmem:s5+$0x8060];
	[tilespmem:s5+$0xA430] =	vst v4  }
0x122: {  	v0 =	vld [tilespmem:s5+$0x80B0];
	[tilespmem:s5+$0xA440] =	vst v5  }
0x123: {  	v5 =	vld [tilespmem:s5+$0x8100];
	[tilespmem:s5+$0xA470] =	vst v62  }
0x124: {  	v1 =	vld [tilespmem:s5+$0x80C0];
	[tilespmem:s5+$0xA530] =	vst v63  }
0x125: {  	v2 =	vld [tilespmem:s5+$0x80D0];
	[tilespmem:s5+$0xA450] =	vst v6  }
0x126: {  	v3 =	vld [tilespmem:s5+$0x80E0];
	[tilespmem:s5+$0xA460] =	vst v7  }
0x127: {  	v4 =	vld [tilespmem:s5+$0x80F0];
	[tilespmem:s5+$0xA4B0] =	vst v0  }
0x128: {  	v6 =	vld [tilespmem:s5+$0x8110];
	[tilespmem:s5+$0xA500] =	vst v5  }
0x129: {  	v7 =	vld [tilespmem:s5+$0x8120];
	[tilespmem:s5+$0xA4C0] =	vst v1  }
0x12a: {  	v0 =	vld [tilespmem:s5+$0x8140];
	[tilespmem:s5+$0xA4D0] =	vst v2  }
0x12b: {  	v1 =	vld [tilespmem:s5+$0x8150];
	[tilespmem:s5+$0xA4E0] =	vst v3  }
0x12c: {  	v5 =	vld [tilespmem:s5+$0x8160];
	[tilespmem:s5+$0xA4F0] =	vst v4  }
0x12d: {  	v4 =	vld [tilespmem:s5+$0x8180];
	[tilespmem:s5+$0xA510] =	vst v6  }
0x12e: {  	[tilespmem:s5+$0xA520] =	vst v7;
	v6 =	vld [tilespmem:s5+$0x8170]  }
0x12f: {  	v2 =	vld [tilespmem:s5+$0x8190];
	[tilespmem:s5+$0xA540] =	vst v0  }
0x130: {  	v0 =	vld [tilespmem:s5+$0x81A0];
	[tilespmem:s5+$0xA550] =	vst v1  }
0x131: {  	v1 =	vld [tilespmem:s5+$0x81B0];
	[tilespmem:s5+$0xA560] =	vst v5  }
0x132: {  	v3 =	vld [tilespmem:s5+$0x81C0];
	[tilespmem:s5+$0xA580] =	vst v4  }
0x133: {  	s9 =	simm.s32 $0x400;
	s7 =	simm.s32 $0x800;
	s6 =	simm.s32 $0x0;
	v4 =	vld [tilespmem:s5+$0x81D0];
	[tilespmem:s5+$0xA570] =	vst v6  }
.LBB2_3:
0x134: {  	s11 =	sshra.s32 s7, $0x2;
	s6 =	sadd.s32 $0x4, s6;
	[tilespmem:s5+$0xA590] =	vst v2;
	v2 =	vld [tilespmem:s5+$0x81E0]  }
0x135: {  	v5 =	vld [tilespmem:s11+$0x81F0];
	p1 =	slt.u32 s6, $0x44;
	[tilespmem:s5+$0xA5A0] =	vst v0  }
0x136: {  	v0 =	vld [tilespmem:s11+$0x8000];
	[tilespmem:s5+$0xA5B0] =	vst v1  }
0x137: {  	v1 =	vld [tilespmem:s11+$0x8010];
	[tilespmem:s5+$0xA5C0] =	vst v3  }
0x138: {  	v3 =	vld [tilespmem:s11+$0x8020];
	[tilespmem:s5+$0xA5D0] =	vst v4  }
0x139: {  	v4 =	vld [tilespmem:s11+$0x8030];
	[tilespmem:s5+$0xA5E0] =	vst v2;
	s5 =	smov.u32 s11  }
0x13a: {  	v2 =	vld [tilespmem:s5+$0x8040];
	[tilespmem:s5+$0xA5F0] =	vst v5  }
0x13b: {  	[tilespmem:s5+$0xA400] =	vst v0;
	v0 =	vld [tilespmem:s5+$0x8050]  }
0x13c: {  	[tilespmem:s5+$0xA410] =	vst v1;
	v1 =	vld [tilespmem:s5+$0x8060]  }
0x13d: {  	[tilespmem:s5+$0xA420] =	vst v3;
	v3 =	vld [tilespmem:s5+$0x8070]  }
0x13e: {  	[tilespmem:s5+$0xA430] =	vst v4;
	v4 =	vld [tilespmem:s5+$0x8080]  }
0x13f: {  	[tilespmem:s5+$0xA440] =	vst v2;
	v2 =	vld [tilespmem:s5+$0x8090]  }
0x140: {  	[tilespmem:s5+$0xA450] =	vst v0;
	v0 =	vld [tilespmem:s5+$0x80A0]  }
0x141: {  	[tilespmem:s5+$0xA460] =	vst v1;
	v1 =	vld [tilespmem:s5+$0x80B0]  }
0x142: {  	[tilespmem:s5+$0xA470] =	vst v3;
	v3 =	vld [tilespmem:s5+$0x80C0]  }
0x143: {  	[tilespmem:s5+$0xA480] =	vst v4;
	v4 =	vld [tilespmem:s5+$0x80D0]  }
0x144: {  	[tilespmem:s5+$0xA490] =	vst v2;
	v2 =	vld [tilespmem:s5+$0x80E0]  }
0x145: {  	[tilespmem:s5+$0xA4A0] =	vst v0;
	v0 =	vld [tilespmem:s5+$0x80F0]  }
0x146: {  	[tilespmem:s5+$0xA4B0] =	vst v1;
	v1 =	vld [tilespmem:s5+$0x8100]  }
0x147: {  	[tilespmem:s5+$0xA4C0] =	vst v3;
	v3 =	vld [tilespmem:s5+$0x8110]  }
0x148: {  	[tilespmem:s5+$0xA4D0] =	vst v4;
	v4 =	vld [tilespmem:s5+$0x8120]  }
0x149: {  	[tilespmem:s5+$0xA4E0] =	vst v2;
	v2 =	vld [tilespmem:s5+$0x8130]  }
0x14a: {  	[tilespmem:s5+$0xA4F0] =	vst v0;
	v0 =	vld [tilespmem:s5+$0x8140]  }
0x14b: {  	[tilespmem:s5+$0xA500] =	vst v1;
	v1 =	vld [tilespmem:s5+$0x8150]  }
0x14c: {  	[tilespmem:s5+$0xA510] =	vst v3;
	v3 =	vld [tilespmem:s5+$0x8160]  }
0x14d: {  	[tilespmem:s5+$0xA520] =	vst v4;
	v4 =	vld [tilespmem:s5+$0x8170]  }
0x14e: {  	[tilespmem:s5+$0xA530] =	vst v2;
	v5 =	vld [tilespmem:s5+$0x8180]  }
.Ltmp0:
0x14f: {  	[tilespmem:s5+$0xA540] =	vst v0;
	v2 =	vld [tilespmem:s5+$0x8190];
	(pc) =	sbr.rel @p1 .LBB2_3-.Ltmp0, $4  }
0x150: {  	[tilespmem:s5+$0xA550] =	vst v1;
	v0 =	vld [tilespmem:s5+$0x81A0]  }
0x151: {  	[tilespmem:s5+$0xA560] =	vst v3;
	v1 =	vld [tilespmem:s5+$0x81B0]  }
0x152: {  	[tilespmem:s5+$0xA570] =	vst v4;
	v3 =	vld [tilespmem:s5+$0x81C0]  }
0x153: {  	s7 =	sadd.s32 $0x800, s7;
	[tilespmem:s5+$0xA580] =	vst v5;
	v4 =	vld [tilespmem:s5+$0x81D0]  }
0x154: {  	[tilespmem:s5+$0xA590] =	vst v2;
	v63 =	vld [tilespmem:s5+$0x81E0]  }
0x155: {  	[tilespmem:s5+$0xA5A0] =	vst v0  }
0x156: {  	[tilespmem:s5+$0xA5B0] =	vst v1  }
0x157: {  	[tilespmem:s5+$0xA5C0] =	vst v3  }
0x158: {  	p1 =	seq.s32 s0, $0x0;
	[tilespmem:s5+$0xA5D0] =	vst v4  }
0x159: {  	[tilespmem:s5+$0xA5E0] =	vst v63;
	s5 =	simm.s32 @!p1 $0x3  }
0x15a: {  	_ =	swait.ge @!p1 [sflag:s5], $0x4000  }
0x15b: {  	[sflag:s5] =	ssyncset.done @!p1 $0x0  }
0x15c: {  	[sflag:s5] =	ssyncadd.s32 @!p1 $0xFFFFC000  }
0x15d: {  	_ =	swait.ge @!p1 [sflag:s5], $0x4000  }
0x15e: {  	s4 =	sor.u32 $0x80000, s4;
	[sflag:s5] =	ssyncset.done @!p1 $0x0  }
0x15f: {  	[dreg:$0x10] =	wrdreg s4;
	s4 =	simm.s32 $0x0;
	[sflag:s5] =	ssyncadd.s32 @!p1 $0xFFFFC000  }
.LBB2_5:
0x160: {  	s29 =	sshll.u32 s4, $0x1  }
0x161: {  	s5 =	sadd.s32 s1, s29  }
0x162: {  	s5 =	sshll.u32 s5, $0x9  }
0x163: {  	s5 =	sshra.s32 s5, $0x2  }
0x164: {  	v0 =	vld [tilespmem:s5+$0xFFFFFF80]  }
0x165: {  	v1 =	vld [tilespmem:s5+$0x0]  }
0x166: {  	v2 =	vld [tilespmem:s5+$0x80];
	_ =	sdelay $0x4  }
0x167: {  	s7 =	sshll.u32 s4, $0x8;
	v0 =	vsel vm7, v1, v0;
	v1 =	vsel vm7, v2, v1  }
0x168: {  	s7 =	sand.u32 $0x3FFFFF00, s7;
	s11 =	sadd.s32 s8, s29;
	v2 =	vmin.f32 v0, v1  }
0x169: {  	s5 =	sshll.u32 s11, $0x9;
	v0 =	vmax.f32 v0, v1;
	[tilespmem:s7+$0x14800] =	vst v2  }
0x16a: {  	s5 =	sshra.s32 s5, $0x2;
	[tilespmem:s7+$0x14880] =	vst v0  }
0x16b: {  	v0 =	vld [tilespmem:s5+$0xFFFFFF90]  }
0x16c: {  	v13 =	vld [tilespmem:s5+$0x10]  }
0x16d: {  	v2 =	vld [tilespmem:s5+$0x90];
	_ =	sdelay $0x4  }
0x16e: {  	v0 =	vsel vm6, v13, v0;
	v1 =	vsel vm6, v2, v13  }
0x16f: {  	s15 =	sadd.s32 s10, s29;
	v2 =	vmin.f32 v0, v1  }
0x170: {  	s5 =	sshll.u32 s15, $0x9;
	v0 =	vmax.f32 v0, v1;
	[tilespmem:s7+$0x14810] =	vst v2  }
0x171: {  	s5 =	sshra.s32 s5, $0x2;
	[tilespmem:s7+$0x14890] =	vst v0  }
0x172: {  	v0 =	vld [tilespmem:s5+$0xFFFFFFA0]  }
0x173: {  	v14 =	vld [tilespmem:s5+$0x20]  }
0x174: {  	v2 =	vld [tilespmem:s5+$0xA0];
	_ =	sdelay $0x4  }
0x175: {  	v0 =	vsel vm5, v14, v0;
	v1 =	vsel vm5, v2, v14  }
0x176: {  	s17 =	sadd.s32 s2, s29;
	v2 =	vmin.f32 v0, v1  }
0x177: {  	s5 =	sshll.u32 s17, $0x9;
	v0 =	vmax.f32 v0, v1;
	[tilespmem:s7+$0x14820] =	vst v2  }
0x178: {  	s6 =	sor.u32 $0x2, s29;
	s5 =	sshra.s32 s5, $0x2;
	[tilespmem:s7+$0x148A0] =	vst v0  }
0x179: {  	s11 =	sadd.s32 s1, s6;
	v0 =	vld [tilespmem:s5+$0xFFFFFFB0]  }
0x17a: {  	s11 =	sshll.u32 s11, $0x9;
	v15 =	vld [tilespmem:s5+$0x30]  }
0x17b: {  	s18 =	sshra.s32 s11, $0x2;
	v2 =	vld [tilespmem:s5+$0xB0]  }
0x17c: {  	v3 =	vld [tilespmem:s18+$0xFFFFFF80]  }
0x17d: {  	v4 =	vld [tilespmem:s18+$0x0]  }
0x17e: {  	v5 =	vld [tilespmem:s18+$0x80];
	_ =	sdelay $0x1  }
0x17f: {  	v0 =	vsel vm4, v15, v0;
	v1 =	vsel vm4, v2, v15  }
0x180: {  	s20 =	sadd.s32 s12, s29;
	v2 =	vmin.f32 v0, v1  }
0x181: {  	s5 =	sshll.u32 s20, $0x9;
	v0 =	vmax.f32 v0, v1;
	[tilespmem:s7+$0x14830] =	vst v2  }
0x182: {  	s22 =	sshll.u32 s6, $0x7;
	v16 =	vsel vm7, v4, v3;
	v17 =	vsel vm7, v5, v4;
	s5 =	sshra.s32 s5, $0x2;
	[tilespmem:s7+$0x148B0] =	vst v0  }
0x183: {  	s23 =	sadd.s32 s8, s6;
	v3 =	vmin.f32 v16, v17;
	s20 =	sand.u32 $0x3FFFFF00, s22;
	v2 =	vld [tilespmem:s5+$0xFFFFFFC0]  }
0x184: {  	s11 =	sshll.u32 s23, $0x9;
	[tilespmem:s20+$0x14800] =	vst v3;
	v0 =	vmax.f32 v16, v17;
	v18 =	vld [tilespmem:s5+$0x40]  }
0x185: {  	s11 =	sshra.s32 s11, $0x2;
	v19 =	vld [tilespmem:s5+$0xC0];
	[tilespmem:s7+$0x14980] =	vst v0;
	s5 =	sor.u32 $0x4, s29  }
0x186: {  	v0 =	vld [tilespmem:s11+$0xFFFFFF90];
	s15 =	sadd.s32 s1, s5  }
0x187: {  	v3 =	vld [tilespmem:s11+$0x10];
	s15 =	sshll.u32 s15, $0x9  }
0x188: {  	v20 =	vld [tilespmem:s11+$0x90];
	s24 =	sshra.s32 s15, $0x2  }
0x189: {  	v6 =	vld [tilespmem:s24+$0xFFFFFF80]  }
0x18a: {  	v7 =	vld [tilespmem:s24+$0x0]  }
0x18b: {  	v21 =	vld [tilespmem:s24+$0x80];
	v2 =	vsel vm3, v18, v2;
	v1 =	vsel vm3, v19, v18  }
0x18c: {  	v8 =	vmin.f32 v2, v1  }
0x18d: {  	s26 =	sadd.s32 s3, s29;
	v1 =	vmax.f32 v2, v1;
	v0 =	vsel vm6, v3, v0;
	v22 =	vsel vm6, v20, v3;
	[tilespmem:s7+$0x14840] =	vst v8  }
0x18e: {  	s28 =	sadd.s32 s10, s6;
	s11 =	sshll.u32 s26, $0x9;
	[tilespmem:s7+$0x148C0] =	vst v1;
	v23 =	vmin.f32 v0, v22  }
0x18f: {  	s11 =	sshra.s32 s11, $0x2;
	s15 =	sshll.u32 s28, $0x9;
	v0 =	vmax.f32 v0, v22;
	[tilespmem:s20+$0x14810] =	vst v23  }
0x190: {  	s17 =	sshll.u32 s5, $0x7;
	s15 =	sshra.s32 s15, $0x2;
	v24 =	vld [tilespmem:s11+$0xFFFFFFD0];
	[tilespmem:s7+$0x14990] =	vst v0;
	v25 =	vsel vm7, v7, v6;
	v26 =	vsel vm7, v21, v7  }
0x191: {  	s30 =	sadd.s32 s8, s5;
	s22 =	sand.u32 $0x3FFFFF00, s17;
	v27 =	vld [tilespmem:s15+$0xFFFFFFA0];
	v4 =	vmin.f32 v25, v26  }
0x192: {  	s17 =	sshll.u32 s30, $0x9;
	v28 =	vld [tilespmem:s15+$0x20];
	v0 =	vmax.f32 v25, v26;
	[tilespmem:s22+$0x14800] =	vst v4  }
0x193: {  	s31 =	sshra.s32 s17, $0x2;
	s24 =	sor.u32 $0x6, s29;
	v29 =	vld [tilespmem:s15+$0xA0];
	[tilespmem:s7+$0x14A80] =	vst v0  }
0x194: {  	s18 =	sadd.s32 s1, s24;
	v0 =	vld [tilespmem:s31+$0xFFFFFF90]  }
0x195: {  	s17 =	sshll.u32 s18, $0x9;
	v4 =	vld [tilespmem:s31+$0x10]  }
0x196: {  	s23 =	sshra.s32 s17, $0x2;
	v30 =	vld [tilespmem:s31+$0x90]  }
0x197: {  	v31 =	vld [tilespmem:s23+$0xFFFFFF80]  }
0x198: {  	v32 =	vld [tilespmem:s23+$0x0];
	v3 =	vsel vm5, v28, v27;
	v2 =	vsel vm5, v29, v28  }
0x199: {  	s26 =	sadd.s32 s2, s6;
	v9 =	vld [tilespmem:s23+$0x80];
	v33 =	vmin.f32 v3, v2  }
0x19a: {  	s28 =	sshll.u32 s26, $0x9;
	v10 =	vld [tilespmem:s11+$0x50];
	v2 =	vmax.f32 v3, v2;
	[tilespmem:s20+$0x14820] =	vst v33  }
0x19b: {  	s30 =	sshra.s32 s28, $0x2;
	v34 =	vld [tilespmem:s11+$0xD0];
	[tilespmem:s7+$0x149A0] =	vst v2;
	v0 =	vsel vm6, v4, v0;
	v35 =	vsel vm6, v30, v4  }
0x19c: {  	s31 =	sadd.s32 s10, s5;
	v36 =	vld [tilespmem:s30+$0xFFFFFFB0];
	v6 =	vmin.f32 v0, v35  }
0x19d: {  	s15 =	sshll.u32 s31, $0x9;
	v8 =	vld [tilespmem:s30+$0x30];
	v0 =	vmax.f32 v0, v35;
	[tilespmem:s22+$0x14810] =	vst v6  }
0x19e: {  	s23 =	sshll.u32 s24, $0x7;
	v38 =	vsel vm7, v32, v31;
	v5 =	vsel vm7, v9, v32;
	s17 =	sshra.s32 s15, $0x2;
	v37 =	vld [tilespmem:s30+$0xB0];
	[tilespmem:s7+$0x14A90] =	vst v0  }
0x19f: {  	s26 =	sadd.s32 s8, s24;
	s18 =	sand.u32 $0x3FFFFF00, s23;
	v7 =	vmin.f32 v38, v5;
	v6 =	vld [tilespmem:s17+$0xFFFFFFA0]  }
0x1a0: {  	[tilespmem:s18+$0x14800] =	vst v7;
	s15 =	sshll.u32 s26, $0x9;
	v0 =	vmax.f32 v38, v5;
	v39 =	vld [tilespmem:s17+$0x20]  }
0x1a1: {  	v1 =	vsel vm2, v10, v24;
	v3 =	vsel vm2, v34, v10;
	s28 =	sshra.s32 s15, $0x2;
	v40 =	vld [tilespmem:s17+$0xA0];
	[tilespmem:s7+$0x14B80] =	vst v0  }
0x1a2: {  	v41 =	vmin.f32 v1, v3;
	v7 =	vld [tilespmem:s28+$0xFFFFFF90]  }
0x1a3: {  	v42 =	vmax.f32 v1, v3;
	[tilespmem:s7+$0x14850] =	vst v41;
	s30 =	sadd.s32 s13, s29;
	v44 =	vld [tilespmem:s28+$0x10];
	v43 =	vsel vm4, v8, v36;
	v2 =	vsel vm4, v37, v8  }
0x1a4: {  	s31 =	sadd.s32 s12, s6;
	[tilespmem:s7+$0x148D0] =	vst v42;
	s15 =	sshll.u32 s30, $0x9;
	v46 =	vld [tilespmem:s28+$0x90];
	v45 =	vmin.f32 v43, v2  }
0x1a5: {  	s11 =	sshra.s32 s15, $0x2;
	s17 =	sshll.u32 s31, $0x9;
	v47 =	vmax.f32 v43, v2;
	[tilespmem:s20+$0x14830] =	vst v45  }
0x1a6: {  	v48 =	vld [tilespmem:s11+$0xFFFFFFE0];
	s15 =	sshra.s32 s17, $0x2;
	[tilespmem:s7+$0x149B0] =	vst v47;
	v49 =	vsel vm5, v39, v6;
	v50 =	vsel vm5, v40, v39  }
0x1a7: {  	s23 =	sadd.s32 s2, s5;
	v51 =	vld [tilespmem:s15+$0xFFFFFFC0];
	v6 =	vmin.f32 v49, v50  }
0x1a8: {  	s17 =	sshll.u32 s23, $0x9;
	v52 =	vld [tilespmem:s15+$0x40];
	v0 =	vmax.f32 v49, v50;
	[tilespmem:s22+$0x14820] =	vst v6  }
0x1a9: {  	s26 =	sshra.s32 s17, $0x2;
	v53 =	vld [tilespmem:s15+$0xC0];
	v54 =	vsel vm6, v44, v7;
	v3 =	vsel vm6, v46, v44;
	[tilespmem:s7+$0x14AA0] =	vst v0  }
0x1aa: {  	s28 =	sadd.s32 s10, s24;
	v56 =	vmin.f32 v54, v3;
	v55 =	vld [tilespmem:s26+$0xFFFFFFB0]  }
0x1ab: {  	s17 =	sshll.u32 s28, $0x9;
	[tilespmem:s18+$0x14810] =	vst v56;
	v0 =	vmax.f32 v54, v3;
	v57 =	vld [tilespmem:s26+$0x30]  }
0x1ac: {  	s30 =	sshra.s32 s17, $0x2;
	v58 =	vld [tilespmem:s26+$0xB0];
	[tilespmem:s7+$0x14B90] =	vst v0  }
0x1ad: {  	v0 =	vld [tilespmem:s30+$0xFFFFFFA0]  }
0x1ae: {  	v6 =	vld [tilespmem:s30+$0x20];
	v5 =	vsel vm3, v52, v51;
	v2 =	vsel vm3, v53, v52  }
0x1af: {  	s31 =	sadd.s32 s3, s6;
	v59 =	vld [tilespmem:s30+$0xA0];
	v8 =	vmin.f32 v5, v2  }
0x1b0: {  	v60 =	vld [tilespmem:s11+$0x60];
	s17 =	sshll.u32 s31, $0x9;
	v2 =	vmax.f32 v5, v2;
	[tilespmem:s20+$0x14840] =	vst v8  }
0x1b1: {  	v61 =	vld [tilespmem:s11+$0xE0];
	s23 =	sshra.s32 s17, $0x2;
	[tilespmem:s7+$0x149C0] =	vst v2;
	v62 =	vsel vm4, v57, v55;
	v3 =	vsel vm4, v58, v57  }
0x1b2: {  	s26 =	sadd.s32 s12, s5;
	v63 =	vld [tilespmem:s23+$0xFFFFFFD0];
	v7 =	vmin.f32 v62, v3  }
0x1b3: {  	s15 =	sshll.u32 s26, $0x9;
	v8 =	vld [tilespmem:s23+$0x50];
	v2 =	vmax.f32 v62, v3;
	[tilespmem:s22+$0x14830] =	vst v7  }
0x1b4: {  	s28 =	sshra.s32 s15, $0x2;
	v12 =	vld [tilespmem:s23+$0xD0];
	v0 =	vsel vm5, v6, v0;
	v13 =	vsel vm5, v59, v6;
	[tilespmem:s7+$0x14AB0] =	vst v2  }
0x1b5: {  	s30 =	sadd.s32 s2, s24;
	v15 =	vmin.f32 v0, v13;
	v14 =	vld [tilespmem:s28+$0xFFFFFFC0]  }
0x1b6: {  	s15 =	sshll.u32 s30, $0x9;
	v0 =	vmax.f32 v0, v13;
	[tilespmem:s18+$0x14820] =	vst v15;
	v16 =	vld [tilespmem:s28+$0x40]  }
0x1b7: {  	v1 =	vsel vm1, v60, v48;
	v17 =	vsel vm1, v61, v60;
	s31 =	sshra.s32 s15, $0x2;
	v18 =	vld [tilespmem:s28+$0xC0];
	[tilespmem:s7+$0x14BA0] =	vst v0  }
0x1b8: {  	s17 =	sadd.s32 s14, s29;
	v19 =	vmin.f32 v1, v17;
	v7 =	vld [tilespmem:s31+$0xFFFFFFB0]  }
0x1b9: {  	v20 =	vmax.f32 v1, v17;
	[tilespmem:s7+$0x14860] =	vst v19;
	s15 =	sshll.u32 s17, $0x9;
	v23 =	vld [tilespmem:s31+$0x30];
	v21 =	vsel vm2, v8, v63;
	v22 =	vsel vm2, v12, v8  }
0x1ba: {  	[tilespmem:s7+$0x148E0] =	vst v20;
	s15 =	sshra.s32 s15, $0x2;
	s23 =	sadd.s32 s13, s6;
	v24 =	vld [tilespmem:s31+$0xB0];
	v4 =	vmin.f32 v21, v22  }
0x1bb: {  	v1 =	vld [tilespmem:s15+$0x70];
	s26 =	sshll.u32 s23, $0x9;
	v2 =	vmax.f32 v21, v22;
	[tilespmem:s20+$0x14850] =	vst v4  }
0x1bc: {  	s11 =	sshra.s32 s26, $0x2;
	v0 =	vld [tilespmem:s15+$0xFFFFFFF0];
	[tilespmem:s7+$0x149D0] =	vst v2;
	v25 =	vsel vm3, v16, v14;
	v26 =	vsel vm3, v18, v16  }
0x1bd: {  	s28 =	sadd.s32 s3, s5;
	v27 =	vld [tilespmem:s11+$0xFFFFFFE0];
	v6 =	vmin.f32 v25, v26  }
0x1be: {  	s17 =	sshll.u32 s28, $0x9;
	v28 =	vld [tilespmem:s11+$0x60];
	v2 =	vmax.f32 v25, v26;
	[tilespmem:s22+$0x14840] =	vst v6  }
0x1bf: {  	s30 =	sshra.s32 s17, $0x2;
	v29 =	vld [tilespmem:s11+$0xE0];
	v30 =	vsel vm4, v23, v7;
	v3 =	vsel vm4, v24, v23;
	[tilespmem:s7+$0x14AC0] =	vst v2  }
0x1c0: {  	s31 =	sadd.s32 s12, s24;
	v7 =	vmin.f32 v30, v3;
	v6 =	vld [tilespmem:s30+$0xFFFFFFD0]  }
0x1c1: {  	s17 =	sshll.u32 s31, $0x9;
	[tilespmem:s18+$0x14830] =	vst v7;
	v2 =	vmax.f32 v30, v3;
	v31 =	vld [tilespmem:s30+$0x50]  }
0x1c2: {  	s23 =	sshra.s32 s17, $0x2;
	v32 =	vld [tilespmem:s30+$0xD0];
	[tilespmem:s7+$0x14BB0] =	vst v2;
	s30 =	sor.u32 $0x8, s29  }
0x1c3: {  	v7 =	vld [tilespmem:s23+$0xFFFFFFC0];
	s26 =	sadd.s32 s1, s30  }
0x1c4: {  	v33 =	vld [tilespmem:s23+$0x40];
	s17 =	sshll.u32 s26, $0x9  }
0x1c5: {  	v35 =	vld [tilespmem:s23+$0xC0];
	v34 =	vsel vm1, v28, v27;
	v4 =	vsel vm1, v29, v28;
	s28 =	sshra.s32 s17, $0x2  }
0x1c6: {  	v9 =	vmin.f32 v34, v4;
	v11 =	vld [tilespmem:s28+$0xFFFFFF80]  }
0x1c7: {  	s6 =	sadd.s32 s14, s6;
	v2 =	vmax.f32 v34, v4;
	[tilespmem:s20+$0x14860] =	vst v9;
	v37 =	vld [tilespmem:s28+$0x0];
	v36 =	vsel vm2, v31, v6;
	v3 =	vsel vm2, v32, v31  }
0x1c8: {  	s6 =	sshll.u32 s6, $0x9;
	s31 =	sadd.s32 s13, s5;
	v38 =	vld [tilespmem:s28+$0x80];
	[tilespmem:s7+$0x149E0] =	vst v2;
	v8 =	vmin.f32 v36, v3  }
0x1c9: {  	s6 =	sshra.s32 s6, $0x2;
	s23 =	sshll.u32 s31, $0x9;
	v2 =	vld [tilespmem:s15+$0xF0];
	v4 =	vmax.f32 v36, v3;
	[tilespmem:s22+$0x14850] =	vst v8  }
0x1ca: {  	s11 =	sshra.s32 s23, $0x2;
	v3 =	vld [tilespmem:s6+$0xFFFFFFF0];
	v39 =	vsel vm3, v33, v7;
	v5 =	vsel vm3, v35, v33;
	[tilespmem:s7+$0x14AD0] =	vst v4  }
0x1cb: {  	s26 =	sadd.s32 s3, s24;
	v41 =	vmin.f32 v39, v5;
	v40 =	vld [tilespmem:s11+$0xFFFFFFE0]  }
0x1cc: {  	s15 =	sshll.u32 s26, $0x9;
	[tilespmem:s18+$0x14840] =	vst v41;
	v4 =	vmax.f32 v39, v5;
	v42 =	vld [tilespmem:s11+$0x60]  }
0x1cd: {  	s31 =	sshll.u32 s30, $0x7;
	s28 =	sshra.s32 s15, $0x2;
	v43 =	vld [tilespmem:s11+$0xE0];
	[tilespmem:s7+$0x14BC0] =	vst v4;
	v44 =	vsel vm7, v37, v11;
	v6 =	vsel vm7, v38, v37  }
0x1ce: {  	s23 =	sand.u32 $0x3FFFFF00, s31;
	s17 =	sadd.s32 s8, s30;
	v8 =	vld [tilespmem:s28+$0xFFFFFFD0];
	v9 =	vmin.f32 v44, v6  }
0x1cf: {  	s15 =	sshll.u32 s17, $0x9;
	v45 =	vld [tilespmem:s28+$0x50];
	v4 =	vmax.f32 v44, v6;
	[tilespmem:s23+$0x14800] =	vst v9  }
0x1d0: {  	s15 =	sshra.s32 s15, $0x2;
	s11 =	sor.u32 $0xA, s29;
	v46 =	vld [tilespmem:s28+$0xD0];
	[tilespmem:s7+$0x14C80] =	vst v4  }
0x1d1: {  	s26 =	sadd.s32 s1, s11;
	v9 =	vld [tilespmem:s15+$0xFFFFFF90]  }
0x1d2: {  	s17 =	sshll.u32 s26, $0x9;
	v12 =	vld [tilespmem:s15+$0x10]  }
0x1d3: {  	s28 =	sshra.s32 s17, $0x2;
	v13 =	vld [tilespmem:s15+$0x90]  }
0x1d4: {  	v14 =	vld [tilespmem:s28+$0xFFFFFF80]  }
0x1d5: {  	v49 =	vld [tilespmem:s28+$0x0];
	v47 =	vsel vm1, v42, v40;
	v48 =	vsel vm1, v43, v42  }
0x1d6: {  	s5 =	sadd.s32 s14, s5;
	v16 =	vld [tilespmem:s28+$0x80];
	v15 =	vmin.f32 v47, v48  }
0x1d7: {  	s5 =	sshll.u32 s5, $0x9;
	v5 =	vld [tilespmem:s6+$0x70];
	v4 =	vmax.f32 v47, v48;
	[tilespmem:s22+$0x14860] =	vst v15  }
0x1d8: {  	s5 =	sshra.s32 s5, $0x2;
	v50 =	vsel vm2, v45, v8;
	v6 =	vsel vm2, v46, v45;
	v8 =	vld [tilespmem:s6+$0xF0];
	[tilespmem:s7+$0x14AE0] =	vst v4  }
0x1d9: {  	s31 =	sadd.s32 s13, s24;
	v11 =	vmin.f32 v50, v6;
	v4 =	vld [tilespmem:s5+$0xFFFFFFF0]  }
0x1da: {  	s6 =	sshll.u32 s31, $0x9;
	v7 =	vmax.f32 v50, v6;
	[tilespmem:s18+$0x14850] =	vst v11;
	v9 =	vsel vm6, v12, v9;
	v51 =	vsel vm6, v13, v12;
	v6 =	vld [tilespmem:s5+$0x70]  }
0x1db: {  	s15 =	sshll.u32 s11, $0x7;
	s26 =	sshra.s32 s6, $0x2;
	[tilespmem:s7+$0x14BD0] =	vst v7;
	v7 =	vld [tilespmem:s5+$0xF0];
	v52 =	vsel vm7, v49, v14;
	v10 =	vsel vm7, v16, v49;
	v12 =	vmin.f32 v9, v51  }
0x1dc: {  	s6 =	sadd.s32 s10, s30;
	s5 =	sand.u32 $0x3FFFFF00, s15;
	v53 =	vmin.f32 v52, v10;
	v54 =	vld [tilespmem:s26+$0x60];
	[tilespmem:s23+$0x14810] =	vst v12  }
0x1dd: {  	s28 =	sadd.s32 s8, s11;
	s17 =	sshll.u32 s6, $0x9;
	v9 =	vmax.f32 v9, v51;
	v34 =	vld [tilespmem:s26+$0xE0];
	[tilespmem:s5+$0x14800] =	vst v53  }
0x1de: {  	s6 =	sshll.u32 s28, $0x9;
	s15 =	sshra.s32 s17, $0x2;
	v55 =	vmax.f32 v52, v10;
	v12 =	vld [tilespmem:s26+$0xFFFFFFE0];
	[tilespmem:s7+$0x14C90] =	vst v9  }
0x1df: {  	s31 =	sshra.s32 s6, $0x2;
	s6 =	sor.u32 $0xC, s29;
	[tilespmem:s7+$0x14D80] =	vst v55;
	v56 =	vld [tilespmem:s15+$0xFFFFFFA0]  }
0x1e0: {  	s28 =	sadd.s32 s1, s6;
	v9 =	vld [tilespmem:s31+$0xFFFFFF90]  }
0x1e1: {  	s28 =	sshll.u32 s28, $0x9;
	v57 =	vld [tilespmem:s31+$0x10]  }
0x1e2: {  	s28 =	sshra.s32 s28, $0x2;
	v58 =	vld [tilespmem:s31+$0x90]  }
0x1e3: {  	v59 =	vld [tilespmem:s28+$0xFFFFFF80]  }
0x1e4: {  	s29 =	sor.u32 $0xE, s29;
	v60 =	vld [tilespmem:s28+$0x0]  }
0x1e5: {  	v17 =	vld [tilespmem:s28+$0x80];
	s31 =	sadd.s32 s1, s29  }
0x1e6: {  	v18 =	vld [tilespmem:s15+$0x20];
	s17 =	sshll.u32 s31, $0x9  }
0x1e7: {  	v19 =	vld [tilespmem:s15+$0xA0];
	s15 =	sshra.s32 s17, $0x2;
	v9 =	vsel vm6, v57, v9;
	v11 =	vsel vm6, v58, v57  }
0x1e8: {  	s28 =	sadd.s32 s10, s11;
	v20 =	vld [tilespmem:s15+$0xFFFFFF80];
	v14 =	vmin.f32 v9, v11  }
0x1e9: {  	s17 =	sshll.u32 s28, $0x9;
	v61 =	vld [tilespmem:s15+$0x0];
	v9 =	vmax.f32 v9, v11;
	[tilespmem:s5+$0x14810] =	vst v14  }
0x1ea: {  	s31 =	sshll.u32 s6, $0x7;
	s17 =	sshra.s32 s17, $0x2;
	v24 =	vld [tilespmem:s15+$0x80];
	v62 =	vsel vm7, v60, v59;
	v63 =	vsel vm7, v17, v60;
	[tilespmem:s7+$0x14D90] =	vst v9  }
0x1eb: {  	s15 =	sand.u32 $0x3FFFFF00, s31;
	s31 =	sadd.s32 s8, s6;
	v17 =	vmin.f32 v62, v63;
	v25 =	vld [tilespmem:s17+$0xFFFFFFA0]  }
0x1ec: {  	s28 =	sshll.u32 s31, $0x9;
	[tilespmem:s15+$0x14800] =	vst v17;
	v9 =	vmax.f32 v62, v63;
	v21 =	vld [tilespmem:s17+$0x20]  }
0x1ed: {  	v10 =	vsel vm5, v18, v56;
	v26 =	vsel vm5, v19, v18;
	v27 =	vld [tilespmem:s17+$0xA0];
	[tilespmem:s7+$0x14E80] =	vst v9;
	s17 =	sshra.s32 s28, $0x2  }
0x1ee: {  	v28 =	vmin.f32 v10, v26;
	s28 =	sadd.s32 s2, s30;
	v29 =	vld [tilespmem:s17+$0xFFFFFF90]  }
0x1ef: {  	v30 =	vmax.f32 v10, v26;
	[tilespmem:s23+$0x14820] =	vst v28;
	v31 =	vld [tilespmem:s17+$0x10];
	s28 =	sshll.u32 s28, $0x9  }
0x1f0: {  	s31 =	sshll.u32 s29, $0x7;
	v32 =	vsel vm7, v61, v20;
	v11 =	vsel vm7, v24, v61;
	[tilespmem:s7+$0x14CA0] =	vst v30;
	v33 =	vld [tilespmem:s17+$0x90];
	s26 =	sshra.s32 s28, $0x2  }
0x1f1: {  	v15 =	vmin.f32 v32, v11;
	s17 =	sand.u32 $0x3FFFFF00, s31;
	s31 =	sadd.s32 s8, s29;
	v35 =	vld [tilespmem:s26+$0xFFFFFFB0]  }
0x1f2: {  	v13 =	vsel vm1, v34, v54;
	v12 =	vsel vm1, v54, v12;
	v11 =	vmax.f32 v32, v11;
	[tilespmem:s17+$0x14800] =	vst v15;
	s31 =	sshll.u32 s31, $0x9;
	v42 =	vld [tilespmem:s26+$0x30]  }
0x1f3: {  	v56 =	vmin.f32 v12, v13;
	[tilespmem:s7+$0x14F80] =	vst v11;
	s28 =	sshra.s32 s31, $0x2;
	v44 =	vld [tilespmem:s26+$0xB0]  }
0x1f4: {  	s24 =	sadd.s32 s14, s24;
	[tilespmem:s18+$0x14860] =	vst v56;
	v62 =	vmax.f32 v12, v13;
	v38 =	vld [tilespmem:s28+$0xFFFFFF90];
	v36 =	vsel vm5, v21, v25;
	v37 =	vsel vm5, v27, v21  }
0x1f5: {  	s24 =	sshll.u32 s24, $0x9;
	[tilespmem:s7+$0x14BE0] =	vst v62;
	v39 =	vld [tilespmem:s28+$0x10];
	v17 =	vmin.f32 v36, v37  }
0x1f6: {  	s24 =	sshra.s32 s24, $0x2;
	s31 =	sadd.s32 s2, s11;
	v41 =	vld [tilespmem:s28+$0x90];
	v11 =	vmax.f32 v36, v37;
	v40 =	vsel vm6, v31, v29;
	v9 =	vsel vm6, v33, v31;
	[tilespmem:s5+$0x14820] =	vst v17  }
0x1f7: {  	s28 =	sshll.u32 s31, $0x9;
	s31 =	sadd.s32 s10, s6;
	v33 =	vld [tilespmem:s24+$0x70];
	v43 =	vmin.f32 v40, v9;
	[tilespmem:s7+$0x14DA0] =	vst v11  }
0x1f8: {  	s26 =	sshra.s32 s28, $0x2;
	s31 =	sshll.u32 s31, $0x9;
	v9 =	vmax.f32 v40, v9;
	[tilespmem:s15+$0x14810] =	vst v43;
	v14 =	vsel vm4, v42, v35;
	v50 =	vsel vm4, v44, v42;
	v42 =	vld [tilespmem:s24+$0xF0]  }
0x1f9: {  	s28 =	sshra.s32 s31, $0x2;
	v45 =	vld [tilespmem:s26+$0xFFFFFFB0];
	[tilespmem:s7+$0x14E90] =	vst v9  }
0x1fa: {  	v9 =	vld [tilespmem:s28+$0xFFFFFFA0]  }
0x1fb: {  	v16 =	vsel vm6, v39, v38;
	v10 =	vsel vm6, v41, v39;
	v46 =	vld [tilespmem:s28+$0x20]  }
0x1fc: {  	s31 =	sadd.s32 s10, s29;
	v47 =	vld [tilespmem:s28+$0xA0];
	v48 =	vmin.f32 v16, v10  }
0x1fd: {  	v49 =	vld [tilespmem:s26+$0x30];
	v10 =	vmax.f32 v16, v10;
	s28 =	sshll.u32 s31, $0x9;
	[tilespmem:s17+$0x14810] =	vst v48  }
0x1fe: {  	v51 =	vld [tilespmem:s26+$0xB0];
	s26 =	sshra.s32 s28, $0x2;
	[tilespmem:s7+$0x14F90] =	vst v10  }
0x1ff: {  	v52 =	vmin.f32 v14, v50;
	s31 =	sadd.s32 s12, s30;
	v53 =	vld [tilespmem:s26+$0xFFFFFFA0]  }
0x200: {  	v54 =	vmax.f32 v14, v50;
	[tilespmem:s23+$0x14830] =	vst v52;
	s28 =	sshll.u32 s31, $0x9;
	v55 =	vld [tilespmem:s26+$0x20]  }
0x201: {  	[tilespmem:s7+$0x14CB0] =	vst v54;
	s28 =	sshra.s32 s28, $0x2;
	v58 =	vld [tilespmem:s26+$0xA0];
	v9 =	vsel vm5, v46, v9;
	v57 =	vsel vm5, v47, v46  }
0x202: {  	s31 =	sadd.s32 s2, s6;
	v59 =	vld [tilespmem:s28+$0xFFFFFFC0];
	v60 =	vmin.f32 v9, v57  }
0x203: {  	v61 =	vld [tilespmem:s28+$0x40];
	s26 =	sshll.u32 s31, $0x9;
	v9 =	vmax.f32 v9, v57;
	[tilespmem:s15+$0x14820] =	vst v60  }
0x204: {  	v63 =	vld [tilespmem:s28+$0xC0];
	v11 =	vsel vm4, v49, v45;
	v19 =	vsel vm4, v51, v49;
	s26 =	sshra.s32 s26, $0x2;
	[tilespmem:s7+$0x14EA0] =	vst v9  }
0x205: {  	v21 =	vmin.f32 v11, v19;
	v22 =	vld [tilespmem:s26+$0xFFFFFFB0]  }
0x206: {  	s31 =	sadd.s32 s12, s11;
	v23 =	vmax.f32 v11, v19;
	[tilespmem:s5+$0x14830] =	vst v21;
	v25 =	vsel vm5, v55, v53;
	v14 =	vsel vm5, v58, v55;
	v24 =	vld [tilespmem:s26+$0x30]  }
0x207: {  	s28 =	sshll.u32 s31, $0x9;
	s31 =	sadd.s32 s2, s29;
	[tilespmem:s7+$0x14DB0] =	vst v23;
	v26 =	vld [tilespmem:s26+$0xB0];
	v27 =	vmin.f32 v25, v14  }
0x208: {  	s28 =	sshra.s32 s28, $0x2;
	v9 =	vld [tilespmem:s24+$0xFFFFFFF0];
	v13 =	vmax.f32 v25, v14;
	s26 =	sshll.u32 s31, $0x9;
	[tilespmem:s17+$0x14820] =	vst v27  }
0x209: {  	v28 =	vld [tilespmem:s28+$0xFFFFFFC0];
	s26 =	sshra.s32 s26, $0x2;
	[tilespmem:s7+$0x14FA0] =	vst v13  }
0x20a: {  	v16 =	vsel vm3, v61, v59;
	v12 =	vsel vm3, v63, v61;
	v13 =	vld [tilespmem:s26+$0xFFFFFFB0]  }
0x20b: {  	v29 =	vmin.f32 v16, v12;
	v17 =	vld [tilespmem:s26+$0x30]  }
0x20c: {  	v12 =	vmax.f32 v16, v12;
	s31 =	sadd.s32 s3, s30;
	[tilespmem:s23+$0x14840] =	vst v29;
	v30 =	vld [tilespmem:s26+$0xB0];
	v10 =	vsel vm4, v24, v22;
	v11 =	vsel vm4, v26, v24  }
0x20d: {  	v31 =	vld [tilespmem:s28+$0x40];
	[tilespmem:s7+$0x14CC0] =	vst v12;
	s26 =	sshll.u32 s31, $0x9;
	s31 =	sadd.s32 s12, s6;
	v15 =	vmin.f32 v10, v11  }
0x20e: {  	v32 =	vld [tilespmem:s28+$0xC0];
	s26 =	sshra.s32 s26, $0x2;
	s28 =	sshll.u32 s31, $0x9;
	v10 =	vmax.f32 v10, v11;
	[tilespmem:s15+$0x14830] =	vst v15  }
0x20f: {  	v34 =	vld [tilespmem:s26+$0xFFFFFFD0];
	s28 =	sshra.s32 s28, $0x2;
	[tilespmem:s7+$0x14EB0] =	vst v10  }
0x210: {  	v10 =	vld [tilespmem:s28+$0xFFFFFFC0]  }
0x211: {  	v13 =	vsel vm4, v17, v13;
	v17 =	vsel vm4, v30, v17;
	v15 =	vld [tilespmem:s28+$0x40]  }
0x212: {  	s31 =	sadd.s32 s12, s29;
	v35 =	vld [tilespmem:s28+$0xC0];
	v36 =	vmin.f32 v13, v17  }
0x213: {  	v37 =	vld [tilespmem:s26+$0x50];
	v13 =	vmax.f32 v13, v17;
	s28 =	sshll.u32 s31, $0x9;
	[tilespmem:s17+$0x14830] =	vst v36  }
0x214: {  	v39 =	vsel vm3, v31, v28;
	v12 =	vsel vm3, v32, v31;
	v38 =	vld [tilespmem:s26+$0xD0];
	s26 =	sshra.s32 s28, $0x2;
	[tilespmem:s7+$0x14FB0] =	vst v13  }
0x215: {  	v16 =	vmin.f32 v39, v12;
	s31 =	sadd.s32 s3, s11;
	v40 =	vld [tilespmem:s26+$0xFFFFFFC0]  }
0x216: {  	v12 =	vmax.f32 v39, v12;
	[tilespmem:s5+$0x14840] =	vst v16;
	s28 =	sshll.u32 s31, $0x9;
	v20 =	vld [tilespmem:s26+$0x40]  }
0x217: {  	[tilespmem:s7+$0x14DC0] =	vst v12;
	s28 =	sshra.s32 s28, $0x2;
	v41 =	vld [tilespmem:s26+$0xC0];
	v10 =	vsel vm3, v15, v10;
	v43 =	vsel vm3, v35, v15  }
0x218: {  	s31 =	sadd.s32 s3, s6;
	v44 =	vld [tilespmem:s28+$0xFFFFFFD0];
	v19 =	vmin.f32 v10, v43  }
0x219: {  	v45 =	vld [tilespmem:s28+$0x50];
	s26 =	sshll.u32 s31, $0x9;
	v10 =	vmax.f32 v10, v43;
	[tilespmem:s15+$0x14840] =	vst v19  }
0x21a: {  	v11 =	vsel vm2, v37, v34;
	v17 =	vsel vm2, v38, v37;
	v47 =	vld [tilespmem:s28+$0xD0];
	s24 =	sshra.s32 s26, $0x2;
	[tilespmem:s7+$0x14EC0] =	vst v10  }
0x21b: {  	v46 =	vmin.f32 v11, v17;
	s28 =	sadd.s32 s13, s30;
	v49 =	vld [tilespmem:s24+$0xFFFFFFD0]  }
0x21c: {  	v48 =	vmax.f32 v11, v17;
	[tilespmem:s23+$0x14850] =	vst v46;
	s26 =	sshll.u32 s28, $0x9;
	v51 =	vld [tilespmem:s24+$0x50]  }
0x21d: {  	[tilespmem:s7+$0x14CD0] =	vst v48;
	v50 =	vsel vm3, v20, v40;
	v13 =	vsel vm3, v41, v20;
	v52 =	vld [tilespmem:s24+$0xD0];
	s24 =	sshra.s32 s26, $0x2  }
0x21e: {  	s31 =	sadd.s32 s3, s29;
	v14 =	vmin.f32 v50, v13;
	v53 =	vld [tilespmem:s24+$0xFFFFFFE0]  }
0x21f: {  	s28 =	sshll.u32 s31, $0x9;
	v12 =	vmax.f32 v50, v13;
	[tilespmem:s17+$0x14840] =	vst v14;
	v59 =	vld [tilespmem:s24+$0x60]  }
0x220: {  	v3 =	vsel vm0, v5, v3;
	v5 =	vsel vm0, v8, v5;
	s26 =	sshra.s32 s28, $0x2;
	v60 =	vld [tilespmem:s24+$0xE0];
	[tilespmem:s7+$0x14FC0] =	vst v12  }
0x221: {  	v63 =	vmin.f32 v3, v5;
	v54 =	vsel vm2, v45, v44;
	v55 =	vsel vm2, v47, v45;
	v12 =	vld [tilespmem:s26+$0xFFFFFFD0]  }
0x222: {  	[tilespmem:s20+$0x14870] =	vst v63;
	s31 =	sadd.s32 s13, s11;
	v57 =	vmin.f32 v54, v55;
	v56 =	vld [tilespmem:s26+$0x50]  }
0x223: {  	v4 =	vsel vm0, v6, v4;
	v6 =	vsel vm0, v7, v6;
	[tilespmem:s5+$0x14850] =	vst v57;
	v14 =	vmax.f32 v54, v55;
	v58 =	vld [tilespmem:s26+$0xD0];
	s26 =	sshll.u32 s31, $0x9  }
0x224: {  	v25 =	vmin.f32 v4, v6;
	[tilespmem:s7+$0x14DD0] =	vst v14;
	s28 =	sshra.s32 s26, $0x2;
	v11 =	vsel vm2, v51, v49;
	v10 =	vsel vm2, v52, v51  }
0x225: {  	[tilespmem:s22+$0x14870] =	vst v25;
	s31 =	sadd.s32 s13, s6;
	v14 =	vld [tilespmem:s28+$0xFFFFFFE0];
	v17 =	vmin.f32 v11, v10  }
0x226: {  	s26 =	sshll.u32 s31, $0x9;
	v61 =	vld [tilespmem:s28+$0x60];
	v10 =	vmax.f32 v11, v10;
	v13 =	vsel vm1, v59, v53;
	v15 =	vsel vm1, v60, v59;
	[tilespmem:s15+$0x14850] =	vst v17  }
0x227: {  	v62 =	vld [tilespmem:s28+$0xE0];
	s28 =	sshra.s32 s26, $0x2;
	v26 =	vmin.f32 v13, v15;
	[tilespmem:s7+$0x14ED0] =	vst v10  }
0x228: {  	s26 =	sadd.s32 s14, s30;
	v28 =	vmax.f32 v13, v15;
	v12 =	vsel vm2, v56, v12;
	v21 =	vsel vm2, v58, v56;
	[tilespmem:s23+$0x14860] =	vst v26;
	v22 =	vld [tilespmem:s28+$0xFFFFFFE0]  }
0x229: {  	s31 =	sadd.s32 s13, s29;
	s22 =	sshll.u32 s26, $0x9;
	v19 =	vmin.f32 v12, v21;
	v23 =	vld [tilespmem:s28+$0x60];
	[tilespmem:s7+$0x14CE0] =	vst v28  }
0x22a: {  	s20 =	sshll.u32 s31, $0x9;
	v12 =	vmax.f32 v12, v21;
	v24 =	vld [tilespmem:s28+$0xE0];
	s28 =	sshra.s32 s22, $0x2;
	[tilespmem:s17+$0x14850] =	vst v19  }
0x22b: {  	s20 =	sshra.s32 s20, $0x2;
	v32 =	vld [tilespmem:s28+$0xFFFFFFF0];
	[tilespmem:s7+$0x14FD0] =	vst v12  }
0x22c: {  	v27 =	vld [tilespmem:s20+$0xFFFFFFE0]  }
0x22d: {  	v3 =	vmax.f32 v3, v5;
	v14 =	vsel vm1, v61, v14;
	v8 =	vsel vm1, v62, v61;
	v29 =	vld [tilespmem:s20+$0x60]  }
0x22e: {  	[tilespmem:s7+$0x149F0] =	vst v3;
	v9 =	vsel vm0, v33, v9;
	v16 =	vsel vm0, v42, v33;
	s11 =	sadd.s32 s14, s11;
	v33 =	vmin.f32 v14, v8;
	v30 =	vld [tilespmem:s20+$0xE0]  }
0x22f: {  	s11 =	sshll.u32 s11, $0x9;
	v34 =	vld [tilespmem:s28+$0x70];
	v8 =	vmax.f32 v14, v8;
	[tilespmem:s5+$0x14860] =	vst v33  }
0x230: {  	v31 =	vmin.f32 v9, v16;
	s11 =	sshra.s32 s11, $0x2;
	v35 =	vld [tilespmem:s28+$0xF0];
	[tilespmem:s7+$0x14DE0] =	vst v8;
	v10 =	vsel vm1, v23, v22;
	v7 =	vsel vm1, v24, v23  }
0x231: {  	[tilespmem:s18+$0x14870] =	vst v31;
	s6 =	sadd.s32 s14, s6;
	v37 =	vld [tilespmem:s11+$0xFFFFFFF0];
	v38 =	vmin.f32 v10, v7  }
0x232: {  	v0 =	vsel vm0, v1, v0;
	v1 =	vsel vm0, v2, v1;
	s6 =	sshll.u32 s6, $0x9;
	v39 =	vld [tilespmem:s11+$0x70];
	v7 =	vmax.f32 v10, v7;
	[tilespmem:s15+$0x14860] =	vst v38  }
0x233: {  	v36 =	vmin.f32 v0, v1;
	s6 =	sshra.s32 s6, $0x2;
	v40 =	vld [tilespmem:s11+$0xF0];
	[tilespmem:s7+$0x14EE0] =	vst v7;
	v41 =	vsel vm1, v29, v27;
	v42 =	vsel vm1, v30, v29  }
0x234: {  	[tilespmem:s7+$0x14870] =	vst v36;
	s29 =	sadd.s32 s14, s29;
	v43 =	vld [tilespmem:s6+$0xFFFFFFF0];
	v13 =	vmin.f32 v41, v42  }
0x235: {  	v0 =	vmax.f32 v0, v1;
	s11 =	sshll.u32 s29, $0x9;
	v44 =	vld [tilespmem:s6+$0x70];
	v1 =	vmax.f32 v41, v42;
	[tilespmem:s17+$0x14860] =	vst v13  }
0x236: {  	s30 =	sshra.s32 s11, $0x2;
	v45 =	vld [tilespmem:s6+$0xF0];
	[tilespmem:s7+$0x14FE0] =	vst v1  }
0x237: {  	[tilespmem:s7+$0x148F0] =	vst v0;
	v46 =	vmax.f32 v4, v6;
	v47 =	vld [tilespmem:s30+$0xFFFFFFF0]  }
0x238: {  	[tilespmem:s7+$0x14AF0] =	vst v46;
	v48 =	vmax.f32 v9, v16;
	v49 =	vsel vm0, v34, v32;
	v2 =	vsel vm0, v35, v34;
	v50 =	vld [tilespmem:s30+$0x70]  }
0x239: {  	[tilespmem:s7+$0x14BF0] =	vst v48;
	v52 =	vmin.f32 v49, v2;
	v51 =	vld [tilespmem:s30+$0xF0]  }
0x23a: {  	v53 =	vmax.f32 v49, v2;
	[tilespmem:s23+$0x14870] =	vst v52;
	v54 =	vsel vm0, v39, v37;
	v55 =	vsel vm0, v40, v39  }
0x23b: {  	[tilespmem:s7+$0x14CF0] =	vst v53;
	v56 =	vmin.f32 v54, v55  }
0x23c: {  	p1 =	slt.u32 s4, $0x38;
	v57 =	vmax.f32 v54, v55;
	[tilespmem:s5+$0x14870] =	vst v56;
	v0 =	vsel vm0, v44, v43;
	v58 =	vsel vm0, v45, v44  }
.Ltmp1:
0x23d: {  	[tilespmem:s7+$0x14DF0] =	vst v57;
	v59 =	vmin.f32 v0, v58;
	(pc) =	sbr.rel @p1 .LBB2_5-.Ltmp1, $4  }
0x23e: {  	v0 =	vmax.f32 v0, v58;
	[tilespmem:s15+$0x14870] =	vst v59;
	v60 =	vsel vm0, v50, v47;
	v61 =	vsel vm0, v51, v50  }
0x23f: {  	[tilespmem:s7+$0x14EF0] =	vst v0;
	v62 =	vmin.f32 v60, v61  }
0x240: {  	s31 =	sadd.s32 $0x8, s4;
	v63 =	vmax.f32 v60, v61;
	[tilespmem:s17+$0x14870] =	vst v62  }
0x241: {  	s4 =	smov.u32 s31;
	[tilespmem:s7+$0x14FF0] =	vst v63  }
0x242: {  	s5 =	rddreg [dreg:$0x6]  }
0x243: {  	s4 =	sshll.u32 s25, $0x13;
	s30 =	rddreg [dreg:$0x5]  }
0x244: {  	s4 =	sor.u32 s5, s4;
	s25 =	sor.u32 s30, s21  }
0x245: {  	s4 =	sor.u32 s4, s25  }
0x246: {  	s7 =	sshrl.u32 s4, $0x3  }
0x247: {  	s31 =	simm.s32 $0x14800;
	s4 =	sadd.s32 s16, s7  }
0x248: {  	[hbm4b:s4+s9] =	stream.strided.scatter [tilespmem:s31], [sflag:$0x3], $0x4000, s19, s9, $0x38;
	[tilespmem:$0x1C800] =	vst v63  }
0x249: {  	[dreg:$0xf] =	wrdreg s21;
	s4 =	simm.s32 $0x0  }
.LBB2_7:
0x24a: {  	s31 =	sshll.u32 s4, $0x1  }
0x24b: {  	s5 =	sor.u32 $0x80, s31  }
0x24c: {  	s6 =	sadd.s32 s1, s5  }
0x24d: {  	s6 =	sshll.u32 s6, $0x9  }
0x24e: {  	s6 =	sshra.s32 s6, $0x2  }
0x24f: {  	v0 =	vld [tilespmem:s6+$0xFFFFFF80]  }
0x250: {  	v1 =	vld [tilespmem:s6+$0x0]  }
0x251: {  	v2 =	vld [tilespmem:s6+$0x80];
	_ =	sdelay $0x4  }
0x252: {  	s24 =	sshll.u32 s5, $0x7;
	v0 =	vsel vm7, v1, v0;
	v1 =	vsel vm7, v2, v1  }
0x253: {  	s26 =	sshll.u32 s4, $0x8;
	s11 =	sadd.s32 s8, s5;
	s23 =	sand.u32 $0x3FFFFF00, s24;
	v2 =	vmin.f32 v0, v1  }
0x254: {  	s22 =	sand.u32 $0x3FFFFF00, s26;
	s28 =	sshll.u32 s11, $0x9;
	v0 =	vmax.f32 v0, v1;
	[tilespmem:s23+$0x14800] =	vst v2  }
0x255: {  	s6 =	sshra.s32 s28, $0x2;
	[tilespmem:s22+$0x18880] =	vst v0  }
0x256: {  	v0 =	vld [tilespmem:s6+$0xFFFFFF90]  }
0x257: {  	v10 =	vld [tilespmem:s6+$0x10]  }
0x258: {  	v2 =	vld [tilespmem:s6+$0x90];
	_ =	sdelay $0x4  }
0x259: {  	v0 =	vsel vm6, v10, v0;
	v1 =	vsel vm6, v2, v10  }
0x25a: {  	s29 =	sadd.s32 s10, s5;
	v2 =	vmin.f32 v0, v1  }
0x25b: {  	s6 =	sshll.u32 s29, $0x9;
	v0 =	vmax.f32 v0, v1;
	[tilespmem:s23+$0x14810] =	vst v2  }
0x25c: {  	s6 =	sshra.s32 s6, $0x2;
	[tilespmem:s22+$0x18890] =	vst v0  }
0x25d: {  	v0 =	vld [tilespmem:s6+$0xFFFFFFA0]  }
0x25e: {  	v11 =	vld [tilespmem:s6+$0x20]  }
0x25f: {  	v2 =	vld [tilespmem:s6+$0xA0];
	_ =	sdelay $0x4  }
0x260: {  	v0 =	vsel vm5, v11, v0;
	v1 =	vsel vm5, v2, v11  }
0x261: {  	s30 =	sadd.s32 s2, s5;
	v2 =	vmin.f32 v0, v1  }
0x262: {  	s6 =	sshll.u32 s30, $0x9;
	v0 =	vmax.f32 v0, v1;
	[tilespmem:s23+$0x14820] =	vst v2  }
0x263: {  	s11 =	sor.u32 $0x82, s31;
	s6 =	sshra.s32 s6, $0x2;
	[tilespmem:s22+$0x188A0] =	vst v0  }
0x264: {  	s15 =	sadd.s32 s1, s11;
	v0 =	vld [tilespmem:s6+$0xFFFFFFB0]  }
0x265: {  	s15 =	sshll.u32 s15, $0x9;
	v12 =	vld [tilespmem:s6+$0x30]  }
0x266: {  	s9 =	sshra.s32 s15, $0x2;
	v2 =	vld [tilespmem:s6+$0xB0]  }
0x267: {  	v3 =	vld [tilespmem:s9+$0xFFFFFF80]  }
0x268: {  	v4 =	vld [tilespmem:s9+$0x0]  }
0x269: {  	v5 =	vld [tilespmem:s9+$0x80];
	_ =	sdelay $0x1  }
0x26a: {  	v0 =	vsel vm4, v12, v0;
	v1 =	vsel vm4, v2, v12  }
0x26b: {  	s15 =	sadd.s32 s12, s5;
	v2 =	vmin.f32 v0, v1  }
0x26c: {  	s6 =	sshll.u32 s15, $0x9;
	v0 =	vmax.f32 v0, v1;
	[tilespmem:s23+$0x14830] =	vst v2  }
0x26d: {  	s17 =	sshll.u32 s11, $0x7;
	v13 =	vsel vm7, v4, v3;
	v14 =	vsel vm7, v5, v4;
	s6 =	sshra.s32 s6, $0x2;
	[tilespmem:s22+$0x188B0] =	vst v0  }
0x26e: {  	s18 =	sadd.s32 s8, s11;
	s20 =	sand.u32 $0x3FFFFF00, s17;
	v3 =	vmin.f32 v13, v14;
	v2 =	vld [tilespmem:s6+$0xFFFFFFC0]  }
0x26f: {  	[tilespmem:s20+$0x14800] =	vst v3;
	s15 =	sshll.u32 s18, $0x9;
	v0 =	vmax.f32 v13, v14;
	v15 =	vld [tilespmem:s6+$0x40]  }
0x270: {  	s15 =	sshra.s32 s15, $0x2;
	v16 =	vld [tilespmem:s6+$0xC0];
	[tilespmem:s22+$0x18980] =	vst v0;
	s6 =	sor.u32 $0x84, s31  }
0x271: {  	v0 =	vld [tilespmem:s15+$0xFFFFFF90];
	s17 =	sadd.s32 s1, s6  }
0x272: {  	v3 =	vld [tilespmem:s15+$0x10];
	s17 =	sshll.u32 s17, $0x9  }
0x273: {  	v17 =	vld [tilespmem:s15+$0x90];
	s19 =	sshra.s32 s17, $0x2  }
0x274: {  	v6 =	vld [tilespmem:s19+$0xFFFFFF80]  }
0x275: {  	v7 =	vld [tilespmem:s19+$0x0]  }
0x276: {  	v18 =	vld [tilespmem:s19+$0x80]  }
0x277: {  	s30 =	sor.u32 $0x86, s31;
	s18 =	sshll.u32 s6, $0x7;
	s26 =	sadd.s32 s8, s6  }
0x278: {  	s9 =	sadd.s32 s1, s30;
	s29 =	sand.u32 $0x3FFFFF00, s18;
	s18 =	sshll.u32 s26, $0x9;
	v0 =	vsel vm6, v3, v0;
	v19 =	vsel vm6, v17, v3  }
0x279: {  	s24 =	sadd.s32 s10, s11;
	s28 =	sshra.s32 s18, $0x2;
	s18 =	sshll.u32 s9, $0x9;
	v20 =	vmin.f32 v0, v19  }
0x27a: {  	s17 =	sshll.u32 s24, $0x9;
	s19 =	sshra.s32 s18, $0x2;
	v0 =	vmax.f32 v0, v19;
	[tilespmem:s20+$0x14810] =	vst v20  }
0x27b: {  	s17 =	sshra.s32 s17, $0x2;
	v28 =	vld [tilespmem:s19+$0xFFFFFF80];
	[tilespmem:s22+$0x18990] =	vst v0;
	v22 =	vsel vm7, v7, v6;
	v23 =	vsel vm7, v18, v7  }
0x27c: {  	v24 =	vld [tilespmem:s17+$0xFFFFFFA0];
	v4 =	vmin.f32 v22, v23  }
0x27d: {  	v25 =	vld [tilespmem:s17+$0x20];
	v0 =	vmax.f32 v22, v23;
	[tilespmem:s29+$0x14800] =	vst v4  }
0x27e: {  	v26 =	vld [tilespmem:s17+$0xA0];
	[tilespmem:s22+$0x18A80] =	vst v0  }
0x27f: {  	v0 =	vld [tilespmem:s28+$0xFFFFFF90]  }
0x280: {  	v2 =	vsel vm3, v15, v2;
	v1 =	vsel vm3, v16, v15;
	v4 =	vld [tilespmem:s28+$0x10]  }
0x281: {  	s21 =	sadd.s32 s3, s5;
	v8 =	vmin.f32 v2, v1;
	v27 =	vld [tilespmem:s28+$0x90]  }
0x282: {  	s15 =	sshll.u32 s21, $0x9;
	v29 =	vld [tilespmem:s19+$0x0];
	v1 =	vmax.f32 v2, v1;
	[tilespmem:s23+$0x14840] =	vst v8  }
0x283: {  	s15 =	sshra.s32 s15, $0x2;
	v9 =	vld [tilespmem:s19+$0x80];
	[tilespmem:s22+$0x188C0] =	vst v1;
	v3 =	vsel vm5, v25, v24;
	v2 =	vsel vm5, v26, v25  }
0x284: {  	s21 =	sadd.s32 s2, s11;
	v21 =	vld [tilespmem:s15+$0xFFFFFFD0];
	v30 =	vmin.f32 v3, v2  }
0x285: {  	s24 =	sshll.u32 s21, $0x9;
	v10 =	vld [tilespmem:s15+$0x50];
	v2 =	vmax.f32 v3, v2;
	[tilespmem:s20+$0x14820] =	vst v30  }
0x286: {  	s26 =	sshra.s32 s24, $0x2;
	v31 =	vld [tilespmem:s15+$0xD0];
	[tilespmem:s22+$0x189A0] =	vst v2;
	v0 =	vsel vm6, v4, v0;
	v32 =	vsel vm6, v27, v4  }
0x287: {  	s28 =	sadd.s32 s10, s6;
	v33 =	vld [tilespmem:s26+$0xFFFFFFB0];
	v6 =	vmin.f32 v0, v32  }
0x288: {  	s17 =	sshll.u32 s28, $0x9;
	v8 =	vld [tilespmem:s26+$0x30];
	v0 =	vmax.f32 v0, v32;
	[tilespmem:s29+$0x14810] =	vst v6  }
0x289: {  	s18 =	sshll.u32 s30, $0x7;
	v35 =	vsel vm7, v29, v28;
	v5 =	vsel vm7, v9, v29;
	s9 =	sshra.s32 s17, $0x2;
	v34 =	vld [tilespmem:s26+$0xB0];
	[tilespmem:s22+$0x18A90] =	vst v0  }
0x28a: {  	s18 =	sand.u32 $0x3FFFFF00, s18;
	s19 =	sadd.s32 s8, s30;
	v7 =	vmin.f32 v35, v5;
	v6 =	vld [tilespmem:s9+$0xFFFFFFA0]  }
0x28b: {  	[tilespmem:s18+$0x14800] =	vst v7;
	s17 =	sshll.u32 s19, $0x9;
	v0 =	vmax.f32 v35, v5;
	v36 =	vld [tilespmem:s9+$0x20]  }
0x28c: {  	v1 =	vsel vm2, v10, v21;
	v3 =	vsel vm2, v31, v10;
	s21 =	sshra.s32 s17, $0x2;
	v37 =	vld [tilespmem:s9+$0xA0];
	[tilespmem:s22+$0x18B80] =	vst v0  }
0x28d: {  	v38 =	vmin.f32 v1, v3;
	v7 =	vld [tilespmem:s21+$0xFFFFFF90]  }
0x28e: {  	v39 =	vmax.f32 v1, v3;
	[tilespmem:s23+$0x14850] =	vst v38;
	s26 =	sadd.s32 s13, s5;
	v41 =	vld [tilespmem:s21+$0x10];
	v40 =	vsel vm4, v8, v33;
	v2 =	vsel vm4, v34, v8  }
0x28f: {  	s24 =	sadd.s32 s12, s11;
	[tilespmem:s22+$0x188D0] =	vst v39;
	s17 =	sshll.u32 s26, $0x9;
	v43 =	vld [tilespmem:s21+$0x90];
	v42 =	vmin.f32 v40, v2  }
0x290: {  	s28 =	sshll.u32 s24, $0x9;
	s15 =	sshra.s32 s17, $0x2;
	v44 =	vmax.f32 v40, v2;
	[tilespmem:s20+$0x14830] =	vst v42  }
0x291: {  	s17 =	sshra.s32 s28, $0x2;
	v45 =	vld [tilespmem:s15+$0xFFFFFFE0];
	[tilespmem:s22+$0x189B0] =	vst v44;
	v46 =	vsel vm5, v36, v6;
	v47 =	vsel vm5, v37, v36  }
0x292: {  	s9 =	sadd.s32 s2, s6;
	v48 =	vld [tilespmem:s17+$0xFFFFFFC0];
	v6 =	vmin.f32 v46, v47  }
0x293: {  	s24 =	sshll.u32 s9, $0x9;
	v49 =	vld [tilespmem:s17+$0x40];
	v0 =	vmax.f32 v46, v47;
	[tilespmem:s29+$0x14820] =	vst v6  }
0x294: {  	s19 =	sshra.s32 s24, $0x2;
	v50 =	vld [tilespmem:s17+$0xC0];
	v51 =	vsel vm6, v41, v7;
	v3 =	vsel vm6, v43, v41;
	[tilespmem:s22+$0x18AA0] =	vst v0  }
0x295: {  	s21 =	sadd.s32 s10, s30;
	v53 =	vmin.f32 v51, v3;
	v52 =	vld [tilespmem:s19+$0xFFFFFFB0]  }
0x296: {  	s24 =	sshll.u32 s21, $0x9;
	[tilespmem:s18+$0x14810] =	vst v53;
	v0 =	vmax.f32 v51, v3;
	v54 =	vld [tilespmem:s19+$0x30]  }
0x297: {  	s26 =	sshra.s32 s24, $0x2;
	v55 =	vld [tilespmem:s19+$0xB0];
	[tilespmem:s22+$0x18B90] =	vst v0  }
0x298: {  	v0 =	vld [tilespmem:s26+$0xFFFFFFA0]  }
0x299: {  	v6 =	vld [tilespmem:s26+$0x20];
	v5 =	vsel vm3, v49, v48;
	v2 =	vsel vm3, v50, v49  }
0x29a: {  	s28 =	sadd.s32 s3, s11;
	v56 =	vld [tilespmem:s26+$0xA0];
	v8 =	vmin.f32 v5, v2  }
0x29b: {  	v57 =	vld [tilespmem:s15+$0x60];
	s9 =	sshll.u32 s28, $0x9;
	v2 =	vmax.f32 v5, v2;
	[tilespmem:s20+$0x14840] =	vst v8  }
0x29c: {  	v58 =	vld [tilespmem:s15+$0xE0];
	s19 =	sshra.s32 s9, $0x2;
	[tilespmem:s22+$0x189C0] =	vst v2;
	v59 =	vsel vm4, v54, v52;
	v3 =	vsel vm4, v55, v54  }
0x29d: {  	s21 =	sadd.s32 s12, s6;
	v60 =	vld [tilespmem:s19+$0xFFFFFFD0];
	v7 =	vmin.f32 v59, v3  }
0x29e: {  	s17 =	sshll.u32 s21, $0x9;
	v8 =	vld [tilespmem:s19+$0x50];
	v2 =	vmax.f32 v59, v3;
	[tilespmem:s29+$0x14830] =	vst v7  }
0x29f: {  	s24 =	sshra.s32 s17, $0x2;
	v61 =	vld [tilespmem:s19+$0xD0];
	v0 =	vsel vm5, v6, v0;
	v62 =	vsel vm5, v56, v6;
	[tilespmem:s22+$0x18AB0] =	vst v2  }
0x2a0: {  	s26 =	sadd.s32 s2, s30;
	v12 =	vmin.f32 v0, v62;
	v63 =	vld [tilespmem:s24+$0xFFFFFFC0]  }
0x2a1: {  	s17 =	sshll.u32 s26, $0x9;
	v0 =	vmax.f32 v0, v62;
	[tilespmem:s18+$0x14820] =	vst v12;
	v13 =	vld [tilespmem:s24+$0x40]  }
0x2a2: {  	v1 =	vsel vm1, v57, v45;
	v14 =	vsel vm1, v58, v57;
	s28 =	sshra.s32 s17, $0x2;
	v15 =	vld [tilespmem:s24+$0xC0];
	[tilespmem:s22+$0x18BA0] =	vst v0  }
0x2a3: {  	s5 =	sadd.s32 s14, s5;
	v16 =	vmin.f32 v1, v14;
	v7 =	vld [tilespmem:s28+$0xFFFFFFB0]  }
0x2a4: {  	s5 =	sshll.u32 s5, $0x9;
	v17 =	vmax.f32 v1, v14;
	[tilespmem:s23+$0x14860] =	vst v16;
	v20 =	vld [tilespmem:s28+$0x30];
	v18 =	vsel vm2, v8, v60;
	v19 =	vsel vm2, v61, v8  }
0x2a5: {  	[tilespmem:s22+$0x188E0] =	vst v17;
	s9 =	sadd.s32 s13, s11;
	s17 =	sshra.s32 s5, $0x2;
	v21 =	vld [tilespmem:s28+$0xB0];
	v4 =	vmin.f32 v18, v19  }
0x2a6: {  	s5 =	sshll.u32 s9, $0x9;
	v1 =	vld [tilespmem:s17+$0x70];
	v2 =	vmax.f32 v18, v19;
	[tilespmem:s20+$0x14850] =	vst v4  }
0x2a7: {  	s5 =	sshra.s32 s5, $0x2;
	v0 =	vld [tilespmem:s17+$0xFFFFFFF0];
	[tilespmem:s22+$0x189D0] =	vst v2  }
0x2a8: {  	v22 =	vsel vm3, v13, v63;
	v23 =	vsel vm3, v15, v13;
	v24 =	vld [tilespmem:s5+$0xFFFFFFE0]  }
0x2a9: {  	s19 =	sadd.s32 s3, s6;
	v6 =	vmin.f32 v22, v23;
	v25 =	vld [tilespmem:s5+$0x60]  }
0x2aa: {  	s15 =	sshll.u32 s19, $0x9;
	v2 =	vmax.f32 v22, v23;
	v26 =	vld [tilespmem:s5+$0xE0];
	v27 =	vsel vm4, v20, v7;
	v3 =	vsel vm4, v21, v20;
	[tilespmem:s29+$0x14840] =	vst v6  }
0x2ab: {  	s21 =	sshra.s32 s15, $0x2;
	v7 =	vmin.f32 v27, v3;
	[tilespmem:s22+$0x18AC0] =	vst v2;
	v2 =	vmax.f32 v27, v3;
	v3 =	vld [tilespmem:s17+$0xF0]  }
0x2ac: {  	s24 =	sadd.s32 s12, s30;
	v6 =	vld [tilespmem:s21+$0xFFFFFFD0]  }
0x2ad: {  	s15 =	sshll.u32 s24, $0x9;
	[tilespmem:s18+$0x14830] =	vst v7;
	v28 =	vld [tilespmem:s21+$0x50]  }
0x2ae: {  	s15 =	sshra.s32 s15, $0x2;
	s5 =	sor.u32 $0x88, s31;
	v29 =	vld [tilespmem:s21+$0xD0];
	[tilespmem:s22+$0x18BB0] =	vst v2  }
0x2af: {  	s26 =	sadd.s32 s1, s5;
	v7 =	vld [tilespmem:s15+$0xFFFFFFC0]  }
0x2b0: {  	s24 =	sshll.u32 s26, $0x9;
	v30 =	vld [tilespmem:s15+$0x40]  }
0x2b1: {  	s28 =	sshra.s32 s24, $0x2;
	v32 =	vld [tilespmem:s15+$0xC0];
	v31 =	vsel vm1, v25, v24;
	v4 =	vsel vm1, v26, v25  }
0x2b2: {  	s11 =	sadd.s32 s14, s11;
	v11 =	vld [tilespmem:s28+$0xFFFFFF80];
	v9 =	vmin.f32 v31, v4  }
0x2b3: {  	s11 =	sshll.u32 s11, $0x9;
	v35 =	vld [tilespmem:s28+$0x0];
	v2 =	vmax.f32 v31, v4;
	[tilespmem:s20+$0x14860] =	vst v9;
	v33 =	vsel vm2, v28, v6;
	v34 =	vsel vm2, v29, v28  }
0x2b4: {  	s11 =	sshra.s32 s11, $0x2;
	s9 =	sadd.s32 s13, s6;
	v37 =	vld [tilespmem:s28+$0x80];
	[tilespmem:s22+$0x189E0] =	vst v2;
	v36 =	vmin.f32 v33, v34  }
0x2b5: {  	s17 =	sshll.u32 s9, $0x9;
	v4 =	vmax.f32 v33, v34;
	v2 =	vld [tilespmem:s11+$0xFFFFFFF0];
	[tilespmem:s29+$0x14850] =	vst v36  }
0x2b6: {  	s15 =	sshra.s32 s17, $0x2;
	v38 =	vsel vm3, v30, v7;
	v5 =	vsel vm3, v32, v30;
	v8 =	vld [tilespmem:s11+$0xF0];
	[tilespmem:s22+$0x18AD0] =	vst v4  }
0x2b7: {  	s19 =	sadd.s32 s3, s30;
	v7 =	vmin.f32 v38, v5;
	v39 =	vld [tilespmem:s15+$0xFFFFFFE0]  }
0x2b8: {  	s17 =	sshll.u32 s19, $0x9;
	[tilespmem:s18+$0x14840] =	vst v7;
	v4 =	vmax.f32 v38, v5;
	v40 =	vld [tilespmem:s15+$0x60]  }
0x2b9: {  	s26 =	sshll.u32 s5, $0x7;
	s21 =	sshra.s32 s17, $0x2;
	v42 =	vsel vm7, v35, v11;
	v43 =	vsel vm7, v37, v35;
	v41 =	vld [tilespmem:s15+$0xE0];
	[tilespmem:s22+$0x18BC0] =	vst v4  }
0x2ba: {  	s24 =	sand.u32 $0x3FFFFF00, s26;
	s28 =	sadd.s32 s8, s5;
	v9 =	vmin.f32 v42, v43;
	v44 =	vld [tilespmem:s21+$0xFFFFFFD0]  }
0x2bb: {  	s17 =	sshll.u32 s28, $0x9;
	[tilespmem:s24+$0x14800] =	vst v9;
	v4 =	vmax.f32 v42, v43;
	v45 =	vld [tilespmem:s21+$0x50]  }
0x2bc: {  	s17 =	sshra.s32 s17, $0x2;
	s15 =	sor.u32 $0x8A, s31;
	v46 =	vld [tilespmem:s21+$0xD0];
	[tilespmem:s22+$0x18C80] =	vst v4  }
0x2bd: {  	s26 =	sadd.s32 s1, s15;
	v9 =	vld [tilespmem:s17+$0xFFFFFF90]  }
0x2be: {  	v12 =	vld [tilespmem:s17+$0x10];
	s26 =	sshll.u32 s26, $0x9  }
0x2bf: {  	v13 =	vld [tilespmem:s17+$0x90];
	s9 =	sshra.s32 s26, $0x2  }
0x2c0: {  	v14 =	vld [tilespmem:s9+$0xFFFFFF80]  }
0x2c1: {  	v49 =	vld [tilespmem:s9+$0x0]  }
0x2c2: {  	s19 =	sadd.s32 s13, s30;
	s17 =	sor.u32 $0x8C, s31;
	v16 =	vld [tilespmem:s9+$0x80];
	s9 =	sadd.s32 s8, s15  }
0x2c3: {  	v5 =	vld [tilespmem:s11+$0x70];
	s11 =	sshll.u32 s19, $0x9;
	s19 =	sshll.u32 s9, $0x9;
	s9 =	sadd.s32 s1, s17  }
0x2c4: {  	v47 =	vsel vm1, v40, v39;
	v48 =	vsel vm1, v41, v40;
	s9 =	sshll.u32 s9, $0x9  }
0x2c5: {  	v15 =	vmin.f32 v47, v48;
	s9 =	sshra.s32 s9, $0x2  }
0x2c6: {  	s6 =	sadd.s32 s14, s6;
	v4 =	vmax.f32 v47, v48;
	v50 =	vsel vm2, v45, v44;
	v7 =	vsel vm2, v46, v45;
	[tilespmem:s29+$0x14860] =	vst v15;
	v59 =	vld [tilespmem:s9+$0xFFFFFF80]  }
0x2c7: {  	s6 =	sshll.u32 s6, $0x9;
	v11 =	vmin.f32 v50, v7;
	[tilespmem:s22+$0x18AE0] =	vst v4;
	v60 =	vld [tilespmem:s9+$0x0]  }
0x2c8: {  	s6 =	sshra.s32 s6, $0x2;
	v7 =	vmax.f32 v50, v7;
	v9 =	vsel vm6, v12, v9;
	v51 =	vsel vm6, v13, v12;
	[tilespmem:s18+$0x14850] =	vst v11;
	v17 =	vld [tilespmem:s9+$0x80]  }
0x2c9: {  	s26 =	sshll.u32 s15, $0x7;
	v12 =	vmin.f32 v9, v51;
	v4 =	vld [tilespmem:s6+$0xFFFFFFF0];
	[tilespmem:s22+$0x18BD0] =	vst v7;
	v52 =	vsel vm7, v49, v14;
	v10 =	vsel vm7, v16, v49  }
0x2ca: {  	s28 =	sshra.s32 s11, $0x2;
	s21 =	sadd.s32 s10, s5;
	s11 =	sand.u32 $0x3FFFFF00, s26;
	v6 =	vld [tilespmem:s6+$0x70];
	[tilespmem:s24+$0x14810] =	vst v12;
	v53 =	vmin.f32 v52, v10  }
0x2cb: {  	v7 =	vld [tilespmem:s6+$0xF0];
	s6 =	sshll.u32 s21, $0x9;
	v55 =	vmax.f32 v52, v10;
	[tilespmem:s11+$0x14800] =	vst v53  }
0x2cc: {  	v9 =	vmax.f32 v9, v51;
	v12 =	vld [tilespmem:s28+$0xFFFFFFE0];
	s26 =	sshra.s32 s6, $0x2;
	s6 =	sshra.s32 s19, $0x2;
	[tilespmem:s22+$0x18D80] =	vst v55  }
0x2cd: {  	[tilespmem:s22+$0x18C90] =	vst v9;
	v9 =	vld [tilespmem:s6+$0xFFFFFF90]  }
0x2ce: {  	v57 =	vld [tilespmem:s6+$0x10]  }
0x2cf: {  	v58 =	vld [tilespmem:s6+$0x90]  }
0x2d0: {  	v54 =	vld [tilespmem:s28+$0x60];
	s6 =	sor.u32 $0x8E, s31  }
0x2d1: {  	v56 =	vld [tilespmem:s26+$0xFFFFFFA0];
	s21 =	sadd.s32 s1, s6  }
0x2d2: {  	v18 =	vld [tilespmem:s26+$0x20];
	s9 =	sshll.u32 s21, $0x9  }
0x2d3: {  	v19 =	vld [tilespmem:s26+$0xA0];
	s9 =	sshra.s32 s9, $0x2  }
0x2d4: {  	v20 =	vld [tilespmem:s9+$0xFFFFFF80];
	v9 =	vsel vm6, v57, v9;
	v11 =	vsel vm6, v58, v57  }
0x2d5: {  	s31 =	sadd.s32 s10, s15;
	v61 =	vld [tilespmem:s9+$0x0];
	v14 =	vmin.f32 v9, v11  }
0x2d6: {  	s26 =	sshll.u32 s31, $0x9;
	v24 =	vld [tilespmem:s9+$0x80];
	v9 =	vmax.f32 v9, v11;
	[tilespmem:s11+$0x14810] =	vst v14  }
0x2d7: {  	s19 =	sshll.u32 s17, $0x7;
	v34 =	vld [tilespmem:s28+$0xE0];
	v62 =	vsel vm7, v60, v59;
	v63 =	vsel vm7, v17, v60;
	s26 =	sshra.s32 s26, $0x2;
	[tilespmem:s22+$0x18D90] =	vst v9  }
0x2d8: {  	v17 =	vmin.f32 v62, v63;
	s31 =	sand.u32 $0x3FFFFF00, s19;
	s21 =	sadd.s32 s8, s17;
	v25 =	vld [tilespmem:s26+$0xFFFFFFA0]  }
0x2d9: {  	[tilespmem:s31+$0x14800] =	vst v17;
	v10 =	vsel vm5, v18, v56;
	v26 =	vsel vm5, v19, v18;
	s9 =	sshll.u32 s21, $0x9;
	v9 =	vmax.f32 v62, v63;
	v21 =	vld [tilespmem:s26+$0x20]  }
0x2da: {  	v28 =	vmin.f32 v10, v26;
	s9 =	sshra.s32 s9, $0x2;
	v27 =	vld [tilespmem:s26+$0xA0];
	[tilespmem:s22+$0x18E80] =	vst v9  }
0x2db: {  	s19 =	sadd.s32 s2, s5;
	v30 =	vmax.f32 v10, v26;
	s21 =	sshll.u32 s6, $0x7;
	[tilespmem:s24+$0x14820] =	vst v28;
	v32 =	vsel vm7, v61, v20;
	v11 =	vsel vm7, v24, v61;
	v29 =	vld [tilespmem:s9+$0xFFFFFF90]  }
0x2dc: {  	s19 =	sshll.u32 s19, $0x9;
	[tilespmem:s22+$0x18CA0] =	vst v30;
	s26 =	sand.u32 $0x3FFFFF00, s21;
	s21 =	sadd.s32 s8, s6;
	v31 =	vld [tilespmem:s9+$0x10];
	v15 =	vmin.f32 v32, v11  }
0x2dd: {  	s19 =	sshra.s32 s19, $0x2;
	v33 =	vld [tilespmem:s9+$0x90];
	v11 =	vmax.f32 v32, v11;
	s9 =	sshll.u32 s21, $0x9;
	[tilespmem:s26+$0x14800] =	vst v15  }
0x2de: {  	v35 =	vld [tilespmem:s19+$0xFFFFFFB0];
	s9 =	sshra.s32 s9, $0x2;
	[tilespmem:s22+$0x18F80] =	vst v11  }
0x2df: {  	v38 =	vld [tilespmem:s9+$0xFFFFFF90]  }
0x2e0: {  	v39 =	vld [tilespmem:s9+$0x10];
	v36 =	vsel vm5, v21, v25;
	v37 =	vsel vm5, v27, v21  }
0x2e1: {  	s28 =	sadd.s32 s2, s15;
	v41 =	vld [tilespmem:s9+$0x90];
	v17 =	vmin.f32 v36, v37  }
0x2e2: {  	v42 =	vld [tilespmem:s19+$0x30];
	s21 =	sshll.u32 s28, $0x9;
	v11 =	vmax.f32 v36, v37;
	v40 =	vsel vm6, v31, v29;
	v9 =	vsel vm6, v33, v31;
	[tilespmem:s11+$0x14820] =	vst v17  }
0x2e3: {  	v44 =	vld [tilespmem:s19+$0xB0];
	s28 =	sadd.s32 s10, s17;
	s9 =	sshra.s32 s21, $0x2;
	v43 =	vmin.f32 v40, v9;
	[tilespmem:s22+$0x18DA0] =	vst v11  }
0x2e4: {  	s21 =	sshll.u32 s28, $0x9;
	v9 =	vmax.f32 v40, v9;
	[tilespmem:s31+$0x14810] =	vst v43;
	v45 =	vld [tilespmem:s9+$0xFFFFFFB0]  }
0x2e5: {  	s19 =	sshra.s32 s21, $0x2;
	[tilespmem:s22+$0x18E90] =	vst v9;
	v49 =	vld [tilespmem:s9+$0x30]  }
0x2e6: {  	v16 =	vsel vm6, v39, v38;
	v10 =	vsel vm6, v41, v39;
	v9 =	vld [tilespmem:s19+$0xFFFFFFA0]  }
0x2e7: {  	s28 =	sadd.s32 s10, s6;
	v46 =	vld [tilespmem:s19+$0x20];
	v48 =	vmin.f32 v16, v10  }
0x2e8: {  	v47 =	vld [tilespmem:s19+$0xA0];
	v10 =	vmax.f32 v16, v10;
	s19 =	sshll.u32 s28, $0x9;
	[tilespmem:s26+$0x14810] =	vst v48  }
0x2e9: {  	v14 =	vsel vm4, v42, v35;
	v50 =	vsel vm4, v44, v42;
	v51 =	vld [tilespmem:s9+$0xB0];
	s21 =	sshra.s32 s19, $0x2;
	[tilespmem:s22+$0x18F90] =	vst v10  }
0x2ea: {  	v52 =	vmin.f32 v14, v50;
	s28 =	sadd.s32 s12, s5;
	v53 =	vld [tilespmem:s21+$0xFFFFFFA0]  }
0x2eb: {  	v12 =	vsel vm1, v54, v12;
	v13 =	vsel vm1, v34, v54;
	v54 =	vmax.f32 v14, v50;
	[tilespmem:s24+$0x14830] =	vst v52;
	s19 =	sshll.u32 s28, $0x9;
	v55 =	vld [tilespmem:s21+$0x20]  }
0x2ec: {  	[tilespmem:s22+$0x18CB0] =	vst v54;
	s19 =	sshra.s32 s19, $0x2;
	v58 =	vld [tilespmem:s21+$0xA0]  }
0x2ed: {  	v59 =	vld [tilespmem:s19+$0xFFFFFFC0]  }
0x2ee: {  	v56 =	vmin.f32 v12, v13;
	s28 =	sadd.s32 s14, s30;
	v61 =	vld [tilespmem:s19+$0x40]  }
0x2ef: {  	[tilespmem:s18+$0x14860] =	vst v56;
	v62 =	vmax.f32 v12, v13;
	v63 =	vld [tilespmem:s19+$0xC0];
	s19 =	sshll.u32 s28, $0x9;
	v9 =	vsel vm5, v46, v9;
	v57 =	vsel vm5, v47, v46  }
0x2f0: {  	[tilespmem:s22+$0x18BE0] =	vst v62;
	s21 =	sadd.s32 s2, s17;
	s28 =	sshra.s32 s19, $0x2;
	v60 =	vmin.f32 v9, v57  }
0x2f1: {  	s9 =	sshll.u32 s21, $0x9;
	v10 =	vld [tilespmem:s28+$0x70];
	v9 =	vmax.f32 v9, v57;
	[tilespmem:s31+$0x14820] =	vst v60  }
0x2f2: {  	v11 =	vsel vm4, v49, v45;
	v17 =	vsel vm4, v51, v49;
	s9 =	sshra.s32 s9, $0x2;
	v42 =	vld [tilespmem:s28+$0xF0];
	[tilespmem:s22+$0x18EA0] =	vst v9  }
0x2f3: {  	v19 =	vmin.f32 v11, v17;
	v21 =	vld [tilespmem:s9+$0xFFFFFFB0]  }
0x2f4: {  	s30 =	sadd.s32 s12, s15;
	v22 =	vmax.f32 v11, v17;
	[tilespmem:s11+$0x14830] =	vst v19;
	v24 =	vsel vm5, v55, v53;
	v14 =	vsel vm5, v58, v55;
	v23 =	vld [tilespmem:s9+$0x30]  }
0x2f5: {  	s30 =	sshll.u32 s30, $0x9;
	s21 =	sadd.s32 s2, s6;
	[tilespmem:s22+$0x18DB0] =	vst v22;
	v25 =	vld [tilespmem:s9+$0xB0];
	v26 =	vmin.f32 v24, v14  }
0x2f6: {  	s19 =	sshra.s32 s30, $0x2;
	v9 =	vld [tilespmem:s28+$0xFFFFFFF0];
	v13 =	vmax.f32 v24, v14;
	s9 =	sshll.u32 s21, $0x9;
	[tilespmem:s26+$0x14820] =	vst v26  }
0x2f7: {  	v27 =	vld [tilespmem:s19+$0xFFFFFFC0];
	s9 =	sshra.s32 s9, $0x2;
	[tilespmem:s22+$0x18FA0] =	vst v13  }
0x2f8: {  	v16 =	vsel vm3, v61, v59;
	v12 =	vsel vm3, v63, v61;
	v13 =	vld [tilespmem:s9+$0xFFFFFFB0]  }
0x2f9: {  	v28 =	vmin.f32 v16, v12;
	v17 =	vld [tilespmem:s9+$0x30]  }
0x2fa: {  	s30 =	sadd.s32 s3, s5;
	v12 =	vmax.f32 v16, v12;
	[tilespmem:s24+$0x14840] =	vst v28;
	v29 =	vld [tilespmem:s9+$0xB0];
	v31 =	vsel vm4, v23, v21;
	v11 =	vsel vm4, v25, v23  }
0x2fb: {  	v30 =	vld [tilespmem:s19+$0x40];
	s21 =	sadd.s32 s12, s17;
	[tilespmem:s22+$0x18CC0] =	vst v12;
	s9 =	sshll.u32 s30, $0x9;
	v15 =	vmin.f32 v31, v11  }
0x2fc: {  	v32 =	vld [tilespmem:s19+$0xC0];
	s19 =	sshll.u32 s21, $0x9;
	s9 =	sshra.s32 s9, $0x2;
	v11 =	vmax.f32 v31, v11;
	[tilespmem:s31+$0x14830] =	vst v15  }
0x2fd: {  	s19 =	sshra.s32 s19, $0x2;
	v33 =	vld [tilespmem:s9+$0xFFFFFFD0];
	[tilespmem:s22+$0x18EB0] =	vst v11  }
0x2fe: {  	v11 =	vld [tilespmem:s19+$0xFFFFFFC0]  }
0x2ff: {  	v13 =	vsel vm4, v17, v13;
	v17 =	vsel vm4, v29, v17;
	v34 =	vld [tilespmem:s19+$0x40]  }
0x300: {  	s30 =	sadd.s32 s12, s6;
	v35 =	vld [tilespmem:s19+$0xC0];
	v36 =	vmin.f32 v13, v17  }
0x301: {  	v37 =	vld [tilespmem:s9+$0x50];
	v13 =	vmax.f32 v13, v17;
	s19 =	sshll.u32 s30, $0x9;
	[tilespmem:s26+$0x14830] =	vst v36  }
0x302: {  	v39 =	vsel vm3, v30, v27;
	v12 =	vsel vm3, v32, v30;
	v38 =	vld [tilespmem:s9+$0xD0];
	s21 =	sshra.s32 s19, $0x2;
	[tilespmem:s22+$0x18FB0] =	vst v13  }
0x303: {  	v16 =	vmin.f32 v39, v12;
	s30 =	sadd.s32 s3, s15;
	v40 =	vld [tilespmem:s21+$0xFFFFFFC0]  }
0x304: {  	v12 =	vmax.f32 v39, v12;
	[tilespmem:s11+$0x14840] =	vst v16;
	s19 =	sshll.u32 s30, $0x9;
	v20 =	vld [tilespmem:s21+$0x40]  }
0x305: {  	[tilespmem:s22+$0x18DC0] =	vst v12;
	v41 =	vld [tilespmem:s21+$0xC0];
	s21 =	sshra.s32 s19, $0x2;
	v11 =	vsel vm3, v34, v11;
	v43 =	vsel vm3, v35, v34  }
0x306: {  	s28 =	sadd.s32 s3, s17;
	v44 =	vld [tilespmem:s21+$0xFFFFFFD0];
	v19 =	vmin.f32 v11, v43  }
0x307: {  	s19 =	sshll.u32 s28, $0x9;
	v45 =	vld [tilespmem:s21+$0x50];
	v11 =	vmax.f32 v11, v43;
	[tilespmem:s31+$0x14840] =	vst v19  }
0x308: {  	v15 =	vsel vm2, v37, v33;
	v17 =	vsel vm2, v38, v37;
	v47 =	vld [tilespmem:s21+$0xD0];
	s30 =	sshra.s32 s19, $0x2;
	[tilespmem:s22+$0x18EC0] =	vst v11  }
0x309: {  	v46 =	vmin.f32 v15, v17;
	s21 =	sadd.s32 s13, s5;
	v49 =	vld [tilespmem:s30+$0xFFFFFFD0]  }
0x30a: {  	v48 =	vmax.f32 v15, v17;
	[tilespmem:s24+$0x14850] =	vst v46;
	s19 =	sshll.u32 s21, $0x9;
	v50 =	vld [tilespmem:s30+$0x50]  }
0x30b: {  	[tilespmem:s22+$0x18CD0] =	vst v48;
	v14 =	vsel vm3, v20, v40;
	v13 =	vsel vm3, v41, v20;
	v52 =	vld [tilespmem:s30+$0xD0];
	s30 =	sshra.s32 s19, $0x2  }
0x30c: {  	s28 =	sadd.s32 s3, s6;
	v51 =	vmin.f32 v14, v13;
	v53 =	vld [tilespmem:s30+$0xFFFFFFE0]  }
0x30d: {  	s21 =	sshll.u32 s28, $0x9;
	v13 =	vmax.f32 v14, v13;
	[tilespmem:s26+$0x14840] =	vst v51;
	v59 =	vld [tilespmem:s30+$0x60]  }
0x30e: {  	s19 =	sshra.s32 s21, $0x2;
	v60 =	vld [tilespmem:s30+$0xE0];
	[tilespmem:s22+$0x18FC0] =	vst v13  }
0x30f: {  	v54 =	vsel vm2, v45, v44;
	v55 =	vsel vm2, v47, v45;
	v13 =	vld [tilespmem:s19+$0xFFFFFFD0]  }
0x310: {  	s28 =	sadd.s32 s13, s15;
	v57 =	vmin.f32 v54, v55;
	v56 =	vld [tilespmem:s19+$0x50]  }
0x311: {  	v15 =	vmax.f32 v54, v55;
	[tilespmem:s11+$0x14850] =	vst v57;
	v58 =	vld [tilespmem:s19+$0xD0];
	s19 =	sshll.u32 s28, $0x9  }
0x312: {  	[tilespmem:s22+$0x18DD0] =	vst v15;
	s30 =	sshra.s32 s19, $0x2;
	v12 =	vsel vm2, v50, v49;
	v11 =	vsel vm2, v52, v50  }
0x313: {  	s21 =	sadd.s32 s13, s17;
	v15 =	vld [tilespmem:s30+$0xFFFFFFE0];
	v17 =	vmin.f32 v12, v11  }
0x314: {  	s19 =	sshll.u32 s21, $0x9;
	v61 =	vld [tilespmem:s30+$0x60];
	v11 =	vmax.f32 v12, v11;
	v14 =	vsel vm1, v59, v53;
	v18 =	vsel vm1, v60, v59;
	[tilespmem:s31+$0x14850] =	vst v17  }
0x315: {  	v62 =	vld [tilespmem:s30+$0xE0];
	s28 =	sshra.s32 s19, $0x2;
	v27 =	vmin.f32 v14, v18;
	[tilespmem:s22+$0x18ED0] =	vst v11  }
0x316: {  	s5 =	sadd.s32 s14, s5;
	v29 =	vmax.f32 v14, v18;
	v13 =	vsel vm2, v56, v13;
	v22 =	vsel vm2, v58, v56;
	[tilespmem:s24+$0x14860] =	vst v27;
	v23 =	vld [tilespmem:s28+$0xFFFFFFE0]  }
0x317: {  	s5 =	sshll.u32 s5, $0x9;
	s30 =	sadd.s32 s13, s6;
	v19 =	vmin.f32 v13, v22;
	v24 =	vld [tilespmem:s28+$0x60];
	[tilespmem:s22+$0x18CE0] =	vst v29  }
0x318: {  	v0 =	vsel vm0, v1, v0;
	v1 =	vsel vm0, v3, v1;
	s5 =	sshra.s32 s5, $0x2;
	s19 =	sshll.u32 s30, $0x9;
	v13 =	vmax.f32 v13, v22;
	v25 =	vld [tilespmem:s28+$0xE0];
	[tilespmem:s26+$0x14850] =	vst v19  }
0x319: {  	v63 =	vmin.f32 v0, v1;
	s19 =	sshra.s32 s19, $0x2;
	v33 =	vld [tilespmem:s5+$0xFFFFFFF0];
	[tilespmem:s22+$0x18FD0] =	vst v13  }
0x31a: {  	v2 =	vsel vm0, v5, v2;
	v5 =	vsel vm0, v8, v5;
	v0 =	vmax.f32 v0, v1;
	[tilespmem:s23+$0x14870] =	vst v63;
	v28 =	vld [tilespmem:s19+$0xFFFFFFE0]  }
0x31b: {  	v26 =	vmin.f32 v2, v5;
	[tilespmem:s22+$0x188F0] =	vst v0;
	v15 =	vsel vm1, v61, v15;
	v3 =	vsel vm1, v62, v61;
	v30 =	vld [tilespmem:s19+$0x60]  }
0x31c: {  	[tilespmem:s20+$0x14870] =	vst v26;
	s21 =	sadd.s32 s14, s15;
	v12 =	vmin.f32 v15, v3;
	v31 =	vld [tilespmem:s19+$0xE0]  }
0x31d: {  	v4 =	vsel vm0, v6, v4;
	v6 =	vsel vm0, v7, v6;
	s9 =	sshll.u32 s21, $0x9;
	v34 =	vld [tilespmem:s5+$0x70];
	v3 =	vmax.f32 v15, v3;
	[tilespmem:s11+$0x14860] =	vst v12  }
0x31e: {  	v32 =	vmin.f32 v4, v6;
	s23 =	sshra.s32 s9, $0x2;
	v35 =	vld [tilespmem:s5+$0xF0];
	[tilespmem:s22+$0x18DE0] =	vst v3;
	v11 =	vsel vm1, v24, v23;
	v8 =	vsel vm1, v25, v24  }
0x31f: {  	[tilespmem:s29+$0x14870] =	vst v32;
	s28 =	sadd.s32 s14, s17;
	v37 =	vld [tilespmem:s23+$0xFFFFFFF0];
	v38 =	vmin.f32 v11, v8  }
0x320: {  	v2 =	vmax.f32 v2, v5;
	v9 =	vsel vm0, v10, v9;
	s9 =	sshll.u32 s28, $0x9;
	v39 =	vld [tilespmem:s23+$0x70];
	v8 =	vmax.f32 v11, v8;
	[tilespmem:s31+$0x14860] =	vst v38  }
0x321: {  	v10 =	vsel vm0, v42, v10;
	s29 =	sshra.s32 s9, $0x2;
	v40 =	vld [tilespmem:s23+$0xF0];
	[tilespmem:s22+$0x18EE0] =	vst v8;
	v41 =	vsel vm1, v30, v28;
	v42 =	vsel vm1, v31, v30  }
0x322: {  	[tilespmem:s22+$0x189F0] =	vst v2;
	s6 =	sadd.s32 s14, s6;
	v43 =	vld [tilespmem:s29+$0xFFFFFFF0];
	v13 =	vmin.f32 v41, v42  }
0x323: {  	s6 =	sshll.u32 s6, $0x9;
	v44 =	vld [tilespmem:s29+$0x70];
	v1 =	vmax.f32 v41, v42;
	[tilespmem:s26+$0x14860] =	vst v13  }
0x324: {  	v36 =	vmin.f32 v9, v10;
	s30 =	sshra.s32 s6, $0x2;
	v45 =	vld [tilespmem:s29+$0xF0];
	[tilespmem:s22+$0x18FE0] =	vst v1  }
0x325: {  	[tilespmem:s18+$0x14870] =	vst v36;
	v46 =	vmax.f32 v4, v6;
	v47 =	vld [tilespmem:s30+$0xFFFFFFF0]  }
0x326: {  	[tilespmem:s22+$0x18AF0] =	vst v46;
	v48 =	vmax.f32 v9, v10;
	v49 =	vsel vm0, v34, v33;
	v50 =	vsel vm0, v35, v34;
	v51 =	vld [tilespmem:s30+$0x70]  }
0x327: {  	[tilespmem:s22+$0x18BF0] =	vst v48;
	v53 =	vmin.f32 v49, v50;
	v52 =	vld [tilespmem:s30+$0xF0]  }
0x328: {  	v54 =	vmax.f32 v49, v50;
	[tilespmem:s24+$0x14870] =	vst v53;
	v3 =	vsel vm0, v39, v37;
	v55 =	vsel vm0, v40, v39  }
0x329: {  	[tilespmem:s22+$0x18CF0] =	vst v54;
	v56 =	vmin.f32 v3, v55  }
0x32a: {  	p1 =	slt.u32 s4, $0x38;
	v57 =	vmax.f32 v3, v55;
	[tilespmem:s11+$0x14870] =	vst v56;
	v0 =	vsel vm0, v44, v43;
	v58 =	vsel vm0, v45, v44  }
.Ltmp2:
0x32b: {  	[tilespmem:s22+$0x18DF0] =	vst v57;
	v59 =	vmin.f32 v0, v58;
	(pc) =	sbr.rel @p1 .LBB2_7-.Ltmp2, $4  }
0x32c: {  	v0 =	vmax.f32 v0, v58;
	[tilespmem:s31+$0x14870] =	vst v59;
	v60 =	vsel vm0, v51, v47;
	v61 =	vsel vm0, v52, v51  }
0x32d: {  	[tilespmem:s22+$0x18EF0] =	vst v0;
	v62 =	vmin.f32 v60, v61  }
0x32e: {  	s31 =	sadd.s32 $0x8, s4;
	v63 =	vmax.f32 v60, v61;
	[tilespmem:s26+$0x14870] =	vst v62  }
0x32f: {  	s4 =	smov.u32 s31;
	[tilespmem:s22+$0x18FF0] =	vst v63  }
0x330: {  	s4 =	sadd.s32 s7, s16;
	s31 =	simm.s32 $0x400;
	s17 =	simm.s32 $0x4000  }
0x331: {  	s5 =	simm.s32 $0x18800;
	p1 =	seq.s32 s0, $0xF;
	s4 =	sadd.s32 $0x8000, s4  }
0x332: {  	[hbm4b:s4+s31] =	stream.strided.scatter [tilespmem:s5], [sflag:$0x3], $0x4000, s17, s31, $0x38;
	[tilespmem:$0x1C800] =	vst v63  }
.Ltmp3:
0x333: {  	s28 =	simm.s32 $0x2;
	(pc) =	sbr.rel @p1 .LBB2_15-.Ltmp3, $4  }
0x334: {  	_ =	swait.ge [sflag:s28], $0x8000  }
0x335: {  	[sflag:s28] =	ssyncset.done $0x0  }
0x336: {  	[sflag:s28] =	ssyncadd.s32 $0xFFFF8000  }
0x337: {  	s30 =	smov.u32 s16;
	s29 =	rddreg [dreg:$0x0]  }
0x338: {  	s4 =	rddreg [dreg:$0x11]  }
0x339: {  	s4 =	sadd.s32 $0x2, s4  }
0x33a: {  	s7 =	rddreg [dreg:$0x3];
	s5 =	sand.u32 $0x6, s4  }
0x33b: {  	s4 =	sshrl.u32 s4, $0x3;
	s6 =	sshll.u32 s5, $0x8;
	p1 =	seq.s32 s5, $0x0  }
0x33c: {  	s11 =	rddreg [dreg:$0xb];
	s6 =	sor.u32 s7, s6;
	s7 =	sshll.u32 @!p1 s4, $0x17  }
0x33d: {  	s9 =	sshll.u32 @!p1 s6, $0xB;
	s7 =	sadd.s32 @!p1 s7, s11  }
0x33e: {  	s15 =	simm.s32 @!p1 $0x2400;
	s7 =	sadd.s32 @!p1 s9, s7  }
0x33f: {  	s11 =	simm.s32 @!p1 $0x4000;
	s28 =	sor.u32 s5, s6;
	s7 =	sshrl.u32 @!p1 s7, $0x3  }
0x340: {  	s9 =	simm.s32 @!p1 $0x400;
	p2 =	sne.s32 s28, $0x0;
	s7 =	sadd.s32 @!p1 s29, s7  }
0x341: {  	[tilespmem:s15], [sflag:$0x1] =	stream.strided.gather @!p1 [hbm4b:s7+s9], $0x8000, s11, s9, $0x38;
	[tilespmem:$0x1C800] =	vst v63  }
0x342: {  	s7 =	sshll.u32 @!p2 s4, $0x17;
	s9 =	rddreg [dreg:$0x5]  }
0x343: {  	s7 =	sor.u32 @!p2 s9, s7  }
0x344: {  	s16 =	simm.s32 @!p2 $0x0;
	s9 =	rddreg [dreg:$0x8];
	s7 =	sshrl.u32 @!p2 s7, $0x3  }
0x345: {  	s11 =	simm.s32 @!p2 $0x400;
	s15 =	simm.s32 @!p2 $0x4000;
	s9 =	sadd.s32 @!p2 s7, s9  }
0x346: {  	[tilespmem:s16], [sflag:$0x1] =	stream.strided.gather @!p2 [hbm4b:s9+s11], $0x4400, s15, s11, $0x38;
	[tilespmem:$0x1C800] =	vst v63  }
0x347: {  	s7 =	sadd.s32 @!p2 s29, s7;
	s9 =	simm.s32 @!p2 $0x4400  }
0x348: {  	[tilespmem:s9], [sflag:$0x1] =	stream.strided.gather @!p2 [hbm4b:s7+s11], $0x6000, s15, s11, $0x38;
	[tilespmem:$0x1C800] =	vst v63  }
0x349: {  	p2 =	sne.s32 s5, $0x0  }
0x34a: {  	p3 =	seq.s32 @!p2 s6, $0x0  }
0x34b: {  	p2 =	por p2, p3  }
.Ltmp4:
0x34c: {  	_ = 	snop;
	(pc) =	sbr.rel @p2 .LBB2_11-.Ltmp4, $1  }
0x34d: {  	_ =	sdelay $0x3  }
.Ltmp5:
0x34e: {  	s4 =	sshll.u32 s4, $0x17;
	s5 =	rddreg [dreg:$0xa];
	(pc) =	sbr.rel .LBB2_15-.Ltmp5, $4  }
0x34f: {  	s4 =	sadd.s32 s4, s5  }
0x350: {  	s4 =	sshrl.u32 s4, $0x3  }
0x351: {  	s28 =	simm.s32 $0x0;
	s4 =	sadd.s32 s29, s4  }
0x352: {  	[tilespmem:s28], [sflag:$0x1] =	stream.strided.gather [hbm4b:s4+s31], $0xA400, s17, s31, $0x38;
	[tilespmem:$0x1C800] =	vst v63  }
.LBB2_11:
.Ltmp6:
0x353: {  	(pc) =	sbr.rel @p1 .LBB2_15-.Ltmp6, $1  }
0x354: {  	_ =	sdelay $0x3  }
0x355: {  	s4 =	simm.s32 $0x0  }
0x356: {  	v0 =	vld [tilespmem:s4+$0x125F0]  }
0x357: {  	v1 =	vld [tilespmem:s4+$0x12400]  }
0x358: {  	v6 =	vld [tilespmem:s4+$0x12480]  }
0x359: {  	v2 =	vld [tilespmem:s4+$0x12410]  }
0x35a: {  	v7 =	vld [tilespmem:s4+$0x12490]  }
0x35b: {  	v3 =	vld [tilespmem:s4+$0x12420];
	[tilespmem:s4+$0x1F0] =	vst v0  }
0x35c: {  	v8 =	vld [tilespmem:s4+$0x124A0];
	[tilespmem:s4+$0x0] =	vst v1  }
0x35d: {  	v4 =	vld [tilespmem:s4+$0x12430];
	[tilespmem:s4+$0x80] =	vst v6  }
0x35e: {  	v5 =	vld [tilespmem:s4+$0x12440];
	[tilespmem:s4+$0x10] =	vst v2  }
0x35f: {  	v62 =	vld [tilespmem:s4+$0x12470];
	[tilespmem:s4+$0x90] =	vst v7  }
0x360: {  	v63 =	vld [tilespmem:s4+$0x12530];
	[tilespmem:s4+$0x20] =	vst v3  }
0x361: {  	v6 =	vld [tilespmem:s4+$0x12450];
	[tilespmem:s4+$0xA0] =	vst v8  }
0x362: {  	v7 =	vld [tilespmem:s4+$0x12460];
	[tilespmem:s4+$0x30] =	vst v4  }
0x363: {  	v0 =	vld [tilespmem:s4+$0x124B0];
	[tilespmem:s4+$0x40] =	vst v5  }
0x364: {  	v5 =	vld [tilespmem:s4+$0x12500];
	[tilespmem:s4+$0x70] =	vst v62  }
0x365: {  	v1 =	vld [tilespmem:s4+$0x124C0];
	[tilespmem:s4+$0x130] =	vst v63  }
0x366: {  	v2 =	vld [tilespmem:s4+$0x124D0];
	[tilespmem:s4+$0x50] =	vst v6  }
0x367: {  	v3 =	vld [tilespmem:s4+$0x124E0];
	[tilespmem:s4+$0x60] =	vst v7  }
0x368: {  	v4 =	vld [tilespmem:s4+$0x124F0];
	[tilespmem:s4+$0xB0] =	vst v0  }
0x369: {  	v6 =	vld [tilespmem:s4+$0x12510];
	[tilespmem:s4+$0x100] =	vst v5  }
0x36a: {  	v7 =	vld [tilespmem:s4+$0x12520];
	[tilespmem:s4+$0xC0] =	vst v1  }
0x36b: {  	v0 =	vld [tilespmem:s4+$0x12540];
	[tilespmem:s4+$0xD0] =	vst v2  }
0x36c: {  	v1 =	vld [tilespmem:s4+$0x12550];
	[tilespmem:s4+$0xE0] =	vst v3  }
0x36d: {  	v5 =	vld [tilespmem:s4+$0x12560];
	[tilespmem:s4+$0xF0] =	vst v4  }
0x36e: {  	v4 =	vld [tilespmem:s4+$0x12580];
	[tilespmem:s4+$0x110] =	vst v6  }
0x36f: {  	[tilespmem:s4+$0x120] =	vst v7;
	v6 =	vld [tilespmem:s4+$0x12570]  }
0x370: {  	v2 =	vld [tilespmem:s4+$0x12590];
	[tilespmem:s4+$0x140] =	vst v0  }
0x371: {  	v0 =	vld [tilespmem:s4+$0x125A0];
	[tilespmem:s4+$0x150] =	vst v1  }
0x372: {  	v1 =	vld [tilespmem:s4+$0x125B0];
	[tilespmem:s4+$0x160] =	vst v5  }
0x373: {  	v3 =	vld [tilespmem:s4+$0x125C0];
	[tilespmem:s4+$0x180] =	vst v4  }
0x374: {  	s5 =	simm.s32 $0x0;
	s6 =	simm.s32 $0x800;
	v4 =	vld [tilespmem:s4+$0x125D0];
	[tilespmem:s4+$0x170] =	vst v6  }
.LBB2_13:
0x375: {  	s7 =	sshra.s32 s6, $0x2;
	s5 =	sadd.s32 $0x4, s5;
	[tilespmem:s4+$0x190] =	vst v2;
	v2 =	vld [tilespmem:s4+$0x125E0]  }
0x376: {  	v5 =	vld [tilespmem:s7+$0x125F0];
	p1 =	slt.u32 s5, $0x44;
	[tilespmem:s4+$0x1A0] =	vst v0  }
0x377: {  	v0 =	vld [tilespmem:s7+$0x12400];
	[tilespmem:s4+$0x1B0] =	vst v1  }
0x378: {  	v1 =	vld [tilespmem:s7+$0x12410];
	[tilespmem:s4+$0x1C0] =	vst v3  }
0x379: {  	v3 =	vld [tilespmem:s7+$0x12420];
	[tilespmem:s4+$0x1D0] =	vst v4  }
0x37a: {  	v4 =	vld [tilespmem:s7+$0x12430];
	[tilespmem:s4+$0x1E0] =	vst v2;
	s4 =	smov.u32 s7  }
0x37b: {  	v2 =	vld [tilespmem:s4+$0x12440];
	[tilespmem:s4+$0x1F0] =	vst v5  }
0x37c: {  	[tilespmem:s4+$0x0] =	vst v0;
	v0 =	vld [tilespmem:s4+$0x12450]  }
0x37d: {  	[tilespmem:s4+$0x10] =	vst v1;
	v1 =	vld [tilespmem:s4+$0x12460]  }
0x37e: {  	[tilespmem:s4+$0x20] =	vst v3;
	v3 =	vld [tilespmem:s4+$0x12470]  }
0x37f: {  	[tilespmem:s4+$0x30] =	vst v4;
	v4 =	vld [tilespmem:s4+$0x12480]  }
0x380: {  	[tilespmem:s4+$0x40] =	vst v2;
	v2 =	vld [tilespmem:s4+$0x12490]  }
0x381: {  	[tilespmem:s4+$0x50] =	vst v0;
	v0 =	vld [tilespmem:s4+$0x124A0]  }
0x382: {  	[tilespmem:s4+$0x60] =	vst v1;
	v1 =	vld [tilespmem:s4+$0x124B0]  }
0x383: {  	[tilespmem:s4+$0x70] =	vst v3;
	v3 =	vld [tilespmem:s4+$0x124C0]  }
0x384: {  	[tilespmem:s4+$0x80] =	vst v4;
	v4 =	vld [tilespmem:s4+$0x124D0]  }
0x385: {  	[tilespmem:s4+$0x90] =	vst v2;
	v2 =	vld [tilespmem:s4+$0x124E0]  }
0x386: {  	[tilespmem:s4+$0xA0] =	vst v0;
	v0 =	vld [tilespmem:s4+$0x124F0]  }
0x387: {  	[tilespmem:s4+$0xB0] =	vst v1;
	v1 =	vld [tilespmem:s4+$0x12500]  }
0x388: {  	[tilespmem:s4+$0xC0] =	vst v3;
	v3 =	vld [tilespmem:s4+$0x12510]  }
0x389: {  	[tilespmem:s4+$0xD0] =	vst v4;
	v4 =	vld [tilespmem:s4+$0x12520]  }
0x38a: {  	[tilespmem:s4+$0xE0] =	vst v2;
	v2 =	vld [tilespmem:s4+$0x12530]  }
0x38b: {  	[tilespmem:s4+$0xF0] =	vst v0;
	v0 =	vld [tilespmem:s4+$0x12540]  }
0x38c: {  	[tilespmem:s4+$0x100] =	vst v1;
	v1 =	vld [tilespmem:s4+$0x12550]  }
0x38d: {  	[tilespmem:s4+$0x110] =	vst v3;
	v3 =	vld [tilespmem:s4+$0x12560]  }
0x38e: {  	[tilespmem:s4+$0x120] =	vst v4;
	v4 =	vld [tilespmem:s4+$0x12570]  }
0x38f: {  	[tilespmem:s4+$0x130] =	vst v2;
	v5 =	vld [tilespmem:s4+$0x12580]  }
.Ltmp7:
0x390: {  	[tilespmem:s4+$0x140] =	vst v0;
	v2 =	vld [tilespmem:s4+$0x12590];
	(pc) =	sbr.rel @p1 .LBB2_13-.Ltmp7, $4  }
0x391: {  	[tilespmem:s4+$0x150] =	vst v1;
	v0 =	vld [tilespmem:s4+$0x125A0]  }
0x392: {  	[tilespmem:s4+$0x160] =	vst v3;
	v1 =	vld [tilespmem:s4+$0x125B0]  }
0x393: {  	[tilespmem:s4+$0x170] =	vst v4;
	v3 =	vld [tilespmem:s4+$0x125C0]  }
0x394: {  	s6 =	sadd.s32 $0x800, s6;
	[tilespmem:s4+$0x180] =	vst v5;
	v4 =	vld [tilespmem:s4+$0x125D0]  }
0x395: {  	[tilespmem:s4+$0x190] =	vst v2;
	v63 =	vld [tilespmem:s4+$0x125E0]  }
0x396: {  	[tilespmem:s4+$0x1A0] =	vst v0  }
0x397: {  	[tilespmem:s4+$0x1B0] =	vst v1  }
0x398: {  	[tilespmem:s4+$0x1C0] =	vst v3  }
0x399: {  	[tilespmem:s4+$0x1D0] =	vst v4  }
0x39a: {  	[tilespmem:s4+$0x1E0] =	vst v63  }
.LBB2_15:
0x39b: {  	s4 =	simm.s32 $0x3  }
0x39c: {  	_ =	swait.ge [sflag:s4], $0x4000  }
0x39d: {  	[sflag:s4] =	ssyncset.done $0x0  }
0x39e: {  	[sflag:s4] =	ssyncadd.s32 $0xFFFFC000  }
0x39f: {  	_ =	swait.ge [sflag:s4], $0x4000  }
0x3a0: {  	[sflag:s4] =	ssyncset.done $0x0  }
0x3a1: {  	[sflag:s4] =	ssyncadd.s32 $0xFFFFC000;
	s4 =	simm.s32 $0x0  }
.LBB2_16:
0x3a2: {  	s24 =	sshll.u32 s4, $0x1  }
0x3a3: {  	s5 =	sadd.s32 s1, s24  }
0x3a4: {  	s5 =	sshll.u32 s5, $0x9  }
0x3a5: {  	s5 =	sshra.s32 s5, $0x2  }
0x3a6: {  	v0 =	vld [tilespmem:s5+$0xA380]  }
0x3a7: {  	v1 =	vld [tilespmem:s5+$0xA400]  }
0x3a8: {  	v2 =	vld [tilespmem:s5+$0xA480];
	_ =	sdelay $0x4  }
0x3a9: {  	s28 =	sshll.u32 s4, $0x8;
	v0 =	vsel vm7, v1, v0;
	v1 =	vsel vm7, v2, v1  }
0x3aa: {  	s7 =	sand.u32 $0x3FFFFF00, s28;
	s6 =	sadd.s32 s8, s24;
	v2 =	vmin.f32 v0, v1  }
0x3ab: {  	s5 =	sshll.u32 s6, $0x9;
	v0 =	vmax.f32 v0, v1;
	[tilespmem:s7+$0x14800] =	vst v2  }
0x3ac: {  	s5 =	sshra.s32 s5, $0x2;
	[tilespmem:s7+$0x14880] =	vst v0  }
0x3ad: {  	v0 =	vld [tilespmem:s5+$0xA390]  }
0x3ae: {  	v13 =	vld [tilespmem:s5+$0xA410]  }
0x3af: {  	v2 =	vld [tilespmem:s5+$0xA490];
	_ =	sdelay $0x4  }
0x3b0: {  	v0 =	vsel vm6, v13, v0;
	v1 =	vsel vm6, v2, v13  }
0x3b1: {  	s9 =	sadd.s32 s10, s24;
	v2 =	vmin.f32 v0, v1  }
0x3b2: {  	s5 =	sshll.u32 s9, $0x9;
	v0 =	vmax.f32 v0, v1;
	[tilespmem:s7+$0x14810] =	vst v2  }
0x3b3: {  	s5 =	sshra.s32 s5, $0x2;
	[tilespmem:s7+$0x14890] =	vst v0  }
0x3b4: {  	v0 =	vld [tilespmem:s5+$0xA3A0]  }
0x3b5: {  	v14 =	vld [tilespmem:s5+$0xA420]  }
0x3b6: {  	v2 =	vld [tilespmem:s5+$0xA4A0]  }
0x3b7: {  	s11 =	sadd.s32 s2, s24  }
0x3b8: {  	s5 =	sshll.u32 s11, $0x9;
	s11 =	sor.u32 $0x2, s24  }
0x3b9: {  	s6 =	sadd.s32 s1, s11  }
0x3ba: {  	s6 =	sshll.u32 s6, $0x9  }
0x3bb: {  	s15 =	sshra.s32 s6, $0x2;
	v0 =	vsel vm5, v14, v0;
	v1 =	vsel vm5, v2, v14  }
0x3bc: {  	v3 =	vld [tilespmem:s15+$0xA380];
	v2 =	vmin.f32 v0, v1  }
0x3bd: {  	v4 =	vld [tilespmem:s15+$0xA400];
	v0 =	vmax.f32 v0, v1;
	[tilespmem:s7+$0x14820] =	vst v2  }
0x3be: {  	s5 =	sshra.s32 s5, $0x2;
	v5 =	vld [tilespmem:s15+$0xA480];
	[tilespmem:s7+$0x148A0] =	vst v0  }
0x3bf: {  	v0 =	vld [tilespmem:s5+$0xA3B0]  }
0x3c0: {  	v15 =	vld [tilespmem:s5+$0xA430]  }
0x3c1: {  	v2 =	vld [tilespmem:s5+$0xA4B0]  }
0x3c2: {  	s18 =	sadd.s32 s8, s11  }
0x3c3: {  	s6 =	sshll.u32 s18, $0x9  }
0x3c4: {  	s19 =	sshra.s32 s6, $0x2;
	s6 =	sor.u32 $0x4, s24  }
0x3c5: {  	s16 =	sadd.s32 s12, s24;
	s17 =	sshll.u32 s11, $0x7;
	s9 =	sadd.s32 s1, s6;
	v16 =	vsel vm7, v4, v3;
	v17 =	vsel vm7, v5, v4  }
0x3c6: {  	s9 =	sshll.u32 s9, $0x9;
	s5 =	sshll.u32 s16, $0x9;
	s16 =	sand.u32 $0x3FFFFF00, s17;
	v3 =	vmin.f32 v16, v17;
	v0 =	vsel vm4, v15, v0;
	v1 =	vsel vm4, v2, v15  }
0x3c7: {  	s20 =	sshra.s32 s9, $0x2;
	[tilespmem:s16+$0x14800] =	vst v3;
	v2 =	vmin.f32 v0, v1;
	v0 =	vmax.f32 v0, v1  }
0x3c8: {  	v6 =	vld [tilespmem:s20+$0xA380];
	[tilespmem:s7+$0x148B0] =	vst v0;
	v0 =	vmax.f32 v16, v17  }
0x3c9: {  	v7 =	vld [tilespmem:s20+$0xA400];
	[tilespmem:s7+$0x14980] =	vst v0  }
0x3ca: {  	v0 =	vld [tilespmem:s19+$0xA390]  }
0x3cb: {  	v3 =	vld [tilespmem:s19+$0xA410]  }
0x3cc: {  	s15 =	sshll.u32 s6, $0x7;
	s23 =	sadd.s32 s8, s6;
	v20 =	vld [tilespmem:s19+$0xA490]  }
0x3cd: {  	v21 =	vld [tilespmem:s20+$0xA480];
	s20 =	sand.u32 $0x3FFFFF00, s15;
	s15 =	sshll.u32 s23, $0x9;
	s23 =	sor.u32 $0x6, s24  }
0x3ce: {  	s28 =	sadd.s32 s1, s23  }
0x3cf: {  	s26 =	sshra.s32 s15, $0x2;
	s15 =	sshll.u32 s28, $0x9  }
0x3d0: {  	s15 =	sshra.s32 s15, $0x2  }
0x3d1: {  	s5 =	sshra.s32 s5, $0x2;
	v31 =	vld [tilespmem:s15+$0xA380];
	[tilespmem:s7+$0x14830] =	vst v2;
	v0 =	vsel vm6, v3, v0;
	v22 =	vsel vm6, v20, v3  }
0x3d2: {  	s22 =	sadd.s32 s10, s11;
	v2 =	vld [tilespmem:s5+$0xA3C0];
	v23 =	vmin.f32 v0, v22  }
0x3d3: {  	s9 =	sshll.u32 s22, $0x9;
	v18 =	vld [tilespmem:s5+$0xA440];
	v0 =	vmax.f32 v0, v22;
	[tilespmem:s16+$0x14810] =	vst v23  }
0x3d4: {  	s9 =	sshra.s32 s9, $0x2;
	v25 =	vsel vm7, v7, v6;
	v26 =	vsel vm7, v21, v7;
	v19 =	vld [tilespmem:s5+$0xA4C0];
	[tilespmem:s7+$0x14990] =	vst v0  }
0x3d5: {  	v4 =	vmin.f32 v25, v26;
	v27 =	vld [tilespmem:s9+$0xA3A0]  }
0x3d6: {  	[tilespmem:s20+$0x14800] =	vst v4;
	v0 =	vmax.f32 v25, v26;
	v28 =	vld [tilespmem:s9+$0xA420]  }
0x3d7: {  	v29 =	vld [tilespmem:s9+$0xA4A0];
	[tilespmem:s7+$0x14A80] =	vst v0  }
0x3d8: {  	v0 =	vld [tilespmem:s26+$0xA390]  }
0x3d9: {  	v2 =	vsel vm3, v18, v2;
	v1 =	vsel vm3, v19, v18;
	v4 =	vld [tilespmem:s26+$0xA410]  }
0x3da: {  	s21 =	sadd.s32 s3, s24;
	v8 =	vmin.f32 v2, v1;
	v30 =	vld [tilespmem:s26+$0xA490]  }
0x3db: {  	v32 =	vld [tilespmem:s15+$0xA400];
	s5 =	sshll.u32 s21, $0x9;
	v1 =	vmax.f32 v2, v1;
	[tilespmem:s7+$0x14840] =	vst v8  }
0x3dc: {  	v9 =	vld [tilespmem:s15+$0xA480];
	s5 =	sshra.s32 s5, $0x2;
	[tilespmem:s7+$0x148C0] =	vst v1;
	v3 =	vsel vm5, v28, v27;
	v2 =	vsel vm5, v29, v28  }
0x3dd: {  	s17 =	sadd.s32 s2, s11;
	v24 =	vld [tilespmem:s5+$0xA3D0];
	v33 =	vmin.f32 v3, v2  }
0x3de: {  	s18 =	sshll.u32 s17, $0x9;
	v10 =	vld [tilespmem:s5+$0xA450];
	v2 =	vmax.f32 v3, v2;
	[tilespmem:s16+$0x14820] =	vst v33  }
0x3df: {  	s19 =	sshra.s32 s18, $0x2;
	v34 =	vld [tilespmem:s5+$0xA4D0];
	v0 =	vsel vm6, v4, v0;
	v35 =	vsel vm6, v30, v4;
	[tilespmem:s7+$0x149A0] =	vst v2  }
0x3e0: {  	s21 =	sadd.s32 s10, s6;
	v6 =	vmin.f32 v0, v35;
	v36 =	vld [tilespmem:s19+$0xA3B0]  }
0x3e1: {  	s9 =	sshll.u32 s21, $0x9;
	v0 =	vmax.f32 v0, v35;
	[tilespmem:s20+$0x14810] =	vst v6;
	v8 =	vld [tilespmem:s19+$0xA430]  }
0x3e2: {  	v38 =	vsel vm7, v32, v31;
	v5 =	vsel vm7, v9, v32;
	s22 =	sshra.s32 s9, $0x2;
	s26 =	sshll.u32 s23, $0x7;
	v37 =	vld [tilespmem:s19+$0xA4B0];
	[tilespmem:s7+$0x14A90] =	vst v0  }
0x3e3: {  	s28 =	sadd.s32 s8, s23;
	v7 =	vmin.f32 v38, v5;
	s18 =	sand.u32 $0x3FFFFF00, s26;
	v6 =	vld [tilespmem:s22+$0xA3A0]  }
0x3e4: {  	s9 =	sshll.u32 s28, $0x9;
	[tilespmem:s18+$0x14800] =	vst v7;
	v0 =	vmax.f32 v38, v5;
	v39 =	vld [tilespmem:s22+$0xA420]  }
0x3e5: {  	s15 =	sshra.s32 s9, $0x2;
	v1 =	vsel vm2, v10, v24;
	v3 =	vsel vm2, v34, v10;
	v40 =	vld [tilespmem:s22+$0xA4A0];
	[tilespmem:s7+$0x14B80] =	vst v0  }
0x3e6: {  	v41 =	vmin.f32 v1, v3;
	v7 =	vld [tilespmem:s15+$0xA390]  }
0x3e7: {  	s17 =	sadd.s32 s13, s24;
	v42 =	vmax.f32 v1, v3;
	[tilespmem:s7+$0x14850] =	vst v41;
	v44 =	vld [tilespmem:s15+$0xA410];
	v43 =	vsel vm4, v8, v36;
	v2 =	vsel vm4, v37, v8  }
0x3e8: {  	s9 =	sshll.u32 s17, $0x9;
	[tilespmem:s7+$0x148D0] =	vst v42;
	s19 =	sadd.s32 s12, s11;
	v46 =	vld [tilespmem:s15+$0xA490];
	v45 =	vmin.f32 v43, v2  }
0x3e9: {  	s5 =	sshra.s32 s9, $0x2;
	s21 =	sshll.u32 s19, $0x9;
	v47 =	vmax.f32 v43, v2;
	[tilespmem:s16+$0x14830] =	vst v45  }
0x3ea: {  	v48 =	vld [tilespmem:s5+$0xA3E0];
	s9 =	sshra.s32 s21, $0x2;
	v49 =	vsel vm5, v39, v6;
	v50 =	vsel vm5, v40, v39;
	[tilespmem:s7+$0x149B0] =	vst v47  }
0x3eb: {  	s22 =	sadd.s32 s2, s6;
	v6 =	vmin.f32 v49, v50;
	v51 =	vld [tilespmem:s9+$0xA3C0]  }
0x3ec: {  	s15 =	sshll.u32 s22, $0x9;
	v0 =	vmax.f32 v49, v50;
	[tilespmem:s20+$0x14820] =	vst v6;
	v52 =	vld [tilespmem:s9+$0xA440]  }
0x3ed: {  	s26 =	sshra.s32 s15, $0x2;
	v54 =	vsel vm6, v44, v7;
	v3 =	vsel vm6, v46, v44;
	v53 =	vld [tilespmem:s9+$0xA4C0];
	[tilespmem:s7+$0x14AA0] =	vst v0  }
0x3ee: {  	s28 =	sadd.s32 s10, s23;
	v56 =	vmin.f32 v54, v3;
	v55 =	vld [tilespmem:s26+$0xA3B0]  }
0x3ef: {  	s15 =	sshll.u32 s28, $0x9;
	[tilespmem:s18+$0x14810] =	vst v56;
	v0 =	vmax.f32 v54, v3;
	v57 =	vld [tilespmem:s26+$0xA430]  }
0x3f0: {  	s15 =	sshra.s32 s15, $0x2;
	v58 =	vld [tilespmem:s26+$0xA4B0];
	[tilespmem:s7+$0x14B90] =	vst v0  }
0x3f1: {  	v0 =	vld [tilespmem:s15+$0xA3A0]  }
0x3f2: {  	v6 =	vld [tilespmem:s15+$0xA420];
	v5 =	vsel vm3, v52, v51;
	v2 =	vsel vm3, v53, v52  }
0x3f3: {  	s17 =	sadd.s32 s3, s11;
	v59 =	vld [tilespmem:s15+$0xA4A0];
	v8 =	vmin.f32 v5, v2  }
0x3f4: {  	v60 =	vld [tilespmem:s5+$0xA460];
	s19 =	sshll.u32 s17, $0x9;
	v2 =	vmax.f32 v5, v2;
	[tilespmem:s16+$0x14840] =	vst v8  }
0x3f5: {  	v61 =	vld [tilespmem:s5+$0xA4E0];
	s21 =	sshra.s32 s19, $0x2;
	v62 =	vsel vm4, v57, v55;
	v3 =	vsel vm4, v58, v57;
	[tilespmem:s7+$0x149C0] =	vst v2  }
0x3f6: {  	s22 =	sadd.s32 s12, s6;
	v7 =	vmin.f32 v62, v3;
	v63 =	vld [tilespmem:s21+$0xA3D0]  }
0x3f7: {  	s9 =	sshll.u32 s22, $0x9;
	[tilespmem:s20+$0x14830] =	vst v7;
	v2 =	vmax.f32 v62, v3;
	v8 =	vld [tilespmem:s21+$0xA450]  }
0x3f8: {  	s26 =	sshra.s32 s9, $0x2;
	v0 =	vsel vm5, v6, v0;
	v13 =	vsel vm5, v59, v6;
	v12 =	vld [tilespmem:s21+$0xA4D0];
	[tilespmem:s7+$0x14AB0] =	vst v2  }
0x3f9: {  	s28 =	sadd.s32 s2, s23;
	v15 =	vmin.f32 v0, v13;
	v14 =	vld [tilespmem:s26+$0xA3C0]  }
0x3fa: {  	s9 =	sshll.u32 s28, $0x9;
	v0 =	vmax.f32 v0, v13;
	[tilespmem:s18+$0x14820] =	vst v15;
	v16 =	vld [tilespmem:s26+$0xA440]  }
0x3fb: {  	v1 =	vsel vm1, v60, v48;
	v17 =	vsel vm1, v61, v60;
	s15 =	sshra.s32 s9, $0x2;
	v18 =	vld [tilespmem:s26+$0xA4C0];
	[tilespmem:s7+$0x14BA0] =	vst v0  }
0x3fc: {  	v19 =	vmin.f32 v1, v17;
	v7 =	vld [tilespmem:s15+$0xA3B0]  }
0x3fd: {  	s17 =	sadd.s32 s14, s24;
	v20 =	vmax.f32 v1, v17;
	[tilespmem:s7+$0x14860] =	vst v19;
	v23 =	vld [tilespmem:s15+$0xA430];
	v21 =	vsel vm2, v8, v63;
	v22 =	vsel vm2, v12, v8  }
0x3fe: {  	s19 =	sadd.s32 s13, s11;
	[tilespmem:s7+$0x148E0] =	vst v20;
	s9 =	sshll.u32 s17, $0x9;
	v24 =	vld [tilespmem:s15+$0xA4B0];
	v4 =	vmin.f32 v21, v22  }
0x3ff: {  	s9 =	sshra.s32 s9, $0x2;
	s21 =	sshll.u32 s19, $0x9;
	v2 =	vmax.f32 v21, v22;
	[tilespmem:s16+$0x14850] =	vst v4  }
0x400: {  	v1 =	vld [tilespmem:s9+$0xA470];
	s5 =	sshra.s32 s21, $0x2;
	v25 =	vsel vm3, v16, v14;
	v26 =	vsel vm3, v18, v16;
	[tilespmem:s7+$0x149D0] =	vst v2  }
0x401: {  	s22 =	sadd.s32 s3, s6;
	v6 =	vmin.f32 v25, v26;
	v27 =	vld [tilespmem:s5+$0xA3E0]  }
0x402: {  	s15 =	sshll.u32 s22, $0x9;
	[tilespmem:s20+$0x14840] =	vst v6;
	v2 =	vmax.f32 v25, v26;
	v28 =	vld [tilespmem:s5+$0xA460]  }
0x403: {  	s26 =	sshra.s32 s15, $0x2;
	v30 =	vsel vm4, v23, v7;
	v3 =	vsel vm4, v24, v23;
	v29 =	vld [tilespmem:s5+$0xA4E0];
	[tilespmem:s7+$0x14AC0] =	vst v2  }
0x404: {  	s28 =	sadd.s32 s12, s23;
	v7 =	vmin.f32 v30, v3;
	v6 =	vld [tilespmem:s26+$0xA3D0]  }
0x405: {  	s15 =	sshll.u32 s28, $0x9;
	[tilespmem:s18+$0x14830] =	vst v7;
	v2 =	vmax.f32 v30, v3;
	v31 =	vld [tilespmem:s26+$0xA450]  }
0x406: {  	s15 =	sshra.s32 s15, $0x2;
	v32 =	vld [tilespmem:s26+$0xA4D0];
	[tilespmem:s7+$0x14BB0] =	vst v2  }
0x407: {  	s5 =	sor.u32 $0x8, s24;
	v7 =	vld [tilespmem:s15+$0xA3C0]  }
0x408: {  	s17 =	sadd.s32 s1, s5;
	v33 =	vld [tilespmem:s15+$0xA440]  }
0x409: {  	s17 =	sshll.u32 s17, $0x9;
	v35 =	vld [tilespmem:s15+$0xA4C0];
	v34 =	vsel vm1, v28, v27;
	v4 =	vsel vm1, v29, v28  }
0x40a: {  	v0 =	vld [tilespmem:s9+$0xA3F0];
	s17 =	sshra.s32 s17, $0x2;
	v9 =	vmin.f32 v34, v4  }
0x40b: {  	v11 =	vld [tilespmem:s17+$0xA380];
	v2 =	vmax.f32 v34, v4;
	v36 =	vsel vm2, v31, v6;
	v3 =	vsel vm2, v32, v31;
	[tilespmem:s16+$0x14860] =	vst v9  }
0x40c: {  	s11 =	sadd.s32 s14, s11;
	s19 =	sadd.s32 s13, s6;
	v37 =	vld [tilespmem:s17+$0xA400];
	v8 =	vmin.f32 v36, v3;
	[tilespmem:s7+$0x149E0] =	vst v2  }
0x40d: {  	s11 =	sshll.u32 s11, $0x9;
	s21 =	sshll.u32 s19, $0x9;
	v38 =	vld [tilespmem:s17+$0xA480];
	v4 =	vmax.f32 v36, v3;
	[tilespmem:s20+$0x14850] =	vst v8  }
0x40e: {  	s22 =	sadd.s32 s3, s23;
	v39 =	vsel vm3, v33, v7;
	v5 =	vsel vm3, v35, v33;
	v2 =	vld [tilespmem:s9+$0xA4F0];
	s9 =	sshra.s32 s11, $0x2;
	s11 =	sshra.s32 s21, $0x2;
	[tilespmem:s7+$0x14AD0] =	vst v4  }
0x40f: {  	s15 =	sshll.u32 s22, $0x9;
	s17 =	sadd.s32 s8, s5;
	v41 =	vmin.f32 v39, v5;
	v40 =	vld [tilespmem:s11+$0xA3E0]  }
0x410: {  	s26 =	sshra.s32 s15, $0x2;
	s15 =	sshll.u32 s17, $0x9;
	[tilespmem:s18+$0x14840] =	vst v41;
	v4 =	vmax.f32 v39, v5;
	v42 =	vld [tilespmem:s11+$0xA460]  }
0x411: {  	s19 =	sshra.s32 s15, $0x2;
	s15 =	sor.u32 $0xA, s24;
	v43 =	vld [tilespmem:s11+$0xA4E0];
	[tilespmem:s7+$0x14BC0] =	vst v4  }
0x412: {  	s21 =	sadd.s32 s1, s15;
	v8 =	vld [tilespmem:s26+$0xA3D0]  }
0x413: {  	s17 =	sshll.u32 s21, $0x9;
	v45 =	vld [tilespmem:s26+$0xA450]  }
0x414: {  	s28 =	sshll.u32 s5, $0x7;
	v44 =	vsel vm7, v37, v11;
	v6 =	vsel vm7, v38, v37;
	v46 =	vld [tilespmem:s26+$0xA4D0];
	s26 =	sshra.s32 s17, $0x2  }
0x415: {  	s22 =	sand.u32 $0x3FFFFF00, s28;
	v9 =	vmin.f32 v44, v6;
	v14 =	vld [tilespmem:s26+$0xA380]  }
0x416: {  	v4 =	vmax.f32 v44, v6;
	[tilespmem:s22+$0x14800] =	vst v9;
	v49 =	vld [tilespmem:s26+$0xA400]  }
0x417: {  	[tilespmem:s7+$0x14C80] =	vst v4;
	v16 =	vld [tilespmem:s26+$0xA480]  }
0x418: {  	v9 =	vld [tilespmem:s19+$0xA390]  }
0x419: {  	v12 =	vld [tilespmem:s19+$0xA410]  }
0x41a: {  	v13 =	vld [tilespmem:s19+$0xA490];
	v47 =	vsel vm1, v42, v40;
	v48 =	vsel vm1, v43, v42  }
0x41b: {  	s6 =	sadd.s32 s14, s6;
	v3 =	vld [tilespmem:s9+$0xA3F0];
	v15 =	vmin.f32 v47, v48  }
0x41c: {  	s6 =	sshll.u32 s6, $0x9;
	v5 =	vld [tilespmem:s9+$0xA470];
	v4 =	vmax.f32 v47, v48;
	v50 =	vsel vm2, v45, v8;
	v6 =	vsel vm2, v46, v45;
	[tilespmem:s20+$0x14860] =	vst v15  }
0x41d: {  	s6 =	sshra.s32 s6, $0x2;
	v8 =	vld [tilespmem:s9+$0xA4F0];
	v11 =	vmin.f32 v50, v6;
	[tilespmem:s7+$0x14AE0] =	vst v4  }
0x41e: {  	s28 =	sadd.s32 s13, s23;
	s11 =	sshll.u32 s15, $0x7;
	v7 =	vmax.f32 v50, v6;
	v52 =	vsel vm7, v49, v14;
	v10 =	vsel vm7, v16, v49;
	[tilespmem:s18+$0x14850] =	vst v11;
	v4 =	vld [tilespmem:s6+$0xA3F0]  }
0x41f: {  	s11 =	sand.u32 $0x3FFFFF00, s11;
	s9 =	sshll.u32 s28, $0x9;
	v9 =	vsel vm6, v12, v9;
	v51 =	vsel vm6, v13, v12;
	v53 =	vmin.f32 v52, v10;
	v6 =	vld [tilespmem:s6+$0xA470];
	[tilespmem:s7+$0x14BD0] =	vst v7  }
0x420: {  	s17 =	sadd.s32 s8, s15;
	s28 =	sshra.s32 s9, $0x2;
	s9 =	sadd.s32 s10, s5;
	v12 =	vmin.f32 v9, v51;
	v7 =	vld [tilespmem:s6+$0xA4F0];
	[tilespmem:s11+$0x14800] =	vst v53  }
0x421: {  	s21 =	sshll.u32 s17, $0x9;
	v55 =	vmax.f32 v52, v10;
	s6 =	sshll.u32 s9, $0x9;
	[tilespmem:s22+$0x14810] =	vst v12;
	v12 =	vld [tilespmem:s28+$0xA3E0]  }
0x422: {  	s17 =	sor.u32 $0xC, s24;
	v9 =	vmax.f32 v9, v51;
	v54 =	vld [tilespmem:s28+$0xA460];
	s19 =	sshra.s32 s6, $0x2;
	[tilespmem:s7+$0x14D80] =	vst v55;
	s6 =	sshra.s32 s21, $0x2  }
0x423: {  	s26 =	sadd.s32 s1, s17;
	[tilespmem:s7+$0x14C90] =	vst v9;
	v9 =	vld [tilespmem:s6+$0xA390]  }
0x424: {  	s9 =	sshll.u32 s26, $0x9;
	v57 =	vld [tilespmem:s6+$0xA410]  }
0x425: {  	s9 =	sshra.s32 s9, $0x2;
	v58 =	vld [tilespmem:s6+$0xA490]  }
0x426: {  	v59 =	vld [tilespmem:s9+$0xA380]  }
0x427: {  	v60 =	vld [tilespmem:s9+$0xA400]  }
0x428: {  	s6 =	sor.u32 $0xE, s24;
	v17 =	vld [tilespmem:s9+$0xA480]  }
0x429: {  	v56 =	vld [tilespmem:s19+$0xA3A0];
	s21 =	sadd.s32 s1, s6  }
0x42a: {  	v18 =	vld [tilespmem:s19+$0xA420];
	s9 =	sshll.u32 s21, $0x9  }
0x42b: {  	v19 =	vld [tilespmem:s19+$0xA4A0];
	s9 =	sshra.s32 s9, $0x2  }
0x42c: {  	v20 =	vld [tilespmem:s9+$0xA380];
	v9 =	vsel vm6, v57, v9;
	v11 =	vsel vm6, v58, v57  }
0x42d: {  	s24 =	sadd.s32 s10, s15;
	v61 =	vld [tilespmem:s9+$0xA400];
	v14 =	vmin.f32 v9, v11  }
0x42e: {  	s19 =	sshll.u32 s24, $0x9;
	v24 =	vld [tilespmem:s9+$0xA480];
	v9 =	vmax.f32 v9, v11;
	[tilespmem:s11+$0x14810] =	vst v14  }
0x42f: {  	v34 =	vld [tilespmem:s28+$0xA4E0];
	s19 =	sshra.s32 s19, $0x2;
	s21 =	sshll.u32 s17, $0x7;
	v62 =	vsel vm7, v60, v59;
	v63 =	vsel vm7, v17, v60;
	[tilespmem:s7+$0x14D90] =	vst v9  }
0x430: {  	s26 =	sadd.s32 s8, s17;
	s24 =	sand.u32 $0x3FFFFF00, s21;
	v17 =	vmin.f32 v62, v63;
	v25 =	vld [tilespmem:s19+$0xA3A0]  }
0x431: {  	s9 =	sshll.u32 s26, $0x9;
	v10 =	vsel vm5, v18, v56;
	v26 =	vsel vm5, v19, v18;
	[tilespmem:s24+$0x14800] =	vst v17;
	v9 =	vmax.f32 v62, v63;
	v21 =	vld [tilespmem:s19+$0xA420]  }
0x432: {  	s9 =	sshra.s32 s9, $0x2;
	v28 =	vmin.f32 v10, v26;
	v27 =	vld [tilespmem:s19+$0xA4A0];
	[tilespmem:s7+$0x14E80] =	vst v9  }
0x433: {  	s21 =	sadd.s32 s2, s5;
	s26 =	sshll.u32 s6, $0x7;
	v30 =	vmax.f32 v10, v26;
	[tilespmem:s22+$0x14820] =	vst v28;
	v32 =	vsel vm7, v61, v20;
	v11 =	vsel vm7, v24, v61;
	v29 =	vld [tilespmem:s9+$0xA390]  }
0x434: {  	s26 =	sand.u32 $0x3FFFFF00, s26;
	[tilespmem:s7+$0x14CA0] =	vst v30;
	s19 =	sshll.u32 s21, $0x9;
	s21 =	sadd.s32 s8, s6;
	v31 =	vld [tilespmem:s9+$0xA410];
	v15 =	vmin.f32 v32, v11  }
0x435: {  	v33 =	vld [tilespmem:s9+$0xA490];
	s19 =	sshra.s32 s19, $0x2;
	v11 =	vmax.f32 v32, v11;
	s9 =	sshll.u32 s21, $0x9;
	[tilespmem:s26+$0x14800] =	vst v15  }
0x436: {  	v35 =	vld [tilespmem:s19+$0xA3B0];
	s9 =	sshra.s32 s9, $0x2;
	[tilespmem:s7+$0x14F80] =	vst v11  }
0x437: {  	v38 =	vld [tilespmem:s9+$0xA390]  }
0x438: {  	v39 =	vld [tilespmem:s9+$0xA410];
	v36 =	vsel vm5, v21, v25;
	v37 =	vsel vm5, v27, v21  }
0x439: {  	s28 =	sadd.s32 s2, s15;
	v41 =	vld [tilespmem:s9+$0xA490];
	v17 =	vmin.f32 v36, v37  }
0x43a: {  	s21 =	sshll.u32 s28, $0x9;
	v42 =	vld [tilespmem:s19+$0xA430];
	v11 =	vmax.f32 v36, v37;
	v40 =	vsel vm6, v31, v29;
	v9 =	vsel vm6, v33, v31;
	[tilespmem:s11+$0x14820] =	vst v17  }
0x43b: {  	s28 =	sadd.s32 s10, s17;
	v44 =	vld [tilespmem:s19+$0xA4B0];
	s9 =	sshra.s32 s21, $0x2;
	v43 =	vmin.f32 v40, v9;
	[tilespmem:s7+$0x14DA0] =	vst v11  }
0x43c: {  	s21 =	sshll.u32 s28, $0x9;
	v9 =	vmax.f32 v40, v9;
	[tilespmem:s24+$0x14810] =	vst v43;
	v45 =	vld [tilespmem:s9+$0xA3B0]  }
0x43d: {  	s19 =	sshra.s32 s21, $0x2;
	[tilespmem:s7+$0x14E90] =	vst v9;
	v49 =	vld [tilespmem:s9+$0xA430]  }
0x43e: {  	v16 =	vsel vm6, v39, v38;
	v10 =	vsel vm6, v41, v39;
	v9 =	vld [tilespmem:s19+$0xA3A0]  }
0x43f: {  	s28 =	sadd.s32 s10, s6;
	v46 =	vld [tilespmem:s19+$0xA420];
	v48 =	vmin.f32 v16, v10  }
0x440: {  	v47 =	vld [tilespmem:s19+$0xA4A0];
	v10 =	vmax.f32 v16, v10;
	s19 =	sshll.u32 s28, $0x9;
	[tilespmem:s26+$0x14810] =	vst v48  }
0x441: {  	v14 =	vsel vm4, v42, v35;
	v50 =	vsel vm4, v44, v42;
	v51 =	vld [tilespmem:s9+$0xA4B0];
	s21 =	sshra.s32 s19, $0x2;
	[tilespmem:s7+$0x14F90] =	vst v10  }
0x442: {  	v52 =	vmin.f32 v14, v50;
	s28 =	sadd.s32 s12, s5;
	v53 =	vld [tilespmem:s21+$0xA3A0]  }
0x443: {  	v12 =	vsel vm1, v54, v12;
	v13 =	vsel vm1, v34, v54;
	v54 =	vmax.f32 v14, v50;
	[tilespmem:s22+$0x14830] =	vst v52;
	s19 =	sshll.u32 s28, $0x9;
	v55 =	vld [tilespmem:s21+$0xA420]  }
0x444: {  	[tilespmem:s7+$0x14CB0] =	vst v54;
	s19 =	sshra.s32 s19, $0x2;
	v58 =	vld [tilespmem:s21+$0xA4A0]  }
0x445: {  	v59 =	vld [tilespmem:s19+$0xA3C0]  }
0x446: {  	s23 =	sadd.s32 s14, s23;
	v56 =	vmin.f32 v12, v13;
	v61 =	vld [tilespmem:s19+$0xA440]  }
0x447: {  	[tilespmem:s18+$0x14860] =	vst v56;
	v62 =	vmax.f32 v12, v13;
	v63 =	vld [tilespmem:s19+$0xA4C0];
	s19 =	sshll.u32 s23, $0x9;
	v9 =	vsel vm5, v46, v9;
	v57 =	vsel vm5, v47, v46  }
0x448: {  	[tilespmem:s7+$0x14BE0] =	vst v62;
	s21 =	sadd.s32 s2, s17;
	s23 =	sshra.s32 s19, $0x2;
	v60 =	vmin.f32 v9, v57  }
0x449: {  	s9 =	sshll.u32 s21, $0x9;
	v33 =	vld [tilespmem:s23+$0xA470];
	v9 =	vmax.f32 v9, v57;
	[tilespmem:s24+$0x14820] =	vst v60  }
0x44a: {  	v11 =	vsel vm4, v49, v45;
	v19 =	vsel vm4, v51, v49;
	s9 =	sshra.s32 s9, $0x2;
	v42 =	vld [tilespmem:s23+$0xA4F0];
	[tilespmem:s7+$0x14EA0] =	vst v9  }
0x44b: {  	v21 =	vmin.f32 v11, v19;
	v22 =	vld [tilespmem:s9+$0xA3B0]  }
0x44c: {  	s28 =	sadd.s32 s12, s15;
	v23 =	vmax.f32 v11, v19;
	[tilespmem:s11+$0x14830] =	vst v21;
	v25 =	vsel vm5, v55, v53;
	v14 =	vsel vm5, v58, v55;
	v24 =	vld [tilespmem:s9+$0xA430]  }
0x44d: {  	s28 =	sshll.u32 s28, $0x9;
	s21 =	sadd.s32 s2, s6;
	[tilespmem:s7+$0x14DB0] =	vst v23;
	v26 =	vld [tilespmem:s9+$0xA4B0];
	v27 =	vmin.f32 v25, v14  }
0x44e: {  	s19 =	sshra.s32 s28, $0x2;
	v9 =	vld [tilespmem:s23+$0xA3F0];
	v13 =	vmax.f32 v25, v14;
	s9 =	sshll.u32 s21, $0x9;
	[tilespmem:s26+$0x14820] =	vst v27  }
0x44f: {  	v28 =	vld [tilespmem:s19+$0xA3C0];
	s9 =	sshra.s32 s9, $0x2;
	[tilespmem:s7+$0x14FA0] =	vst v13  }
0x450: {  	v16 =	vsel vm3, v61, v59;
	v12 =	vsel vm3, v63, v61;
	v13 =	vld [tilespmem:s9+$0xA3B0]  }
0x451: {  	v29 =	vmin.f32 v16, v12;
	v17 =	vld [tilespmem:s9+$0xA430]  }
0x452: {  	s28 =	sadd.s32 s3, s5;
	v12 =	vmax.f32 v16, v12;
	[tilespmem:s22+$0x14840] =	vst v29;
	v30 =	vld [tilespmem:s9+$0xA4B0];
	v10 =	vsel vm4, v24, v22;
	v11 =	vsel vm4, v26, v24  }
0x453: {  	v31 =	vld [tilespmem:s19+$0xA440];
	s21 =	sadd.s32 s12, s17;
	[tilespmem:s7+$0x14CC0] =	vst v12;
	s9 =	sshll.u32 s28, $0x9;
	v15 =	vmin.f32 v10, v11  }
0x454: {  	v32 =	vld [tilespmem:s19+$0xA4C0];
	s19 =	sshll.u32 s21, $0x9;
	s9 =	sshra.s32 s9, $0x2;
	v10 =	vmax.f32 v10, v11;
	[tilespmem:s24+$0x14830] =	vst v15  }
0x455: {  	s19 =	sshra.s32 s19, $0x2;
	v34 =	vld [tilespmem:s9+$0xA3D0];
	[tilespmem:s7+$0x14EB0] =	vst v10  }
0x456: {  	v10 =	vld [tilespmem:s19+$0xA3C0]  }
0x457: {  	v13 =	vsel vm4, v17, v13;
	v17 =	vsel vm4, v30, v17;
	v15 =	vld [tilespmem:s19+$0xA440]  }
0x458: {  	s28 =	sadd.s32 s12, s6;
	v35 =	vld [tilespmem:s19+$0xA4C0];
	v36 =	vmin.f32 v13, v17  }
0x459: {  	v37 =	vld [tilespmem:s9+$0xA450];
	v13 =	vmax.f32 v13, v17;
	s19 =	sshll.u32 s28, $0x9;
	[tilespmem:s26+$0x14830] =	vst v36  }
0x45a: {  	v39 =	vsel vm3, v31, v28;
	v12 =	vsel vm3, v32, v31;
	v38 =	vld [tilespmem:s9+$0xA4D0];
	s21 =	sshra.s32 s19, $0x2;
	[tilespmem:s7+$0x14FB0] =	vst v13  }
0x45b: {  	v16 =	vmin.f32 v39, v12;
	s28 =	sadd.s32 s3, s15;
	v40 =	vld [tilespmem:s21+$0xA3C0]  }
0x45c: {  	v12 =	vmax.f32 v39, v12;
	[tilespmem:s11+$0x14840] =	vst v16;
	s19 =	sshll.u32 s28, $0x9;
	v20 =	vld [tilespmem:s21+$0xA440]  }
0x45d: {  	[tilespmem:s7+$0x14DC0] =	vst v12;
	v41 =	vld [tilespmem:s21+$0xA4C0];
	s21 =	sshra.s32 s19, $0x2;
	v10 =	vsel vm3, v15, v10;
	v43 =	vsel vm3, v35, v15  }
0x45e: {  	s23 =	sadd.s32 s3, s17;
	v44 =	vld [tilespmem:s21+$0xA3D0];
	v19 =	vmin.f32 v10, v43  }
0x45f: {  	s19 =	sshll.u32 s23, $0x9;
	v45 =	vld [tilespmem:s21+$0xA450];
	v10 =	vmax.f32 v10, v43;
	[tilespmem:s24+$0x14840] =	vst v19  }
0x460: {  	v11 =	vsel vm2, v37, v34;
	v17 =	vsel vm2, v38, v37;
	v47 =	vld [tilespmem:s21+$0xA4D0];
	s28 =	sshra.s32 s19, $0x2;
	[tilespmem:s7+$0x14EC0] =	vst v10  }
0x461: {  	v46 =	vmin.f32 v11, v17;
	s21 =	sadd.s32 s13, s5;
	v49 =	vld [tilespmem:s28+$0xA3D0]  }
0x462: {  	v48 =	vmax.f32 v11, v17;
	[tilespmem:s22+$0x14850] =	vst v46;
	s19 =	sshll.u32 s21, $0x9;
	v51 =	vld [tilespmem:s28+$0xA450]  }
0x463: {  	[tilespmem:s7+$0x14CD0] =	vst v48;
	v50 =	vsel vm3, v20, v40;
	v13 =	vsel vm3, v41, v20;
	v52 =	vld [tilespmem:s28+$0xA4D0];
	s28 =	sshra.s32 s19, $0x2  }
0x464: {  	s23 =	sadd.s32 s3, s6;
	v14 =	vmin.f32 v50, v13;
	v53 =	vld [tilespmem:s28+$0xA3E0]  }
0x465: {  	s21 =	sshll.u32 s23, $0x9;
	v12 =	vmax.f32 v50, v13;
	[tilespmem:s26+$0x14840] =	vst v14;
	v59 =	vld [tilespmem:s28+$0xA460]  }
0x466: {  	s19 =	sshra.s32 s21, $0x2;
	v60 =	vld [tilespmem:s28+$0xA4E0];
	[tilespmem:s7+$0x14FC0] =	vst v12  }
0x467: {  	v54 =	vsel vm2, v45, v44;
	v55 =	vsel vm2, v47, v45;
	v12 =	vld [tilespmem:s19+$0xA3D0]  }
0x468: {  	s23 =	sadd.s32 s13, s15;
	v57 =	vmin.f32 v54, v55;
	v56 =	vld [tilespmem:s19+$0xA450]  }
0x469: {  	v3 =	vsel vm0, v5, v3;
	v5 =	vsel vm0, v8, v5;
	v14 =	vmax.f32 v54, v55;
	[tilespmem:s11+$0x14850] =	vst v57;
	v58 =	vld [tilespmem:s19+$0xA4D0];
	s19 =	sshll.u32 s23, $0x9  }
0x46a: {  	v63 =	vmin.f32 v3, v5;
	[tilespmem:s7+$0x14DD0] =	vst v14;
	s28 =	sshra.s32 s19, $0x2;
	v11 =	vsel vm2, v51, v49;
	v10 =	vsel vm2, v52, v51  }
0x46b: {  	[tilespmem:s16+$0x14870] =	vst v63;
	s21 =	sadd.s32 s13, s17;
	v14 =	vld [tilespmem:s28+$0xA3E0];
	v17 =	vmin.f32 v11, v10  }
0x46c: {  	s19 =	sshll.u32 s21, $0x9;
	v61 =	vld [tilespmem:s28+$0xA460];
	v10 =	vmax.f32 v11, v10;
	v13 =	vsel vm1, v59, v53;
	v15 =	vsel vm1, v60, v59;
	[tilespmem:s24+$0x14850] =	vst v17  }
0x46d: {  	v62 =	vld [tilespmem:s28+$0xA4E0];
	s23 =	sshra.s32 s19, $0x2;
	v26 =	vmin.f32 v13, v15;
	[tilespmem:s7+$0x14ED0] =	vst v10  }
0x46e: {  	s5 =	sadd.s32 s14, s5;
	v28 =	vmax.f32 v13, v15;
	v12 =	vsel vm2, v56, v12;
	v21 =	vsel vm2, v58, v56;
	[tilespmem:s22+$0x14860] =	vst v26;
	v22 =	vld [tilespmem:s23+$0xA3E0]  }
0x46f: {  	s5 =	sshll.u32 s5, $0x9;
	s28 =	sadd.s32 s13, s6;
	v19 =	vmin.f32 v12, v21;
	v23 =	vld [tilespmem:s23+$0xA460];
	[tilespmem:s7+$0x14CE0] =	vst v28  }
0x470: {  	s5 =	sshra.s32 s5, $0x2;
	s16 =	sshll.u32 s28, $0x9;
	v12 =	vmax.f32 v12, v21;
	v24 =	vld [tilespmem:s23+$0xA4E0];
	[tilespmem:s26+$0x14850] =	vst v19  }
0x471: {  	v4 =	vsel vm0, v6, v4;
	v6 =	vsel vm0, v7, v6;
	s16 =	sshra.s32 s16, $0x2;
	v32 =	vld [tilespmem:s5+$0xA3F0];
	[tilespmem:s7+$0x14FD0] =	vst v12  }
0x472: {  	v25 =	vmin.f32 v4, v6;
	v9 =	vsel vm0, v33, v9;
	v16 =	vsel vm0, v42, v33;
	v27 =	vld [tilespmem:s16+$0xA3E0]  }
0x473: {  	[tilespmem:s20+$0x14870] =	vst v25;
	v31 =	vmin.f32 v9, v16;
	v14 =	vsel vm1, v61, v14;
	v8 =	vsel vm1, v62, v61;
	v29 =	vld [tilespmem:s16+$0xA460]  }
0x474: {  	[tilespmem:s18+$0x14870] =	vst v31;
	s18 =	sadd.s32 s14, s15;
	v33 =	vmin.f32 v14, v8;
	v30 =	vld [tilespmem:s16+$0xA4E0]  }
0x475: {  	s9 =	sshll.u32 s18, $0x9;
	v34 =	vld [tilespmem:s5+$0xA470];
	v8 =	vmax.f32 v14, v8;
	[tilespmem:s11+$0x14860] =	vst v33  }
0x476: {  	v3 =	vmax.f32 v3, v5;
	s19 =	sshra.s32 s9, $0x2;
	v35 =	vld [tilespmem:s5+$0xA4F0];
	[tilespmem:s7+$0x14DE0] =	vst v8;
	v10 =	vsel vm1, v23, v22;
	v7 =	vsel vm1, v24, v23  }
0x477: {  	s20 =	sadd.s32 s14, s17;
	[tilespmem:s7+$0x149F0] =	vst v3;
	v37 =	vld [tilespmem:s19+$0xA3F0];
	v38 =	vmin.f32 v10, v7  }
0x478: {  	v0 =	vsel vm0, v1, v0;
	v1 =	vsel vm0, v2, v1;
	s9 =	sshll.u32 s20, $0x9;
	v39 =	vld [tilespmem:s19+$0xA470];
	v7 =	vmax.f32 v10, v7;
	[tilespmem:s24+$0x14860] =	vst v38  }
0x479: {  	v36 =	vmin.f32 v0, v1;
	s21 =	sshra.s32 s9, $0x2;
	v40 =	vld [tilespmem:s19+$0xA4F0];
	[tilespmem:s7+$0x14EE0] =	vst v7;
	v41 =	vsel vm1, v29, v27;
	v42 =	vsel vm1, v30, v29  }
0x47a: {  	[tilespmem:s7+$0x14870] =	vst v36;
	s6 =	sadd.s32 s14, s6;
	v43 =	vld [tilespmem:s21+$0xA3F0];
	v13 =	vmin.f32 v41, v42  }
0x47b: {  	v0 =	vmax.f32 v0, v1;
	s6 =	sshll.u32 s6, $0x9;
	v44 =	vld [tilespmem:s21+$0xA470];
	v1 =	vmax.f32 v41, v42;
	[tilespmem:s26+$0x14860] =	vst v13  }
0x47c: {  	s23 =	sshra.s32 s6, $0x2;
	v45 =	vld [tilespmem:s21+$0xA4F0];
	[tilespmem:s7+$0x14FE0] =	vst v1  }
0x47d: {  	[tilespmem:s7+$0x148F0] =	vst v0;
	v46 =	vmax.f32 v4, v6;
	v47 =	vld [tilespmem:s23+$0xA3F0]  }
0x47e: {  	[tilespmem:s7+$0x14AF0] =	vst v46;
	v48 =	vmax.f32 v9, v16;
	v49 =	vsel vm0, v34, v32;
	v2 =	vsel vm0, v35, v34;
	v50 =	vld [tilespmem:s23+$0xA470]  }
0x47f: {  	[tilespmem:s7+$0x14BF0] =	vst v48;
	v52 =	vmin.f32 v49, v2;
	v51 =	vld [tilespmem:s23+$0xA4F0]  }
0x480: {  	v53 =	vmax.f32 v49, v2;
	[tilespmem:s22+$0x14870] =	vst v52;
	v54 =	vsel vm0, v39, v37;
	v55 =	vsel vm0, v40, v39  }
0x481: {  	[tilespmem:s7+$0x14CF0] =	vst v53;
	v56 =	vmin.f32 v54, v55  }
0x482: {  	p1 =	slt.u32 s4, $0x38;
	v57 =	vmax.f32 v54, v55;
	[tilespmem:s11+$0x14870] =	vst v56;
	v0 =	vsel vm0, v44, v43;
	v58 =	vsel vm0, v45, v44  }
.Ltmp8:
0x483: {  	[tilespmem:s7+$0x14DF0] =	vst v57;
	v59 =	vmin.f32 v0, v58;
	(pc) =	sbr.rel @p1 .LBB2_16-.Ltmp8, $4  }
0x484: {  	v0 =	vmax.f32 v0, v58;
	[tilespmem:s24+$0x14870] =	vst v59;
	v60 =	vsel vm0, v50, v47;
	v61 =	vsel vm0, v51, v50  }
0x485: {  	[tilespmem:s7+$0x14EF0] =	vst v0;
	v62 =	vmin.f32 v60, v61  }
0x486: {  	s28 =	sadd.s32 $0x8, s4;
	v63 =	vmax.f32 v60, v61;
	[tilespmem:s26+$0x14870] =	vst v62  }
0x487: {  	s4 =	smov.u32 s28;
	[tilespmem:s7+$0x14FF0] =	vst v63  }
0x488: {  	s4 =	rddreg [dreg:$0x10]  }
0x489: {  	s4 =	sor.u32 s4, s25  }
0x48a: {  	s4 =	sshrl.u32 s4, $0x3  }
0x48b: {  	s5 =	simm.s32 $0x4000;
	s6 =	simm.s32 $0x14800;
	s4 =	sadd.s32 s30, s4  }
0x48c: {  	[hbm4b:s4+s31] =	stream.strided.scatter [tilespmem:s6], [sflag:$0x3], $0x4000, s5, s31, $0x38;
	[tilespmem:$0x1C800] =	vst v63  }
0x48d: {  	s4 =	simm.s32 $0x0  }
.LBB2_18:
0x48e: {  	s25 =	sshll.u32 s4, $0x1  }
0x48f: {  	s5 =	sor.u32 $0x80, s25  }
0x490: {  	s6 =	sadd.s32 s1, s5  }
0x491: {  	s6 =	sshll.u32 s6, $0x9  }
0x492: {  	s6 =	sshra.s32 s6, $0x2  }
0x493: {  	v0 =	vld [tilespmem:s6+$0xA380]  }
0x494: {  	v1 =	vld [tilespmem:s6+$0xA400]  }
0x495: {  	v2 =	vld [tilespmem:s6+$0xA480];
	_ =	sdelay $0x4  }
0x496: {  	s28 =	sshll.u32 s5, $0x7;
	v0 =	vsel vm7, v1, v0;
	v1 =	vsel vm7, v2, v1  }
0x497: {  	s7 =	sshll.u32 s4, $0x8;
	s9 =	sadd.s32 s8, s5;
	s16 =	sand.u32 $0x3FFFFF00, s28;
	v2 =	vmin.f32 v0, v1  }
0x498: {  	s7 =	sand.u32 $0x3FFFFF00, s7;
	s9 =	sshll.u32 s9, $0x9;
	v0 =	vmax.f32 v0, v1;
	[tilespmem:s16+$0x14800] =	vst v2  }
0x499: {  	s6 =	sshra.s32 s9, $0x2;
	[tilespmem:s7+$0x18880] =	vst v0  }
0x49a: {  	v0 =	vld [tilespmem:s6+$0xA390]  }
0x49b: {  	v10 =	vld [tilespmem:s6+$0xA410]  }
0x49c: {  	v2 =	vld [tilespmem:s6+$0xA490];
	_ =	sdelay $0x4  }
0x49d: {  	v0 =	vsel vm6, v10, v0;
	v1 =	vsel vm6, v2, v10  }
0x49e: {  	s11 =	sadd.s32 s10, s5;
	v2 =	vmin.f32 v0, v1  }
0x49f: {  	s6 =	sshll.u32 s11, $0x9;
	v0 =	vmax.f32 v0, v1;
	[tilespmem:s16+$0x14810] =	vst v2  }
0x4a0: {  	s6 =	sshra.s32 s6, $0x2;
	[tilespmem:s7+$0x18890] =	vst v0  }
0x4a1: {  	v0 =	vld [tilespmem:s6+$0xA3A0]  }
0x4a2: {  	v11 =	vld [tilespmem:s6+$0xA420]  }
0x4a3: {  	v2 =	vld [tilespmem:s6+$0xA4A0];
	_ =	sdelay $0x4  }
0x4a4: {  	v0 =	vsel vm5, v11, v0;
	v1 =	vsel vm5, v2, v11  }
0x4a5: {  	s15 =	sadd.s32 s2, s5;
	v2 =	vmin.f32 v0, v1  }
0x4a6: {  	s6 =	sshll.u32 s15, $0x9;
	v0 =	vmax.f32 v0, v1;
	[tilespmem:s16+$0x14820] =	vst v2  }
0x4a7: {  	s11 =	sor.u32 $0x82, s25;
	s6 =	sshra.s32 s6, $0x2;
	[tilespmem:s7+$0x188A0] =	vst v0  }
0x4a8: {  	s17 =	sadd.s32 s1, s11;
	v0 =	vld [tilespmem:s6+$0xA3B0]  }
0x4a9: {  	s9 =	sshll.u32 s17, $0x9;
	v12 =	vld [tilespmem:s6+$0xA430]  }
0x4aa: {  	s18 =	sshra.s32 s9, $0x2;
	v2 =	vld [tilespmem:s6+$0xA4B0]  }
0x4ab: {  	v3 =	vld [tilespmem:s18+$0xA380]  }
0x4ac: {  	v4 =	vld [tilespmem:s18+$0xA400]  }
0x4ad: {  	v5 =	vld [tilespmem:s18+$0xA480];
	_ =	sdelay $0x1  }
0x4ae: {  	v0 =	vsel vm4, v12, v0;
	v1 =	vsel vm4, v2, v12  }
0x4af: {  	s19 =	sadd.s32 s12, s5;
	v2 =	vmin.f32 v0, v1  }
0x4b0: {  	s6 =	sshll.u32 s19, $0x9;
	v0 =	vmax.f32 v0, v1;
	[tilespmem:s16+$0x14830] =	vst v2  }
0x4b1: {  	s20 =	sshll.u32 s11, $0x7;
	v13 =	vsel vm7, v4, v3;
	v14 =	vsel vm7, v5, v4;
	s6 =	sshra.s32 s6, $0x2;
	[tilespmem:s7+$0x188B0] =	vst v0  }
0x4b2: {  	s21 =	sadd.s32 s8, s11;
	s20 =	sand.u32 $0x3FFFFF00, s20;
	v3 =	vmin.f32 v13, v14;
	v2 =	vld [tilespmem:s6+$0xA3C0]  }
0x4b3: {  	s9 =	sshll.u32 s21, $0x9;
	[tilespmem:s20+$0x14800] =	vst v3;
	v0 =	vmax.f32 v13, v14;
	v15 =	vld [tilespmem:s6+$0xA440]  }
0x4b4: {  	s9 =	sshra.s32 s9, $0x2;
	v16 =	vld [tilespmem:s6+$0xA4C0];
	[tilespmem:s7+$0x18980] =	vst v0;
	s6 =	sor.u32 $0x84, s25  }
0x4b5: {  	v0 =	vld [tilespmem:s9+$0xA390];
	s15 =	sadd.s32 s1, s6  }
0x4b6: {  	v3 =	vld [tilespmem:s9+$0xA410];
	s15 =	sshll.u32 s15, $0x9  }
0x4b7: {  	v17 =	vld [tilespmem:s9+$0xA490];
	s22 =	sshra.s32 s15, $0x2  }
0x4b8: {  	v6 =	vld [tilespmem:s22+$0xA380]  }
0x4b9: {  	v7 =	vld [tilespmem:s22+$0xA400]  }
0x4ba: {  	s24 =	sadd.s32 s10, s11;
	s17 =	sshll.u32 s6, $0x7;
	v18 =	vld [tilespmem:s22+$0xA480]  }
0x4bb: {  	s26 =	sadd.s32 s8, s6;
	s15 =	sshll.u32 s24, $0x9;
	s24 =	sor.u32 $0x86, s25  }
0x4bc: {  	s22 =	sand.u32 $0x3FFFFF00, s17;
	s17 =	sshll.u32 s26, $0x9;
	s18 =	sadd.s32 s1, s24;
	v0 =	vsel vm6, v3, v0;
	v19 =	vsel vm6, v17, v3  }
0x4bd: {  	s28 =	sshra.s32 s17, $0x2;
	s17 =	sshll.u32 s18, $0x9;
	v20 =	vmin.f32 v0, v19  }
0x4be: {  	s19 =	sshra.s32 s17, $0x2;
	v0 =	vmax.f32 v0, v19;
	[tilespmem:s20+$0x14810] =	vst v20  }
0x4bf: {  	s15 =	sshra.s32 s15, $0x2;
	v28 =	vld [tilespmem:s19+$0xA380];
	[tilespmem:s7+$0x18990] =	vst v0;
	v22 =	vsel vm7, v7, v6;
	v23 =	vsel vm7, v18, v7  }
0x4c0: {  	v24 =	vld [tilespmem:s15+$0xA3A0];
	v4 =	vmin.f32 v22, v23  }
0x4c1: {  	v25 =	vld [tilespmem:s15+$0xA420];
	v0 =	vmax.f32 v22, v23;
	[tilespmem:s22+$0x14800] =	vst v4  }
0x4c2: {  	v26 =	vld [tilespmem:s15+$0xA4A0];
	[tilespmem:s7+$0x18A80] =	vst v0  }
0x4c3: {  	v0 =	vld [tilespmem:s28+$0xA390]  }
0x4c4: {  	v2 =	vsel vm3, v15, v2;
	v1 =	vsel vm3, v16, v15;
	v4 =	vld [tilespmem:s28+$0xA410]  }
0x4c5: {  	s23 =	sadd.s32 s3, s5;
	v8 =	vmin.f32 v2, v1;
	v27 =	vld [tilespmem:s28+$0xA490]  }
0x4c6: {  	s9 =	sshll.u32 s23, $0x9;
	v1 =	vmax.f32 v2, v1;
	[tilespmem:s16+$0x14840] =	vst v8;
	v29 =	vld [tilespmem:s19+$0xA400]  }
0x4c7: {  	s9 =	sshra.s32 s9, $0x2;
	v9 =	vld [tilespmem:s19+$0xA480];
	[tilespmem:s7+$0x188C0] =	vst v1;
	v3 =	vsel vm5, v25, v24;
	v2 =	vsel vm5, v26, v25  }
0x4c8: {  	s21 =	sadd.s32 s2, s11;
	v21 =	vld [tilespmem:s9+$0xA3D0];
	v30 =	vmin.f32 v3, v2  }
0x4c9: {  	s23 =	sshll.u32 s21, $0x9;
	v10 =	vld [tilespmem:s9+$0xA450];
	v2 =	vmax.f32 v3, v2;
	[tilespmem:s20+$0x14820] =	vst v30  }
0x4ca: {  	s26 =	sshra.s32 s23, $0x2;
	v31 =	vld [tilespmem:s9+$0xA4D0];
	[tilespmem:s7+$0x189A0] =	vst v2;
	v0 =	vsel vm6, v4, v0;
	v32 =	vsel vm6, v27, v4  }
0x4cb: {  	s28 =	sadd.s32 s10, s6;
	v33 =	vld [tilespmem:s26+$0xA3B0];
	v6 =	vmin.f32 v0, v32  }
0x4cc: {  	s15 =	sshll.u32 s28, $0x9;
	v8 =	vld [tilespmem:s26+$0xA430];
	v0 =	vmax.f32 v0, v32;
	[tilespmem:s22+$0x14810] =	vst v6  }
0x4cd: {  	s19 =	sshll.u32 s24, $0x7;
	v35 =	vsel vm7, v29, v28;
	v5 =	vsel vm7, v9, v29;
	s17 =	sshra.s32 s15, $0x2;
	v34 =	vld [tilespmem:s26+$0xA4B0];
	[tilespmem:s7+$0x18A90] =	vst v0  }
0x4ce: {  	s21 =	sadd.s32 s8, s24;
	s18 =	sand.u32 $0x3FFFFF00, s19;
	v7 =	vmin.f32 v35, v5;
	v6 =	vld [tilespmem:s17+$0xA3A0]  }
0x4cf: {  	[tilespmem:s18+$0x14800] =	vst v7;
	s15 =	sshll.u32 s21, $0x9;
	v0 =	vmax.f32 v35, v5;
	v36 =	vld [tilespmem:s17+$0xA420]  }
0x4d0: {  	v1 =	vsel vm2, v10, v21;
	v3 =	vsel vm2, v31, v10;
	s23 =	sshra.s32 s15, $0x2;
	v37 =	vld [tilespmem:s17+$0xA4A0];
	[tilespmem:s7+$0x18B80] =	vst v0  }
0x4d1: {  	v38 =	vmin.f32 v1, v3;
	v7 =	vld [tilespmem:s23+$0xA390]  }
0x4d2: {  	v39 =	vmax.f32 v1, v3;
	[tilespmem:s16+$0x14850] =	vst v38;
	s26 =	sadd.s32 s13, s5;
	v41 =	vld [tilespmem:s23+$0xA410];
	v40 =	vsel vm4, v8, v33;
	v2 =	vsel vm4, v34, v8  }
0x4d3: {  	s28 =	sadd.s32 s12, s11;
	[tilespmem:s7+$0x188D0] =	vst v39;
	s15 =	sshll.u32 s26, $0x9;
	v43 =	vld [tilespmem:s23+$0xA490];
	v42 =	vmin.f32 v40, v2  }
0x4d4: {  	s9 =	sshra.s32 s15, $0x2;
	s17 =	sshll.u32 s28, $0x9;
	v44 =	vmax.f32 v40, v2;
	[tilespmem:s20+$0x14830] =	vst v42  }
0x4d5: {  	v45 =	vld [tilespmem:s9+$0xA3E0];
	s15 =	sshra.s32 s17, $0x2;
	[tilespmem:s7+$0x189B0] =	vst v44;
	v46 =	vsel vm5, v36, v6;
	v47 =	vsel vm5, v37, v36  }
0x4d6: {  	s19 =	sadd.s32 s2, s6;
	v48 =	vld [tilespmem:s15+$0xA3C0];
	v6 =	vmin.f32 v46, v47  }
0x4d7: {  	s17 =	sshll.u32 s19, $0x9;
	v49 =	vld [tilespmem:s15+$0xA440];
	v0 =	vmax.f32 v46, v47;
	[tilespmem:s22+$0x14820] =	vst v6  }
0x4d8: {  	s21 =	sshra.s32 s17, $0x2;
	v50 =	vld [tilespmem:s15+$0xA4C0];
	v51 =	vsel vm6, v41, v7;
	v3 =	vsel vm6, v43, v41;
	[tilespmem:s7+$0x18AA0] =	vst v0  }
0x4d9: {  	s23 =	sadd.s32 s10, s24;
	v53 =	vmin.f32 v51, v3;
	v52 =	vld [tilespmem:s21+$0xA3B0]  }
0x4da: {  	s17 =	sshll.u32 s23, $0x9;
	[tilespmem:s18+$0x14810] =	vst v53;
	v0 =	vmax.f32 v51, v3;
	v54 =	vld [tilespmem:s21+$0xA430]  }
0x4db: {  	s26 =	sshra.s32 s17, $0x2;
	v55 =	vld [tilespmem:s21+$0xA4B0];
	[tilespmem:s7+$0x18B90] =	vst v0  }
0x4dc: {  	v0 =	vld [tilespmem:s26+$0xA3A0]  }
0x4dd: {  	v6 =	vld [tilespmem:s26+$0xA420];
	v5 =	vsel vm3, v49, v48;
	v2 =	vsel vm3, v50, v49  }
0x4de: {  	s28 =	sadd.s32 s3, s11;
	v56 =	vld [tilespmem:s26+$0xA4A0];
	v8 =	vmin.f32 v5, v2  }
0x4df: {  	v57 =	vld [tilespmem:s9+$0xA460];
	s19 =	sshll.u32 s28, $0x9;
	v2 =	vmax.f32 v5, v2;
	[tilespmem:s20+$0x14840] =	vst v8  }
0x4e0: {  	v58 =	vld [tilespmem:s9+$0xA4E0];
	s21 =	sshra.s32 s19, $0x2;
	[tilespmem:s7+$0x189C0] =	vst v2;
	v59 =	vsel vm4, v54, v52;
	v3 =	vsel vm4, v55, v54  }
0x4e1: {  	s23 =	sadd.s32 s12, s6;
	v60 =	vld [tilespmem:s21+$0xA3D0];
	v7 =	vmin.f32 v59, v3  }
0x4e2: {  	s15 =	sshll.u32 s23, $0x9;
	v8 =	vld [tilespmem:s21+$0xA450];
	v2 =	vmax.f32 v59, v3;
	[tilespmem:s22+$0x14830] =	vst v7  }
0x4e3: {  	s26 =	sshra.s32 s15, $0x2;
	v61 =	vld [tilespmem:s21+$0xA4D0];
	v0 =	vsel vm5, v6, v0;
	v62 =	vsel vm5, v56, v6;
	[tilespmem:s7+$0x18AB0] =	vst v2  }
0x4e4: {  	s28 =	sadd.s32 s2, s24;
	v12 =	vmin.f32 v0, v62;
	v63 =	vld [tilespmem:s26+$0xA3C0]  }
0x4e5: {  	s15 =	sshll.u32 s28, $0x9;
	v0 =	vmax.f32 v0, v62;
	[tilespmem:s18+$0x14820] =	vst v12;
	v13 =	vld [tilespmem:s26+$0xA440]  }
0x4e6: {  	v1 =	vsel vm1, v57, v45;
	v14 =	vsel vm1, v58, v57;
	s17 =	sshra.s32 s15, $0x2;
	v15 =	vld [tilespmem:s26+$0xA4C0];
	[tilespmem:s7+$0x18BA0] =	vst v0  }
0x4e7: {  	v16 =	vmin.f32 v1, v14;
	v7 =	vld [tilespmem:s17+$0xA3B0]  }
0x4e8: {  	s5 =	sadd.s32 s14, s5;
	v17 =	vmax.f32 v1, v14;
	[tilespmem:s16+$0x14860] =	vst v16;
	v20 =	vld [tilespmem:s17+$0xA430];
	v18 =	vsel vm2, v8, v60;
	v19 =	vsel vm2, v61, v8  }
0x4e9: {  	s5 =	sshll.u32 s5, $0x9;
	[tilespmem:s7+$0x188E0] =	vst v17;
	s19 =	sadd.s32 s13, s11;
	v21 =	vld [tilespmem:s17+$0xA4B0];
	v4 =	vmin.f32 v18, v19  }
0x4ea: {  	s15 =	sshra.s32 s5, $0x2;
	s5 =	sshll.u32 s19, $0x9;
	v2 =	vmax.f32 v18, v19;
	[tilespmem:s20+$0x14850] =	vst v4  }
0x4eb: {  	v1 =	vld [tilespmem:s15+$0xA470];
	s5 =	sshra.s32 s5, $0x2;
	[tilespmem:s7+$0x189D0] =	vst v2;
	v22 =	vsel vm3, v13, v63;
	v23 =	vsel vm3, v15, v13  }
0x4ec: {  	s21 =	sadd.s32 s3, s6;
	v24 =	vld [tilespmem:s5+$0xA3E0];
	v6 =	vmin.f32 v22, v23  }
0x4ed: {  	s9 =	sshll.u32 s21, $0x9;
	v25 =	vld [tilespmem:s5+$0xA460];
	v2 =	vmax.f32 v22, v23;
	[tilespmem:s22+$0x14840] =	vst v6  }
0x4ee: {  	s23 =	sshra.s32 s9, $0x2;
	v26 =	vld [tilespmem:s5+$0xA4E0];
	v27 =	vsel vm4, v20, v7;
	v3 =	vsel vm4, v21, v20;
	[tilespmem:s7+$0x18AC0] =	vst v2  }
0x4ef: {  	s26 =	sadd.s32 s12, s24;
	v7 =	vmin.f32 v27, v3;
	v6 =	vld [tilespmem:s23+$0xA3D0]  }
0x4f0: {  	s9 =	sshll.u32 s26, $0x9;
	[tilespmem:s18+$0x14830] =	vst v7;
	v2 =	vmax.f32 v27, v3;
	v28 =	vld [tilespmem:s23+$0xA450]  }
0x4f1: {  	s9 =	sshra.s32 s9, $0x2;
	s5 =	sor.u32 $0x88, s25;
	v29 =	vld [tilespmem:s23+$0xA4D0];
	[tilespmem:s7+$0x18BB0] =	vst v2  }
0x4f2: {  	s28 =	sadd.s32 s1, s5;
	v7 =	vld [tilespmem:s9+$0xA3C0]  }
0x4f3: {  	s17 =	sshll.u32 s28, $0x9;
	v30 =	vld [tilespmem:s9+$0xA440]  }
0x4f4: {  	s17 =	sshra.s32 s17, $0x2;
	v32 =	vld [tilespmem:s9+$0xA4C0]  }
0x4f5: {  	v11 =	vld [tilespmem:s17+$0xA380]  }
0x4f6: {  	v35 =	vld [tilespmem:s17+$0xA400];
	v33 =	vsel vm2, v28, v6;
	v34 =	vsel vm2, v29, v28  }
0x4f7: {  	s11 =	sadd.s32 s14, s11;
	s19 =	sadd.s32 s13, s6;
	v37 =	vld [tilespmem:s17+$0xA480];
	v31 =	vsel vm1, v25, v24;
	v4 =	vsel vm1, v26, v25;
	v36 =	vmin.f32 v33, v34  }
0x4f8: {  	s11 =	sshll.u32 s11, $0x9;
	s21 =	sshll.u32 s19, $0x9;
	v0 =	vld [tilespmem:s15+$0xA3F0];
	v9 =	vmin.f32 v31, v4;
	v2 =	vmax.f32 v31, v4;
	v4 =	vmax.f32 v33, v34;
	[tilespmem:s22+$0x14850] =	vst v36  }
0x4f9: {  	v3 =	vld [tilespmem:s15+$0xA4F0];
	s9 =	sshra.s32 s11, $0x2;
	s11 =	sshra.s32 s21, $0x2;
	v38 =	vsel vm3, v30, v7;
	v5 =	vsel vm3, v32, v30;
	[tilespmem:s7+$0x18AD0] =	vst v4  }
0x4fa: {  	s23 =	sadd.s32 s3, s24;
	v7 =	vmin.f32 v38, v5;
	v39 =	vld [tilespmem:s11+$0xA3E0]  }
0x4fb: {  	s15 =	sshll.u32 s23, $0x9;
	[tilespmem:s18+$0x14840] =	vst v7;
	v4 =	vmax.f32 v38, v5;
	v40 =	vld [tilespmem:s11+$0xA460]  }
0x4fc: {  	s28 =	sshll.u32 s5, $0x7;
	s26 =	sshra.s32 s15, $0x2;
	v42 =	vsel vm7, v35, v11;
	v43 =	vsel vm7, v37, v35;
	v41 =	vld [tilespmem:s11+$0xA4E0];
	[tilespmem:s7+$0x18BC0] =	vst v4  }
0x4fd: {  	s23 =	sand.u32 $0x3FFFFF00, s28;
	s17 =	sadd.s32 s8, s5;
	[tilespmem:s20+$0x14860] =	vst v9;
	v9 =	vmin.f32 v42, v43;
	v44 =	vld [tilespmem:s26+$0xA3D0]  }
0x4fe: {  	s15 =	sshll.u32 s17, $0x9;
	[tilespmem:s23+$0x14800] =	vst v9;
	v4 =	vmax.f32 v42, v43;
	v45 =	vld [tilespmem:s26+$0xA450]  }
0x4ff: {  	s19 =	sshra.s32 s15, $0x2;
	s15 =	sor.u32 $0x8A, s25;
	v46 =	vld [tilespmem:s26+$0xA4D0];
	[tilespmem:s7+$0x18C80] =	vst v4  }
0x500: {  	s21 =	sadd.s32 s1, s15;
	v9 =	vld [tilespmem:s19+$0xA390]  }
0x501: {  	s17 =	sshll.u32 s21, $0x9;
	v12 =	vld [tilespmem:s19+$0xA410]  }
0x502: {  	s26 =	sshra.s32 s17, $0x2;
	v13 =	vld [tilespmem:s19+$0xA490]  }
0x503: {  	v14 =	vld [tilespmem:s26+$0xA380]  }
0x504: {  	v49 =	vld [tilespmem:s26+$0xA400]  }
0x505: {  	[tilespmem:s7+$0x189E0] =	vst v2;
	v16 =	vld [tilespmem:s26+$0xA480];
	v47 =	vsel vm1, v40, v39;
	v48 =	vsel vm1, v41, v40  }
0x506: {  	s6 =	sadd.s32 s14, s6;
	v2 =	vld [tilespmem:s9+$0xA3F0];
	v15 =	vmin.f32 v47, v48  }
0x507: {  	s6 =	sshll.u32 s6, $0x9;
	v8 =	vld [tilespmem:s9+$0xA4F0];
	v4 =	vmax.f32 v47, v48;
	v50 =	vsel vm2, v45, v44;
	v7 =	vsel vm2, v46, v45;
	[tilespmem:s22+$0x14860] =	vst v15  }
0x508: {  	s6 =	sshra.s32 s6, $0x2;
	v5 =	vld [tilespmem:s9+$0xA470];
	v11 =	vmin.f32 v50, v7;
	[tilespmem:s7+$0x18AE0] =	vst v4  }
0x509: {  	s28 =	sadd.s32 s13, s24;
	v7 =	vmax.f32 v50, v7;
	v9 =	vsel vm6, v12, v9;
	v51 =	vsel vm6, v13, v12;
	[tilespmem:s18+$0x14850] =	vst v11;
	v4 =	vld [tilespmem:s6+$0xA3F0]  }
0x50a: {  	s9 =	sshll.u32 s28, $0x9;
	s11 =	sshll.u32 s15, $0x7;
	v52 =	vsel vm7, v49, v14;
	v10 =	vsel vm7, v16, v49;
	v12 =	vmin.f32 v9, v51;
	v6 =	vld [tilespmem:s6+$0xA470];
	[tilespmem:s7+$0x18BD0] =	vst v7  }
0x50b: {  	s28 =	sshra.s32 s9, $0x2;
	s9 =	sadd.s32 s10, s5;
	s11 =	sand.u32 $0x3FFFFF00, s11;
	v53 =	vmin.f32 v52, v10;
	v7 =	vld [tilespmem:s6+$0xA4F0];
	[tilespmem:s23+$0x14810] =	vst v12  }
0x50c: {  	s17 =	sadd.s32 s8, s15;
	v9 =	vmax.f32 v9, v51;
	s6 =	sshll.u32 s9, $0x9;
	[tilespmem:s11+$0x14800] =	vst v53;
	v12 =	vld [tilespmem:s28+$0xA3E0]  }
0x50d: {  	s21 =	sshll.u32 s17, $0x9;
	v55 =	vmax.f32 v52, v10;
	[tilespmem:s7+$0x18C90] =	vst v9;
	v54 =	vld [tilespmem:s28+$0xA460];
	s19 =	sshra.s32 s6, $0x2  }
0x50e: {  	s17 =	sor.u32 $0x8C, s25;
	[tilespmem:s7+$0x18D80] =	vst v55;
	s6 =	sshra.s32 s21, $0x2;
	v56 =	vld [tilespmem:s19+$0xA3A0]  }
0x50f: {  	s26 =	sadd.s32 s1, s17;
	v9 =	vld [tilespmem:s6+$0xA390]  }
0x510: {  	s9 =	sshll.u32 s26, $0x9;
	v57 =	vld [tilespmem:s6+$0xA410]  }
0x511: {  	s9 =	sshra.s32 s9, $0x2;
	v58 =	vld [tilespmem:s6+$0xA490]  }
0x512: {  	v59 =	vld [tilespmem:s9+$0xA380]  }
0x513: {  	v60 =	vld [tilespmem:s9+$0xA400];
	s6 =	sor.u32 $0x8E, s25  }
0x514: {  	v17 =	vld [tilespmem:s9+$0xA480];
	s21 =	sadd.s32 s1, s6  }
0x515: {  	v18 =	vld [tilespmem:s19+$0xA420];
	s9 =	sshll.u32 s21, $0x9  }
0x516: {  	v19 =	vld [tilespmem:s19+$0xA4A0];
	s9 =	sshra.s32 s9, $0x2  }
0x517: {  	v20 =	vld [tilespmem:s9+$0xA380];
	v9 =	vsel vm6, v57, v9;
	v11 =	vsel vm6, v58, v57  }
0x518: {  	s25 =	sadd.s32 s10, s15;
	v61 =	vld [tilespmem:s9+$0xA400];
	v14 =	vmin.f32 v9, v11  }
0x519: {  	s19 =	sshll.u32 s25, $0x9;
	v24 =	vld [tilespmem:s9+$0xA480];
	v9 =	vmax.f32 v9, v11;
	[tilespmem:s11+$0x14810] =	vst v14  }
0x51a: {  	v34 =	vld [tilespmem:s28+$0xA4E0];
	s19 =	sshra.s32 s19, $0x2;
	s21 =	sshll.u32 s17, $0x7;
	v62 =	vsel vm7, v60, v59;
	v63 =	vsel vm7, v17, v60;
	[tilespmem:s7+$0x18D90] =	vst v9  }
0x51b: {  	s26 =	sadd.s32 s8, s17;
	s25 =	sand.u32 $0x3FFFFF00, s21;
	v17 =	vmin.f32 v62, v63;
	v25 =	vld [tilespmem:s19+$0xA3A0]  }
0x51c: {  	s9 =	sshll.u32 s26, $0x9;
	v10 =	vsel vm5, v18, v56;
	v26 =	vsel vm5, v19, v18;
	[tilespmem:s25+$0x14800] =	vst v17;
	v9 =	vmax.f32 v62, v63;
	v21 =	vld [tilespmem:s19+$0xA420]  }
0x51d: {  	s9 =	sshra.s32 s9, $0x2;
	v28 =	vmin.f32 v10, v26;
	v27 =	vld [tilespmem:s19+$0xA4A0];
	[tilespmem:s7+$0x18E80] =	vst v9  }
0x51e: {  	s21 =	sadd.s32 s2, s5;
	s26 =	sshll.u32 s6, $0x7;
	v30 =	vmax.f32 v10, v26;
	[tilespmem:s23+$0x14820] =	vst v28;
	v32 =	vsel vm7, v61, v20;
	v11 =	vsel vm7, v24, v61;
	v29 =	vld [tilespmem:s9+$0xA390]  }
0x51f: {  	s26 =	sand.u32 $0x3FFFFF00, s26;
	[tilespmem:s7+$0x18CA0] =	vst v30;
	s19 =	sshll.u32 s21, $0x9;
	s21 =	sadd.s32 s8, s6;
	v31 =	vld [tilespmem:s9+$0xA410];
	v15 =	vmin.f32 v32, v11  }
0x520: {  	v33 =	vld [tilespmem:s9+$0xA490];
	s19 =	sshra.s32 s19, $0x2;
	v11 =	vmax.f32 v32, v11;
	s9 =	sshll.u32 s21, $0x9;
	[tilespmem:s26+$0x14800] =	vst v15  }
0x521: {  	v35 =	vld [tilespmem:s19+$0xA3B0];
	s9 =	sshra.s32 s9, $0x2;
	[tilespmem:s7+$0x18F80] =	vst v11  }
0x522: {  	v38 =	vld [tilespmem:s9+$0xA390]  }
0x523: {  	v39 =	vld [tilespmem:s9+$0xA410];
	v36 =	vsel vm5, v21, v25;
	v37 =	vsel vm5, v27, v21  }
0x524: {  	s28 =	sadd.s32 s2, s15;
	v41 =	vld [tilespmem:s9+$0xA490];
	v17 =	vmin.f32 v36, v37  }
0x525: {  	s21 =	sshll.u32 s28, $0x9;
	v42 =	vld [tilespmem:s19+$0xA430];
	v11 =	vmax.f32 v36, v37;
	v40 =	vsel vm6, v31, v29;
	v9 =	vsel vm6, v33, v31;
	[tilespmem:s11+$0x14820] =	vst v17  }
0x526: {  	s28 =	sadd.s32 s10, s17;
	v44 =	vld [tilespmem:s19+$0xA4B0];
	s9 =	sshra.s32 s21, $0x2;
	v43 =	vmin.f32 v40, v9;
	[tilespmem:s7+$0x18DA0] =	vst v11  }
0x527: {  	s21 =	sshll.u32 s28, $0x9;
	v9 =	vmax.f32 v40, v9;
	[tilespmem:s25+$0x14810] =	vst v43;
	v45 =	vld [tilespmem:s9+$0xA3B0]  }
0x528: {  	s19 =	sshra.s32 s21, $0x2;
	[tilespmem:s7+$0x18E90] =	vst v9;
	v49 =	vld [tilespmem:s9+$0xA430]  }
0x529: {  	v16 =	vsel vm6, v39, v38;
	v10 =	vsel vm6, v41, v39;
	v9 =	vld [tilespmem:s19+$0xA3A0]  }
0x52a: {  	s28 =	sadd.s32 s10, s6;
	v46 =	vld [tilespmem:s19+$0xA420];
	v48 =	vmin.f32 v16, v10  }
0x52b: {  	v47 =	vld [tilespmem:s19+$0xA4A0];
	v10 =	vmax.f32 v16, v10;
	s19 =	sshll.u32 s28, $0x9;
	[tilespmem:s26+$0x14810] =	vst v48  }
0x52c: {  	v14 =	vsel vm4, v42, v35;
	v50 =	vsel vm4, v44, v42;
	v51 =	vld [tilespmem:s9+$0xA4B0];
	s21 =	sshra.s32 s19, $0x2;
	[tilespmem:s7+$0x18F90] =	vst v10  }
0x52d: {  	v52 =	vmin.f32 v14, v50;
	s28 =	sadd.s32 s12, s5;
	v53 =	vld [tilespmem:s21+$0xA3A0]  }
0x52e: {  	v12 =	vsel vm1, v54, v12;
	v13 =	vsel vm1, v34, v54;
	v54 =	vmax.f32 v14, v50;
	[tilespmem:s23+$0x14830] =	vst v52;
	s19 =	sshll.u32 s28, $0x9;
	v55 =	vld [tilespmem:s21+$0xA420]  }
0x52f: {  	[tilespmem:s7+$0x18CB0] =	vst v54;
	s19 =	sshra.s32 s19, $0x2;
	v58 =	vld [tilespmem:s21+$0xA4A0]  }
0x530: {  	v59 =	vld [tilespmem:s19+$0xA3C0]  }
0x531: {  	s24 =	sadd.s32 s14, s24;
	v56 =	vmin.f32 v12, v13;
	v61 =	vld [tilespmem:s19+$0xA440]  }
0x532: {  	[tilespmem:s18+$0x14860] =	vst v56;
	v62 =	vmax.f32 v12, v13;
	v63 =	vld [tilespmem:s19+$0xA4C0];
	s19 =	sshll.u32 s24, $0x9;
	v9 =	vsel vm5, v46, v9;
	v57 =	vsel vm5, v47, v46  }
0x533: {  	[tilespmem:s7+$0x18BE0] =	vst v62;
	s21 =	sadd.s32 s2, s17;
	s24 =	sshra.s32 s19, $0x2;
	v60 =	vmin.f32 v9, v57  }
0x534: {  	s9 =	sshll.u32 s21, $0x9;
	v10 =	vld [tilespmem:s24+$0xA470];
	v9 =	vmax.f32 v9, v57;
	[tilespmem:s25+$0x14820] =	vst v60  }
0x535: {  	v11 =	vsel vm4, v49, v45;
	v17 =	vsel vm4, v51, v49;
	s9 =	sshra.s32 s9, $0x2;
	v42 =	vld [tilespmem:s24+$0xA4F0];
	[tilespmem:s7+$0x18EA0] =	vst v9  }
0x536: {  	v19 =	vmin.f32 v11, v17;
	v21 =	vld [tilespmem:s9+$0xA3B0]  }
0x537: {  	s28 =	sadd.s32 s12, s15;
	v22 =	vmax.f32 v11, v17;
	[tilespmem:s11+$0x14830] =	vst v19;
	v24 =	vsel vm5, v55, v53;
	v14 =	vsel vm5, v58, v55;
	v23 =	vld [tilespmem:s9+$0xA430]  }
0x538: {  	s28 =	sshll.u32 s28, $0x9;
	s21 =	sadd.s32 s2, s6;
	[tilespmem:s7+$0x18DB0] =	vst v22;
	v25 =	vld [tilespmem:s9+$0xA4B0];
	v26 =	vmin.f32 v24, v14  }
0x539: {  	s19 =	sshra.s32 s28, $0x2;
	v9 =	vld [tilespmem:s24+$0xA3F0];
	v13 =	vmax.f32 v24, v14;
	s9 =	sshll.u32 s21, $0x9;
	[tilespmem:s26+$0x14820] =	vst v26  }
0x53a: {  	v27 =	vld [tilespmem:s19+$0xA3C0];
	s9 =	sshra.s32 s9, $0x2;
	[tilespmem:s7+$0x18FA0] =	vst v13  }
0x53b: {  	v16 =	vsel vm3, v61, v59;
	v12 =	vsel vm3, v63, v61;
	v13 =	vld [tilespmem:s9+$0xA3B0]  }
0x53c: {  	v28 =	vmin.f32 v16, v12;
	v17 =	vld [tilespmem:s9+$0xA430]  }
0x53d: {  	s28 =	sadd.s32 s3, s5;
	v12 =	vmax.f32 v16, v12;
	[tilespmem:s23+$0x14840] =	vst v28;
	v29 =	vld [tilespmem:s9+$0xA4B0];
	v31 =	vsel vm4, v23, v21;
	v11 =	vsel vm4, v25, v23  }
0x53e: {  	v30 =	vld [tilespmem:s19+$0xA440];
	s21 =	sadd.s32 s12, s17;
	[tilespmem:s7+$0x18CC0] =	vst v12;
	s9 =	sshll.u32 s28, $0x9;
	v15 =	vmin.f32 v31, v11  }
0x53f: {  	v32 =	vld [tilespmem:s19+$0xA4C0];
	s19 =	sshll.u32 s21, $0x9;
	s9 =	sshra.s32 s9, $0x2;
	v11 =	vmax.f32 v31, v11;
	[tilespmem:s25+$0x14830] =	vst v15  }
0x540: {  	s19 =	sshra.s32 s19, $0x2;
	v33 =	vld [tilespmem:s9+$0xA3D0];
	[tilespmem:s7+$0x18EB0] =	vst v11  }
0x541: {  	v11 =	vld [tilespmem:s19+$0xA3C0]  }
0x542: {  	v13 =	vsel vm4, v17, v13;
	v17 =	vsel vm4, v29, v17;
	v34 =	vld [tilespmem:s19+$0xA440]  }
0x543: {  	s28 =	sadd.s32 s12, s6;
	v35 =	vld [tilespmem:s19+$0xA4C0];
	v36 =	vmin.f32 v13, v17  }
0x544: {  	v37 =	vld [tilespmem:s9+$0xA450];
	v13 =	vmax.f32 v13, v17;
	s19 =	sshll.u32 s28, $0x9;
	[tilespmem:s26+$0x14830] =	vst v36  }
0x545: {  	v39 =	vsel vm3, v30, v27;
	v12 =	vsel vm3, v32, v30;
	v38 =	vld [tilespmem:s9+$0xA4D0];
	s21 =	sshra.s32 s19, $0x2;
	[tilespmem:s7+$0x18FB0] =	vst v13  }
0x546: {  	v16 =	vmin.f32 v39, v12;
	s28 =	sadd.s32 s3, s15;
	v40 =	vld [tilespmem:s21+$0xA3C0]  }
0x547: {  	v12 =	vmax.f32 v39, v12;
	[tilespmem:s11+$0x14840] =	vst v16;
	s19 =	sshll.u32 s28, $0x9;
	v20 =	vld [tilespmem:s21+$0xA440]  }
0x548: {  	[tilespmem:s7+$0x18DC0] =	vst v12;
	v41 =	vld [tilespmem:s21+$0xA4C0];
	s21 =	sshra.s32 s19, $0x2;
	v11 =	vsel vm3, v34, v11;
	v43 =	vsel vm3, v35, v34  }
0x549: {  	s24 =	sadd.s32 s3, s17;
	v44 =	vld [tilespmem:s21+$0xA3D0];
	v19 =	vmin.f32 v11, v43  }
0x54a: {  	s19 =	sshll.u32 s24, $0x9;
	v45 =	vld [tilespmem:s21+$0xA450];
	v11 =	vmax.f32 v11, v43;
	[tilespmem:s25+$0x14840] =	vst v19  }
0x54b: {  	v15 =	vsel vm2, v37, v33;
	v17 =	vsel vm2, v38, v37;
	v47 =	vld [tilespmem:s21+$0xA4D0];
	s28 =	sshra.s32 s19, $0x2;
	[tilespmem:s7+$0x18EC0] =	vst v11  }
0x54c: {  	v46 =	vmin.f32 v15, v17;
	s21 =	sadd.s32 s13, s5;
	v49 =	vld [tilespmem:s28+$0xA3D0]  }
0x54d: {  	v48 =	vmax.f32 v15, v17;
	[tilespmem:s23+$0x14850] =	vst v46;
	s19 =	sshll.u32 s21, $0x9;
	v50 =	vld [tilespmem:s28+$0xA450]  }
0x54e: {  	[tilespmem:s7+$0x18CD0] =	vst v48;
	v14 =	vsel vm3, v20, v40;
	v13 =	vsel vm3, v41, v20;
	v52 =	vld [tilespmem:s28+$0xA4D0];
	s28 =	sshra.s32 s19, $0x2  }
0x54f: {  	s24 =	sadd.s32 s3, s6;
	v51 =	vmin.f32 v14, v13;
	v53 =	vld [tilespmem:s28+$0xA3E0]  }
0x550: {  	s21 =	sshll.u32 s24, $0x9;
	v13 =	vmax.f32 v14, v13;
	[tilespmem:s26+$0x14840] =	vst v51;
	v59 =	vld [tilespmem:s28+$0xA460]  }
0x551: {  	s19 =	sshra.s32 s21, $0x2;
	v60 =	vld [tilespmem:s28+$0xA4E0];
	[tilespmem:s7+$0x18FC0] =	vst v13  }
0x552: {  	v54 =	vsel vm2, v45, v44;
	v55 =	vsel vm2, v47, v45;
	v13 =	vld [tilespmem:s19+$0xA3D0]  }
0x553: {  	s24 =	sadd.s32 s13, s15;
	v57 =	vmin.f32 v54, v55;
	v56 =	vld [tilespmem:s19+$0xA450]  }
0x554: {  	v0 =	vsel vm0, v1, v0;
	v1 =	vsel vm0, v3, v1;
	v15 =	vmax.f32 v54, v55;
	[tilespmem:s11+$0x14850] =	vst v57;
	v58 =	vld [tilespmem:s19+$0xA4D0];
	s19 =	sshll.u32 s24, $0x9  }
0x555: {  	v63 =	vmin.f32 v0, v1;
	[tilespmem:s7+$0x18DD0] =	vst v15;
	s28 =	sshra.s32 s19, $0x2;
	v12 =	vsel vm2, v50, v49;
	v11 =	vsel vm2, v52, v50  }
0x556: {  	[tilespmem:s16+$0x14870] =	vst v63;
	s21 =	sadd.s32 s13, s17;
	v15 =	vld [tilespmem:s28+$0xA3E0];
	v17 =	vmin.f32 v12, v11  }
0x557: {  	s19 =	sshll.u32 s21, $0x9;
	v61 =	vld [tilespmem:s28+$0xA460];
	v11 =	vmax.f32 v12, v11;
	v14 =	vsel vm1, v59, v53;
	v18 =	vsel vm1, v60, v59;
	[tilespmem:s25+$0x14850] =	vst v17  }
0x558: {  	v62 =	vld [tilespmem:s28+$0xA4E0];
	s24 =	sshra.s32 s19, $0x2;
	v27 =	vmin.f32 v14, v18;
	[tilespmem:s7+$0x18ED0] =	vst v11  }
0x559: {  	s5 =	sadd.s32 s14, s5;
	v29 =	vmax.f32 v14, v18;
	v13 =	vsel vm2, v56, v13;
	v22 =	vsel vm2, v58, v56;
	[tilespmem:s23+$0x14860] =	vst v27;
	v23 =	vld [tilespmem:s24+$0xA3E0]  }
0x55a: {  	s5 =	sshll.u32 s5, $0x9;
	s28 =	sadd.s32 s13, s6;
	v19 =	vmin.f32 v13, v22;
	v24 =	vld [tilespmem:s24+$0xA460];
	[tilespmem:s7+$0x18CE0] =	vst v29  }
0x55b: {  	s5 =	sshra.s32 s5, $0x2;
	s16 =	sshll.u32 s28, $0x9;
	v13 =	vmax.f32 v13, v22;
	v25 =	vld [tilespmem:s24+$0xA4E0];
	[tilespmem:s26+$0x14850] =	vst v19  }
0x55c: {  	s16 =	sshra.s32 s16, $0x2;
	v33 =	vld [tilespmem:s5+$0xA3F0];
	[tilespmem:s7+$0x18FD0] =	vst v13  }
0x55d: {  	v2 =	vsel vm0, v5, v2;
	v5 =	vsel vm0, v8, v5;
	v0 =	vmax.f32 v0, v1;
	v28 =	vld [tilespmem:s16+$0xA3E0]  }
0x55e: {  	v26 =	vmin.f32 v2, v5;
	[tilespmem:s7+$0x188F0] =	vst v0;
	v15 =	vsel vm1, v61, v15;
	v3 =	vsel vm1, v62, v61;
	v30 =	vld [tilespmem:s16+$0xA460]  }
0x55f: {  	[tilespmem:s20+$0x14870] =	vst v26;
	s19 =	sadd.s32 s14, s15;
	v12 =	vmin.f32 v15, v3;
	v31 =	vld [tilespmem:s16+$0xA4E0]  }
0x560: {  	v4 =	vsel vm0, v6, v4;
	v6 =	vsel vm0, v7, v6;
	s9 =	sshll.u32 s19, $0x9;
	v34 =	vld [tilespmem:s5+$0xA470];
	v3 =	vmax.f32 v15, v3;
	[tilespmem:s11+$0x14860] =	vst v12  }
0x561: {  	v32 =	vmin.f32 v4, v6;
	s20 =	sshra.s32 s9, $0x2;
	v35 =	vld [tilespmem:s5+$0xA4F0];
	[tilespmem:s7+$0x18DE0] =	vst v3;
	v11 =	vsel vm1, v24, v23;
	v8 =	vsel vm1, v25, v24  }
0x562: {  	[tilespmem:s22+$0x14870] =	vst v32;
	s21 =	sadd.s32 s14, s17;
	v37 =	vld [tilespmem:s20+$0xA3F0];
	v38 =	vmin.f32 v11, v8  }
0x563: {  	v2 =	vmax.f32 v2, v5;
	v9 =	vsel vm0, v10, v9;
	s9 =	sshll.u32 s21, $0x9;
	v39 =	vld [tilespmem:s20+$0xA470];
	v8 =	vmax.f32 v11, v8;
	[tilespmem:s25+$0x14860] =	vst v38  }
0x564: {  	v10 =	vsel vm0, v42, v10;
	s22 =	sshra.s32 s9, $0x2;
	v40 =	vld [tilespmem:s20+$0xA4F0];
	[tilespmem:s7+$0x18EE0] =	vst v8;
	v41 =	vsel vm1, v30, v28;
	v42 =	vsel vm1, v31, v30  }
0x565: {  	[tilespmem:s7+$0x189F0] =	vst v2;
	s6 =	sadd.s32 s14, s6;
	v43 =	vld [tilespmem:s22+$0xA3F0];
	v13 =	vmin.f32 v41, v42  }
0x566: {  	s6 =	sshll.u32 s6, $0x9;
	v44 =	vld [tilespmem:s22+$0xA470];
	v1 =	vmax.f32 v41, v42;
	[tilespmem:s26+$0x14860] =	vst v13  }
0x567: {  	v36 =	vmin.f32 v9, v10;
	s24 =	sshra.s32 s6, $0x2;
	v45 =	vld [tilespmem:s22+$0xA4F0];
	[tilespmem:s7+$0x18FE0] =	vst v1  }
0x568: {  	[tilespmem:s18+$0x14870] =	vst v36;
	v46 =	vmax.f32 v4, v6;
	v47 =	vld [tilespmem:s24+$0xA3F0]  }
0x569: {  	[tilespmem:s7+$0x18AF0] =	vst v46;
	v48 =	vmax.f32 v9, v10;
	v49 =	vsel vm0, v34, v33;
	v50 =	vsel vm0, v35, v34;
	v51 =	vld [tilespmem:s24+$0xA470]  }
0x56a: {  	[tilespmem:s7+$0x18BF0] =	vst v48;
	v53 =	vmin.f32 v49, v50;
	v52 =	vld [tilespmem:s24+$0xA4F0]  }
0x56b: {  	v54 =	vmax.f32 v49, v50;
	[tilespmem:s23+$0x14870] =	vst v53;
	v3 =	vsel vm0, v39, v37;
	v55 =	vsel vm0, v40, v39  }
0x56c: {  	[tilespmem:s7+$0x18CF0] =	vst v54;
	v56 =	vmin.f32 v3, v55  }
0x56d: {  	p1 =	slt.u32 s4, $0x38;
	v57 =	vmax.f32 v3, v55;
	[tilespmem:s11+$0x14870] =	vst v56;
	v0 =	vsel vm0, v44, v43;
	v58 =	vsel vm0, v45, v44  }
.Ltmp9:
0x56e: {  	[tilespmem:s7+$0x18DF0] =	vst v57;
	v59 =	vmin.f32 v0, v58;
	(pc) =	sbr.rel @p1 .LBB2_18-.Ltmp9, $4  }
0x56f: {  	v0 =	vmax.f32 v0, v58;
	[tilespmem:s25+$0x14870] =	vst v59;
	v60 =	vsel vm0, v51, v47;
	v61 =	vsel vm0, v52, v51  }
0x570: {  	[tilespmem:s7+$0x18EF0] =	vst v0;
	v62 =	vmin.f32 v60, v61  }
0x571: {  	s28 =	sadd.s32 $0x8, s4;
	v63 =	vmax.f32 v60, v61;
	[tilespmem:s26+$0x14870] =	vst v62  }
0x572: {  	s4 =	smov.u32 s28;
	[tilespmem:s7+$0x18FF0] =	vst v63  }
0x573: {  	s4 =	rddreg [dreg:$0xc];
	s0 =	sadd.s32 $0x1, s0  }
0x574: {  	s5 =	rddreg [dreg:$0xf];
	p1 =	sne.s32 s0, $0x10  }
.Ltmp10:
0x575: {  	s26 =	rddreg [dreg:$0x10];
	s4 =	sor.u32 s4, s5;
	(pc) =	sbr.rel @p1 .LBB2_2-.Ltmp10, $4  }
0x576: {  	s4 =	sor.u32 s26, s4  }
0x577: {  	s4 =	sshrl.u32 s4, $0x3  }
0x578: {  	s19 =	simm.s32 $0x4000;
	s28 =	simm.s32 $0x18800;
	s4 =	sadd.s32 s30, s4  }
0x579: {  	[hbm4b:s4+s31] =	stream.strided.scatter [tilespmem:s28], [sflag:$0x3], $0x4000, s19, s31, $0x38;
	[tilespmem:$0x1C800] =	vst v63  }
0x57a: {  	s0 =	simm.s32 $0x3  }
0x57b: {  	_ =	swait.ge [sflag:s0], $0x4000  }
0x57c: {  	[sflag:s0] =	ssyncset.done $0x0  }
0x57d: {  	[sflag:s0] =	ssyncadd.s32 $0xFFFFC000  }
0x57e: {  	_ =	swait.ge [sflag:s0], $0x4000  }
0x57f: {  	s5 =	rddreg [dreg:$0xe]  }
0x580: {  	s4 =	rddreg [dreg:$0xd];
	s5 =	sadd.s32 $0x1, s5  }
0x581: {  	p1 =	sne.s32 s5, s4  }
.Ltmp11:
0x582: {  	_ = 	snop;
	(pc) =	sbr.rel @p1 .LBB2_1-.Ltmp11, $3  }
0x583: {  	_ =	sdelay $0x1  }
0x584: {  	[sflag:s0] =	ssyncset.done $0x0  }
0x585: {  	[sflag:s0] =	ssyncadd.s32 $0xFFFFC000  }
0x586: {  	_ =	sfence.sel $0x180000  }
0x587: {  	[bflag:$0x0] =	sbarrier.arrive $0xFFFF  }
0x588: {  	_ =	strace $0x90000047  }
0x589: {  	s0 =	stileid.u32;
	[bflag:$0x2] =	sbarrier.arrive $0xFFFF  }
0x58a: {  	p0 =	sne.s32 s0, $0x0;
	s0 =	rddreg [dreg:$0x2]  }
0x58b: {  	s0 =	sadd.s32 @!p0 $0x100000, s0  }
0x58c: {  	[sflag:s0] =	ssyncadd.tile.s32 @!p0 $0x1;
	_ =	shalt  }
.Lfunc_end2:
_tile_overlayer_lowered:
.L_overlay_start_2:
0x58d: {  	(tag) =	ssettag $0x2  }
0x58e: {  	s0 =	rddreg [dreg:$0x0];
	s2 =	stileid.u32  }
0x58f: {  	s1 =	rddreg [dreg:$0x1];
	p0 =	sne.s32 s2, $0x0  }
0x590: {  	s3 =	rddreg [dreg:$0x2];
	[bflag:$0x3] =	sbarrier.arrive $0xFFFF;
	s2 =	simm.s32 @!p0 $0x1C04  }
0x591: {  	[timem:s3], [sflag:s2] =	dma.local @!p0 [hbm:s0], s1  }
0x592: {  	s0 =	simm.s32 @!p0 $0x4  }
0x593: {  	_ =	swait.ge @!p0 [sflag:s0], s1  }
0x594: {  	s1 =	ssub.s32 @!p0 $0x0, s1;
	[sflag:s0] =	ssyncset.done @!p0 $0x0  }
0x595: {  	[sflag:s0] =	ssyncadd.s32 @!p0 s1  }
0x596: {  	[bflag:$0x3] =	sbarrier.arrive $0xFFFF  }
0x597: {  	_ =	shalt  }

</sc_bundles>
